<compile_context>
chip_gen: v7x
topology: tpu7x:2x2x1
jax: 0.10.2.dev20260603
libtpu: 0.0.44.dev20260713+nightly
codegen_flags: <defaults>
</compile_context>

<pallas_src>
import jax
import jax.numpy as jnp
from jax import lax
from jax.experimental import pallas as pl
from jax.experimental.pallas import tpu as pltpu
from jax.experimental.pallas import tpu_sc as plsc

F32 = jnp.float32

_N, _E, _D, _H, _C, _DE = 10000, 320000, 128, 4, 32, 16
_HC = _H * _C
_NC, _NS = 2, 16
_NW = _NC * _NS
_NP = 10240
_NP4 = _NP // 4
_STRIPE = _NP // _NS
_EPW = _E // _NW
_BE = 40
_NB = _EPW // _BE
_SBB = 10



def _proj_body(x_ref, wl_ref, bl_ref, wr_ref, br_ref, xl_ref, xr_ref):
    xb = x_ref[...]
    xl_ref[...] = jnp.dot(xb, wl_ref[...], preferred_element_type=F32) + bl_ref[...]
    xr_ref[...] = jnp.dot(xb, wr_ref[...], preferred_element_type=F32) + br_ref[...]


def _proj(x, Wl, bl, Wr, br):
    R = 1000
    return pl.pallas_call(
        _proj_body,
        grid=(_N // R,),
        in_specs=[
            pl.BlockSpec((R, _D), lambda i: (i, 0)),
            pl.BlockSpec((_D, _HC), lambda i: (0, 0)),
            pl.BlockSpec((1, _HC), lambda i: (0, 0)),
            pl.BlockSpec((_D, _HC), lambda i: (0, 0)),
            pl.BlockSpec((1, _HC), lambda i: (0, 0)),
        ],
        out_specs=[
            pl.BlockSpec((R, _HC), lambda i: (i, 0)),
            pl.BlockSpec((R, _HC), lambda i: (i, 0)),
        ],
        out_shape=[
            jax.ShapeDtypeStruct((_N, _HC), F32),
            jax.ShapeDtypeStruct((_N, _HC), F32),
        ],
    )(x, Wl, bl.reshape(1, _HC), Wr, br.reshape(1, _HC))


def _edge_proj_body(ea_ref, we_ref, ee_ref):
    ee_ref[...] = jnp.dot(ea_ref[...], we_ref[...], preferred_element_type=F32)


def _edge_proj(edge_attr, We):
    R = 8000
    return pl.pallas_call(
        _edge_proj_body,
        grid=(_E // R,),
        in_specs=[
            pl.BlockSpec((R, _DE), lambda i: (i, 0)),
            pl.BlockSpec((_DE, _HC), lambda i: (0, 0)),
        ],
        out_specs=pl.BlockSpec((R, _HC), lambda i: (i, 0)),
        out_shape=jax.ShapeDtypeStruct((_E, _HC), F32),
    )(edge_attr, We)



def _sc_body(xl_hbm, xr_hbm, ee_hbm, eaf_hbm, src_hbm, dst_hbm, att_hbm,
             zw_hbm,
             acc_out, ext_out,
             acc_sp, ext_sp,
             idx_sb, idx_db, idx_s0, idx_s1, idx_d0, idx_d1, idx_d4,
             xl0, xl1, xr0, xr1, ee_rows, ea_v, att_v,
             sxl0, sxl1, sxr0, sxr1):
    cid = lax.axis_index("c")
    sid = lax.axis_index("s")
    wid = cid * _NS + sid
    r0 = sid * _STRIPE
    e0 = sid * (_NP4 // _NS)

    pltpu.sync_copy(zw_hbm, xl0)
    for j in range(_STRIPE // _BE):
        pltpu.sync_copy(xl0, acc_sp.at[pl.ds(r0 + j * _BE, _BE)])
    for j in range(_NP4 // _NS // _BE):
        pltpu.sync_copy(xl0, ext_sp.at[pl.ds(e0 + j * _BE, _BE)])
    pltpu.sync_copy(att_hbm, att_v)
    plsc.subcore_barrier()

    ebase = wid * _EPW
    lane = lax.iota(jnp.int32, 16)
    degv = jnp.where(lane == 4, 1.0, 0.0).astype(F32)

    def prefetch(pb, idx_s_slot, idx_d_slot, xl_slot, xr_slot, sa, sb):
        @pl.when(pb < _NB)
        def _():
            @pl.when(lax.rem(pb, _SBB) == 0)
            def _():
                pltpu.sync_copy(src_hbm.at[pl.ds(ebase + pb * _BE, _SBB * _BE)], idx_sb)
                pltpu.sync_copy(dst_hbm.at[pl.ds(ebase + pb * _BE, _SBB * _BE)], idx_db)
            off0 = lax.rem(pb, _SBB) * _BE
            for o in (0, 16, 24):
                plsc.store_scatter(idx_s_slot, [o + lane], idx_sb[pl.ds(off0 + o, 16)])
                plsc.store_scatter(idx_d_slot, [o + lane], idx_db[pl.ds(off0 + o, 16)])
            pltpu.async_copy(xl_hbm.at[idx_s_slot], xl_slot, sa)
            pltpu.async_copy(xr_hbm.at[idx_d_slot], xr_slot, sb)

    def process(pb, idx_s_slot, idx_d_slot, xl_slot, xr_slot, sa, sb):
        base = ebase + pb * _BE
        pltpu.sync_copy(ee_hbm.at[pl.ds(base, _BE)], ee_rows)
        pltpu.sync_copy(eaf_hbm.at[pl.ds(base * _DE, _BE * _DE)], ea_v)
        for o in (0, 16, 24):
            v = idx_d_slot[pl.ds(o, 16)]
            plsc.store_scatter(idx_d4, [o + lane], lax.shift_right_logical(v, 2))
        pltpu.make_async_copy(xl_hbm.at[idx_s_slot], xl_slot, sa).wait()
        pltpu.make_async_copy(xr_hbm.at[idx_d_slot], xr_slot, sb).wait()

        def edge_body(e, c):
            wd = degv
            for h in range(_H):
                tv = None
                xls = []
                for q in range(2):
                    off = h * _C + q * 16
                    xlv = xl_slot[e, pl.ds(off, 16)]
                    xls.append(xlv)
                    m = xlv + xr_slot[e, pl.ds(off, 16)] + ee_rows[e, pl.ds(off, 16)]
                    m = jnp.maximum(m, 0.2 * m)
                    t = m * att_v[pl.ds(off, 16)]
                    tv = t if tv is None else tv + t
                a = jnp.sum(tv)
                wv = jnp.exp(jnp.full((16,), a, F32))
                wd = wd + jnp.where(lane == h, wv, 0.0)
                for q in range(2):
                    off = h * _C + q * 16
                    xl_slot[e, pl.ds(off, 16)] = wv * xls[q]
            eav = ea_v[pl.ds(e * _DE, _DE)]
            st = jnp.minimum(e, _BE - 16)
            dvec = idx_d_slot[pl.ds(st, 16)]
            d = jnp.sum(jnp.where(lane == (e - st), dvec, 0))
            dm4 = lax.rem(d, 4)
            for cb in range(4):
                gsel = jnp.where(dm4 == cb, 1.0, 0.0).astype(F32)
                ee_rows[e, pl.ds(32 * cb, 16)] = gsel * eav
                ee_rows[e, pl.ds(32 * cb + 16, 16)] = gsel * wd
            return c
        lax.fori_loop(0, _BE, edge_body, 0, unroll=4)

        pltpu.sync_copy(xl_slot, acc_sp.at[idx_d_slot], add=True)
        pltpu.sync_copy(ee_rows, ext_sp.at[idx_d4], add=True)

    prefetch(0, idx_s0, idx_d0, xl0, xr0, sxl0, sxr0)

    @pl.loop(0, _NB, step=2)
    def block_body(g):
        prefetch(g + 1, idx_s1, idx_d1, xl1, xr1, sxl1, sxr1)
        process(g, idx_s0, idx_d0, xl0, xr0, sxl0, sxr0)
        prefetch(g + 2, idx_s0, idx_d0, xl0, xr0, sxl0, sxr0)
        process(g + 1, idx_s1, idx_d1, xl1, xr1, sxl1, sxr1)

    plsc.subcore_barrier()

    o0 = cid * _NP + r0
    for j in range(_STRIPE // _BE):
        pltpu.sync_copy(acc_sp.at[pl.ds(r0 + j * _BE, _BE)], xl0)
        pltpu.sync_copy(xl0, acc_out.at[pl.ds(o0 + j * _BE, _BE)])
    x0 = cid * _NP4 + e0
    for j in range(_NP4 // _NS // _BE):
        pltpu.sync_copy(ext_sp.at[pl.ds(e0 + j * _BE, _BE)], xl0)
        pltpu.sync_copy(xl0, ext_out.at[pl.ds(x0 + j * _BE, _BE)])


def _sc_edge_pass(xl, xr, ee, ea_flat, src, dst, att_flat):
    zw = jnp.zeros((_BE, _HC), F32)
    mesh = plsc.VectorSubcoreMesh(core_axis_name="c", subcore_axis_name="s")
    f = pl.kernel(
        _sc_body,
        out_type=[
            jax.ShapeDtypeStruct((_NC * _NP, _HC), F32),
            jax.ShapeDtypeStruct((_NC * _NP4, _HC), F32),
        ],
        mesh=mesh,
        compiler_params=pltpu.CompilerParams(needs_layout_passes=False),
        scratch_types=[
            pltpu.VMEM_SHARED((_NP, _HC), F32),
            pltpu.VMEM_SHARED((_NP4, _HC), F32),
            pltpu.VMEM((_SBB * _BE,), jnp.int32),
            pltpu.VMEM((_SBB * _BE,), jnp.int32),
            pltpu.VMEM((_BE,), jnp.int32),
            pltpu.VMEM((_BE,), jnp.int32),
            pltpu.VMEM((_BE,), jnp.int32),
            pltpu.VMEM((_BE,), jnp.int32),
            pltpu.VMEM((_BE,), jnp.int32),
            pltpu.VMEM((_BE, _HC), F32),
            pltpu.VMEM((_BE, _HC), F32),
            pltpu.VMEM((_BE, _HC), F32),
            pltpu.VMEM((_BE, _HC), F32),
            pltpu.VMEM((_BE, _HC), F32),
            pltpu.VMEM((_BE * _DE,), F32),
            pltpu.VMEM((_HC,), F32),
            pltpu.SemaphoreType.DMA,
            pltpu.SemaphoreType.DMA,
            pltpu.SemaphoreType.DMA,
            pltpu.SemaphoreType.DMA,
        ],
    )
    return f(xl, xr, ee, ea_flat, src, dst, att_flat, zw)



def _combine_body(x_ref, xl_ref, xr_ref, acc_ref, ext_ref,
                  we_ref, att_ref, bias_ref, lnw_ref, lnb_ref, out_ref):
    acc_t = acc_ref[0] + acc_ref[1]
    ext_t = ext_ref[0] + ext_ref[1]
    deg_t = ext_t[:, 20:21]
    la = ext_t[:, 0:_DE] / jnp.maximum(deg_t, 1.0)
    el = jnp.dot(la, we_ref[...], preferred_element_type=F32)
    xlb = xl_ref[...]
    m = xlb + xr_ref[...] + el
    m = jnp.maximum(m, 0.2 * m)
    t = m * att_ref[...]
    outs = []
    for h in range(_H):
        lo = _C * h
        a = jnp.sum(t[:, lo:lo + _C], axis=1, keepdims=True)
        w = jnp.exp(a)
        num = acc_t[:, lo:lo + _C] + w * xlb[:, lo:lo + _C]
        den = ext_t[:, _DE + h:_DE + h + 1] + w + 1e-16
        outs.append(num / den)
    o = jnp.concatenate(outs, axis=1) + bias_ref[...]
    y = x_ref[...] + o
    mu = jnp.mean(y, axis=1, keepdims=True)
    var = jnp.mean((y - mu) * (y - mu), axis=1, keepdims=True)
    y = (y - mu) / jnp.sqrt(var + 1e-5) * lnw_ref[...] + lnb_ref[...]
    out_ref[...] = jnp.maximum(y, 0.0)


def _combine(x, xl, xr, acc, ext, We, att_flat, bias_out, ln_w, ln_b):
    R = 1000
    row = lambda i: (i, 0)
    full2 = lambda i: (0, 0)
    part3 = lambda i: (0, i, 0)
    return pl.pallas_call(
        _combine_body,
        grid=(_N // R,),
        in_specs=[
            pl.BlockSpec((R, _D), row),
            pl.BlockSpec((R, _HC), row),
            pl.BlockSpec((R, _HC), row),
            pl.BlockSpec((_NC, R, _HC), part3),
            pl.BlockSpec((_NC, R, 32), part3),
            pl.BlockSpec((_DE, _HC), full2),
            pl.BlockSpec((1, _HC), full2),
            pl.BlockSpec((1, _HC), full2),
            pl.BlockSpec((1, _HC), full2),
            pl.BlockSpec((1, _HC), full2),
        ],
        out_specs=pl.BlockSpec((R, _HC), row),
        out_shape=jax.ShapeDtypeStruct((_N, _HC), F32),
    )(x, xl, xr, acc, ext, We,
      att_flat.reshape(1, _HC), bias_out.reshape(1, _HC),
      ln_w.reshape(1, _HC), ln_b.reshape(1, _HC))



def kernel(x, edge_index, edge_attr, Wl, bl, Wr, br, We, att, bias_out, ln_w, ln_b):
    src = edge_index[0]
    dst = edge_index[1]
    xl, xr = _proj(x, Wl, bl, Wr, br)
    ee = _edge_proj(edge_attr, We)
    att_flat = att.reshape(_HC)
    acc_f, ext_f = _sc_edge_pass(xl, xr, ee, edge_attr.reshape(_E * _DE), src, dst, att_flat)
    acc = acc_f.reshape(_NC, _NP, _HC)
    ext = ext_f.reshape(_NC, _NP, 32)
    return _combine(x, xl, xr, acc, ext, We, att_flat, bias_out, ln_w, ln_b)

# --- scband reference (transcript-rebuilt; emitter-appended) ---
"""Pipeline reference for scband-residual-block-20194936226236 (READ-ONLY COPY).

The authoritative reference and input builder live on the scoring server;
editing this copy changes nothing except your own understanding.
"""

import jax, jax.numpy as jnp
import numpy as np

N, E, D, H, C, DE = 10000, 320000, 128, 4, 32, 16
HC = H * C  # 128 == in_dim, so residual proj is None


def setup_inputs(seed: int = 0) -> dict:
    key = jax.random.key(seed)
    ks = jax.random.split(key, 12)
    x = jax.random.normal(ks[0], (N, D), dtype=jnp.float32)
    edge_index = jax.random.randint(ks[1], (2, E), 0, N, dtype=jnp.int32)
    edge_attr = jax.random.normal(ks[2], (E, DE), dtype=jnp.float32)
    s = 0.1
    Wl = jax.random.normal(ks[3], (D, HC), dtype=jnp.float32) * s
    bl = jnp.zeros((HC,), dtype=jnp.float32)
    Wr = jax.random.normal(ks[4], (D, HC), dtype=jnp.float32) * s
    br = jnp.zeros((HC,), dtype=jnp.float32)
    We = jax.random.normal(ks[5], (DE, HC), dtype=jnp.float32) * s
    att = jax.random.normal(ks[6], (1, H, C), dtype=jnp.float32) * s
    bias_out = jnp.zeros((HC,), dtype=jnp.float32)
    ln_w = jnp.ones((HC,), dtype=jnp.float32)
    ln_b = jnp.zeros((HC,), dtype=jnp.float32)
    return {"x": x, "edge_index": edge_index, "edge_attr": edge_attr,
            "Wl": Wl, "bl": bl, "Wr": Wr, "br": br, "We": We, "att": att,
            "bias_out": bias_out, "ln_w": ln_w, "ln_b": ln_b}


def _gatv2(x, edge_index, edge_attr, Wl, bl, Wr, br, We, att, bias_out):
    src, dst = edge_index[0], edge_index[1]
    # add_self_loops=True with fill_value='mean': self-loop edge_attr = mean of incoming edge_attr per dst
    deg = jnp.zeros((N,), dtype=jnp.float32).at[dst].add(1.0)
    attr_sum = jnp.zeros((N, DE), dtype=jnp.float32).at[dst].add(edge_attr)
    loop_attr = attr_sum / jnp.clip(deg, 1.0)[:, None]
    loop = jnp.arange(N, dtype=src.dtype)
    src_a = jnp.concatenate([src, loop])
    dst_a = jnp.concatenate([dst, loop])
    ea = jnp.concatenate([edge_attr, loop_attr], axis=0)
    x_l = (x @ Wl + bl).reshape(N, H, C)
    x_r = (x @ Wr + br).reshape(N, H, C)
    e_e = (ea @ We).reshape(-1, H, C)
    m = x_l[src_a] + x_r[dst_a] + e_e          # [E+N, H, C]
    m = jax.nn.leaky_relu(m, negative_slope=0.2)
    alpha = (m * att).sum(-1)                   # [E+N, H]
    amax = jax.ops.segment_max(alpha, dst_a, num_segments=N)
    alpha = jnp.exp(alpha - amax[dst_a])
    denom = jax.ops.segment_sum(alpha, dst_a, num_segments=N)
    alpha = alpha / (denom[dst_a] + 1e-16)
    msg = x_l[src_a] * alpha[:, :, None]        # [E+N, H, C]
    out = jax.ops.segment_sum(msg, dst_a, num_segments=N)
    return out.reshape(N, HC) + bias_out


def reference(x, edge_index, edge_attr, Wl, bl, Wr, br, We, att, bias_out, ln_w, ln_b):
    h = _gatv2(x, edge_index, edge_attr, Wl, bl, Wr, br, We, att, bias_out)
    y = x + h  # in_dim == out_dim*heads -> proj is None
    mu = y.mean(axis=-1, keepdims=True)
    var = y.var(axis=-1, keepdims=True)
    y = (y - mu) / jnp.sqrt(var + 1e-5) * ln_w + ln_b
    y = jax.nn.relu(y)
    return y  # dropout=0.0 (eval)

if __name__ == "__main__":
    import jax
    _d = setup_inputs()
    print(jax.jit(kernel)(*tuple(_d.values())))

</pallas_src>

<mosaic_0001>
#map = affine_map<(d0, d1) -> (0, 0)>
#map1 = affine_map<(d0, d1) -> (0)>
module attributes {stable_mosaic.version = 14 : i64} {
  func.func @_sc_body(%arg0: i32, %arg1: i32, %arg2: memref<10000x128xf32, #tpu.memory_space<hbm>>, %arg3: memref<10000x128xf32, #tpu.memory_space<hbm>>, %arg4: memref<320000x128xf32, #tpu.memory_space<hbm>>, %arg5: memref<5120000xf32, #tpu.memory_space<hbm>>, %arg6: memref<320000xi32, #tpu.memory_space<hbm>>, %arg7: memref<320000xi32, #tpu.memory_space<hbm>>, %arg8: memref<128xf32, #tpu.memory_space<hbm>>, %arg9: memref<40x128xf32, #tpu.memory_space<hbm>>, %arg10: memref<20480x128xf32, #tpu.memory_space<hbm>>, %arg11: memref<5120x128xf32, #tpu.memory_space<hbm>>, %arg12: memref<10240x128xf32, #tpu.memory_space<vmem_shared>>, %arg13: memref<2560x128xf32, #tpu.memory_space<vmem_shared>>, %arg14: memref<400xi32, #tpu.memory_space<vmem>>, %arg15: memref<400xi32, #tpu.memory_space<vmem>>, %arg16: memref<40xi32, #tpu.memory_space<vmem>>, %arg17: memref<40xi32, #tpu.memory_space<vmem>>, %arg18: memref<40xi32, #tpu.memory_space<vmem>>, %arg19: memref<40xi32, #tpu.memory_space<vmem>>, %arg20: memref<40xi32, #tpu.memory_space<vmem>>, %arg21: memref<40x128xf32, #tpu.memory_space<vmem>>, %arg22: memref<40x128xf32, #tpu.memory_space<vmem>>, %arg23: memref<40x128xf32, #tpu.memory_space<vmem>>, %arg24: memref<40x128xf32, #tpu.memory_space<vmem>>, %arg25: memref<40x128xf32, #tpu.memory_space<vmem>>, %arg26: memref<640xf32, #tpu.memory_space<vmem>>, %arg27: memref<128xf32, #tpu.memory_space<vmem>>, %arg28: memref<!tpu.dma_semaphore, #tpu.memory_space<semaphore_mem>>, %arg29: memref<!tpu.dma_semaphore, #tpu.memory_space<semaphore_mem>>, %arg30: memref<!tpu.dma_semaphore, #tpu.memory_space<semaphore_mem>>, %arg31: memref<!tpu.dma_semaphore, #tpu.memory_space<semaphore_mem>>) attributes {dimension_semantics = [#tpu.dimension_semantics<core_parallel>, #tpu.dimension_semantics<subcore_parallel>], iteration_bounds = array<i64: 2, 16>, scalar_prefetch = 0 : i64, scratch_operands = 20 : i64, tpu.core_type = #tpu.core_type<sc_vector_subcore>, window_params = [{transform_indices = #map}, {transform_indices = #map}, {transform_indices = #map}, {transform_indices = #map1}, {transform_indices = #map1}, {transform_indices = #map1}, {transform_indices = #map1}, {transform_indices = #map}, {transform_indices = #map}, {transform_indices = #map}]} {
    %mul3A = arith.constant 16 : i32
    %mul3A_0 = arith.muli %arg0, %mul3A : i32
    %add3A = arith.addi %mul3A_0, %arg1 : i32
    %mul3A_1 = arith.constant 640 : i32
    %mul3A_2 = arith.muli %arg1, %mul3A_1 : i32
    %mul3A_3 = arith.constant 160 : i32
    %mul3A_4 = arith.muli %arg1, %mul3A_3 : i32
    "tpu.region"() ({
      %run_scoped3A = tpu.sem_alloc : memref<!tpu.dma_semaphore, #tpu.memory_space<semaphore_mem>>
      tpu.enqueue_dma source(%arg9 : memref<40x128xf32, #tpu.memory_space<hbm>>) target(%arg21 : memref<40x128xf32, #tpu.memory_space<vmem>>) target_semaphore(%run_scoped3A : memref<!tpu.dma_semaphore, #tpu.memory_space<semaphore_mem>>)
      tpu.wait_dma2 semaphore(%run_scoped3A : memref<!tpu.dma_semaphore, #tpu.memory_space<semaphore_mem>>) src(%arg9 : memref<40x128xf32, #tpu.memory_space<hbm>>) dst(%arg21 : memref<40x128xf32, #tpu.memory_space<vmem>>)
      tpu.yield
    }) : () -> ()
    %add3A_5 = arith.constant 0 : i32
    %add3A_6 = arith.addi %mul3A_2, %add3A_5 : i32
    "tpu.region"() ({
      %run_scoped3A = tpu.sem_alloc : memref<!tpu.dma_semaphore, #tpu.memory_space<semaphore_mem>>
      %dma_start3A_198 = arith.constant 0 : i32
      %dma_start3A_199 = tpu.memref_slice %arg12[%add3A_6, %dma_start3A_198] : memref<10240x128xf32, #tpu.memory_space<vmem_shared>> -> memref<40x128xf32, #tpu.memory_space<vmem_shared>>
      %dma_start3A_200 = arith.constant 0 : i32
      %dma_start3A_201 = tpu.memref_slice %arg12[%add3A_6, %dma_start3A_200] : memref<10240x128xf32, #tpu.memory_space<vmem_shared>> -> memref<40x128xf32, #tpu.memory_space<vmem_shared>>
      tpu.enqueue_dma source(%arg21 : memref<40x128xf32, #tpu.memory_space<vmem>>) target(%dma_start3A_201 : memref<40x128xf32, #tpu.memory_space<vmem_shared>>) target_semaphore(%run_scoped3A : memref<!tpu.dma_semaphore, #tpu.memory_space<semaphore_mem>>)
      %dma_wait3A = arith.constant 0 : i32
      %dma_wait3A_202 = tpu.memref_slice %arg12[%add3A_6, %dma_wait3A] : memref<10240x128xf32, #tpu.memory_space<vmem_shared>> -> memref<40x128xf32, #tpu.memory_space<vmem_shared>>
      %dma_wait3A_203 = arith.constant 0 : i32
      %dma_wait3A_204 = tpu.memref_slice %arg12[%add3A_6, %dma_wait3A_203] : memref<10240x128xf32, #tpu.memory_space<vmem_shared>> -> memref<40x128xf32, #tpu.memory_space<vmem_shared>>
      tpu.wait_dma2 semaphore(%run_scoped3A : memref<!tpu.dma_semaphore, #tpu.memory_space<semaphore_mem>>) src(%arg21 : memref<40x128xf32, #tpu.memory_space<vmem>>) dst(%dma_wait3A_204 : memref<40x128xf32, #tpu.memory_space<vmem_shared>>)
      tpu.yield
    }) : () -> ()
    %add3A_7 = arith.constant 40 : i32
    %add3A_8 = arith.addi %mul3A_2, %add3A_7 : i32
    "tpu.region"() ({
      %run_scoped3A = tpu.sem_alloc : memref<!tpu.dma_semaphore, #tpu.memory_space<semaphore_mem>>
      %dma_start3A_198 = arith.constant 0 : i32
      %dma_start3A_199 = tpu.memref_slice %arg12[%add3A_8, %dma_start3A_198] : memref<10240x128xf32, #tpu.memory_space<vmem_shared>> -> memref<40x128xf32, #tpu.memory_space<vmem_shared>>
      %dma_start3A_200 = arith.constant 0 : i32
      %dma_start3A_201 = tpu.memref_slice %arg12[%add3A_8, %dma_start3A_200] : memref<10240x128xf32, #tpu.memory_space<vmem_shared>> -> memref<40x128xf32, #tpu.memory_space<vmem_shared>>
      tpu.enqueue_dma source(%arg21 : memref<40x128xf32, #tpu.memory_space<vmem>>) target(%dma_start3A_201 : memref<40x128xf32, #tpu.memory_space<vmem_shared>>) target_semaphore(%run_scoped3A : memref<!tpu.dma_semaphore, #tpu.memory_space<semaphore_mem>>)
      %dma_wait3A = arith.constant 0 : i32
      %dma_wait3A_202 = tpu.memref_slice %arg12[%add3A_8, %dma_wait3A] : memref<10240x128xf32, #tpu.memory_space<vmem_shared>> -> memref<40x128xf32, #tpu.memory_space<vmem_shared>>
      %dma_wait3A_203 = arith.constant 0 : i32
      %dma_wait3A_204 = tpu.memref_slice %arg12[%add3A_8, %dma_wait3A_203] : memref<10240x128xf32, #tpu.memory_space<vmem_shared>> -> memref<40x128xf32, #tpu.memory_space<vmem_shared>>
      tpu.wait_dma2 semaphore(%run_scoped3A : memref<!tpu.dma_semaphore, #tpu.memory_space<semaphore_mem>>) src(%arg21 : memref<40x128xf32, #tpu.memory_space<vmem>>) dst(%dma_wait3A_204 : memref<40x128xf32, #tpu.memory_space<vmem_shared>>)
      tpu.yield
    }) : () -> ()
    %add3A_9 = arith.constant 80 : i32
    %add3A_10 = arith.addi %mul3A_2, %add3A_9 : i32
    "tpu.region"() ({
      %run_scoped3A = tpu.sem_alloc : memref<!tpu.dma_semaphore, #tpu.memory_space<semaphore_mem>>
      %dma_start3A_198 = arith.constant 0 : i32
      %dma_start3A_199 = tpu.memref_slice %arg12[%add3A_10, %dma_start3A_198] : memref<10240x128xf32, #tpu.memory_space<vmem_shared>> -> memref<40x128xf32, #tpu.memory_space<vmem_shared>>
      %dma_start3A_200 = arith.constant 0 : i32
      %dma_start3A_201 = tpu.memref_slice %arg12[%add3A_10, %dma_start3A_200] : memref<10240x128xf32, #tpu.memory_space<vmem_shared>> -> memref<40x128xf32, #tpu.memory_space<vmem_shared>>
      tpu.enqueue_dma source(%arg21 : memref<40x128xf32, #tpu.memory_space<vmem>>) target(%dma_start3A_201 : memref<40x128xf32, #tpu.memory_space<vmem_shared>>) target_semaphore(%run_scoped3A : memref<!tpu.dma_semaphore, #tpu.memory_space<semaphore_mem>>)
      %dma_wait3A = arith.constant 0 : i32
      %dma_wait3A_202 = tpu.memref_slice %arg12[%add3A_10, %dma_wait3A] : memref<10240x128xf32, #tpu.memory_space<vmem_shared>> -> memref<40x128xf32, #tpu.memory_space<vmem_shared>>
      %dma_wait3A_203 = arith.constant 0 : i32
      %dma_wait3A_204 = tpu.memref_slice %arg12[%add3A_10, %dma_wait3A_203] : memref<10240x128xf32, #tpu.memory_space<vmem_shared>> -> memref<40x128xf32, #tpu.memory_space<vmem_shared>>
      tpu.wait_dma2 semaphore(%run_scoped3A : memref<!tpu.dma_semaphore, #tpu.memory_space<semaphore_mem>>) src(%arg21 : memref<40x128xf32, #tpu.memory_space<vmem>>) dst(%dma_wait3A_204 : memref<40x128xf32, #tpu.memory_space<vmem_shared>>)
      tpu.yield
    }) : () -> ()
    %add3A_11 = arith.constant 120 : i32
    %add3A_12 = arith.addi %mul3A_2, %add3A_11 : i32
    "tpu.region"() ({
      %run_scoped3A = tpu.sem_alloc : memref<!tpu.dma_semaphore, #tpu.memory_space<semaphore_mem>>
      %dma_start3A_198 = arith.constant 0 : i32
      %dma_start3A_199 = tpu.memref_slice %arg12[%add3A_12, %dma_start3A_198] : memref<10240x128xf32, #tpu.memory_space<vmem_shared>> -> memref<40x128xf32, #tpu.memory_space<vmem_shared>>
      %dma_start3A_200 = arith.constant 0 : i32
      %dma_start3A_201 = tpu.memref_slice %arg12[%add3A_12, %dma_start3A_200] : memref<10240x128xf32, #tpu.memory_space<vmem_shared>> -> memref<40x128xf32, #tpu.memory_space<vmem_shared>>
      tpu.enqueue_dma source(%arg21 : memref<40x128xf32, #tpu.memory_space<vmem>>) target(%dma_start3A_201 : memref<40x128xf32, #tpu.memory_space<vmem_shared>>) target_semaphore(%run_scoped3A : memref<!tpu.dma_semaphore, #tpu.memory_space<semaphore_mem>>)
      %dma_wait3A = arith.constant 0 : i32
      %dma_wait3A_202 = tpu.memref_slice %arg12[%add3A_12, %dma_wait3A] : memref<10240x128xf32, #tpu.memory_space<vmem_shared>> -> memref<40x128xf32, #tpu.memory_space<vmem_shared>>
      %dma_wait3A_203 = arith.constant 0 : i32
      %dma_wait3A_204 = tpu.memref_slice %arg12[%add3A_12, %dma_wait3A_203] : memref<10240x128xf32, #tpu.memory_space<vmem_shared>> -> memref<40x128xf32, #tpu.memory_space<vmem_shared>>
      tpu.wait_dma2 semaphore(%run_scoped3A : memref<!tpu.dma_semaphore, #tpu.memory_space<semaphore_mem>>) src(%arg21 : memref<40x128xf32, #tpu.memory_space<vmem>>) dst(%dma_wait3A_204 : memref<40x128xf32, #tpu.memory_space<vmem_shared>>)
      tpu.yield
    }) : () -> ()
    %add3A_13 = arith.constant 160 : i32
    %add3A_14 = arith.addi %mul3A_2, %add3A_13 : i32
    "tpu.region"() ({
      %run_scoped3A = tpu.sem_alloc : memref<!tpu.dma_semaphore, #tpu.memory_space<semaphore_mem>>
      %dma_start3A_198 = arith.constant 0 : i32
      %dma_start3A_199 = tpu.memref_slice %arg12[%add3A_14, %dma_start3A_198] : memref<10240x128xf32, #tpu.memory_space<vmem_shared>> -> memref<40x128xf32, #tpu.memory_space<vmem_shared>>
      %dma_start3A_200 = arith.constant 0 : i32
      %dma_start3A_201 = tpu.memref_slice %arg12[%add3A_14, %dma_start3A_200] : memref<10240x128xf32, #tpu.memory_space<vmem_shared>> -> memref<40x128xf32, #tpu.memory_space<vmem_shared>>
      tpu.enqueue_dma source(%arg21 : memref<40x128xf32, #tpu.memory_space<vmem>>) target(%dma_start3A_201 : memref<40x128xf32, #tpu.memory_space<vmem_shared>>) target_semaphore(%run_scoped3A : memref<!tpu.dma_semaphore, #tpu.memory_space<semaphore_mem>>)
      %dma_wait3A = arith.constant 0 : i32
      %dma_wait3A_202 = tpu.memref_slice %arg12[%add3A_14, %dma_wait3A] : memref<10240x128xf32, #tpu.memory_space<vmem_shared>> -> memref<40x128xf32, #tpu.memory_space<vmem_shared>>
      %dma_wait3A_203 = arith.constant 0 : i32
      %dma_wait3A_204 = tpu.memref_slice %arg12[%add3A_14, %dma_wait3A_203] : memref<10240x128xf32, #tpu.memory_space<vmem_shared>> -> memref<40x128xf32, #tpu.memory_space<vmem_shared>>
      tpu.wait_dma2 semaphore(%run_scoped3A : memref<!tpu.dma_semaphore, #tpu.memory_space<semaphore_mem>>) src(%arg21 : memref<40x128xf32, #tpu.memory_space<vmem>>) dst(%dma_wait3A_204 : memref<40x128xf32, #tpu.memory_space<vmem_shared>>)
      tpu.yield
    }) : () -> ()
    %add3A_15 = arith.constant 200 : i32
    %add3A_16 = arith.addi %mul3A_2, %add3A_15 : i32
    "tpu.region"() ({
      %run_scoped3A = tpu.sem_alloc : memref<!tpu.dma_semaphore, #tpu.memory_space<semaphore_mem>>
      %dma_start3A_198 = arith.constant 0 : i32
      %dma_start3A_199 = tpu.memref_slice %arg12[%add3A_16, %dma_start3A_198] : memref<10240x128xf32, #tpu.memory_space<vmem_shared>> -> memref<40x128xf32, #tpu.memory_space<vmem_shared>>
      %dma_start3A_200 = arith.constant 0 : i32
      %dma_start3A_201 = tpu.memref_slice %arg12[%add3A_16, %dma_start3A_200] : memref<10240x128xf32, #tpu.memory_space<vmem_shared>> -> memref<40x128xf32, #tpu.memory_space<vmem_shared>>
      tpu.enqueue_dma source(%arg21 : memref<40x128xf32, #tpu.memory_space<vmem>>) target(%dma_start3A_201 : memref<40x128xf32, #tpu.memory_space<vmem_shared>>) target_semaphore(%run_scoped3A : memref<!tpu.dma_semaphore, #tpu.memory_space<semaphore_mem>>)
      %dma_wait3A = arith.constant 0 : i32
      %dma_wait3A_202 = tpu.memref_slice %arg12[%add3A_16, %dma_wait3A] : memref<10240x128xf32, #tpu.memory_space<vmem_shared>> -> memref<40x128xf32, #tpu.memory_space<vmem_shared>>
      %dma_wait3A_203 = arith.constant 0 : i32
      %dma_wait3A_204 = tpu.memref_slice %arg12[%add3A_16, %dma_wait3A_203] : memref<10240x128xf32, #tpu.memory_space<vmem_shared>> -> memref<40x128xf32, #tpu.memory_space<vmem_shared>>
      tpu.wait_dma2 semaphore(%run_scoped3A : memref<!tpu.dma_semaphore, #tpu.memory_space<semaphore_mem>>) src(%arg21 : memref<40x128xf32, #tpu.memory_space<vmem>>) dst(%dma_wait3A_204 : memref<40x128xf32, #tpu.memory_space<vmem_shared>>)
      tpu.yield
    }) : () -> ()
    %add3A_17 = arith.constant 240 : i32
    %add3A_18 = arith.addi %mul3A_2, %add3A_17 : i32
    "tpu.region"() ({
      %run_scoped3A = tpu.sem_alloc : memref<!tpu.dma_semaphore, #tpu.memory_space<semaphore_mem>>
      %dma_start3A_198 = arith.constant 0 : i32
      %dma_start3A_199 = tpu.memref_slice %arg12[%add3A_18, %dma_start3A_198] : memref<10240x128xf32, #tpu.memory_space<vmem_shared>> -> memref<40x128xf32, #tpu.memory_space<vmem_shared>>
      %dma_start3A_200 = arith.constant 0 : i32
      %dma_start3A_201 = tpu.memref_slice %arg12[%add3A_18, %dma_start3A_200] : memref<10240x128xf32, #tpu.memory_space<vmem_shared>> -> memref<40x128xf32, #tpu.memory_space<vmem_shared>>
      tpu.enqueue_dma source(%arg21 : memref<40x128xf32, #tpu.memory_space<vmem>>) target(%dma_start3A_201 : memref<40x128xf32, #tpu.memory_space<vmem_shared>>) target_semaphore(%run_scoped3A : memref<!tpu.dma_semaphore, #tpu.memory_space<semaphore_mem>>)
      %dma_wait3A = arith.constant 0 : i32
      %dma_wait3A_202 = tpu.memref_slice %arg12[%add3A_18, %dma_wait3A] : memref<10240x128xf32, #tpu.memory_space<vmem_shared>> -> memref<40x128xf32, #tpu.memory_space<vmem_shared>>
      %dma_wait3A_203 = arith.constant 0 : i32
      %dma_wait3A_204 = tpu.memref_slice %arg12[%add3A_18, %dma_wait3A_203] : memref<10240x128xf32, #tpu.memory_space<vmem_shared>> -> memref<40x128xf32, #tpu.memory_space<vmem_shared>>
      tpu.wait_dma2 semaphore(%run_scoped3A : memref<!tpu.dma_semaphore, #tpu.memory_space<semaphore_mem>>) src(%arg21 : memref<40x128xf32, #tpu.memory_space<vmem>>) dst(%dma_wait3A_204 : memref<40x128xf32, #tpu.memory_space<vmem_shared>>)
      tpu.yield
    }) : () -> ()
    %add3A_19 = arith.constant 280 : i32
    %add3A_20 = arith.addi %mul3A_2, %add3A_19 : i32
    "tpu.region"() ({
      %run_scoped3A = tpu.sem_alloc : memref<!tpu.dma_semaphore, #tpu.memory_space<semaphore_mem>>
      %dma_start3A_198 = arith.constant 0 : i32
      %dma_start3A_199 = tpu.memref_slice %arg12[%add3A_20, %dma_start3A_198] : memref<10240x128xf32, #tpu.memory_space<vmem_shared>> -> memref<40x128xf32, #tpu.memory_space<vmem_shared>>
      %dma_start3A_200 = arith.constant 0 : i32
      %dma_start3A_201 = tpu.memref_slice %arg12[%add3A_20, %dma_start3A_200] : memref<10240x128xf32, #tpu.memory_space<vmem_shared>> -> memref<40x128xf32, #tpu.memory_space<vmem_shared>>
      tpu.enqueue_dma source(%arg21 : memref<40x128xf32, #tpu.memory_space<vmem>>) target(%dma_start3A_201 : memref<40x128xf32, #tpu.memory_space<vmem_shared>>) target_semaphore(%run_scoped3A : memref<!tpu.dma_semaphore, #tpu.memory_space<semaphore_mem>>)
      %dma_wait3A = arith.constant 0 : i32
      %dma_wait3A_202 = tpu.memref_slice %arg12[%add3A_20, %dma_wait3A] : memref<10240x128xf32, #tpu.memory_space<vmem_shared>> -> memref<40x128xf32, #tpu.memory_space<vmem_shared>>
      %dma_wait3A_203 = arith.constant 0 : i32
      %dma_wait3A_204 = tpu.memref_slice %arg12[%add3A_20, %dma_wait3A_203] : memref<10240x128xf32, #tpu.memory_space<vmem_shared>> -> memref<40x128xf32, #tpu.memory_space<vmem_shared>>
      tpu.wait_dma2 semaphore(%run_scoped3A : memref<!tpu.dma_semaphore, #tpu.memory_space<semaphore_mem>>) src(%arg21 : memref<40x128xf32, #tpu.memory_space<vmem>>) dst(%dma_wait3A_204 : memref<40x128xf32, #tpu.memory_space<vmem_shared>>)
      tpu.yield
    }) : () -> ()
    %add3A_21 = arith.constant 320 : i32
    %add3A_22 = arith.addi %mul3A_2, %add3A_21 : i32
    "tpu.region"() ({
      %run_scoped3A = tpu.sem_alloc : memref<!tpu.dma_semaphore, #tpu.memory_space<semaphore_mem>>
      %dma_start3A_198 = arith.constant 0 : i32
      %dma_start3A_199 = tpu.memref_slice %arg12[%add3A_22, %dma_start3A_198] : memref<10240x128xf32, #tpu.memory_space<vmem_shared>> -> memref<40x128xf32, #tpu.memory_space<vmem_shared>>
      %dma_start3A_200 = arith.constant 0 : i32
      %dma_start3A_201 = tpu.memref_slice %arg12[%add3A_22, %dma_start3A_200] : memref<10240x128xf32, #tpu.memory_space<vmem_shared>> -> memref<40x128xf32, #tpu.memory_space<vmem_shared>>
      tpu.enqueue_dma source(%arg21 : memref<40x128xf32, #tpu.memory_space<vmem>>) target(%dma_start3A_201 : memref<40x128xf32, #tpu.memory_space<vmem_shared>>) target_semaphore(%run_scoped3A : memref<!tpu.dma_semaphore, #tpu.memory_space<semaphore_mem>>)
      %dma_wait3A = arith.constant 0 : i32
      %dma_wait3A_202 = tpu.memref_slice %arg12[%add3A_22, %dma_wait3A] : memref<10240x128xf32, #tpu.memory_space<vmem_shared>> -> memref<40x128xf32, #tpu.memory_space<vmem_shared>>
      %dma_wait3A_203 = arith.constant 0 : i32
      %dma_wait3A_204 = tpu.memref_slice %arg12[%add3A_22, %dma_wait3A_203] : memref<10240x128xf32, #tpu.memory_space<vmem_shared>> -> memref<40x128xf32, #tpu.memory_space<vmem_shared>>
      tpu.wait_dma2 semaphore(%run_scoped3A : memref<!tpu.dma_semaphore, #tpu.memory_space<semaphore_mem>>) src(%arg21 : memref<40x128xf32, #tpu.memory_space<vmem>>) dst(%dma_wait3A_204 : memref<40x128xf32, #tpu.memory_space<vmem_shared>>)
      tpu.yield
    }) : () -> ()
    %add3A_23 = arith.constant 360 : i32
    %add3A_24 = arith.addi %mul3A_2, %add3A_23 : i32
    "tpu.region"() ({
      %run_scoped3A = tpu.sem_alloc : memref<!tpu.dma_semaphore, #tpu.memory_space<semaphore_mem>>
      %dma_start3A_198 = arith.constant 0 : i32
      %dma_start3A_199 = tpu.memref_slice %arg12[%add3A_24, %dma_start3A_198] : memref<10240x128xf32, #tpu.memory_space<vmem_shared>> -> memref<40x128xf32, #tpu.memory_space<vmem_shared>>
      %dma_start3A_200 = arith.constant 0 : i32
      %dma_start3A_201 = tpu.memref_slice %arg12[%add3A_24, %dma_start3A_200] : memref<10240x128xf32, #tpu.memory_space<vmem_shared>> -> memref<40x128xf32, #tpu.memory_space<vmem_shared>>
      tpu.enqueue_dma source(%arg21 : memref<40x128xf32, #tpu.memory_space<vmem>>) target(%dma_start3A_201 : memref<40x128xf32, #tpu.memory_space<vmem_shared>>) target_semaphore(%run_scoped3A : memref<!tpu.dma_semaphore, #tpu.memory_space<semaphore_mem>>)
      %dma_wait3A = arith.constant 0 : i32
      %dma_wait3A_202 = tpu.memref_slice %arg12[%add3A_24, %dma_wait3A] : memref<10240x128xf32, #tpu.memory_space<vmem_shared>> -> memref<40x128xf32, #tpu.memory_space<vmem_shared>>
      %dma_wait3A_203 = arith.constant 0 : i32
      %dma_wait3A_204 = tpu.memref_slice %arg12[%add3A_24, %dma_wait3A_203] : memref<10240x128xf32, #tpu.memory_space<vmem_shared>> -> memref<40x128xf32, #tpu.memory_space<vmem_shared>>
      tpu.wait_dma2 semaphore(%run_scoped3A : memref<!tpu.dma_semaphore, #tpu.memory_space<semaphore_mem>>) src(%arg21 : memref<40x128xf32, #tpu.memory_space<vmem>>) dst(%dma_wait3A_204 : memref<40x128xf32, #tpu.memory_space<vmem_shared>>)
      tpu.yield
    }) : () -> ()
    %add3A_25 = arith.constant 400 : i32
    %add3A_26 = arith.addi %mul3A_2, %add3A_25 : i32
    "tpu.region"() ({
      %run_scoped3A = tpu.sem_alloc : memref<!tpu.dma_semaphore, #tpu.memory_space<semaphore_mem>>
      %dma_start3A_198 = arith.constant 0 : i32
      %dma_start3A_199 = tpu.memref_slice %arg12[%add3A_26, %dma_start3A_198] : memref<10240x128xf32, #tpu.memory_space<vmem_shared>> -> memref<40x128xf32, #tpu.memory_space<vmem_shared>>
      %dma_start3A_200 = arith.constant 0 : i32
      %dma_start3A_201 = tpu.memref_slice %arg12[%add3A_26, %dma_start3A_200] : memref<10240x128xf32, #tpu.memory_space<vmem_shared>> -> memref<40x128xf32, #tpu.memory_space<vmem_shared>>
      tpu.enqueue_dma source(%arg21 : memref<40x128xf32, #tpu.memory_space<vmem>>) target(%dma_start3A_201 : memref<40x128xf32, #tpu.memory_space<vmem_shared>>) target_semaphore(%run_scoped3A : memref<!tpu.dma_semaphore, #tpu.memory_space<semaphore_mem>>)
      %dma_wait3A = arith.constant 0 : i32
      %dma_wait3A_202 = tpu.memref_slice %arg12[%add3A_26, %dma_wait3A] : memref<10240x128xf32, #tpu.memory_space<vmem_shared>> -> memref<40x128xf32, #tpu.memory_space<vmem_shared>>
      %dma_wait3A_203 = arith.constant 0 : i32
      %dma_wait3A_204 = tpu.memref_slice %arg12[%add3A_26, %dma_wait3A_203] : memref<10240x128xf32, #tpu.memory_space<vmem_shared>> -> memref<40x128xf32, #tpu.memory_space<vmem_shared>>
      tpu.wait_dma2 semaphore(%run_scoped3A : memref<!tpu.dma_semaphore, #tpu.memory_space<semaphore_mem>>) src(%arg21 : memref<40x128xf32, #tpu.memory_space<vmem>>) dst(%dma_wait3A_204 : memref<40x128xf32, #tpu.memory_space<vmem_shared>>)
      tpu.yield
    }) : () -> ()
    %add3A_27 = arith.constant 440 : i32
    %add3A_28 = arith.addi %mul3A_2, %add3A_27 : i32
    "tpu.region"() ({
      %run_scoped3A = tpu.sem_alloc : memref<!tpu.dma_semaphore, #tpu.memory_space<semaphore_mem>>
      %dma_start3A_198 = arith.constant 0 : i32
      %dma_start3A_199 = tpu.memref_slice %arg12[%add3A_28, %dma_start3A_198] : memref<10240x128xf32, #tpu.memory_space<vmem_shared>> -> memref<40x128xf32, #tpu.memory_space<vmem_shared>>
      %dma_start3A_200 = arith.constant 0 : i32
      %dma_start3A_201 = tpu.memref_slice %arg12[%add3A_28, %dma_start3A_200] : memref<10240x128xf32, #tpu.memory_space<vmem_shared>> -> memref<40x128xf32, #tpu.memory_space<vmem_shared>>
      tpu.enqueue_dma source(%arg21 : memref<40x128xf32, #tpu.memory_space<vmem>>) target(%dma_start3A_201 : memref<40x128xf32, #tpu.memory_space<vmem_shared>>) target_semaphore(%run_scoped3A : memref<!tpu.dma_semaphore, #tpu.memory_space<semaphore_mem>>)
      %dma_wait3A = arith.constant 0 : i32
      %dma_wait3A_202 = tpu.memref_slice %arg12[%add3A_28, %dma_wait3A] : memref<10240x128xf32, #tpu.memory_space<vmem_shared>> -> memref<40x128xf32, #tpu.memory_space<vmem_shared>>
      %dma_wait3A_203 = arith.constant 0 : i32
      %dma_wait3A_204 = tpu.memref_slice %arg12[%add3A_28, %dma_wait3A_203] : memref<10240x128xf32, #tpu.memory_space<vmem_shared>> -> memref<40x128xf32, #tpu.memory_space<vmem_shared>>
      tpu.wait_dma2 semaphore(%run_scoped3A : memref<!tpu.dma_semaphore, #tpu.memory_space<semaphore_mem>>) src(%arg21 : memref<40x128xf32, #tpu.memory_space<vmem>>) dst(%dma_wait3A_204 : memref<40x128xf32, #tpu.memory_space<vmem_shared>>)
      tpu.yield
    }) : () -> ()
    %add3A_29 = arith.constant 480 : i32
    %add3A_30 = arith.addi %mul3A_2, %add3A_29 : i32
    "tpu.region"() ({
      %run_scoped3A = tpu.sem_alloc : memref<!tpu.dma_semaphore, #tpu.memory_space<semaphore_mem>>
      %dma_start3A_198 = arith.constant 0 : i32
      %dma_start3A_199 = tpu.memref_slice %arg12[%add3A_30, %dma_start3A_198] : memref<10240x128xf32, #tpu.memory_space<vmem_shared>> -> memref<40x128xf32, #tpu.memory_space<vmem_shared>>
      %dma_start3A_200 = arith.constant 0 : i32
      %dma_start3A_201 = tpu.memref_slice %arg12[%add3A_30, %dma_start3A_200] : memref<10240x128xf32, #tpu.memory_space<vmem_shared>> -> memref<40x128xf32, #tpu.memory_space<vmem_shared>>
      tpu.enqueue_dma source(%arg21 : memref<40x128xf32, #tpu.memory_space<vmem>>) target(%dma_start3A_201 : memref<40x128xf32, #tpu.memory_space<vmem_shared>>) target_semaphore(%run_scoped3A : memref<!tpu.dma_semaphore, #tpu.memory_space<semaphore_mem>>)
      %dma_wait3A = arith.constant 0 : i32
      %dma_wait3A_202 = tpu.memref_slice %arg12[%add3A_30, %dma_wait3A] : memref<10240x128xf32, #tpu.memory_space<vmem_shared>> -> memref<40x128xf32, #tpu.memory_space<vmem_shared>>
      %dma_wait3A_203 = arith.constant 0 : i32
      %dma_wait3A_204 = tpu.memref_slice %arg12[%add3A_30, %dma_wait3A_203] : memref<10240x128xf32, #tpu.memory_space<vmem_shared>> -> memref<40x128xf32, #tpu.memory_space<vmem_shared>>
      tpu.wait_dma2 semaphore(%run_scoped3A : memref<!tpu.dma_semaphore, #tpu.memory_space<semaphore_mem>>) src(%arg21 : memref<40x128xf32, #tpu.memory_space<vmem>>) dst(%dma_wait3A_204 : memref<40x128xf32, #tpu.memory_space<vmem_shared>>)
      tpu.yield
    }) : () -> ()
    %add3A_31 = arith.constant 520 : i32
    %add3A_32 = arith.addi %mul3A_2, %add3A_31 : i32
    "tpu.region"() ({
      %run_scoped3A = tpu.sem_alloc : memref<!tpu.dma_semaphore, #tpu.memory_space<semaphore_mem>>
      %dma_start3A_198 = arith.constant 0 : i32
      %dma_start3A_199 = tpu.memref_slice %arg12[%add3A_32, %dma_start3A_198] : memref<10240x128xf32, #tpu.memory_space<vmem_shared>> -> memref<40x128xf32, #tpu.memory_space<vmem_shared>>
      %dma_start3A_200 = arith.constant 0 : i32
      %dma_start3A_201 = tpu.memref_slice %arg12[%add3A_32, %dma_start3A_200] : memref<10240x128xf32, #tpu.memory_space<vmem_shared>> -> memref<40x128xf32, #tpu.memory_space<vmem_shared>>
      tpu.enqueue_dma source(%arg21 : memref<40x128xf32, #tpu.memory_space<vmem>>) target(%dma_start3A_201 : memref<40x128xf32, #tpu.memory_space<vmem_shared>>) target_semaphore(%run_scoped3A : memref<!tpu.dma_semaphore, #tpu.memory_space<semaphore_mem>>)
      %dma_wait3A = arith.constant 0 : i32
      %dma_wait3A_202 = tpu.memref_slice %arg12[%add3A_32, %dma_wait3A] : memref<10240x128xf32, #tpu.memory_space<vmem_shared>> -> memref<40x128xf32, #tpu.memory_space<vmem_shared>>
      %dma_wait3A_203 = arith.constant 0 : i32
      %dma_wait3A_204 = tpu.memref_slice %arg12[%add3A_32, %dma_wait3A_203] : memref<10240x128xf32, #tpu.memory_space<vmem_shared>> -> memref<40x128xf32, #tpu.memory_space<vmem_shared>>
      tpu.wait_dma2 semaphore(%run_scoped3A : memref<!tpu.dma_semaphore, #tpu.memory_space<semaphore_mem>>) src(%arg21 : memref<40x128xf32, #tpu.memory_space<vmem>>) dst(%dma_wait3A_204 : memref<40x128xf32, #tpu.memory_space<vmem_shared>>)
      tpu.yield
    }) : () -> ()
    %add3A_33 = arith.constant 560 : i32
    %add3A_34 = arith.addi %mul3A_2, %add3A_33 : i32
    "tpu.region"() ({
      %run_scoped3A = tpu.sem_alloc : memref<!tpu.dma_semaphore, #tpu.memory_space<semaphore_mem>>
      %dma_start3A_198 = arith.constant 0 : i32
      %dma_start3A_199 = tpu.memref_slice %arg12[%add3A_34, %dma_start3A_198] : memref<10240x128xf32, #tpu.memory_space<vmem_shared>> -> memref<40x128xf32, #tpu.memory_space<vmem_shared>>
      %dma_start3A_200 = arith.constant 0 : i32
      %dma_start3A_201 = tpu.memref_slice %arg12[%add3A_34, %dma_start3A_200] : memref<10240x128xf32, #tpu.memory_space<vmem_shared>> -> memref<40x128xf32, #tpu.memory_space<vmem_shared>>
      tpu.enqueue_dma source(%arg21 : memref<40x128xf32, #tpu.memory_space<vmem>>) target(%dma_start3A_201 : memref<40x128xf32, #tpu.memory_space<vmem_shared>>) target_semaphore(%run_scoped3A : memref<!tpu.dma_semaphore, #tpu.memory_space<semaphore_mem>>)
      %dma_wait3A = arith.constant 0 : i32
      %dma_wait3A_202 = tpu.memref_slice %arg12[%add3A_34, %dma_wait3A] : memref<10240x128xf32, #tpu.memory_space<vmem_shared>> -> memref<40x128xf32, #tpu.memory_space<vmem_shared>>
      %dma_wait3A_203 = arith.constant 0 : i32
      %dma_wait3A_204 = tpu.memref_slice %arg12[%add3A_34, %dma_wait3A_203] : memref<10240x128xf32, #tpu.memory_space<vmem_shared>> -> memref<40x128xf32, #tpu.memory_space<vmem_shared>>
      tpu.wait_dma2 semaphore(%run_scoped3A : memref<!tpu.dma_semaphore, #tpu.memory_space<semaphore_mem>>) src(%arg21 : memref<40x128xf32, #tpu.memory_space<vmem>>) dst(%dma_wait3A_204 : memref<40x128xf32, #tpu.memory_space<vmem_shared>>)
      tpu.yield
    }) : () -> ()
    %add3A_35 = arith.constant 600 : i32
    %add3A_36 = arith.addi %mul3A_2, %add3A_35 : i32
    "tpu.region"() ({
      %run_scoped3A = tpu.sem_alloc : memref<!tpu.dma_semaphore, #tpu.memory_space<semaphore_mem>>
      %dma_start3A_198 = arith.constant 0 : i32
      %dma_start3A_199 = tpu.memref_slice %arg12[%add3A_36, %dma_start3A_198] : memref<10240x128xf32, #tpu.memory_space<vmem_shared>> -> memref<40x128xf32, #tpu.memory_space<vmem_shared>>
      %dma_start3A_200 = arith.constant 0 : i32
      %dma_start3A_201 = tpu.memref_slice %arg12[%add3A_36, %dma_start3A_200] : memref<10240x128xf32, #tpu.memory_space<vmem_shared>> -> memref<40x128xf32, #tpu.memory_space<vmem_shared>>
      tpu.enqueue_dma source(%arg21 : memref<40x128xf32, #tpu.memory_space<vmem>>) target(%dma_start3A_201 : memref<40x128xf32, #tpu.memory_space<vmem_shared>>) target_semaphore(%run_scoped3A : memref<!tpu.dma_semaphore, #tpu.memory_space<semaphore_mem>>)
      %dma_wait3A = arith.constant 0 : i32
      %dma_wait3A_202 = tpu.memref_slice %arg12[%add3A_36, %dma_wait3A] : memref<10240x128xf32, #tpu.memory_space<vmem_shared>> -> memref<40x128xf32, #tpu.memory_space<vmem_shared>>
      %dma_wait3A_203 = arith.constant 0 : i32
      %dma_wait3A_204 = tpu.memref_slice %arg12[%add3A_36, %dma_wait3A_203] : memref<10240x128xf32, #tpu.memory_space<vmem_shared>> -> memref<40x128xf32, #tpu.memory_space<vmem_shared>>
      tpu.wait_dma2 semaphore(%run_scoped3A : memref<!tpu.dma_semaphore, #tpu.memory_space<semaphore_mem>>) src(%arg21 : memref<40x128xf32, #tpu.memory_space<vmem>>) dst(%dma_wait3A_204 : memref<40x128xf32, #tpu.memory_space<vmem_shared>>)
      tpu.yield
    }) : () -> ()
    %add3A_37 = arith.constant 0 : i32
    %add3A_38 = arith.addi %mul3A_4, %add3A_37 : i32
    "tpu.region"() ({
      %run_scoped3A = tpu.sem_alloc : memref<!tpu.dma_semaphore, #tpu.memory_space<semaphore_mem>>
      %dma_start3A_198 = arith.constant 0 : i32
      %dma_start3A_199 = tpu.memref_slice %arg13[%add3A_38, %dma_start3A_198] : memref<2560x128xf32, #tpu.memory_space<vmem_shared>> -> memref<40x128xf32, #tpu.memory_space<vmem_shared>>
      %dma_start3A_200 = arith.constant 0 : i32
      %dma_start3A_201 = tpu.memref_slice %arg13[%add3A_38, %dma_start3A_200] : memref<2560x128xf32, #tpu.memory_space<vmem_shared>> -> memref<40x128xf32, #tpu.memory_space<vmem_shared>>
      tpu.enqueue_dma source(%arg21 : memref<40x128xf32, #tpu.memory_space<vmem>>) target(%dma_start3A_201 : memref<40x128xf32, #tpu.memory_space<vmem_shared>>) target_semaphore(%run_scoped3A : memref<!tpu.dma_semaphore, #tpu.memory_space<semaphore_mem>>)
      %dma_wait3A = arith.constant 0 : i32
      %dma_wait3A_202 = tpu.memref_slice %arg13[%add3A_38, %dma_wait3A] : memref<2560x128xf32, #tpu.memory_space<vmem_shared>> -> memref<40x128xf32, #tpu.memory_space<vmem_shared>>
      %dma_wait3A_203 = arith.constant 0 : i32
      %dma_wait3A_204 = tpu.memref_slice %arg13[%add3A_38, %dma_wait3A_203] : memref<2560x128xf32, #tpu.memory_space<vmem_shared>> -> memref<40x128xf32, #tpu.memory_space<vmem_shared>>
      tpu.wait_dma2 semaphore(%run_scoped3A : memref<!tpu.dma_semaphore, #tpu.memory_space<semaphore_mem>>) src(%arg21 : memref<40x128xf32, #tpu.memory_space<vmem>>) dst(%dma_wait3A_204 : memref<40x128xf32, #tpu.memory_space<vmem_shared>>)
      tpu.yield
    }) : () -> ()
    %add3A_39 = arith.constant 40 : i32
    %add3A_40 = arith.addi %mul3A_4, %add3A_39 : i32
    "tpu.region"() ({
      %run_scoped3A = tpu.sem_alloc : memref<!tpu.dma_semaphore, #tpu.memory_space<semaphore_mem>>
      %dma_start3A_198 = arith.constant 0 : i32
      %dma_start3A_199 = tpu.memref_slice %arg13[%add3A_40, %dma_start3A_198] : memref<2560x128xf32, #tpu.memory_space<vmem_shared>> -> memref<40x128xf32, #tpu.memory_space<vmem_shared>>
      %dma_start3A_200 = arith.constant 0 : i32
      %dma_start3A_201 = tpu.memref_slice %arg13[%add3A_40, %dma_start3A_200] : memref<2560x128xf32, #tpu.memory_space<vmem_shared>> -> memref<40x128xf32, #tpu.memory_space<vmem_shared>>
      tpu.enqueue_dma source(%arg21 : memref<40x128xf32, #tpu.memory_space<vmem>>) target(%dma_start3A_201 : memref<40x128xf32, #tpu.memory_space<vmem_shared>>) target_semaphore(%run_scoped3A : memref<!tpu.dma_semaphore, #tpu.memory_space<semaphore_mem>>)
      %dma_wait3A = arith.constant 0 : i32
      %dma_wait3A_202 = tpu.memref_slice %arg13[%add3A_40, %dma_wait3A] : memref<2560x128xf32, #tpu.memory_space<vmem_shared>> -> memref<40x128xf32, #tpu.memory_space<vmem_shared>>
      %dma_wait3A_203 = arith.constant 0 : i32
      %dma_wait3A_204 = tpu.memref_slice %arg13[%add3A_40, %dma_wait3A_203] : memref<2560x128xf32, #tpu.memory_space<vmem_shared>> -> memref<40x128xf32, #tpu.memory_space<vmem_shared>>
      tpu.wait_dma2 semaphore(%run_scoped3A : memref<!tpu.dma_semaphore, #tpu.memory_space<semaphore_mem>>) src(%arg21 : memref<40x128xf32, #tpu.memory_space<vmem>>) dst(%dma_wait3A_204 : memref<40x128xf32, #tpu.memory_space<vmem_shared>>)
      tpu.yield
    }) : () -> ()
    %add3A_41 = arith.constant 80 : i32
    %add3A_42 = arith.addi %mul3A_4, %add3A_41 : i32
    "tpu.region"() ({
      %run_scoped3A = tpu.sem_alloc : memref<!tpu.dma_semaphore, #tpu.memory_space<semaphore_mem>>
      %dma_start3A_198 = arith.constant 0 : i32
      %dma_start3A_199 = tpu.memref_slice %arg13[%add3A_42, %dma_start3A_198] : memref<2560x128xf32, #tpu.memory_space<vmem_shared>> -> memref<40x128xf32, #tpu.memory_space<vmem_shared>>
      %dma_start3A_200 = arith.constant 0 : i32
      %dma_start3A_201 = tpu.memref_slice %arg13[%add3A_42, %dma_start3A_200] : memref<2560x128xf32, #tpu.memory_space<vmem_shared>> -> memref<40x128xf32, #tpu.memory_space<vmem_shared>>
      tpu.enqueue_dma source(%arg21 : memref<40x128xf32, #tpu.memory_space<vmem>>) target(%dma_start3A_201 : memref<40x128xf32, #tpu.memory_space<vmem_shared>>) target_semaphore(%run_scoped3A : memref<!tpu.dma_semaphore, #tpu.memory_space<semaphore_mem>>)
      %dma_wait3A = arith.constant 0 : i32
      %dma_wait3A_202 = tpu.memref_slice %arg13[%add3A_42, %dma_wait3A] : memref<2560x128xf32, #tpu.memory_space<vmem_shared>> -> memref<40x128xf32, #tpu.memory_space<vmem_shared>>
      %dma_wait3A_203 = arith.constant 0 : i32
      %dma_wait3A_204 = tpu.memref_slice %arg13[%add3A_42, %dma_wait3A_203] : memref<2560x128xf32, #tpu.memory_space<vmem_shared>> -> memref<40x128xf32, #tpu.memory_space<vmem_shared>>
      tpu.wait_dma2 semaphore(%run_scoped3A : memref<!tpu.dma_semaphore, #tpu.memory_space<semaphore_mem>>) src(%arg21 : memref<40x128xf32, #tpu.memory_space<vmem>>) dst(%dma_wait3A_204 : memref<40x128xf32, #tpu.memory_space<vmem_shared>>)
      tpu.yield
    }) : () -> ()
    %add3A_43 = arith.constant 120 : i32
    %add3A_44 = arith.addi %mul3A_4, %add3A_43 : i32
    "tpu.region"() ({
      %run_scoped3A = tpu.sem_alloc : memref<!tpu.dma_semaphore, #tpu.memory_space<semaphore_mem>>
      %dma_start3A_198 = arith.constant 0 : i32
      %dma_start3A_199 = tpu.memref_slice %arg13[%add3A_44, %dma_start3A_198] : memref<2560x128xf32, #tpu.memory_space<vmem_shared>> -> memref<40x128xf32, #tpu.memory_space<vmem_shared>>
      %dma_start3A_200 = arith.constant 0 : i32
      %dma_start3A_201 = tpu.memref_slice %arg13[%add3A_44, %dma_start3A_200] : memref<2560x128xf32, #tpu.memory_space<vmem_shared>> -> memref<40x128xf32, #tpu.memory_space<vmem_shared>>
      tpu.enqueue_dma source(%arg21 : memref<40x128xf32, #tpu.memory_space<vmem>>) target(%dma_start3A_201 : memref<40x128xf32, #tpu.memory_space<vmem_shared>>) target_semaphore(%run_scoped3A : memref<!tpu.dma_semaphore, #tpu.memory_space<semaphore_mem>>)
      %dma_wait3A = arith.constant 0 : i32
      %dma_wait3A_202 = tpu.memref_slice %arg13[%add3A_44, %dma_wait3A] : memref<2560x128xf32, #tpu.memory_space<vmem_shared>> -> memref<40x128xf32, #tpu.memory_space<vmem_shared>>
      %dma_wait3A_203 = arith.constant 0 : i32
      %dma_wait3A_204 = tpu.memref_slice %arg13[%add3A_44, %dma_wait3A_203] : memref<2560x128xf32, #tpu.memory_space<vmem_shared>> -> memref<40x128xf32, #tpu.memory_space<vmem_shared>>
      tpu.wait_dma2 semaphore(%run_scoped3A : memref<!tpu.dma_semaphore, #tpu.memory_space<semaphore_mem>>) src(%arg21 : memref<40x128xf32, #tpu.memory_space<vmem>>) dst(%dma_wait3A_204 : memref<40x128xf32, #tpu.memory_space<vmem_shared>>)
      tpu.yield
    }) : () -> ()
    "tpu.region"() ({
      %run_scoped3A = tpu.sem_alloc : memref<!tpu.dma_semaphore, #tpu.memory_space<semaphore_mem>>
      tpu.enqueue_dma source(%arg8 : memref<128xf32, #tpu.memory_space<hbm>>) target(%arg27 : memref<128xf32, #tpu.memory_space<vmem>>) target_semaphore(%run_scoped3A : memref<!tpu.dma_semaphore, #tpu.memory_space<semaphore_mem>>)
      tpu.wait_dma2 semaphore(%run_scoped3A : memref<!tpu.dma_semaphore, #tpu.memory_space<semaphore_mem>>) src(%arg8 : memref<128xf32, #tpu.memory_space<hbm>>) dst(%arg27 : memref<128xf32, #tpu.memory_space<vmem>>)
      tpu.yield
    }) : () -> ()
    %barrier3A = arith.constant 0 : index
    tpu.barrier barrier_id(%barrier3A)
    %mul3A_45 = arith.constant 10000 : i32
    %mul3A_46 = arith.muli %add3A, %mul3A_45 : i32
    %iota3A = tpu.iota {dimensions = array<i32: 0>} : vector<16xi32>
    %eq3A = arith.constant 4 : i32
    %eq3A_47 = vector.broadcast %eq3A : i32 to vector<16xi32>
    %eq3A_48 = arith.cmpi eq, %iota3A, %eq3A_47 : vector<16xi32>
    %jit3A = arith.constant 1.000000e+00 : f32
    %jit3A_49 = arith.constant 0.000000e+00 : f32
    %broadcast_in_dim3A = vector.broadcast %jit3A : f32 to vector<16xf32>
    %broadcast_in_dim3A_50 = vector.broadcast %jit3A_49 : f32 to vector<16xf32>
    %select_n3A = arith.select %eq3A_48, %broadcast_in_dim3A, %broadcast_in_dim3A_50 : vector<16xi1>, vector<16xf32>
    %rem3A = arith.constant 0 : i32
    %rem3A_51 = arith.constant 10 : i32
    %rem3A_52 = arith.remsi %rem3A, %rem3A_51 : i32
    %eq3A_53 = arith.constant 0 : i32
    %eq3A_54 = arith.cmpi eq, %rem3A_52, %eq3A_53 : i32
    %convert_element_type3A = arith.extui %eq3A_54 : i1 to i32
    %cond3A = arith.constant 0 : i32
    %cond3A_55 = arith.cmpi ne, %convert_element_type3A, %cond3A : i32
    scf.if %cond3A_55 {
      %add3A_198 = arith.constant 0 : i32
      %add3A_199 = arith.addi %mul3A_46, %add3A_198 : i32
      "tpu.region"() ({
        %run_scoped3A = tpu.sem_alloc : memref<!tpu.dma_semaphore, #tpu.memory_space<semaphore_mem>>
        %dma_start3A_202 = tpu.memref_slice %arg6[%add3A_199] : memref<320000xi32, #tpu.memory_space<hbm>> -> memref<400xi32, #tpu.memory_space<hbm>>
        %dma_start3A_203 = tpu.memref_slice %arg6[%add3A_199] : memref<320000xi32, #tpu.memory_space<hbm>> -> memref<400xi32, #tpu.memory_space<hbm>>
        tpu.enqueue_dma source(%dma_start3A_203 : memref<400xi32, #tpu.memory_space<hbm>>) target(%arg14 : memref<400xi32, #tpu.memory_space<vmem>>) target_semaphore(%run_scoped3A : memref<!tpu.dma_semaphore, #tpu.memory_space<semaphore_mem>>)
        %dma_wait3A = tpu.memref_slice %arg6[%add3A_199] : memref<320000xi32, #tpu.memory_space<hbm>> -> memref<400xi32, #tpu.memory_space<hbm>>
        %dma_wait3A_204 = tpu.memref_slice %arg6[%add3A_199] : memref<320000xi32, #tpu.memory_space<hbm>> -> memref<400xi32, #tpu.memory_space<hbm>>
        tpu.wait_dma2 semaphore(%run_scoped3A : memref<!tpu.dma_semaphore, #tpu.memory_space<semaphore_mem>>) src(%dma_wait3A_204 : memref<400xi32, #tpu.memory_space<hbm>>) dst(%arg14 : memref<400xi32, #tpu.memory_space<vmem>>)
        tpu.yield
      }) : () -> ()
      %add3A_200 = arith.constant 0 : i32
      %add3A_201 = arith.addi %mul3A_46, %add3A_200 : i32
      "tpu.region"() ({
        %run_scoped3A = tpu.sem_alloc : memref<!tpu.dma_semaphore, #tpu.memory_space<semaphore_mem>>
        %dma_start3A_202 = tpu.memref_slice %arg7[%add3A_201] : memref<320000xi32, #tpu.memory_space<hbm>> -> memref<400xi32, #tpu.memory_space<hbm>>
        %dma_start3A_203 = tpu.memref_slice %arg7[%add3A_201] : memref<320000xi32, #tpu.memory_space<hbm>> -> memref<400xi32, #tpu.memory_space<hbm>>
        tpu.enqueue_dma source(%dma_start3A_203 : memref<400xi32, #tpu.memory_space<hbm>>) target(%arg15 : memref<400xi32, #tpu.memory_space<vmem>>) target_semaphore(%run_scoped3A : memref<!tpu.dma_semaphore, #tpu.memory_space<semaphore_mem>>)
        %dma_wait3A = tpu.memref_slice %arg7[%add3A_201] : memref<320000xi32, #tpu.memory_space<hbm>> -> memref<400xi32, #tpu.memory_space<hbm>>
        %dma_wait3A_204 = tpu.memref_slice %arg7[%add3A_201] : memref<320000xi32, #tpu.memory_space<hbm>> -> memref<400xi32, #tpu.memory_space<hbm>>
        tpu.wait_dma2 semaphore(%run_scoped3A : memref<!tpu.dma_semaphore, #tpu.memory_space<semaphore_mem>>) src(%dma_wait3A_204 : memref<400xi32, #tpu.memory_space<hbm>>) dst(%arg15 : memref<400xi32, #tpu.memory_space<vmem>>)
        tpu.yield
      }) : () -> ()
    } else {
    }
    %rem3A_56 = arith.constant 0 : i32
    %rem3A_57 = arith.constant 10 : i32
    %rem3A_58 = arith.remsi %rem3A_56, %rem3A_57 : i32
    %mul3A_59 = arith.constant 40 : i32
    %mul3A_60 = arith.muli %rem3A_58, %mul3A_59 : i32
    %add3A_61 = arith.constant 0 : i32
    %add3A_62 = vector.broadcast %add3A_61 : i32 to vector<16xi32>
    %add3A_63 = arith.addi %add3A_62, %iota3A : vector<16xi32>
    %add3A_64 = arith.constant 0 : i32
    %add3A_65 = arith.addi %mul3A_60, %add3A_64 : i32
    %get3A = arith.index_cast %add3A_65 : i32 to index
    %get3A_66 = tpu.vector_load %arg14[%get3A] {strides = array<i32>} : memref<400xi32, #tpu.memory_space<vmem>>, vector<16xi32>,
    tpu.vector_store_idx %arg16[%add3A_63], %get3A_66 : memref<40xi32, #tpu.memory_space<vmem>>[vector<16xi32>], vector<16xi32>,
    %add3A_67 = arith.constant 0 : i32
    %add3A_68 = vector.broadcast %add3A_67 : i32 to vector<16xi32>
    %add3A_69 = arith.addi %add3A_68, %iota3A : vector<16xi32>
    %add3A_70 = arith.constant 0 : i32
    %add3A_71 = arith.addi %mul3A_60, %add3A_70 : i32
    %get3A_72 = arith.index_cast %add3A_71 : i32 to index
    %get3A_73 = tpu.vector_load %arg15[%get3A_72] {strides = array<i32>} : memref<400xi32, #tpu.memory_space<vmem>>, vector<16xi32>,
    tpu.vector_store_idx %arg18[%add3A_69], %get3A_73 : memref<40xi32, #tpu.memory_space<vmem>>[vector<16xi32>], vector<16xi32>,
    %add3A_74 = arith.constant 16 : i32
    %add3A_75 = vector.broadcast %add3A_74 : i32 to vector<16xi32>
    %add3A_76 = arith.addi %add3A_75, %iota3A : vector<16xi32>
    %add3A_77 = arith.constant 16 : i32
    %add3A_78 = arith.addi %mul3A_60, %add3A_77 : i32
    %get3A_79 = arith.index_cast %add3A_78 : i32 to index
    %get3A_80 = tpu.vector_load %arg14[%get3A_79] {strides = array<i32>} : memref<400xi32, #tpu.memory_space<vmem>>, vector<16xi32>,
    tpu.vector_store_idx %arg16[%add3A_76], %get3A_80 : memref<40xi32, #tpu.memory_space<vmem>>[vector<16xi32>], vector<16xi32>,
    %add3A_81 = arith.constant 16 : i32
    %add3A_82 = vector.broadcast %add3A_81 : i32 to vector<16xi32>
    %add3A_83 = arith.addi %add3A_82, %iota3A : vector<16xi32>
    %add3A_84 = arith.constant 16 : i32
    %add3A_85 = arith.addi %mul3A_60, %add3A_84 : i32
    %get3A_86 = arith.index_cast %add3A_85 : i32 to index
    %get3A_87 = tpu.vector_load %arg15[%get3A_86] {strides = array<i32>} : memref<400xi32, #tpu.memory_space<vmem>>, vector<16xi32>,
    tpu.vector_store_idx %arg18[%add3A_83], %get3A_87 : memref<40xi32, #tpu.memory_space<vmem>>[vector<16xi32>], vector<16xi32>,
    %add3A_88 = arith.constant 24 : i32
    %add3A_89 = vector.broadcast %add3A_88 : i32 to vector<16xi32>
    %add3A_90 = arith.addi %add3A_89, %iota3A : vector<16xi32>
    %add3A_91 = arith.constant 24 : i32
    %add3A_92 = arith.addi %mul3A_60, %add3A_91 : i32
    %get3A_93 = arith.index_cast %add3A_92 : i32 to index
    %get3A_94 = tpu.vector_load %arg14[%get3A_93] {strides = array<i32>} : memref<400xi32, #tpu.memory_space<vmem>>, vector<16xi32>,
    tpu.vector_store_idx %arg16[%add3A_90], %get3A_94 : memref<40xi32, #tpu.memory_space<vmem>>[vector<16xi32>], vector<16xi32>,
    %add3A_95 = arith.constant 24 : i32
    %add3A_96 = vector.broadcast %add3A_95 : i32 to vector<16xi32>
    %add3A_97 = arith.addi %add3A_96, %iota3A : vector<16xi32>
    %add3A_98 = arith.constant 24 : i32
    %add3A_99 = arith.addi %mul3A_60, %add3A_98 : i32
    %get3A_100 = arith.index_cast %add3A_99 : i32 to index
    %get3A_101 = tpu.vector_load %arg15[%get3A_100] {strides = array<i32>} : memref<400xi32, #tpu.memory_space<vmem>>, vector<16xi32>,
    tpu.vector_store_idx %arg18[%add3A_97], %get3A_101 : memref<40xi32, #tpu.memory_space<vmem>>[vector<16xi32>], vector<16xi32>,
    %dma_start3A = arith.constant 0 : i32
    %dma_start3A_102 = arith.constant 0 : i32
    %dma_start3A_103 = tpu.memref_slice %arg2[%dma_start3A, %dma_start3A_102] : memref<10000x128xf32, #tpu.memory_space<hbm>> -> memref<10000x128xf32, #tpu.memory_space<hbm>>
    tpu.enqueue_indirect_dma source(%dma_start3A_103 : memref<10000x128xf32, #tpu.memory_space<hbm>>) target(%arg21 : memref<40x128xf32, #tpu.memory_space<vmem>>) offsets(%arg16 : memref<40xi32, #tpu.memory_space<vmem>>) semaphore(%arg28 : memref<!tpu.dma_semaphore, #tpu.memory_space<semaphore_mem>>)
    %dma_start3A_104 = arith.constant 0 : i32
    %dma_start3A_105 = arith.constant 0 : i32
    %dma_start3A_106 = tpu.memref_slice %arg3[%dma_start3A_104, %dma_start3A_105] : memref<10000x128xf32, #tpu.memory_space<hbm>> -> memref<10000x128xf32, #tpu.memory_space<hbm>>
    tpu.enqueue_indirect_dma source(%dma_start3A_106 : memref<10000x128xf32, #tpu.memory_space<hbm>>) target(%arg23 : memref<40x128xf32, #tpu.memory_space<vmem>>) offsets(%arg18 : memref<40xi32, #tpu.memory_space<vmem>>) semaphore(%arg30 : memref<!tpu.dma_semaphore, #tpu.memory_space<semaphore_mem>>)
    %scan3A = arith.constant 0 : i32
    %scan3A_107 = arith.constant 125 : i32
    %scan3A_108 = arith.addi %scan3A, %scan3A_107 : i32
    %scan3A_109 = arith.constant 1 : i32
    scf.for %scan3A_198 = %scan3A to %scan3A_108 step %scan3A_109  : i32 {
      %mul3A_199 = arith.constant 2 : i32
      %mul3A_200 = arith.muli %scan3A_198, %mul3A_199 : i32
      %add3A_201 = arith.constant 0 : i32
      %add3A_202 = arith.addi %add3A_201, %mul3A_200 : i32
      %add3A_203 = arith.constant 1 : i32
      %add3A_204 = arith.addi %add3A_202, %add3A_203 : i32
      %lt3A = arith.constant 250 : i32
      %lt3A_205 = arith.cmpi slt, %add3A_204, %lt3A : i32
      %convert_element_type3A_206 = arith.extui %lt3A_205 : i1 to i32
      %cond3A_207 = arith.constant 0 : i32
      %cond3A_208 = arith.cmpi ne, %convert_element_type3A_206, %cond3A_207 : i32
      scf.if %cond3A_208 {
        %rem3A_298 = arith.constant 10 : i32
        %rem3A_299 = arith.remsi %add3A_204, %rem3A_298 : i32
        %eq3A_300 = arith.constant 0 : i32
        %eq3A_301 = arith.cmpi eq, %rem3A_299, %eq3A_300 : i32
        %convert_element_type3A_302 = arith.extui %eq3A_301 : i1 to i32
        %cond3A_303 = arith.constant 0 : i32
        %cond3A_304 = arith.cmpi ne, %convert_element_type3A_302, %cond3A_303 : i32
        scf.if %cond3A_304 {
          %mul3A_357 = arith.constant 40 : i32
          %mul3A_358 = arith.muli %add3A_204, %mul3A_357 : i32
          %add3A_359 = arith.addi %mul3A_46, %mul3A_358 : i32
          "tpu.region"() ({
            %run_scoped3A = tpu.sem_alloc : memref<!tpu.dma_semaphore, #tpu.memory_space<semaphore_mem>>
            %dma_start3A_363 = tpu.memref_slice %arg6[%add3A_359] : memref<320000xi32, #tpu.memory_space<hbm>> -> memref<400xi32, #tpu.memory_space<hbm>>
            %dma_start3A_364 = tpu.memref_slice %arg6[%add3A_359] : memref<320000xi32, #tpu.memory_space<hbm>> -> memref<400xi32, #tpu.memory_space<hbm>>
            tpu.enqueue_dma source(%dma_start3A_364 : memref<400xi32, #tpu.memory_space<hbm>>) target(%arg14 : memref<400xi32, #tpu.memory_space<vmem>>) target_semaphore(%run_scoped3A : memref<!tpu.dma_semaphore, #tpu.memory_space<semaphore_mem>>)
            %dma_wait3A_365 = tpu.memref_slice %arg6[%add3A_359] : memref<320000xi32, #tpu.memory_space<hbm>> -> memref<400xi32, #tpu.memory_space<hbm>>
            %dma_wait3A_366 = tpu.memref_slice %arg6[%add3A_359] : memref<320000xi32, #tpu.memory_space<hbm>> -> memref<400xi32, #tpu.memory_space<hbm>>
            tpu.wait_dma2 semaphore(%run_scoped3A : memref<!tpu.dma_semaphore, #tpu.memory_space<semaphore_mem>>) src(%dma_wait3A_366 : memref<400xi32, #tpu.memory_space<hbm>>) dst(%arg14 : memref<400xi32, #tpu.memory_space<vmem>>)
            tpu.yield
          }) : () -> ()
          %mul3A_360 = arith.constant 40 : i32
          %mul3A_361 = arith.muli %add3A_204, %mul3A_360 : i32
          %add3A_362 = arith.addi %mul3A_46, %mul3A_361 : i32
          "tpu.region"() ({
            %run_scoped3A = tpu.sem_alloc : memref<!tpu.dma_semaphore, #tpu.memory_space<semaphore_mem>>
            %dma_start3A_363 = tpu.memref_slice %arg7[%add3A_362] : memref<320000xi32, #tpu.memory_space<hbm>> -> memref<400xi32, #tpu.memory_space<hbm>>
            %dma_start3A_364 = tpu.memref_slice %arg7[%add3A_362] : memref<320000xi32, #tpu.memory_space<hbm>> -> memref<400xi32, #tpu.memory_space<hbm>>
            tpu.enqueue_dma source(%dma_start3A_364 : memref<400xi32, #tpu.memory_space<hbm>>) target(%arg15 : memref<400xi32, #tpu.memory_space<vmem>>) target_semaphore(%run_scoped3A : memref<!tpu.dma_semaphore, #tpu.memory_space<semaphore_mem>>)
            %dma_wait3A_365 = tpu.memref_slice %arg7[%add3A_362] : memref<320000xi32, #tpu.memory_space<hbm>> -> memref<400xi32, #tpu.memory_space<hbm>>
            %dma_wait3A_366 = tpu.memref_slice %arg7[%add3A_362] : memref<320000xi32, #tpu.memory_space<hbm>> -> memref<400xi32, #tpu.memory_space<hbm>>
            tpu.wait_dma2 semaphore(%run_scoped3A : memref<!tpu.dma_semaphore, #tpu.memory_space<semaphore_mem>>) src(%dma_wait3A_366 : memref<400xi32, #tpu.memory_space<hbm>>) dst(%arg15 : memref<400xi32, #tpu.memory_space<vmem>>)
            tpu.yield
          }) : () -> ()
        } else {
        }
        %rem3A_305 = arith.constant 10 : i32
        %rem3A_306 = arith.remsi %add3A_204, %rem3A_305 : i32
        %mul3A_307 = arith.constant 40 : i32
        %mul3A_308 = arith.muli %rem3A_306, %mul3A_307 : i32
        %add3A_309 = arith.constant 0 : i32
        %add3A_310 = vector.broadcast %add3A_309 : i32 to vector<16xi32>
        %add3A_311 = arith.addi %add3A_310, %iota3A : vector<16xi32>
        %add3A_312 = arith.constant 0 : i32
        %add3A_313 = arith.addi %mul3A_308, %add3A_312 : i32
        %get3A_314 = arith.index_cast %add3A_313 : i32 to index
        %get3A_315 = tpu.vector_load %arg14[%get3A_314] {strides = array<i32>} : memref<400xi32, #tpu.memory_space<vmem>>, vector<16xi32>,
        tpu.vector_store_idx %arg17[%add3A_311], %get3A_315 : memref<40xi32, #tpu.memory_space<vmem>>[vector<16xi32>], vector<16xi32>,
        %add3A_316 = arith.constant 0 : i32
        %add3A_317 = vector.broadcast %add3A_316 : i32 to vector<16xi32>
        %add3A_318 = arith.addi %add3A_317, %iota3A : vector<16xi32>
        %add3A_319 = arith.constant 0 : i32
        %add3A_320 = arith.addi %mul3A_308, %add3A_319 : i32
        %get3A_321 = arith.index_cast %add3A_320 : i32 to index
        %get3A_322 = tpu.vector_load %arg15[%get3A_321] {strides = array<i32>} : memref<400xi32, #tpu.memory_space<vmem>>, vector<16xi32>,
        tpu.vector_store_idx %arg19[%add3A_318], %get3A_322 : memref<40xi32, #tpu.memory_space<vmem>>[vector<16xi32>], vector<16xi32>,
        %add3A_323 = arith.constant 16 : i32
        %add3A_324 = vector.broadcast %add3A_323 : i32 to vector<16xi32>
        %add3A_325 = arith.addi %add3A_324, %iota3A : vector<16xi32>
        %add3A_326 = arith.constant 16 : i32
        %add3A_327 = arith.addi %mul3A_308, %add3A_326 : i32
        %get3A_328 = arith.index_cast %add3A_327 : i32 to index
        %get3A_329 = tpu.vector_load %arg14[%get3A_328] {strides = array<i32>} : memref<400xi32, #tpu.memory_space<vmem>>, vector<16xi32>,
        tpu.vector_store_idx %arg17[%add3A_325], %get3A_329 : memref<40xi32, #tpu.memory_space<vmem>>[vector<16xi32>], vector<16xi32>,
        %add3A_330 = arith.constant 16 : i32
        %add3A_331 = vector.broadcast %add3A_330 : i32 to vector<16xi32>
        %add3A_332 = arith.addi %add3A_331, %iota3A : vector<16xi32>
        %add3A_333 = arith.constant 16 : i32
        %add3A_334 = arith.addi %mul3A_308, %add3A_333 : i32
        %get3A_335 = arith.index_cast %add3A_334 : i32 to index
        %get3A_336 = tpu.vector_load %arg15[%get3A_335] {strides = array<i32>} : memref<400xi32, #tpu.memory_space<vmem>>, vector<16xi32>,
        tpu.vector_store_idx %arg19[%add3A_332], %get3A_336 : memref<40xi32, #tpu.memory_space<vmem>>[vector<16xi32>], vector<16xi32>,
        %add3A_337 = arith.constant 24 : i32
        %add3A_338 = vector.broadcast %add3A_337 : i32 to vector<16xi32>
        %add3A_339 = arith.addi %add3A_338, %iota3A : vector<16xi32>
        %add3A_340 = arith.constant 24 : i32
        %add3A_341 = arith.addi %mul3A_308, %add3A_340 : i32
        %get3A_342 = arith.index_cast %add3A_341 : i32 to index
        %get3A_343 = tpu.vector_load %arg14[%get3A_342] {strides = array<i32>} : memref<400xi32, #tpu.memory_space<vmem>>, vector<16xi32>,
        tpu.vector_store_idx %arg17[%add3A_339], %get3A_343 : memref<40xi32, #tpu.memory_space<vmem>>[vector<16xi32>], vector<16xi32>,
        %add3A_344 = arith.constant 24 : i32
        %add3A_345 = vector.broadcast %add3A_344 : i32 to vector<16xi32>
        %add3A_346 = arith.addi %add3A_345, %iota3A : vector<16xi32>
        %add3A_347 = arith.constant 24 : i32
        %add3A_348 = arith.addi %mul3A_308, %add3A_347 : i32
        %get3A_349 = arith.index_cast %add3A_348 : i32 to index
        %get3A_350 = tpu.vector_load %arg15[%get3A_349] {strides = array<i32>} : memref<400xi32, #tpu.memory_space<vmem>>, vector<16xi32>,
        tpu.vector_store_idx %arg19[%add3A_346], %get3A_350 : memref<40xi32, #tpu.memory_space<vmem>>[vector<16xi32>], vector<16xi32>,
        %dma_start3A_351 = arith.constant 0 : i32
        %dma_start3A_352 = arith.constant 0 : i32
        %dma_start3A_353 = tpu.memref_slice %arg2[%dma_start3A_351, %dma_start3A_352] : memref<10000x128xf32, #tpu.memory_space<hbm>> -> memref<10000x128xf32, #tpu.memory_space<hbm>>
        tpu.enqueue_indirect_dma source(%dma_start3A_353 : memref<10000x128xf32, #tpu.memory_space<hbm>>) target(%arg22 : memref<40x128xf32, #tpu.memory_space<vmem>>) offsets(%arg17 : memref<40xi32, #tpu.memory_space<vmem>>) semaphore(%arg29 : memref<!tpu.dma_semaphore, #tpu.memory_space<semaphore_mem>>)
        %dma_start3A_354 = arith.constant 0 : i32
        %dma_start3A_355 = arith.constant 0 : i32
        %dma_start3A_356 = tpu.memref_slice %arg3[%dma_start3A_354, %dma_start3A_355] : memref<10000x128xf32, #tpu.memory_space<hbm>> -> memref<10000x128xf32, #tpu.memory_space<hbm>>
        tpu.enqueue_indirect_dma source(%dma_start3A_356 : memref<10000x128xf32, #tpu.memory_space<hbm>>) target(%arg24 : memref<40x128xf32, #tpu.memory_space<vmem>>) offsets(%arg19 : memref<40xi32, #tpu.memory_space<vmem>>) semaphore(%arg31 : memref<!tpu.dma_semaphore, #tpu.memory_space<semaphore_mem>>)
      } else {
      }
      %mul3A_209 = arith.constant 40 : i32
      %mul3A_210 = arith.muli %add3A_202, %mul3A_209 : i32
      %add3A_211 = arith.addi %mul3A_46, %mul3A_210 : i32
      "tpu.region"() ({
        %run_scoped3A = tpu.sem_alloc : memref<!tpu.dma_semaphore, #tpu.memory_space<semaphore_mem>>
        %dma_start3A_298 = arith.constant 0 : i32
        %dma_start3A_299 = tpu.memref_slice %arg4[%add3A_211, %dma_start3A_298] : memref<320000x128xf32, #tpu.memory_space<hbm>> -> memref<40x128xf32, #tpu.memory_space<hbm>>
        %dma_start3A_300 = arith.constant 0 : i32
        %dma_start3A_301 = tpu.memref_slice %arg4[%add3A_211, %dma_start3A_300] : memref<320000x128xf32, #tpu.memory_space<hbm>> -> memref<40x128xf32, #tpu.memory_space<hbm>>
        tpu.enqueue_dma source(%dma_start3A_301 : memref<40x128xf32, #tpu.memory_space<hbm>>) target(%arg25 : memref<40x128xf32, #tpu.memory_space<vmem>>) target_semaphore(%run_scoped3A : memref<!tpu.dma_semaphore, #tpu.memory_space<semaphore_mem>>)
        %dma_wait3A_302 = arith.constant 0 : i32
        %dma_wait3A_303 = tpu.memref_slice %arg4[%add3A_211, %dma_wait3A_302] : memref<320000x128xf32, #tpu.memory_space<hbm>> -> memref<40x128xf32, #tpu.memory_space<hbm>>
        %dma_wait3A_304 = arith.constant 0 : i32
        %dma_wait3A_305 = tpu.memref_slice %arg4[%add3A_211, %dma_wait3A_304] : memref<320000x128xf32, #tpu.memory_space<hbm>> -> memref<40x128xf32, #tpu.memory_space<hbm>>
        tpu.wait_dma2 semaphore(%run_scoped3A : memref<!tpu.dma_semaphore, #tpu.memory_space<semaphore_mem>>) src(%dma_wait3A_305 : memref<40x128xf32, #tpu.memory_space<hbm>>) dst(%arg25 : memref<40x128xf32, #tpu.memory_space<vmem>>)
        tpu.yield
      }) : () -> ()
      %mul3A_212 = arith.constant 16 : i32
      %mul3A_213 = arith.muli %add3A_211, %mul3A_212 : i32
      "tpu.region"() ({
        %run_scoped3A = tpu.sem_alloc : memref<!tpu.dma_semaphore, #tpu.memory_space<semaphore_mem>>
        %dma_start3A_298 = tpu.memref_slice %arg5[%mul3A_213] : memref<5120000xf32, #tpu.memory_space<hbm>> -> memref<640xf32, #tpu.memory_space<hbm>>
        %dma_start3A_299 = tpu.memref_slice %arg5[%mul3A_213] : memref<5120000xf32, #tpu.memory_space<hbm>> -> memref<640xf32, #tpu.memory_space<hbm>>
        tpu.enqueue_dma source(%dma_start3A_299 : memref<640xf32, #tpu.memory_space<hbm>>) target(%arg26 : memref<640xf32, #tpu.memory_space<vmem>>) target_semaphore(%run_scoped3A : memref<!tpu.dma_semaphore, #tpu.memory_space<semaphore_mem>>)
        %dma_wait3A_300 = tpu.memref_slice %arg5[%mul3A_213] : memref<5120000xf32, #tpu.memory_space<hbm>> -> memref<640xf32, #tpu.memory_space<hbm>>
        %dma_wait3A_301 = tpu.memref_slice %arg5[%mul3A_213] : memref<5120000xf32, #tpu.memory_space<hbm>> -> memref<640xf32, #tpu.memory_space<hbm>>
        tpu.wait_dma2 semaphore(%run_scoped3A : memref<!tpu.dma_semaphore, #tpu.memory_space<semaphore_mem>>) src(%dma_wait3A_301 : memref<640xf32, #tpu.memory_space<hbm>>) dst(%arg26 : memref<640xf32, #tpu.memory_space<vmem>>)
        tpu.yield
      }) : () -> ()
      %get3A_214 = arith.constant 0 : index
      %get3A_215 = tpu.vector_load %arg18[%get3A_214] {strides = array<i32>} : memref<40xi32, #tpu.memory_space<vmem>>, vector<16xi32>,
      %add3A_216 = arith.constant 0 : i32
      %add3A_217 = vector.broadcast %add3A_216 : i32 to vector<16xi32>
      %add3A_218 = arith.addi %add3A_217, %iota3A : vector<16xi32>
      %shift_right_logical3A = arith.constant 2 : i32
      %shift_right_logical3A_219 = vector.broadcast %shift_right_logical3A : i32 to vector<16xi32>
      %shift_right_logical3A_220 = arith.shrui %get3A_215, %shift_right_logical3A_219 : vector<16xi32>
      tpu.vector_store_idx %arg20[%add3A_218], %shift_right_logical3A_220 : memref<40xi32, #tpu.memory_space<vmem>>[vector<16xi32>], vector<16xi32>,
      %get3A_221 = arith.constant 16 : index
      %get3A_222 = tpu.vector_load %arg18[%get3A_221] {strides = array<i32>} : memref<40xi32, #tpu.memory_space<vmem>>, vector<16xi32>,
      %add3A_223 = arith.constant 16 : i32
      %add3A_224 = vector.broadcast %add3A_223 : i32 to vector<16xi32>
      %add3A_225 = arith.addi %add3A_224, %iota3A : vector<16xi32>
      %shift_right_logical3A_226 = arith.constant 2 : i32
      %shift_right_logical3A_227 = vector.broadcast %shift_right_logical3A_226 : i32 to vector<16xi32>
      %shift_right_logical3A_228 = arith.shrui %get3A_222, %shift_right_logical3A_227 : vector<16xi32>
      tpu.vector_store_idx %arg20[%add3A_225], %shift_right_logical3A_228 : memref<40xi32, #tpu.memory_space<vmem>>[vector<16xi32>], vector<16xi32>,
      %get3A_229 = arith.constant 24 : index
      %get3A_230 = tpu.vector_load %arg18[%get3A_229] {strides = array<i32>} : memref<40xi32, #tpu.memory_space<vmem>>, vector<16xi32>,
      %add3A_231 = arith.constant 24 : i32
      %add3A_232 = vector.broadcast %add3A_231 : i32 to vector<16xi32>
      %add3A_233 = arith.addi %add3A_232, %iota3A : vector<16xi32>
      %shift_right_logical3A_234 = arith.constant 2 : i32
      %shift_right_logical3A_235 = vector.broadcast %shift_right_logical3A_234 : i32 to vector<16xi32>
      %shift_right_logical3A_236 = arith.shrui %get3A_230, %shift_right_logical3A_235 : vector<16xi32>
      tpu.vector_store_idx %arg20[%add3A_233], %shift_right_logical3A_236 : memref<40xi32, #tpu.memory_space<vmem>>[vector<16xi32>], vector<16xi32>,
      %dma_wait3A = arith.constant 0 : i32
      %dma_wait3A_237 = arith.constant 0 : i32
      %dma_wait3A_238 = tpu.memref_slice %arg2[%dma_wait3A, %dma_wait3A_237] : memref<10000x128xf32, #tpu.memory_space<hbm>> -> memref<10000x128xf32, #tpu.memory_space<hbm>>
      tpu.wait_indirect_dma semaphore(%arg28 : memref<!tpu.dma_semaphore, #tpu.memory_space<semaphore_mem>>) src(%dma_wait3A_238 : memref<10000x128xf32, #tpu.memory_space<hbm>>) dst(%arg21 : memref<40x128xf32, #tpu.memory_space<vmem>>)
      %dma_wait3A_239 = arith.constant 0 : i32
      %dma_wait3A_240 = arith.constant 0 : i32
      %dma_wait3A_241 = tpu.memref_slice %arg3[%dma_wait3A_239, %dma_wait3A_240] : memref<10000x128xf32, #tpu.memory_space<hbm>> -> memref<10000x128xf32, #tpu.memory_space<hbm>>
      tpu.wait_indirect_dma semaphore(%arg30 : memref<!tpu.dma_semaphore, #tpu.memory_space<semaphore_mem>>) src(%dma_wait3A_241 : memref<10000x128xf32, #tpu.memory_space<hbm>>) dst(%arg23 : memref<40x128xf32, #tpu.memory_space<vmem>>)
      %scan3A_242 = arith.constant 0 : i32
      %scan3A_243 = arith.constant 0 : i32
      %scan3A_244 = arith.constant 40 : i32
      %scan3A_245 = arith.addi %scan3A_243, %scan3A_244 : i32
      %scan3A_246 = arith.constant 4 : i32
      scf.for %scan3A_298 = %scan3A_243 to %scan3A_245 step %scan3A_246  : i32 {
        %get3A_299 = arith.index_cast %scan3A_298 : i32 to index
        %get3A_300 = arith.constant 0 : index
        %get3A_301 = tpu.vector_load %arg21[%get3A_299, %get3A_300] {strides = array<i32>} : memref<40x128xf32, #tpu.memory_space<vmem>>, vector<16xf32>,
        %get3A_302 = arith.index_cast %scan3A_298 : i32 to index
        %get3A_303 = arith.constant 0 : index
        %get3A_304 = tpu.vector_load %arg23[%get3A_302, %get3A_303] {strides = array<i32>} : memref<40x128xf32, #tpu.memory_space<vmem>>, vector<16xf32>,
        %add3A_305 = arith.addf %get3A_301, %get3A_304 : vector<16xf32>
        %get3A_306 = arith.index_cast %scan3A_298 : i32 to index
        %get3A_307 = arith.constant 0 : index
        %get3A_308 = tpu.vector_load %arg25[%get3A_306, %get3A_307] {strides = array<i32>} : memref<40x128xf32, #tpu.memory_space<vmem>>, vector<16xf32>,
        %add3A_309 = arith.addf %add3A_305, %get3A_308 : vector<16xf32>
        %mul3A_310 = arith.constant 2.000000e-01 : f32
        %mul3A_311 = vector.broadcast %mul3A_310 : f32 to vector<16xf32>
        %mul3A_312 = arith.mulf %mul3A_311, %add3A_309 : vector<16xf32>
        %max3A = arith.maximumf %add3A_309, %mul3A_312 : vector<16xf32>
        %get3A_313 = arith.constant 0 : index
        %get3A_314 = tpu.vector_load %arg27[%get3A_313] {strides = array<i32>} : memref<128xf32, #tpu.memory_space<vmem>>, vector<16xf32>,
        %mul3A_315 = arith.mulf %max3A, %get3A_314 : vector<16xf32>
        %get3A_316 = arith.index_cast %scan3A_298 : i32 to index
        %get3A_317 = arith.constant 16 : index
        %get3A_318 = tpu.vector_load %arg21[%get3A_316, %get3A_317] {strides = array<i32>} : memref<40x128xf32, #tpu.memory_space<vmem>>, vector<16xf32>,
        %get3A_319 = arith.index_cast %scan3A_298 : i32 to index
        %get3A_320 = arith.constant 16 : index
        %get3A_321 = tpu.vector_load %arg23[%get3A_319, %get3A_320] {strides = array<i32>} : memref<40x128xf32, #tpu.memory_space<vmem>>, vector<16xf32>,
        %add3A_322 = arith.addf %get3A_318, %get3A_321 : vector<16xf32>
        %get3A_323 = arith.index_cast %scan3A_298 : i32 to index
        %get3A_324 = arith.constant 16 : index
        %get3A_325 = tpu.vector_load %arg25[%get3A_323, %get3A_324] {strides = array<i32>} : memref<40x128xf32, #tpu.memory_space<vmem>>, vector<16xf32>,
        %add3A_326 = arith.addf %add3A_322, %get3A_325 : vector<16xf32>
        %mul3A_327 = arith.constant 2.000000e-01 : f32
        %mul3A_328 = vector.broadcast %mul3A_327 : f32 to vector<16xf32>
        %mul3A_329 = arith.mulf %mul3A_328, %add3A_326 : vector<16xf32>
        %max3A_330 = arith.maximumf %add3A_326, %mul3A_329 : vector<16xf32>
        %get3A_331 = arith.constant 16 : index
        %get3A_332 = tpu.vector_load %arg27[%get3A_331] {strides = array<i32>} : memref<128xf32, #tpu.memory_space<vmem>>, vector<16xf32>,
        %mul3A_333 = arith.mulf %max3A_330, %get3A_332 : vector<16xf32>
        %add3A_334 = arith.addf %mul3A_315, %mul3A_333 : vector<16xf32>
        %reduce_sum3A = arith.constant true
        %reduce_sum3A_335 = vector.broadcast %reduce_sum3A : i1 to vector<16xi1>
        %reduce_sum3A_336 = tpu.scan <sum>, %add3A_334 masked %reduce_sum3A_335 : vector<16xf32>, vector<16xi1> -> vector<16xf32>
        %reduce_sum3A_337 = vector.extract %reduce_sum3A_336[15] : f32 from vector<16xf32>
        %broadcast_in_dim3A_338 = vector.broadcast %reduce_sum3A_337 : f32 to vector<16xf32>
        %exp3A = math.exp %broadcast_in_dim3A_338 : vector<16xf32>
        %eq3A_339 = arith.constant 0 : i32
        %eq3A_340 = vector.broadcast %eq3A_339 : i32 to vector<16xi32>
        %eq3A_341 = arith.cmpi eq, %iota3A, %eq3A_340 : vector<16xi32>
        %jit3A_342 = arith.constant 0.000000e+00 : f32
        %broadcast_in_dim3A_343 = vector.broadcast %jit3A_342 : f32 to vector<16xf32>
        %select_n3A_344 = arith.select %eq3A_341, %exp3A, %broadcast_in_dim3A_343 : vector<16xi1>, vector<16xf32>
        %add3A_345 = arith.addf %select_n3A, %select_n3A_344 : vector<16xf32>
        %mul3A_346 = arith.mulf %exp3A, %get3A_301 : vector<16xf32>
        %swap3A = arith.index_cast %scan3A_298 : i32 to index
        %swap3A_347 = arith.constant 0 : index
        %swap3A_348 = tpu.vector_load %arg21[%swap3A, %swap3A_347] {strides = array<i32>} : memref<40x128xf32, #tpu.memory_space<vmem>>, vector<16xf32>,
        tpu.vector_store %arg21[%swap3A, %swap3A_347], %mul3A_346 {strides = array<i32>} : memref<40x128xf32, #tpu.memory_space<vmem>>, vector<16xf32>,
        %mul3A_349 = arith.mulf %exp3A, %get3A_318 : vector<16xf32>
        %swap3A_350 = arith.index_cast %scan3A_298 : i32 to index
        %swap3A_351 = arith.constant 16 : index
        %swap3A_352 = tpu.vector_load %arg21[%swap3A_350, %swap3A_351] {strides = array<i32>} : memref<40x128xf32, #tpu.memory_space<vmem>>, vector<16xf32>,
        tpu.vector_store %arg21[%swap3A_350, %swap3A_351], %mul3A_349 {strides = array<i32>} : memref<40x128xf32, #tpu.memory_space<vmem>>, vector<16xf32>,
        %get3A_353 = arith.index_cast %scan3A_298 : i32 to index
        %get3A_354 = arith.constant 32 : index
        %get3A_355 = tpu.vector_load %arg21[%get3A_353, %get3A_354] {strides = array<i32>} : memref<40x128xf32, #tpu.memory_space<vmem>>, vector<16xf32>,
        %get3A_356 = arith.index_cast %scan3A_298 : i32 to index
        %get3A_357 = arith.constant 32 : index
        %get3A_358 = tpu.vector_load %arg23[%get3A_356, %get3A_357] {strides = array<i32>} : memref<40x128xf32, #tpu.memory_space<vmem>>, vector<16xf32>,
        %add3A_359 = arith.addf %get3A_355, %get3A_358 : vector<16xf32>
        %get3A_360 = arith.index_cast %scan3A_298 : i32 to index
        %get3A_361 = arith.constant 32 : index
        %get3A_362 = tpu.vector_load %arg25[%get3A_360, %get3A_361] {strides = array<i32>} : memref<40x128xf32, #tpu.memory_space<vmem>>, vector<16xf32>,
        %add3A_363 = arith.addf %add3A_359, %get3A_362 : vector<16xf32>
        %mul3A_364 = arith.constant 2.000000e-01 : f32
        %mul3A_365 = vector.broadcast %mul3A_364 : f32 to vector<16xf32>
        %mul3A_366 = arith.mulf %mul3A_365, %add3A_363 : vector<16xf32>
        %max3A_367 = arith.maximumf %add3A_363, %mul3A_366 : vector<16xf32>
        %get3A_368 = arith.constant 32 : index
        %get3A_369 = tpu.vector_load %arg27[%get3A_368] {strides = array<i32>} : memref<128xf32, #tpu.memory_space<vmem>>, vector<16xf32>,
        %mul3A_370 = arith.mulf %max3A_367, %get3A_369 : vector<16xf32>
        %get3A_371 = arith.index_cast %scan3A_298 : i32 to index
        %get3A_372 = arith.constant 48 : index
        %get3A_373 = tpu.vector_load %arg21[%get3A_371, %get3A_372] {strides = array<i32>} : memref<40x128xf32, #tpu.memory_space<vmem>>, vector<16xf32>,
        %get3A_374 = arith.index_cast %scan3A_298 : i32 to index
        %get3A_375 = arith.constant 48 : index
        %get3A_376 = tpu.vector_load %arg23[%get3A_374, %get3A_375] {strides = array<i32>} : memref<40x128xf32, #tpu.memory_space<vmem>>, vector<16xf32>,
        %add3A_377 = arith.addf %get3A_373, %get3A_376 : vector<16xf32>
        %get3A_378 = arith.index_cast %scan3A_298 : i32 to index
        %get3A_379 = arith.constant 48 : index
        %get3A_380 = tpu.vector_load %arg25[%get3A_378, %get3A_379] {strides = array<i32>} : memref<40x128xf32, #tpu.memory_space<vmem>>, vector<16xf32>,
        %add3A_381 = arith.addf %add3A_377, %get3A_380 : vector<16xf32>
        %mul3A_382 = arith.constant 2.000000e-01 : f32
        %mul3A_383 = vector.broadcast %mul3A_382 : f32 to vector<16xf32>
        %mul3A_384 = arith.mulf %mul3A_383, %add3A_381 : vector<16xf32>
        %max3A_385 = arith.maximumf %add3A_381, %mul3A_384 : vector<16xf32>
        %get3A_386 = arith.constant 48 : index
        %get3A_387 = tpu.vector_load %arg27[%get3A_386] {strides = array<i32>} : memref<128xf32, #tpu.memory_space<vmem>>, vector<16xf32>,
        %mul3A_388 = arith.mulf %max3A_385, %get3A_387 : vector<16xf32>
        %add3A_389 = arith.addf %mul3A_370, %mul3A_388 : vector<16xf32>
        %reduce_sum3A_390 = arith.constant true
        %reduce_sum3A_391 = vector.broadcast %reduce_sum3A_390 : i1 to vector<16xi1>
        %reduce_sum3A_392 = tpu.scan <sum>, %add3A_389 masked %reduce_sum3A_391 : vector<16xf32>, vector<16xi1> -> vector<16xf32>
        %reduce_sum3A_393 = vector.extract %reduce_sum3A_392[15] : f32 from vector<16xf32>
        %broadcast_in_dim3A_394 = vector.broadcast %reduce_sum3A_393 : f32 to vector<16xf32>
        %exp3A_395 = math.exp %broadcast_in_dim3A_394 : vector<16xf32>
        %eq3A_396 = arith.constant 1 : i32
        %eq3A_397 = vector.broadcast %eq3A_396 : i32 to vector<16xi32>
        %eq3A_398 = arith.cmpi eq, %iota3A, %eq3A_397 : vector<16xi32>
        %jit3A_399 = arith.constant 0.000000e+00 : f32
        %broadcast_in_dim3A_400 = vector.broadcast %jit3A_399 : f32 to vector<16xf32>
        %select_n3A_401 = arith.select %eq3A_398, %exp3A_395, %broadcast_in_dim3A_400 : vector<16xi1>, vector<16xf32>
        %add3A_402 = arith.addf %add3A_345, %select_n3A_401 : vector<16xf32>
        %mul3A_403 = arith.mulf %exp3A_395, %get3A_355 : vector<16xf32>
        %swap3A_404 = arith.index_cast %scan3A_298 : i32 to index
        %swap3A_405 = arith.constant 32 : index
        %swap3A_406 = tpu.vector_load %arg21[%swap3A_404, %swap3A_405] {strides = array<i32>} : memref<40x128xf32, #tpu.memory_space<vmem>>, vector<16xf32>,
        tpu.vector_store %arg21[%swap3A_404, %swap3A_405], %mul3A_403 {strides = array<i32>} : memref<40x128xf32, #tpu.memory_space<vmem>>, vector<16xf32>,
        %mul3A_407 = arith.mulf %exp3A_395, %get3A_373 : vector<16xf32>
        %swap3A_408 = arith.index_cast %scan3A_298 : i32 to index
        %swap3A_409 = arith.constant 48 : index
        %swap3A_410 = tpu.vector_load %arg21[%swap3A_408, %swap3A_409] {strides = array<i32>} : memref<40x128xf32, #tpu.memory_space<vmem>>, vector<16xf32>,
        tpu.vector_store %arg21[%swap3A_408, %swap3A_409], %mul3A_407 {strides = array<i32>} : memref<40x128xf32, #tpu.memory_space<vmem>>, vector<16xf32>,
        %get3A_411 = arith.index_cast %scan3A_298 : i32 to index
        %get3A_412 = arith.constant 64 : index
        %get3A_413 = tpu.vector_load %arg21[%get3A_411, %get3A_412] {strides = array<i32>} : memref<40x128xf32, #tpu.memory_space<vmem>>, vector<16xf32>,
        %get3A_414 = arith.index_cast %scan3A_298 : i32 to index
        %get3A_415 = arith.constant 64 : index
        %get3A_416 = tpu.vector_load %arg23[%get3A_414, %get3A_415] {strides = array<i32>} : memref<40x128xf32, #tpu.memory_space<vmem>>, vector<16xf32>,
        %add3A_417 = arith.addf %get3A_413, %get3A_416 : vector<16xf32>
        %get3A_418 = arith.index_cast %scan3A_298 : i32 to index
        %get3A_419 = arith.constant 64 : index
        %get3A_420 = tpu.vector_load %arg25[%get3A_418, %get3A_419] {strides = array<i32>} : memref<40x128xf32, #tpu.memory_space<vmem>>, vector<16xf32>,
        %add3A_421 = arith.addf %add3A_417, %get3A_420 : vector<16xf32>
        %mul3A_422 = arith.constant 2.000000e-01 : f32
        %mul3A_423 = vector.broadcast %mul3A_422 : f32 to vector<16xf32>
        %mul3A_424 = arith.mulf %mul3A_423, %add3A_421 : vector<16xf32>
        %max3A_425 = arith.maximumf %add3A_421, %mul3A_424 : vector<16xf32>
        %get3A_426 = arith.constant 64 : index
        %get3A_427 = tpu.vector_load %arg27[%get3A_426] {strides = array<i32>} : memref<128xf32, #tpu.memory_space<vmem>>, vector<16xf32>,
        %mul3A_428 = arith.mulf %max3A_425, %get3A_427 : vector<16xf32>
        %get3A_429 = arith.index_cast %scan3A_298 : i32 to index
        %get3A_430 = arith.constant 80 : index
        %get3A_431 = tpu.vector_load %arg21[%get3A_429, %get3A_430] {strides = array<i32>} : memref<40x128xf32, #tpu.memory_space<vmem>>, vector<16xf32>,
        %get3A_432 = arith.index_cast %scan3A_298 : i32 to index
        %get3A_433 = arith.constant 80 : index
        %get3A_434 = tpu.vector_load %arg23[%get3A_432, %get3A_433] {strides = array<i32>} : memref<40x128xf32, #tpu.memory_space<vmem>>, vector<16xf32>,
        %add3A_435 = arith.addf %get3A_431, %get3A_434 : vector<16xf32>
        %get3A_436 = arith.index_cast %scan3A_298 : i32 to index
        %get3A_437 = arith.constant 80 : index
        %get3A_438 = tpu.vector_load %arg25[%get3A_436, %get3A_437] {strides = array<i32>} : memref<40x128xf32, #tpu.memory_space<vmem>>, vector<16xf32>,
        %add3A_439 = arith.addf %add3A_435, %get3A_438 : vector<16xf32>
        %mul3A_440 = arith.constant 2.000000e-01 : f32
        %mul3A_441 = vector.broadcast %mul3A_440 : f32 to vector<16xf32>
        %mul3A_442 = arith.mulf %mul3A_441, %add3A_439 : vector<16xf32>
        %max3A_443 = arith.maximumf %add3A_439, %mul3A_442 : vector<16xf32>
        %get3A_444 = arith.constant 80 : index
        %get3A_445 = tpu.vector_load %arg27[%get3A_444] {strides = array<i32>} : memref<128xf32, #tpu.memory_space<vmem>>, vector<16xf32>,
        %mul3A_446 = arith.mulf %max3A_443, %get3A_445 : vector<16xf32>
        %add3A_447 = arith.addf %mul3A_428, %mul3A_446 : vector<16xf32>
        %reduce_sum3A_448 = arith.constant true
        %reduce_sum3A_449 = vector.broadcast %reduce_sum3A_448 : i1 to vector<16xi1>
        %reduce_sum3A_450 = tpu.scan <sum>, %add3A_447 masked %reduce_sum3A_449 : vector<16xf32>, vector<16xi1> -> vector<16xf32>
        %reduce_sum3A_451 = vector.extract %reduce_sum3A_450[15] : f32 from vector<16xf32>
        %broadcast_in_dim3A_452 = vector.broadcast %reduce_sum3A_451 : f32 to vector<16xf32>
        %exp3A_453 = math.exp %broadcast_in_dim3A_452 : vector<16xf32>
        %eq3A_454 = arith.constant 2 : i32
        %eq3A_455 = vector.broadcast %eq3A_454 : i32 to vector<16xi32>
        %eq3A_456 = arith.cmpi eq, %iota3A, %eq3A_455 : vector<16xi32>
        %jit3A_457 = arith.constant 0.000000e+00 : f32
        %broadcast_in_dim3A_458 = vector.broadcast %jit3A_457 : f32 to vector<16xf32>
        %select_n3A_459 = arith.select %eq3A_456, %exp3A_453, %broadcast_in_dim3A_458 : vector<16xi1>, vector<16xf32>
        %add3A_460 = arith.addf %add3A_402, %select_n3A_459 : vector<16xf32>
        %mul3A_461 = arith.mulf %exp3A_453, %get3A_413 : vector<16xf32>
        %swap3A_462 = arith.index_cast %scan3A_298 : i32 to index
        %swap3A_463 = arith.constant 64 : index
        %swap3A_464 = tpu.vector_load %arg21[%swap3A_462, %swap3A_463] {strides = array<i32>} : memref<40x128xf32, #tpu.memory_space<vmem>>, vector<16xf32>,
        tpu.vector_store %arg21[%swap3A_462, %swap3A_463], %mul3A_461 {strides = array<i32>} : memref<40x128xf32, #tpu.memory_space<vmem>>, vector<16xf32>,
        %mul3A_465 = arith.mulf %exp3A_453, %get3A_431 : vector<16xf32>
        %swap3A_466 = arith.index_cast %scan3A_298 : i32 to index
        %swap3A_467 = arith.constant 80 : index
        %swap3A_468 = tpu.vector_load %arg21[%swap3A_466, %swap3A_467] {strides = array<i32>} : memref<40x128xf32, #tpu.memory_space<vmem>>, vector<16xf32>,
        tpu.vector_store %arg21[%swap3A_466, %swap3A_467], %mul3A_465 {strides = array<i32>} : memref<40x128xf32, #tpu.memory_space<vmem>>, vector<16xf32>,
        %get3A_469 = arith.index_cast %scan3A_298 : i32 to index
        %get3A_470 = arith.constant 96 : index
        %get3A_471 = tpu.vector_load %arg21[%get3A_469, %get3A_470] {strides = array<i32>} : memref<40x128xf32, #tpu.memory_space<vmem>>, vector<16xf32>,
        %get3A_472 = arith.index_cast %scan3A_298 : i32 to index
        %get3A_473 = arith.constant 96 : index
        %get3A_474 = tpu.vector_load %arg23[%get3A_472, %get3A_473] {strides = array<i32>} : memref<40x128xf32, #tpu.memory_space<vmem>>, vector<16xf32>,
        %add3A_475 = arith.addf %get3A_471, %get3A_474 : vector<16xf32>
        %get3A_476 = arith.index_cast %scan3A_298 : i32 to index
        %get3A_477 = arith.constant 96 : index
        %get3A_478 = tpu.vector_load %arg25[%get3A_476, %get3A_477] {strides = array<i32>} : memref<40x128xf32, #tpu.memory_space<vmem>>, vector<16xf32>,
        %add3A_479 = arith.addf %add3A_475, %get3A_478 : vector<16xf32>
        %mul3A_480 = arith.constant 2.000000e-01 : f32
        %mul3A_481 = vector.broadcast %mul3A_480 : f32 to vector<16xf32>
        %mul3A_482 = arith.mulf %mul3A_481, %add3A_479 : vector<16xf32>
        %max3A_483 = arith.maximumf %add3A_479, %mul3A_482 : vector<16xf32>
        %get3A_484 = arith.constant 96 : index
        %get3A_485 = tpu.vector_load %arg27[%get3A_484] {strides = array<i32>} : memref<128xf32, #tpu.memory_space<vmem>>, vector<16xf32>,
        %mul3A_486 = arith.mulf %max3A_483, %get3A_485 : vector<16xf32>
        %get3A_487 = arith.index_cast %scan3A_298 : i32 to index
        %get3A_488 = arith.constant 112 : index
        %get3A_489 = tpu.vector_load %arg21[%get3A_487, %get3A_488] {strides = array<i32>} : memref<40x128xf32, #tpu.memory_space<vmem>>, vector<16xf32>,
        %get3A_490 = arith.index_cast %scan3A_298 : i32 to index
        %get3A_491 = arith.constant 112 : index
        %get3A_492 = tpu.vector_load %arg23[%get3A_490, %get3A_491] {strides = array<i32>} : memref<40x128xf32, #tpu.memory_space<vmem>>, vector<16xf32>,
        %add3A_493 = arith.addf %get3A_489, %get3A_492 : vector<16xf32>
        %get3A_494 = arith.index_cast %scan3A_298 : i32 to index
        %get3A_495 = arith.constant 112 : index
        %get3A_496 = tpu.vector_load %arg25[%get3A_494, %get3A_495] {strides = array<i32>} : memref<40x128xf32, #tpu.memory_space<vmem>>, vector<16xf32>,
        %add3A_497 = arith.addf %add3A_493, %get3A_496 : vector<16xf32>
        %mul3A_498 = arith.constant 2.000000e-01 : f32
        %mul3A_499 = vector.broadcast %mul3A_498 : f32 to vector<16xf32>
        %mul3A_500 = arith.mulf %mul3A_499, %add3A_497 : vector<16xf32>
        %max3A_501 = arith.maximumf %add3A_497, %mul3A_500 : vector<16xf32>
        %get3A_502 = arith.constant 112 : index
        %get3A_503 = tpu.vector_load %arg27[%get3A_502] {strides = array<i32>} : memref<128xf32, #tpu.memory_space<vmem>>, vector<16xf32>,
        %mul3A_504 = arith.mulf %max3A_501, %get3A_503 : vector<16xf32>
        %add3A_505 = arith.addf %mul3A_486, %mul3A_504 : vector<16xf32>
        %reduce_sum3A_506 = arith.constant true
        %reduce_sum3A_507 = vector.broadcast %reduce_sum3A_506 : i1 to vector<16xi1>
        %reduce_sum3A_508 = tpu.scan <sum>, %add3A_505 masked %reduce_sum3A_507 : vector<16xf32>, vector<16xi1> -> vector<16xf32>
        %reduce_sum3A_509 = vector.extract %reduce_sum3A_508[15] : f32 from vector<16xf32>
        %broadcast_in_dim3A_510 = vector.broadcast %reduce_sum3A_509 : f32 to vector<16xf32>
        %exp3A_511 = math.exp %broadcast_in_dim3A_510 : vector<16xf32>
        %eq3A_512 = arith.constant 3 : i32
        %eq3A_513 = vector.broadcast %eq3A_512 : i32 to vector<16xi32>
        %eq3A_514 = arith.cmpi eq, %iota3A, %eq3A_513 : vector<16xi32>
        %jit3A_515 = arith.constant 0.000000e+00 : f32
        %broadcast_in_dim3A_516 = vector.broadcast %jit3A_515 : f32 to vector<16xf32>
        %select_n3A_517 = arith.select %eq3A_514, %exp3A_511, %broadcast_in_dim3A_516 : vector<16xi1>, vector<16xf32>
        %add3A_518 = arith.addf %add3A_460, %select_n3A_517 : vector<16xf32>
        %mul3A_519 = arith.mulf %exp3A_511, %get3A_471 : vector<16xf32>
        %swap3A_520 = arith.index_cast %scan3A_298 : i32 to index
        %swap3A_521 = arith.constant 96 : index
        %swap3A_522 = tpu.vector_load %arg21[%swap3A_520, %swap3A_521] {strides = array<i32>} : memref<40x128xf32, #tpu.memory_space<vmem>>, vector<16xf32>,
        tpu.vector_store %arg21[%swap3A_520, %swap3A_521], %mul3A_519 {strides = array<i32>} : memref<40x128xf32, #tpu.memory_space<vmem>>, vector<16xf32>,
        %mul3A_523 = arith.mulf %exp3A_511, %get3A_489 : vector<16xf32>
        %swap3A_524 = arith.index_cast %scan3A_298 : i32 to index
        %swap3A_525 = arith.constant 112 : index
        %swap3A_526 = tpu.vector_load %arg21[%swap3A_524, %swap3A_525] {strides = array<i32>} : memref<40x128xf32, #tpu.memory_space<vmem>>, vector<16xf32>,
        tpu.vector_store %arg21[%swap3A_524, %swap3A_525], %mul3A_523 {strides = array<i32>} : memref<40x128xf32, #tpu.memory_space<vmem>>, vector<16xf32>,
        %mul3A_527 = arith.constant 16 : i32
        %mul3A_528 = arith.muli %scan3A_298, %mul3A_527 : i32
        %get3A_529 = arith.index_cast %mul3A_528 : i32 to index
        %get3A_530 = tpu.vector_load %arg26[%get3A_529] {strides = array<i32>} : memref<640xf32, #tpu.memory_space<vmem>>, vector<16xf32>,
        %min3A = arith.constant 24 : i32
        %min3A_531 = arith.minsi %scan3A_298, %min3A : i32
        %get3A_532 = arith.index_cast %min3A_531 : i32 to index
        %get3A_533 = tpu.vector_load %arg18[%get3A_532] {strides = array<i32>} : memref<40xi32, #tpu.memory_space<vmem>>, vector<16xi32>,
        %sub3A = arith.subi %scan3A_298, %min3A_531 : i32
        %eq3A_534 = vector.broadcast %sub3A : i32 to vector<16xi32>
        %eq3A_535 = arith.cmpi eq, %iota3A, %eq3A_534 : vector<16xi32>
        %jit3A_536 = arith.constant 0 : i32
        %broadcast_in_dim3A_537 = vector.broadcast %jit3A_536 : i32 to vector<16xi32>
        %select_n3A_538 = arith.select %eq3A_535, %get3A_533, %broadcast_in_dim3A_537 : vector<16xi1>, vector<16xi32>
        %reduce_sum3A_539 = arith.constant true
        %reduce_sum3A_540 = vector.broadcast %reduce_sum3A_539 : i1 to vector<16xi1>
        %reduce_sum3A_541 = tpu.scan <sum>, %select_n3A_538 masked %reduce_sum3A_540 : vector<16xi32>, vector<16xi1> -> vector<16xi32>
        %reduce_sum3A_542 = vector.extract %reduce_sum3A_541[15] : i32 from vector<16xi32>
        %rem3A_543 = arith.constant 4 : i32
        %rem3A_544 = arith.remsi %reduce_sum3A_542, %rem3A_543 : i32
        %eq3A_545 = arith.constant 0 : i32
        %eq3A_546 = arith.cmpi eq, %rem3A_544, %eq3A_545 : i32
        %jit3A_547 = arith.constant 1.000000e+00 : f32
        %jit3A_548 = arith.constant 0.000000e+00 : f32
        %select_n3A_549 = arith.select %eq3A_546, %jit3A_547, %jit3A_548 : f32
        %mul3A_550 = vector.broadcast %select_n3A_549 : f32 to vector<16xf32>
        %mul3A_551 = arith.mulf %mul3A_550, %get3A_530 : vector<16xf32>
        %swap3A_552 = arith.index_cast %scan3A_298 : i32 to index
        %swap3A_553 = arith.constant 0 : index
        %swap3A_554 = tpu.vector_load %arg25[%swap3A_552, %swap3A_553] {strides = array<i32>} : memref<40x128xf32, #tpu.memory_space<vmem>>, vector<16xf32>,
        tpu.vector_store %arg25[%swap3A_552, %swap3A_553], %mul3A_551 {strides = array<i32>} : memref<40x128xf32, #tpu.memory_space<vmem>>, vector<16xf32>,
        %mul3A_555 = vector.broadcast %select_n3A_549 : f32 to vector<16xf32>
        %mul3A_556 = arith.mulf %mul3A_555, %add3A_518 : vector<16xf32>
        %swap3A_557 = arith.index_cast %scan3A_298 : i32 to index
        %swap3A_558 = arith.constant 16 : index
        %swap3A_559 = tpu.vector_load %arg25[%swap3A_557, %swap3A_558] {strides = array<i32>} : memref<40x128xf32, #tpu.memory_space<vmem>>, vector<16xf32>,
        tpu.vector_store %arg25[%swap3A_557, %swap3A_558], %mul3A_556 {strides = array<i32>} : memref<40x128xf32, #tpu.memory_space<vmem>>, vector<16xf32>,
        %eq3A_560 = arith.constant 1 : i32
        %eq3A_561 = arith.cmpi eq, %rem3A_544, %eq3A_560 : i32
        %jit3A_562 = arith.constant 1.000000e+00 : f32
        %jit3A_563 = arith.constant 0.000000e+00 : f32
        %select_n3A_564 = arith.select %eq3A_561, %jit3A_562, %jit3A_563 : f32
        %mul3A_565 = vector.broadcast %select_n3A_564 : f32 to vector<16xf32>
        %mul3A_566 = arith.mulf %mul3A_565, %get3A_530 : vector<16xf32>
        %swap3A_567 = arith.index_cast %scan3A_298 : i32 to index
        %swap3A_568 = arith.constant 32 : index
        %swap3A_569 = tpu.vector_load %arg25[%swap3A_567, %swap3A_568] {strides = array<i32>} : memref<40x128xf32, #tpu.memory_space<vmem>>, vector<16xf32>,
        tpu.vector_store %arg25[%swap3A_567, %swap3A_568], %mul3A_566 {strides = array<i32>} : memref<40x128xf32, #tpu.memory_space<vmem>>, vector<16xf32>,
        %mul3A_570 = vector.broadcast %select_n3A_564 : f32 to vector<16xf32>
        %mul3A_571 = arith.mulf %mul3A_570, %add3A_518 : vector<16xf32>
        %swap3A_572 = arith.index_cast %scan3A_298 : i32 to index
        %swap3A_573 = arith.constant 48 : index
        %swap3A_574 = tpu.vector_load %arg25[%swap3A_572, %swap3A_573] {strides = array<i32>} : memref<40x128xf32, #tpu.memory_space<vmem>>, vector<16xf32>,
        tpu.vector_store %arg25[%swap3A_572, %swap3A_573], %mul3A_571 {strides = array<i32>} : memref<40x128xf32, #tpu.memory_space<vmem>>, vector<16xf32>,
        %eq3A_575 = arith.constant 2 : i32
        %eq3A_576 = arith.cmpi eq, %rem3A_544, %eq3A_575 : i32
        %jit3A_577 = arith.constant 1.000000e+00 : f32
        %jit3A_578 = arith.constant 0.000000e+00 : f32
        %select_n3A_579 = arith.select %eq3A_576, %jit3A_577, %jit3A_578 : f32
        %mul3A_580 = vector.broadcast %select_n3A_579 : f32 to vector<16xf32>
        %mul3A_581 = arith.mulf %mul3A_580, %get3A_530 : vector<16xf32>
        %swap3A_582 = arith.index_cast %scan3A_298 : i32 to index
        %swap3A_583 = arith.constant 64 : index
        %swap3A_584 = tpu.vector_load %arg25[%swap3A_582, %swap3A_583] {strides = array<i32>} : memref<40x128xf32, #tpu.memory_space<vmem>>, vector<16xf32>,
        tpu.vector_store %arg25[%swap3A_582, %swap3A_583], %mul3A_581 {strides = array<i32>} : memref<40x128xf32, #tpu.memory_space<vmem>>, vector<16xf32>,
        %mul3A_585 = vector.broadcast %select_n3A_579 : f32 to vector<16xf32>
        %mul3A_586 = arith.mulf %mul3A_585, %add3A_518 : vector<16xf32>
        %swap3A_587 = arith.index_cast %scan3A_298 : i32 to index
        %swap3A_588 = arith.constant 80 : index
        %swap3A_589 = tpu.vector_load %arg25[%swap3A_587, %swap3A_588] {strides = array<i32>} : memref<40x128xf32, #tpu.memory_space<vmem>>, vector<16xf32>,
        tpu.vector_store %arg25[%swap3A_587, %swap3A_588], %mul3A_586 {strides = array<i32>} : memref<40x128xf32, #tpu.memory_space<vmem>>, vector<16xf32>,
        %eq3A_590 = arith.constant 3 : i32
        %eq3A_591 = arith.cmpi eq, %rem3A_544, %eq3A_590 : i32
        %jit3A_592 = arith.constant 1.000000e+00 : f32
        %jit3A_593 = arith.constant 0.000000e+00 : f32
        %select_n3A_594 = arith.select %eq3A_591, %jit3A_592, %jit3A_593 : f32
        %mul3A_595 = vector.broadcast %select_n3A_594 : f32 to vector<16xf32>
        %mul3A_596 = arith.mulf %mul3A_595, %get3A_530 : vector<16xf32>
        %swap3A_597 = arith.index_cast %scan3A_298 : i32 to index
        %swap3A_598 = arith.constant 96 : index
        %swap3A_599 = tpu.vector_load %arg25[%swap3A_597, %swap3A_598] {strides = array<i32>} : memref<40x128xf32, #tpu.memory_space<vmem>>, vector<16xf32>,
        tpu.vector_store %arg25[%swap3A_597, %swap3A_598], %mul3A_596 {strides = array<i32>} : memref<40x128xf32, #tpu.memory_space<vmem>>, vector<16xf32>,
        %mul3A_600 = vector.broadcast %select_n3A_594 : f32 to vector<16xf32>
        %mul3A_601 = arith.mulf %mul3A_600, %add3A_518 : vector<16xf32>
        %swap3A_602 = arith.index_cast %scan3A_298 : i32 to index
        %swap3A_603 = arith.constant 112 : index
        %swap3A_604 = tpu.vector_load %arg25[%swap3A_602, %swap3A_603] {strides = array<i32>} : memref<40x128xf32, #tpu.memory_space<vmem>>, vector<16xf32>,
        tpu.vector_store %arg25[%swap3A_602, %swap3A_603], %mul3A_601 {strides = array<i32>} : memref<40x128xf32, #tpu.memory_space<vmem>>, vector<16xf32>,
        %scan3A_605 = arith.constant 1 : i32
        %scan3A_606 = arith.addi %scan3A_298, %scan3A_605 : i32
        %get3A_607 = arith.index_cast %scan3A_606 : i32 to index
        %get3A_608 = arith.constant 0 : index
        %get3A_609 = tpu.vector_load %arg21[%get3A_607, %get3A_608] {strides = array<i32>} : memref<40x128xf32, #tpu.memory_space<vmem>>, vector<16xf32>,
        %get3A_610 = arith.index_cast %scan3A_606 : i32 to index
        %get3A_611 = arith.constant 0 : index
        %get3A_612 = tpu.vector_load %arg23[%get3A_610, %get3A_611] {strides = array<i32>} : memref<40x128xf32, #tpu.memory_space<vmem>>, vector<16xf32>,
        %add3A_613 = arith.addf %get3A_609, %get3A_612 : vector<16xf32>
        %get3A_614 = arith.index_cast %scan3A_606 : i32 to index
        %get3A_615 = arith.constant 0 : index
        %get3A_616 = tpu.vector_load %arg25[%get3A_614, %get3A_615] {strides = array<i32>} : memref<40x128xf32, #tpu.memory_space<vmem>>, vector<16xf32>,
        %add3A_617 = arith.addf %add3A_613, %get3A_616 : vector<16xf32>
        %mul3A_618 = arith.constant 2.000000e-01 : f32
        %mul3A_619 = vector.broadcast %mul3A_618 : f32 to vector<16xf32>
        %mul3A_620 = arith.mulf %mul3A_619, %add3A_617 : vector<16xf32>
        %max3A_621 = arith.maximumf %add3A_617, %mul3A_620 : vector<16xf32>
        %get3A_622 = arith.constant 0 : index
        %get3A_623 = tpu.vector_load %arg27[%get3A_622] {strides = array<i32>} : memref<128xf32, #tpu.memory_space<vmem>>, vector<16xf32>,
        %mul3A_624 = arith.mulf %max3A_621, %get3A_623 : vector<16xf32>
        %get3A_625 = arith.index_cast %scan3A_606 : i32 to index
        %get3A_626 = arith.constant 16 : index
        %get3A_627 = tpu.vector_load %arg21[%get3A_625, %get3A_626] {strides = array<i32>} : memref<40x128xf32, #tpu.memory_space<vmem>>, vector<16xf32>,
        %get3A_628 = arith.index_cast %scan3A_606 : i32 to index
        %get3A_629 = arith.constant 16 : index
        %get3A_630 = tpu.vector_load %arg23[%get3A_628, %get3A_629] {strides = array<i32>} : memref<40x128xf32, #tpu.memory_space<vmem>>, vector<16xf32>,
        %add3A_631 = arith.addf %get3A_627, %get3A_630 : vector<16xf32>
        %get3A_632 = arith.index_cast %scan3A_606 : i32 to index
        %get3A_633 = arith.constant 16 : index
        %get3A_634 = tpu.vector_load %arg25[%get3A_632, %get3A_633] {strides = array<i32>} : memref<40x128xf32, #tpu.memory_space<vmem>>, vector<16xf32>,
        %add3A_635 = arith.addf %add3A_631, %get3A_634 : vector<16xf32>
        %mul3A_636 = arith.constant 2.000000e-01 : f32
        %mul3A_637 = vector.broadcast %mul3A_636 : f32 to vector<16xf32>
        %mul3A_638 = arith.mulf %mul3A_637, %add3A_635 : vector<16xf32>
        %max3A_639 = arith.maximumf %add3A_635, %mul3A_638 : vector<16xf32>
        %get3A_640 = arith.constant 16 : index
        %get3A_641 = tpu.vector_load %arg27[%get3A_640] {strides = array<i32>} : memref<128xf32, #tpu.memory_space<vmem>>, vector<16xf32>,
        %mul3A_642 = arith.mulf %max3A_639, %get3A_641 : vector<16xf32>
        %add3A_643 = arith.addf %mul3A_624, %mul3A_642 : vector<16xf32>
        %reduce_sum3A_644 = arith.constant true
        %reduce_sum3A_645 = vector.broadcast %reduce_sum3A_644 : i1 to vector<16xi1>
        %reduce_sum3A_646 = tpu.scan <sum>, %add3A_643 masked %reduce_sum3A_645 : vector<16xf32>, vector<16xi1> -> vector<16xf32>
        %reduce_sum3A_647 = vector.extract %reduce_sum3A_646[15] : f32 from vector<16xf32>
        %broadcast_in_dim3A_648 = vector.broadcast %reduce_sum3A_647 : f32 to vector<16xf32>
        %exp3A_649 = math.exp %broadcast_in_dim3A_648 : vector<16xf32>
        %eq3A_650 = arith.constant 0 : i32
        %eq3A_651 = vector.broadcast %eq3A_650 : i32 to vector<16xi32>
        %eq3A_652 = arith.cmpi eq, %iota3A, %eq3A_651 : vector<16xi32>
        %jit3A_653 = arith.constant 0.000000e+00 : f32
        %broadcast_in_dim3A_654 = vector.broadcast %jit3A_653 : f32 to vector<16xf32>
        %select_n3A_655 = arith.select %eq3A_652, %exp3A_649, %broadcast_in_dim3A_654 : vector<16xi1>, vector<16xf32>
        %add3A_656 = arith.addf %select_n3A, %select_n3A_655 : vector<16xf32>
        %mul3A_657 = arith.mulf %exp3A_649, %get3A_609 : vector<16xf32>
        %swap3A_658 = arith.index_cast %scan3A_606 : i32 to index
        %swap3A_659 = arith.constant 0 : index
        %swap3A_660 = tpu.vector_load %arg21[%swap3A_658, %swap3A_659] {strides = array<i32>} : memref<40x128xf32, #tpu.memory_space<vmem>>, vector<16xf32>,
        tpu.vector_store %arg21[%swap3A_658, %swap3A_659], %mul3A_657 {strides = array<i32>} : memref<40x128xf32, #tpu.memory_space<vmem>>, vector<16xf32>,
        %mul3A_661 = arith.mulf %exp3A_649, %get3A_627 : vector<16xf32>
        %swap3A_662 = arith.index_cast %scan3A_606 : i32 to index
        %swap3A_663 = arith.constant 16 : index
        %swap3A_664 = tpu.vector_load %arg21[%swap3A_662, %swap3A_663] {strides = array<i32>} : memref<40x128xf32, #tpu.memory_space<vmem>>, vector<16xf32>,
        tpu.vector_store %arg21[%swap3A_662, %swap3A_663], %mul3A_661 {strides = array<i32>} : memref<40x128xf32, #tpu.memory_space<vmem>>, vector<16xf32>,
        %get3A_665 = arith.index_cast %scan3A_606 : i32 to index
        %get3A_666 = arith.constant 32 : index
        %get3A_667 = tpu.vector_load %arg21[%get3A_665, %get3A_666] {strides = array<i32>} : memref<40x128xf32, #tpu.memory_space<vmem>>, vector<16xf32>,
        %get3A_668 = arith.index_cast %scan3A_606 : i32 to index
        %get3A_669 = arith.constant 32 : index
        %get3A_670 = tpu.vector_load %arg23[%get3A_668, %get3A_669] {strides = array<i32>} : memref<40x128xf32, #tpu.memory_space<vmem>>, vector<16xf32>,
        %add3A_671 = arith.addf %get3A_667, %get3A_670 : vector<16xf32>
        %get3A_672 = arith.index_cast %scan3A_606 : i32 to index
        %get3A_673 = arith.constant 32 : index
        %get3A_674 = tpu.vector_load %arg25[%get3A_672, %get3A_673] {strides = array<i32>} : memref<40x128xf32, #tpu.memory_space<vmem>>, vector<16xf32>,
        %add3A_675 = arith.addf %add3A_671, %get3A_674 : vector<16xf32>
        %mul3A_676 = arith.constant 2.000000e-01 : f32
        %mul3A_677 = vector.broadcast %mul3A_676 : f32 to vector<16xf32>
        %mul3A_678 = arith.mulf %mul3A_677, %add3A_675 : vector<16xf32>
        %max3A_679 = arith.maximumf %add3A_675, %mul3A_678 : vector<16xf32>
        %get3A_680 = arith.constant 32 : index
        %get3A_681 = tpu.vector_load %arg27[%get3A_680] {strides = array<i32>} : memref<128xf32, #tpu.memory_space<vmem>>, vector<16xf32>,
        %mul3A_682 = arith.mulf %max3A_679, %get3A_681 : vector<16xf32>
        %get3A_683 = arith.index_cast %scan3A_606 : i32 to index
        %get3A_684 = arith.constant 48 : index
        %get3A_685 = tpu.vector_load %arg21[%get3A_683, %get3A_684] {strides = array<i32>} : memref<40x128xf32, #tpu.memory_space<vmem>>, vector<16xf32>,
        %get3A_686 = arith.index_cast %scan3A_606 : i32 to index
        %get3A_687 = arith.constant 48 : index
        %get3A_688 = tpu.vector_load %arg23[%get3A_686, %get3A_687] {strides = array<i32>} : memref<40x128xf32, #tpu.memory_space<vmem>>, vector<16xf32>,
        %add3A_689 = arith.addf %get3A_685, %get3A_688 : vector<16xf32>
        %get3A_690 = arith.index_cast %scan3A_606 : i32 to index
        %get3A_691 = arith.constant 48 : index
        %get3A_692 = tpu.vector_load %arg25[%get3A_690, %get3A_691] {strides = array<i32>} : memref<40x128xf32, #tpu.memory_space<vmem>>, vector<16xf32>,
        %add3A_693 = arith.addf %add3A_689, %get3A_692 : vector<16xf32>
        %mul3A_694 = arith.constant 2.000000e-01 : f32
        %mul3A_695 = vector.broadcast %mul3A_694 : f32 to vector<16xf32>
        %mul3A_696 = arith.mulf %mul3A_695, %add3A_693 : vector<16xf32>
        %max3A_697 = arith.maximumf %add3A_693, %mul3A_696 : vector<16xf32>
        %get3A_698 = arith.constant 48 : index
        %get3A_699 = tpu.vector_load %arg27[%get3A_698] {strides = array<i32>} : memref<128xf32, #tpu.memory_space<vmem>>, vector<16xf32>,
        %mul3A_700 = arith.mulf %max3A_697, %get3A_699 : vector<16xf32>
        %add3A_701 = arith.addf %mul3A_682, %mul3A_700 : vector<16xf32>
        %reduce_sum3A_702 = arith.constant true
        %reduce_sum3A_703 = vector.broadcast %reduce_sum3A_702 : i1 to vector<16xi1>
        %reduce_sum3A_704 = tpu.scan <sum>, %add3A_701 masked %reduce_sum3A_703 : vector<16xf32>, vector<16xi1> -> vector<16xf32>
        %reduce_sum3A_705 = vector.extract %reduce_sum3A_704[15] : f32 from vector<16xf32>
        %broadcast_in_dim3A_706 = vector.broadcast %reduce_sum3A_705 : f32 to vector<16xf32>
        %exp3A_707 = math.exp %broadcast_in_dim3A_706 : vector<16xf32>
        %eq3A_708 = arith.constant 1 : i32
        %eq3A_709 = vector.broadcast %eq3A_708 : i32 to vector<16xi32>
        %eq3A_710 = arith.cmpi eq, %iota3A, %eq3A_709 : vector<16xi32>
        %jit3A_711 = arith.constant 0.000000e+00 : f32
        %broadcast_in_dim3A_712 = vector.broadcast %jit3A_711 : f32 to vector<16xf32>
        %select_n3A_713 = arith.select %eq3A_710, %exp3A_707, %broadcast_in_dim3A_712 : vector<16xi1>, vector<16xf32>
        %add3A_714 = arith.addf %add3A_656, %select_n3A_713 : vector<16xf32>
        %mul3A_715 = arith.mulf %exp3A_707, %get3A_667 : vector<16xf32>
        %swap3A_716 = arith.index_cast %scan3A_606 : i32 to index
        %swap3A_717 = arith.constant 32 : index
        %swap3A_718 = tpu.vector_load %arg21[%swap3A_716, %swap3A_717] {strides = array<i32>} : memref<40x128xf32, #tpu.memory_space<vmem>>, vector<16xf32>,
        tpu.vector_store %arg21[%swap3A_716, %swap3A_717], %mul3A_715 {strides = array<i32>} : memref<40x128xf32, #tpu.memory_space<vmem>>, vector<16xf32>,
        %mul3A_719 = arith.mulf %exp3A_707, %get3A_685 : vector<16xf32>
        %swap3A_720 = arith.index_cast %scan3A_606 : i32 to index
        %swap3A_721 = arith.constant 48 : index
        %swap3A_722 = tpu.vector_load %arg21[%swap3A_720, %swap3A_721] {strides = array<i32>} : memref<40x128xf32, #tpu.memory_space<vmem>>, vector<16xf32>,
        tpu.vector_store %arg21[%swap3A_720, %swap3A_721], %mul3A_719 {strides = array<i32>} : memref<40x128xf32, #tpu.memory_space<vmem>>, vector<16xf32>,
        %get3A_723 = arith.index_cast %scan3A_606 : i32 to index
        %get3A_724 = arith.constant 64 : index
        %get3A_725 = tpu.vector_load %arg21[%get3A_723, %get3A_724] {strides = array<i32>} : memref<40x128xf32, #tpu.memory_space<vmem>>, vector<16xf32>,
        %get3A_726 = arith.index_cast %scan3A_606 : i32 to index
        %get3A_727 = arith.constant 64 : index
        %get3A_728 = tpu.vector_load %arg23[%get3A_726, %get3A_727] {strides = array<i32>} : memref<40x128xf32, #tpu.memory_space<vmem>>, vector<16xf32>,
        %add3A_729 = arith.addf %get3A_725, %get3A_728 : vector<16xf32>
        %get3A_730 = arith.index_cast %scan3A_606 : i32 to index
        %get3A_731 = arith.constant 64 : index
        %get3A_732 = tpu.vector_load %arg25[%get3A_730, %get3A_731] {strides = array<i32>} : memref<40x128xf32, #tpu.memory_space<vmem>>, vector<16xf32>,
        %add3A_733 = arith.addf %add3A_729, %get3A_732 : vector<16xf32>
        %mul3A_734 = arith.constant 2.000000e-01 : f32
        %mul3A_735 = vector.broadcast %mul3A_734 : f32 to vector<16xf32>
        %mul3A_736 = arith.mulf %mul3A_735, %add3A_733 : vector<16xf32>
        %max3A_737 = arith.maximumf %add3A_733, %mul3A_736 : vector<16xf32>
        %get3A_738 = arith.constant 64 : index
        %get3A_739 = tpu.vector_load %arg27[%get3A_738] {strides = array<i32>} : memref<128xf32, #tpu.memory_space<vmem>>, vector<16xf32>,
        %mul3A_740 = arith.mulf %max3A_737, %get3A_739 : vector<16xf32>
        %get3A_741 = arith.index_cast %scan3A_606 : i32 to index
        %get3A_742 = arith.constant 80 : index
        %get3A_743 = tpu.vector_load %arg21[%get3A_741, %get3A_742] {strides = array<i32>} : memref<40x128xf32, #tpu.memory_space<vmem>>, vector<16xf32>,
        %get3A_744 = arith.index_cast %scan3A_606 : i32 to index
        %get3A_745 = arith.constant 80 : index
        %get3A_746 = tpu.vector_load %arg23[%get3A_744, %get3A_745] {strides = array<i32>} : memref<40x128xf32, #tpu.memory_space<vmem>>, vector<16xf32>,
        %add3A_747 = arith.addf %get3A_743, %get3A_746 : vector<16xf32>
        %get3A_748 = arith.index_cast %scan3A_606 : i32 to index
        %get3A_749 = arith.constant 80 : index
        %get3A_750 = tpu.vector_load %arg25[%get3A_748, %get3A_749] {strides = array<i32>} : memref<40x128xf32, #tpu.memory_space<vmem>>, vector<16xf32>,
        %add3A_751 = arith.addf %add3A_747, %get3A_750 : vector<16xf32>
        %mul3A_752 = arith.constant 2.000000e-01 : f32
        %mul3A_753 = vector.broadcast %mul3A_752 : f32 to vector<16xf32>
        %mul3A_754 = arith.mulf %mul3A_753, %add3A_751 : vector<16xf32>
        %max3A_755 = arith.maximumf %add3A_751, %mul3A_754 : vector<16xf32>
        %get3A_756 = arith.constant 80 : index
        %get3A_757 = tpu.vector_load %arg27[%get3A_756] {strides = array<i32>} : memref<128xf32, #tpu.memory_space<vmem>>, vector<16xf32>,
        %mul3A_758 = arith.mulf %max3A_755, %get3A_757 : vector<16xf32>
        %add3A_759 = arith.addf %mul3A_740, %mul3A_758 : vector<16xf32>
        %reduce_sum3A_760 = arith.constant true
        %reduce_sum3A_761 = vector.broadcast %reduce_sum3A_760 : i1 to vector<16xi1>
        %reduce_sum3A_762 = tpu.scan <sum>, %add3A_759 masked %reduce_sum3A_761 : vector<16xf32>, vector<16xi1> -> vector<16xf32>
        %reduce_sum3A_763 = vector.extract %reduce_sum3A_762[15] : f32 from vector<16xf32>
        %broadcast_in_dim3A_764 = vector.broadcast %reduce_sum3A_763 : f32 to vector<16xf32>
        %exp3A_765 = math.exp %broadcast_in_dim3A_764 : vector<16xf32>
        %eq3A_766 = arith.constant 2 : i32
        %eq3A_767 = vector.broadcast %eq3A_766 : i32 to vector<16xi32>
        %eq3A_768 = arith.cmpi eq, %iota3A, %eq3A_767 : vector<16xi32>
        %jit3A_769 = arith.constant 0.000000e+00 : f32
        %broadcast_in_dim3A_770 = vector.broadcast %jit3A_769 : f32 to vector<16xf32>
        %select_n3A_771 = arith.select %eq3A_768, %exp3A_765, %broadcast_in_dim3A_770 : vector<16xi1>, vector<16xf32>
        %add3A_772 = arith.addf %add3A_714, %select_n3A_771 : vector<16xf32>
        %mul3A_773 = arith.mulf %exp3A_765, %get3A_725 : vector<16xf32>
        %swap3A_774 = arith.index_cast %scan3A_606 : i32 to index
        %swap3A_775 = arith.constant 64 : index
        %swap3A_776 = tpu.vector_load %arg21[%swap3A_774, %swap3A_775] {strides = array<i32>} : memref<40x128xf32, #tpu.memory_space<vmem>>, vector<16xf32>,
        tpu.vector_store %arg21[%swap3A_774, %swap3A_775], %mul3A_773 {strides = array<i32>} : memref<40x128xf32, #tpu.memory_space<vmem>>, vector<16xf32>,
        %mul3A_777 = arith.mulf %exp3A_765, %get3A_743 : vector<16xf32>
        %swap3A_778 = arith.index_cast %scan3A_606 : i32 to index
        %swap3A_779 = arith.constant 80 : index
        %swap3A_780 = tpu.vector_load %arg21[%swap3A_778, %swap3A_779] {strides = array<i32>} : memref<40x128xf32, #tpu.memory_space<vmem>>, vector<16xf32>,
        tpu.vector_store %arg21[%swap3A_778, %swap3A_779], %mul3A_777 {strides = array<i32>} : memref<40x128xf32, #tpu.memory_space<vmem>>, vector<16xf32>,
        %get3A_781 = arith.index_cast %scan3A_606 : i32 to index
        %get3A_782 = arith.constant 96 : index
        %get3A_783 = tpu.vector_load %arg21[%get3A_781, %get3A_782] {strides = array<i32>} : memref<40x128xf32, #tpu.memory_space<vmem>>, vector<16xf32>,
        %get3A_784 = arith.index_cast %scan3A_606 : i32 to index
        %get3A_785 = arith.constant 96 : index
        %get3A_786 = tpu.vector_load %arg23[%get3A_784, %get3A_785] {strides = array<i32>} : memref<40x128xf32, #tpu.memory_space<vmem>>, vector<16xf32>,
        %add3A_787 = arith.addf %get3A_783, %get3A_786 : vector<16xf32>
        %get3A_788 = arith.index_cast %scan3A_606 : i32 to index
        %get3A_789 = arith.constant 96 : index
        %get3A_790 = tpu.vector_load %arg25[%get3A_788, %get3A_789] {strides = array<i32>} : memref<40x128xf32, #tpu.memory_space<vmem>>, vector<16xf32>,
        %add3A_791 = arith.addf %add3A_787, %get3A_790 : vector<16xf32>
        %mul3A_792 = arith.constant 2.000000e-01 : f32
        %mul3A_793 = vector.broadcast %mul3A_792 : f32 to vector<16xf32>
        %mul3A_794 = arith.mulf %mul3A_793, %add3A_791 : vector<16xf32>
        %max3A_795 = arith.maximumf %add3A_791, %mul3A_794 : vector<16xf32>
        %get3A_796 = arith.constant 96 : index
        %get3A_797 = tpu.vector_load %arg27[%get3A_796] {strides = array<i32>} : memref<128xf32, #tpu.memory_space<vmem>>, vector<16xf32>,
        %mul3A_798 = arith.mulf %max3A_795, %get3A_797 : vector<16xf32>
        %get3A_799 = arith.index_cast %scan3A_606 : i32 to index
        %get3A_800 = arith.constant 112 : index
        %get3A_801 = tpu.vector_load %arg21[%get3A_799, %get3A_800] {strides = array<i32>} : memref<40x128xf32, #tpu.memory_space<vmem>>, vector<16xf32>,
        %get3A_802 = arith.index_cast %scan3A_606 : i32 to index
        %get3A_803 = arith.constant 112 : index
        %get3A_804 = tpu.vector_load %arg23[%get3A_802, %get3A_803] {strides = array<i32>} : memref<40x128xf32, #tpu.memory_space<vmem>>, vector<16xf32>,
        %add3A_805 = arith.addf %get3A_801, %get3A_804 : vector<16xf32>
        %get3A_806 = arith.index_cast %scan3A_606 : i32 to index
        %get3A_807 = arith.constant 112 : index
        %get3A_808 = tpu.vector_load %arg25[%get3A_806, %get3A_807] {strides = array<i32>} : memref<40x128xf32, #tpu.memory_space<vmem>>, vector<16xf32>,
        %add3A_809 = arith.addf %add3A_805, %get3A_808 : vector<16xf32>
        %mul3A_810 = arith.constant 2.000000e-01 : f32
        %mul3A_811 = vector.broadcast %mul3A_810 : f32 to vector<16xf32>
        %mul3A_812 = arith.mulf %mul3A_811, %add3A_809 : vector<16xf32>
        %max3A_813 = arith.maximumf %add3A_809, %mul3A_812 : vector<16xf32>
        %get3A_814 = arith.constant 112 : index
        %get3A_815 = tpu.vector_load %arg27[%get3A_814] {strides = array<i32>} : memref<128xf32, #tpu.memory_space<vmem>>, vector<16xf32>,
        %mul3A_816 = arith.mulf %max3A_813, %get3A_815 : vector<16xf32>
        %add3A_817 = arith.addf %mul3A_798, %mul3A_816 : vector<16xf32>
        %reduce_sum3A_818 = arith.constant true
        %reduce_sum3A_819 = vector.broadcast %reduce_sum3A_818 : i1 to vector<16xi1>
        %reduce_sum3A_820 = tpu.scan <sum>, %add3A_817 masked %reduce_sum3A_819 : vector<16xf32>, vector<16xi1> -> vector<16xf32>
        %reduce_sum3A_821 = vector.extract %reduce_sum3A_820[15] : f32 from vector<16xf32>
        %broadcast_in_dim3A_822 = vector.broadcast %reduce_sum3A_821 : f32 to vector<16xf32>
        %exp3A_823 = math.exp %broadcast_in_dim3A_822 : vector<16xf32>
        %eq3A_824 = arith.constant 3 : i32
        %eq3A_825 = vector.broadcast %eq3A_824 : i32 to vector<16xi32>
        %eq3A_826 = arith.cmpi eq, %iota3A, %eq3A_825 : vector<16xi32>
        %jit3A_827 = arith.constant 0.000000e+00 : f32
        %broadcast_in_dim3A_828 = vector.broadcast %jit3A_827 : f32 to vector<16xf32>
        %select_n3A_829 = arith.select %eq3A_826, %exp3A_823, %broadcast_in_dim3A_828 : vector<16xi1>, vector<16xf32>
        %add3A_830 = arith.addf %add3A_772, %select_n3A_829 : vector<16xf32>
        %mul3A_831 = arith.mulf %exp3A_823, %get3A_783 : vector<16xf32>
        %swap3A_832 = arith.index_cast %scan3A_606 : i32 to index
        %swap3A_833 = arith.constant 96 : index
        %swap3A_834 = tpu.vector_load %arg21[%swap3A_832, %swap3A_833] {strides = array<i32>} : memref<40x128xf32, #tpu.memory_space<vmem>>, vector<16xf32>,
        tpu.vector_store %arg21[%swap3A_832, %swap3A_833], %mul3A_831 {strides = array<i32>} : memref<40x128xf32, #tpu.memory_space<vmem>>, vector<16xf32>,
        %mul3A_835 = arith.mulf %exp3A_823, %get3A_801 : vector<16xf32>
        %swap3A_836 = arith.index_cast %scan3A_606 : i32 to index
        %swap3A_837 = arith.constant 112 : index
        %swap3A_838 = tpu.vector_load %arg21[%swap3A_836, %swap3A_837] {strides = array<i32>} : memref<40x128xf32, #tpu.memory_space<vmem>>, vector<16xf32>,
        tpu.vector_store %arg21[%swap3A_836, %swap3A_837], %mul3A_835 {strides = array<i32>} : memref<40x128xf32, #tpu.memory_space<vmem>>, vector<16xf32>,
        %mul3A_839 = arith.constant 16 : i32
        %mul3A_840 = arith.muli %scan3A_606, %mul3A_839 : i32
        %get3A_841 = arith.index_cast %mul3A_840 : i32 to index
        %get3A_842 = tpu.vector_load %arg26[%get3A_841] {strides = array<i32>} : memref<640xf32, #tpu.memory_space<vmem>>, vector<16xf32>,
        %min3A_843 = arith.constant 24 : i32
        %min3A_844 = arith.minsi %scan3A_606, %min3A_843 : i32
        %get3A_845 = arith.index_cast %min3A_844 : i32 to index
        %get3A_846 = tpu.vector_load %arg18[%get3A_845] {strides = array<i32>} : memref<40xi32, #tpu.memory_space<vmem>>, vector<16xi32>,
        %sub3A_847 = arith.subi %scan3A_606, %min3A_844 : i32
        %eq3A_848 = vector.broadcast %sub3A_847 : i32 to vector<16xi32>
        %eq3A_849 = arith.cmpi eq, %iota3A, %eq3A_848 : vector<16xi32>
        %jit3A_850 = arith.constant 0 : i32
        %broadcast_in_dim3A_851 = vector.broadcast %jit3A_850 : i32 to vector<16xi32>
        %select_n3A_852 = arith.select %eq3A_849, %get3A_846, %broadcast_in_dim3A_851 : vector<16xi1>, vector<16xi32>
        %reduce_sum3A_853 = arith.constant true
        %reduce_sum3A_854 = vector.broadcast %reduce_sum3A_853 : i1 to vector<16xi1>
        %reduce_sum3A_855 = tpu.scan <sum>, %select_n3A_852 masked %reduce_sum3A_854 : vector<16xi32>, vector<16xi1> -> vector<16xi32>
        %reduce_sum3A_856 = vector.extract %reduce_sum3A_855[15] : i32 from vector<16xi32>
        %rem3A_857 = arith.constant 4 : i32
        %rem3A_858 = arith.remsi %reduce_sum3A_856, %rem3A_857 : i32
        %eq3A_859 = arith.constant 0 : i32
        %eq3A_860 = arith.cmpi eq, %rem3A_858, %eq3A_859 : i32
        %jit3A_861 = arith.constant 1.000000e+00 : f32
        %jit3A_862 = arith.constant 0.000000e+00 : f32
        %select_n3A_863 = arith.select %eq3A_860, %jit3A_861, %jit3A_862 : f32
        %mul3A_864 = vector.broadcast %select_n3A_863 : f32 to vector<16xf32>
        %mul3A_865 = arith.mulf %mul3A_864, %get3A_842 : vector<16xf32>
        %swap3A_866 = arith.index_cast %scan3A_606 : i32 to index
        %swap3A_867 = arith.constant 0 : index
        %swap3A_868 = tpu.vector_load %arg25[%swap3A_866, %swap3A_867] {strides = array<i32>} : memref<40x128xf32, #tpu.memory_space<vmem>>, vector<16xf32>,
        tpu.vector_store %arg25[%swap3A_866, %swap3A_867], %mul3A_865 {strides = array<i32>} : memref<40x128xf32, #tpu.memory_space<vmem>>, vector<16xf32>,
        %mul3A_869 = vector.broadcast %select_n3A_863 : f32 to vector<16xf32>
        %mul3A_870 = arith.mulf %mul3A_869, %add3A_830 : vector<16xf32>
        %swap3A_871 = arith.index_cast %scan3A_606 : i32 to index
        %swap3A_872 = arith.constant 16 : index
        %swap3A_873 = tpu.vector_load %arg25[%swap3A_871, %swap3A_872] {strides = array<i32>} : memref<40x128xf32, #tpu.memory_space<vmem>>, vector<16xf32>,
        tpu.vector_store %arg25[%swap3A_871, %swap3A_872], %mul3A_870 {strides = array<i32>} : memref<40x128xf32, #tpu.memory_space<vmem>>, vector<16xf32>,
        %eq3A_874 = arith.constant 1 : i32
        %eq3A_875 = arith.cmpi eq, %rem3A_858, %eq3A_874 : i32
        %jit3A_876 = arith.constant 1.000000e+00 : f32
        %jit3A_877 = arith.constant 0.000000e+00 : f32
        %select_n3A_878 = arith.select %eq3A_875, %jit3A_876, %jit3A_877 : f32
        %mul3A_879 = vector.broadcast %select_n3A_878 : f32 to vector<16xf32>
        %mul3A_880 = arith.mulf %mul3A_879, %get3A_842 : vector<16xf32>
        %swap3A_881 = arith.index_cast %scan3A_606 : i32 to index
        %swap3A_882 = arith.constant 32 : index
        %swap3A_883 = tpu.vector_load %arg25[%swap3A_881, %swap3A_882] {strides = array<i32>} : memref<40x128xf32, #tpu.memory_space<vmem>>, vector<16xf32>,
        tpu.vector_store %arg25[%swap3A_881, %swap3A_882], %mul3A_880 {strides = array<i32>} : memref<40x128xf32, #tpu.memory_space<vmem>>, vector<16xf32>,
        %mul3A_884 = vector.broadcast %select_n3A_878 : f32 to vector<16xf32>
        %mul3A_885 = arith.mulf %mul3A_884, %add3A_830 : vector<16xf32>
        %swap3A_886 = arith.index_cast %scan3A_606 : i32 to index
        %swap3A_887 = arith.constant 48 : index
        %swap3A_888 = tpu.vector_load %arg25[%swap3A_886, %swap3A_887] {strides = array<i32>} : memref<40x128xf32, #tpu.memory_space<vmem>>, vector<16xf32>,
        tpu.vector_store %arg25[%swap3A_886, %swap3A_887], %mul3A_885 {strides = array<i32>} : memref<40x128xf32, #tpu.memory_space<vmem>>, vector<16xf32>,
        %eq3A_889 = arith.constant 2 : i32
        %eq3A_890 = arith.cmpi eq, %rem3A_858, %eq3A_889 : i32
        %jit3A_891 = arith.constant 1.000000e+00 : f32
        %jit3A_892 = arith.constant 0.000000e+00 : f32
        %select_n3A_893 = arith.select %eq3A_890, %jit3A_891, %jit3A_892 : f32
        %mul3A_894 = vector.broadcast %select_n3A_893 : f32 to vector<16xf32>
        %mul3A_895 = arith.mulf %mul3A_894, %get3A_842 : vector<16xf32>
        %swap3A_896 = arith.index_cast %scan3A_606 : i32 to index
        %swap3A_897 = arith.constant 64 : index
        %swap3A_898 = tpu.vector_load %arg25[%swap3A_896, %swap3A_897] {strides = array<i32>} : memref<40x128xf32, #tpu.memory_space<vmem>>, vector<16xf32>,
        tpu.vector_store %arg25[%swap3A_896, %swap3A_897], %mul3A_895 {strides = array<i32>} : memref<40x128xf32, #tpu.memory_space<vmem>>, vector<16xf32>,
        %mul3A_899 = vector.broadcast %select_n3A_893 : f32 to vector<16xf32>
        %mul3A_900 = arith.mulf %mul3A_899, %add3A_830 : vector<16xf32>
        %swap3A_901 = arith.index_cast %scan3A_606 : i32 to index
        %swap3A_902 = arith.constant 80 : index
        %swap3A_903 = tpu.vector_load %arg25[%swap3A_901, %swap3A_902] {strides = array<i32>} : memref<40x128xf32, #tpu.memory_space<vmem>>, vector<16xf32>,
        tpu.vector_store %arg25[%swap3A_901, %swap3A_902], %mul3A_900 {strides = array<i32>} : memref<40x128xf32, #tpu.memory_space<vmem>>, vector<16xf32>,
        %eq3A_904 = arith.constant 3 : i32
        %eq3A_905 = arith.cmpi eq, %rem3A_858, %eq3A_904 : i32
        %jit3A_906 = arith.constant 1.000000e+00 : f32
        %jit3A_907 = arith.constant 0.000000e+00 : f32
        %select_n3A_908 = arith.select %eq3A_905, %jit3A_906, %jit3A_907 : f32
        %mul3A_909 = vector.broadcast %select_n3A_908 : f32 to vector<16xf32>
        %mul3A_910 = arith.mulf %mul3A_909, %get3A_842 : vector<16xf32>
        %swap3A_911 = arith.index_cast %scan3A_606 : i32 to index
        %swap3A_912 = arith.constant 96 : index
        %swap3A_913 = tpu.vector_load %arg25[%swap3A_911, %swap3A_912] {strides = array<i32>} : memref<40x128xf32, #tpu.memory_space<vmem>>, vector<16xf32>,
        tpu.vector_store %arg25[%swap3A_911, %swap3A_912], %mul3A_910 {strides = array<i32>} : memref<40x128xf32, #tpu.memory_space<vmem>>, vector<16xf32>,
        %mul3A_914 = vector.broadcast %select_n3A_908 : f32 to vector<16xf32>
        %mul3A_915 = arith.mulf %mul3A_914, %add3A_830 : vector<16xf32>
        %swap3A_916 = arith.index_cast %scan3A_606 : i32 to index
        %swap3A_917 = arith.constant 112 : index
        %swap3A_918 = tpu.vector_load %arg25[%swap3A_916, %swap3A_917] {strides = array<i32>} : memref<40x128xf32, #tpu.memory_space<vmem>>, vector<16xf32>,
        tpu.vector_store %arg25[%swap3A_916, %swap3A_917], %mul3A_915 {strides = array<i32>} : memref<40x128xf32, #tpu.memory_space<vmem>>, vector<16xf32>,
        %scan3A_919 = arith.constant 2 : i32
        %scan3A_920 = arith.addi %scan3A_298, %scan3A_919 : i32
        %get3A_921 = arith.index_cast %scan3A_920 : i32 to index
        %get3A_922 = arith.constant 0 : index
        %get3A_923 = tpu.vector_load %arg21[%get3A_921, %get3A_922] {strides = array<i32>} : memref<40x128xf32, #tpu.memory_space<vmem>>, vector<16xf32>,
        %get3A_924 = arith.index_cast %scan3A_920 : i32 to index
        %get3A_925 = arith.constant 0 : index
        %get3A_926 = tpu.vector_load %arg23[%get3A_924, %get3A_925] {strides = array<i32>} : memref<40x128xf32, #tpu.memory_space<vmem>>, vector<16xf32>,
        %add3A_927 = arith.addf %get3A_923, %get3A_926 : vector<16xf32>
        %get3A_928 = arith.index_cast %scan3A_920 : i32 to index
        %get3A_929 = arith.constant 0 : index
        %get3A_930 = tpu.vector_load %arg25[%get3A_928, %get3A_929] {strides = array<i32>} : memref<40x128xf32, #tpu.memory_space<vmem>>, vector<16xf32>,
        %add3A_931 = arith.addf %add3A_927, %get3A_930 : vector<16xf32>
        %mul3A_932 = arith.constant 2.000000e-01 : f32
        %mul3A_933 = vector.broadcast %mul3A_932 : f32 to vector<16xf32>
        %mul3A_934 = arith.mulf %mul3A_933, %add3A_931 : vector<16xf32>
        %max3A_935 = arith.maximumf %add3A_931, %mul3A_934 : vector<16xf32>
        %get3A_936 = arith.constant 0 : index
        %get3A_937 = tpu.vector_load %arg27[%get3A_936] {strides = array<i32>} : memref<128xf32, #tpu.memory_space<vmem>>, vector<16xf32>,
        %mul3A_938 = arith.mulf %max3A_935, %get3A_937 : vector<16xf32>
        %get3A_939 = arith.index_cast %scan3A_920 : i32 to index
        %get3A_940 = arith.constant 16 : index
        %get3A_941 = tpu.vector_load %arg21[%get3A_939, %get3A_940] {strides = array<i32>} : memref<40x128xf32, #tpu.memory_space<vmem>>, vector<16xf32>,
        %get3A_942 = arith.index_cast %scan3A_920 : i32 to index
        %get3A_943 = arith.constant 16 : index
        %get3A_944 = tpu.vector_load %arg23[%get3A_942, %get3A_943] {strides = array<i32>} : memref<40x128xf32, #tpu.memory_space<vmem>>, vector<16xf32>,
        %add3A_945 = arith.addf %get3A_941, %get3A_944 : vector<16xf32>
        %get3A_946 = arith.index_cast %scan3A_920 : i32 to index
        %get3A_947 = arith.constant 16 : index
        %get3A_948 = tpu.vector_load %arg25[%get3A_946, %get3A_947] {strides = array<i32>} : memref<40x128xf32, #tpu.memory_space<vmem>>, vector<16xf32>,
        %add3A_949 = arith.addf %add3A_945, %get3A_948 : vector<16xf32>
        %mul3A_950 = arith.constant 2.000000e-01 : f32
        %mul3A_951 = vector.broadcast %mul3A_950 : f32 to vector<16xf32>
        %mul3A_952 = arith.mulf %mul3A_951, %add3A_949 : vector<16xf32>
        %max3A_953 = arith.maximumf %add3A_949, %mul3A_952 : vector<16xf32>
        %get3A_954 = arith.constant 16 : index
        %get3A_955 = tpu.vector_load %arg27[%get3A_954] {strides = array<i32>} : memref<128xf32, #tpu.memory_space<vmem>>, vector<16xf32>,
        %mul3A_956 = arith.mulf %max3A_953, %get3A_955 : vector<16xf32>
        %add3A_957 = arith.addf %mul3A_938, %mul3A_956 : vector<16xf32>
        %reduce_sum3A_958 = arith.constant true
        %reduce_sum3A_959 = vector.broadcast %reduce_sum3A_958 : i1 to vector<16xi1>
        %reduce_sum3A_960 = tpu.scan <sum>, %add3A_957 masked %reduce_sum3A_959 : vector<16xf32>, vector<16xi1> -> vector<16xf32>
        %reduce_sum3A_961 = vector.extract %reduce_sum3A_960[15] : f32 from vector<16xf32>
        %broadcast_in_dim3A_962 = vector.broadcast %reduce_sum3A_961 : f32 to vector<16xf32>
        %exp3A_963 = math.exp %broadcast_in_dim3A_962 : vector<16xf32>
        %eq3A_964 = arith.constant 0 : i32
        %eq3A_965 = vector.broadcast %eq3A_964 : i32 to vector<16xi32>
        %eq3A_966 = arith.cmpi eq, %iota3A, %eq3A_965 : vector<16xi32>
        %jit3A_967 = arith.constant 0.000000e+00 : f32
        %broadcast_in_dim3A_968 = vector.broadcast %jit3A_967 : f32 to vector<16xf32>
        %select_n3A_969 = arith.select %eq3A_966, %exp3A_963, %broadcast_in_dim3A_968 : vector<16xi1>, vector<16xf32>
        %add3A_970 = arith.addf %select_n3A, %select_n3A_969 : vector<16xf32>
        %mul3A_971 = arith.mulf %exp3A_963, %get3A_923 : vector<16xf32>
        %swap3A_972 = arith.index_cast %scan3A_920 : i32 to index
        %swap3A_973 = arith.constant 0 : index
        %swap3A_974 = tpu.vector_load %arg21[%swap3A_972, %swap3A_973] {strides = array<i32>} : memref<40x128xf32, #tpu.memory_space<vmem>>, vector<16xf32>,
        tpu.vector_store %arg21[%swap3A_972, %swap3A_973], %mul3A_971 {strides = array<i32>} : memref<40x128xf32, #tpu.memory_space<vmem>>, vector<16xf32>,
        %mul3A_975 = arith.mulf %exp3A_963, %get3A_941 : vector<16xf32>
        %swap3A_976 = arith.index_cast %scan3A_920 : i32 to index
        %swap3A_977 = arith.constant 16 : index
        %swap3A_978 = tpu.vector_load %arg21[%swap3A_976, %swap3A_977] {strides = array<i32>} : memref<40x128xf32, #tpu.memory_space<vmem>>, vector<16xf32>,
        tpu.vector_store %arg21[%swap3A_976, %swap3A_977], %mul3A_975 {strides = array<i32>} : memref<40x128xf32, #tpu.memory_space<vmem>>, vector<16xf32>,
        %get3A_979 = arith.index_cast %scan3A_920 : i32 to index
        %get3A_980 = arith.constant 32 : index
        %get3A_981 = tpu.vector_load %arg21[%get3A_979, %get3A_980] {strides = array<i32>} : memref<40x128xf32, #tpu.memory_space<vmem>>, vector<16xf32>,
        %get3A_982 = arith.index_cast %scan3A_920 : i32 to index
        %get3A_983 = arith.constant 32 : index
        %get3A_984 = tpu.vector_load %arg23[%get3A_982, %get3A_983] {strides = array<i32>} : memref<40x128xf32, #tpu.memory_space<vmem>>, vector<16xf32>,
        %add3A_985 = arith.addf %get3A_981, %get3A_984 : vector<16xf32>
        %get3A_986 = arith.index_cast %scan3A_920 : i32 to index
        %get3A_987 = arith.constant 32 : index
        %get3A_988 = tpu.vector_load %arg25[%get3A_986, %get3A_987] {strides = array<i32>} : memref<40x128xf32, #tpu.memory_space<vmem>>, vector<16xf32>,
        %add3A_989 = arith.addf %add3A_985, %get3A_988 : vector<16xf32>
        %mul3A_990 = arith.constant 2.000000e-01 : f32
        %mul3A_991 = vector.broadcast %mul3A_990 : f32 to vector<16xf32>
        %mul3A_992 = arith.mulf %mul3A_991, %add3A_989 : vector<16xf32>
        %max3A_993 = arith.maximumf %add3A_989, %mul3A_992 : vector<16xf32>
        %get3A_994 = arith.constant 32 : index
        %get3A_995 = tpu.vector_load %arg27[%get3A_994] {strides = array<i32>} : memref<128xf32, #tpu.memory_space<vmem>>, vector<16xf32>,
        %mul3A_996 = arith.mulf %max3A_993, %get3A_995 : vector<16xf32>
        %get3A_997 = arith.index_cast %scan3A_920 : i32 to index
        %get3A_998 = arith.constant 48 : index
        %get3A_999 = tpu.vector_load %arg21[%get3A_997, %get3A_998] {strides = array<i32>} : memref<40x128xf32, #tpu.memory_space<vmem>>, vector<16xf32>,
        %get3A_1000 = arith.index_cast %scan3A_920 : i32 to index
        %get3A_1001 = arith.constant 48 : index
        %get3A_1002 = tpu.vector_load %arg23[%get3A_1000, %get3A_1001] {strides = array<i32>} : memref<40x128xf32, #tpu.memory_space<vmem>>, vector<16xf32>,
        %add3A_1003 = arith.addf %get3A_999, %get3A_1002 : vector<16xf32>
        %get3A_1004 = arith.index_cast %scan3A_920 : i32 to index
        %get3A_1005 = arith.constant 48 : index
        %get3A_1006 = tpu.vector_load %arg25[%get3A_1004, %get3A_1005] {strides = array<i32>} : memref<40x128xf32, #tpu.memory_space<vmem>>, vector<16xf32>,
        %add3A_1007 = arith.addf %add3A_1003, %get3A_1006 : vector<16xf32>
        %mul3A_1008 = arith.constant 2.000000e-01 : f32
        %mul3A_1009 = vector.broadcast %mul3A_1008 : f32 to vector<16xf32>
        %mul3A_1010 = arith.mulf %mul3A_1009, %add3A_1007 : vector<16xf32>
        %max3A_1011 = arith.maximumf %add3A_1007, %mul3A_1010 : vector<16xf32>
        %get3A_1012 = arith.constant 48 : index
        %get3A_1013 = tpu.vector_load %arg27[%get3A_1012] {strides = array<i32>} : memref<128xf32, #tpu.memory_space<vmem>>, vector<16xf32>,
        %mul3A_1014 = arith.mulf %max3A_1011, %get3A_1013 : vector<16xf32>
        %add3A_1015 = arith.addf %mul3A_996, %mul3A_1014 : vector<16xf32>
        %reduce_sum3A_1016 = arith.constant true
        %reduce_sum3A_1017 = vector.broadcast %reduce_sum3A_1016 : i1 to vector<16xi1>
        %reduce_sum3A_1018 = tpu.scan <sum>, %add3A_1015 masked %reduce_sum3A_1017 : vector<16xf32>, vector<16xi1> -> vector<16xf32>
        %reduce_sum3A_1019 = vector.extract %reduce_sum3A_1018[15] : f32 from vector<16xf32>
        %broadcast_in_dim3A_1020 = vector.broadcast %reduce_sum3A_1019 : f32 to vector<16xf32>
        %exp3A_1021 = math.exp %broadcast_in_dim3A_1020 : vector<16xf32>
        %eq3A_1022 = arith.constant 1 : i32
        %eq3A_1023 = vector.broadcast %eq3A_1022 : i32 to vector<16xi32>
        %eq3A_1024 = arith.cmpi eq, %iota3A, %eq3A_1023 : vector<16xi32>
        %jit3A_1025 = arith.constant 0.000000e+00 : f32
        %broadcast_in_dim3A_1026 = vector.broadcast %jit3A_1025 : f32 to vector<16xf32>
        %select_n3A_1027 = arith.select %eq3A_1024, %exp3A_1021, %broadcast_in_dim3A_1026 : vector<16xi1>, vector<16xf32>
        %add3A_1028 = arith.addf %add3A_970, %select_n3A_1027 : vector<16xf32>
        %mul3A_1029 = arith.mulf %exp3A_1021, %get3A_981 : vector<16xf32>
        %swap3A_1030 = arith.index_cast %scan3A_920 : i32 to index
        %swap3A_1031 = arith.constant 32 : index
        %swap3A_1032 = tpu.vector_load %arg21[%swap3A_1030, %swap3A_1031] {strides = array<i32>} : memref<40x128xf32, #tpu.memory_space<vmem>>, vector<16xf32>,
        tpu.vector_store %arg21[%swap3A_1030, %swap3A_1031], %mul3A_1029 {strides = array<i32>} : memref<40x128xf32, #tpu.memory_space<vmem>>, vector<16xf32>,
        %mul3A_1033 = arith.mulf %exp3A_1021, %get3A_999 : vector<16xf32>
        %swap3A_1034 = arith.index_cast %scan3A_920 : i32 to index
        %swap3A_1035 = arith.constant 48 : index
        %swap3A_1036 = tpu.vector_load %arg21[%swap3A_1034, %swap3A_1035] {strides = array<i32>} : memref<40x128xf32, #tpu.memory_space<vmem>>, vector<16xf32>,
        tpu.vector_store %arg21[%swap3A_1034, %swap3A_1035], %mul3A_1033 {strides = array<i32>} : memref<40x128xf32, #tpu.memory_space<vmem>>, vector<16xf32>,
        %get3A_1037 = arith.index_cast %scan3A_920 : i32 to index
        %get3A_1038 = arith.constant 64 : index
        %get3A_1039 = tpu.vector_load %arg21[%get3A_1037, %get3A_1038] {strides = array<i32>} : memref<40x128xf32, #tpu.memory_space<vmem>>, vector<16xf32>,
        %get3A_1040 = arith.index_cast %scan3A_920 : i32 to index
        %get3A_1041 = arith.constant 64 : index
        %get3A_1042 = tpu.vector_load %arg23[%get3A_1040, %get3A_1041] {strides = array<i32>} : memref<40x128xf32, #tpu.memory_space<vmem>>, vector<16xf32>,
        %add3A_1043 = arith.addf %get3A_1039, %get3A_1042 : vector<16xf32>
        %get3A_1044 = arith.index_cast %scan3A_920 : i32 to index
        %get3A_1045 = arith.constant 64 : index
        %get3A_1046 = tpu.vector_load %arg25[%get3A_1044, %get3A_1045] {strides = array<i32>} : memref<40x128xf32, #tpu.memory_space<vmem>>, vector<16xf32>,
        %add3A_1047 = arith.addf %add3A_1043, %get3A_1046 : vector<16xf32>
        %mul3A_1048 = arith.constant 2.000000e-01 : f32
        %mul3A_1049 = vector.broadcast %mul3A_1048 : f32 to vector<16xf32>
        %mul3A_1050 = arith.mulf %mul3A_1049, %add3A_1047 : vector<16xf32>
        %max3A_1051 = arith.maximumf %add3A_1047, %mul3A_1050 : vector<16xf32>
        %get3A_1052 = arith.constant 64 : index
        %get3A_1053 = tpu.vector_load %arg27[%get3A_1052] {strides = array<i32>} : memref<128xf32, #tpu.memory_space<vmem>>, vector<16xf32>,
        %mul3A_1054 = arith.mulf %max3A_1051, %get3A_1053 : vector<16xf32>
        %get3A_1055 = arith.index_cast %scan3A_920 : i32 to index
        %get3A_1056 = arith.constant 80 : index
        %get3A_1057 = tpu.vector_load %arg21[%get3A_1055, %get3A_1056] {strides = array<i32>} : memref<40x128xf32, #tpu.memory_space<vmem>>, vector<16xf32>,
        %get3A_1058 = arith.index_cast %scan3A_920 : i32 to index
        %get3A_1059 = arith.constant 80 : index
        %get3A_1060 = tpu.vector_load %arg23[%get3A_1058, %get3A_1059] {strides = array<i32>} : memref<40x128xf32, #tpu.memory_space<vmem>>, vector<16xf32>,
        %add3A_1061 = arith.addf %get3A_1057, %get3A_1060 : vector<16xf32>
        %get3A_1062 = arith.index_cast %scan3A_920 : i32 to index
        %get3A_1063 = arith.constant 80 : index
        %get3A_1064 = tpu.vector_load %arg25[%get3A_1062, %get3A_1063] {strides = array<i32>} : memref<40x128xf32, #tpu.memory_space<vmem>>, vector<16xf32>,
        %add3A_1065 = arith.addf %add3A_1061, %get3A_1064 : vector<16xf32>
        %mul3A_1066 = arith.constant 2.000000e-01 : f32
        %mul3A_1067 = vector.broadcast %mul3A_1066 : f32 to vector<16xf32>
        %mul3A_1068 = arith.mulf %mul3A_1067, %add3A_1065 : vector<16xf32>
        %max3A_1069 = arith.maximumf %add3A_1065, %mul3A_1068 : vector<16xf32>
        %get3A_1070 = arith.constant 80 : index
        %get3A_1071 = tpu.vector_load %arg27[%get3A_1070] {strides = array<i32>} : memref<128xf32, #tpu.memory_space<vmem>>, vector<16xf32>,
        %mul3A_1072 = arith.mulf %max3A_1069, %get3A_1071 : vector<16xf32>
        %add3A_1073 = arith.addf %mul3A_1054, %mul3A_1072 : vector<16xf32>
        %reduce_sum3A_1074 = arith.constant true
        %reduce_sum3A_1075 = vector.broadcast %reduce_sum3A_1074 : i1 to vector<16xi1>
        %reduce_sum3A_1076 = tpu.scan <sum>, %add3A_1073 masked %reduce_sum3A_1075 : vector<16xf32>, vector<16xi1> -> vector<16xf32>
        %reduce_sum3A_1077 = vector.extract %reduce_sum3A_1076[15] : f32 from vector<16xf32>
        %broadcast_in_dim3A_1078 = vector.broadcast %reduce_sum3A_1077 : f32 to vector<16xf32>
        %exp3A_1079 = math.exp %broadcast_in_dim3A_1078 : vector<16xf32>
        %eq3A_1080 = arith.constant 2 : i32
        %eq3A_1081 = vector.broadcast %eq3A_1080 : i32 to vector<16xi32>
        %eq3A_1082 = arith.cmpi eq, %iota3A, %eq3A_1081 : vector<16xi32>
        %jit3A_1083 = arith.constant 0.000000e+00 : f32
        %broadcast_in_dim3A_1084 = vector.broadcast %jit3A_1083 : f32 to vector<16xf32>
        %select_n3A_1085 = arith.select %eq3A_1082, %exp3A_1079, %broadcast_in_dim3A_1084 : vector<16xi1>, vector<16xf32>
        %add3A_1086 = arith.addf %add3A_1028, %select_n3A_1085 : vector<16xf32>
        %mul3A_1087 = arith.mulf %exp3A_1079, %get3A_1039 : vector<16xf32>
        %swap3A_1088 = arith.index_cast %scan3A_920 : i32 to index
        %swap3A_1089 = arith.constant 64 : index
        %swap3A_1090 = tpu.vector_load %arg21[%swap3A_1088, %swap3A_1089] {strides = array<i32>} : memref<40x128xf32, #tpu.memory_space<vmem>>, vector<16xf32>,
        tpu.vector_store %arg21[%swap3A_1088, %swap3A_1089], %mul3A_1087 {strides = array<i32>} : memref<40x128xf32, #tpu.memory_space<vmem>>, vector<16xf32>,
        %mul3A_1091 = arith.mulf %exp3A_1079, %get3A_1057 : vector<16xf32>
        %swap3A_1092 = arith.index_cast %scan3A_920 : i32 to index
        %swap3A_1093 = arith.constant 80 : index
        %swap3A_1094 = tpu.vector_load %arg21[%swap3A_1092, %swap3A_1093] {strides = array<i32>} : memref<40x128xf32, #tpu.memory_space<vmem>>, vector<16xf32>,
        tpu.vector_store %arg21[%swap3A_1092, %swap3A_1093], %mul3A_1091 {strides = array<i32>} : memref<40x128xf32, #tpu.memory_space<vmem>>, vector<16xf32>,
        %get3A_1095 = arith.index_cast %scan3A_920 : i32 to index
        %get3A_1096 = arith.constant 96 : index
        %get3A_1097 = tpu.vector_load %arg21[%get3A_1095, %get3A_1096] {strides = array<i32>} : memref<40x128xf32, #tpu.memory_space<vmem>>, vector<16xf32>,
        %get3A_1098 = arith.index_cast %scan3A_920 : i32 to index
        %get3A_1099 = arith.constant 96 : index
        %get3A_1100 = tpu.vector_load %arg23[%get3A_1098, %get3A_1099] {strides = array<i32>} : memref<40x128xf32, #tpu.memory_space<vmem>>, vector<16xf32>,
        %add3A_1101 = arith.addf %get3A_1097, %get3A_1100 : vector<16xf32>
        %get3A_1102 = arith.index_cast %scan3A_920 : i32 to index
        %get3A_1103 = arith.constant 96 : index
        %get3A_1104 = tpu.vector_load %arg25[%get3A_1102, %get3A_1103] {strides = array<i32>} : memref<40x128xf32, #tpu.memory_space<vmem>>, vector<16xf32>,
        %add3A_1105 = arith.addf %add3A_1101, %get3A_1104 : vector<16xf32>
        %mul3A_1106 = arith.constant 2.000000e-01 : f32
        %mul3A_1107 = vector.broadcast %mul3A_1106 : f32 to vector<16xf32>
        %mul3A_1108 = arith.mulf %mul3A_1107, %add3A_1105 : vector<16xf32>
        %max3A_1109 = arith.maximumf %add3A_1105, %mul3A_1108 : vector<16xf32>
        %get3A_1110 = arith.constant 96 : index
        %get3A_1111 = tpu.vector_load %arg27[%get3A_1110] {strides = array<i32>} : memref<128xf32, #tpu.memory_space<vmem>>, vector<16xf32>,
        %mul3A_1112 = arith.mulf %max3A_1109, %get3A_1111 : vector<16xf32>
        %get3A_1113 = arith.index_cast %scan3A_920 : i32 to index
        %get3A_1114 = arith.constant 112 : index
        %get3A_1115 = tpu.vector_load %arg21[%get3A_1113, %get3A_1114] {strides = array<i32>} : memref<40x128xf32, #tpu.memory_space<vmem>>, vector<16xf32>,
        %get3A_1116 = arith.index_cast %scan3A_920 : i32 to index
        %get3A_1117 = arith.constant 112 : index
        %get3A_1118 = tpu.vector_load %arg23[%get3A_1116, %get3A_1117] {strides = array<i32>} : memref<40x128xf32, #tpu.memory_space<vmem>>, vector<16xf32>,
        %add3A_1119 = arith.addf %get3A_1115, %get3A_1118 : vector<16xf32>
        %get3A_1120 = arith.index_cast %scan3A_920 : i32 to index
        %get3A_1121 = arith.constant 112 : index
        %get3A_1122 = tpu.vector_load %arg25[%get3A_1120, %get3A_1121] {strides = array<i32>} : memref<40x128xf32, #tpu.memory_space<vmem>>, vector<16xf32>,
        %add3A_1123 = arith.addf %add3A_1119, %get3A_1122 : vector<16xf32>
        %mul3A_1124 = arith.constant 2.000000e-01 : f32
        %mul3A_1125 = vector.broadcast %mul3A_1124 : f32 to vector<16xf32>
        %mul3A_1126 = arith.mulf %mul3A_1125, %add3A_1123 : vector<16xf32>
        %max3A_1127 = arith.maximumf %add3A_1123, %mul3A_1126 : vector<16xf32>
        %get3A_1128 = arith.constant 112 : index
        %get3A_1129 = tpu.vector_load %arg27[%get3A_1128] {strides = array<i32>} : memref<128xf32, #tpu.memory_space<vmem>>, vector<16xf32>,
        %mul3A_1130 = arith.mulf %max3A_1127, %get3A_1129 : vector<16xf32>
        %add3A_1131 = arith.addf %mul3A_1112, %mul3A_1130 : vector<16xf32>
        %reduce_sum3A_1132 = arith.constant true
        %reduce_sum3A_1133 = vector.broadcast %reduce_sum3A_1132 : i1 to vector<16xi1>
        %reduce_sum3A_1134 = tpu.scan <sum>, %add3A_1131 masked %reduce_sum3A_1133 : vector<16xf32>, vector<16xi1> -> vector<16xf32>
        %reduce_sum3A_1135 = vector.extract %reduce_sum3A_1134[15] : f32 from vector<16xf32>
        %broadcast_in_dim3A_1136 = vector.broadcast %reduce_sum3A_1135 : f32 to vector<16xf32>
        %exp3A_1137 = math.exp %broadcast_in_dim3A_1136 : vector<16xf32>
        %eq3A_1138 = arith.constant 3 : i32
        %eq3A_1139 = vector.broadcast %eq3A_1138 : i32 to vector<16xi32>
        %eq3A_1140 = arith.cmpi eq, %iota3A, %eq3A_1139 : vector<16xi32>
        %jit3A_1141 = arith.constant 0.000000e+00 : f32
        %broadcast_in_dim3A_1142 = vector.broadcast %jit3A_1141 : f32 to vector<16xf32>
        %select_n3A_1143 = arith.select %eq3A_1140, %exp3A_1137, %broadcast_in_dim3A_1142 : vector<16xi1>, vector<16xf32>
        %add3A_1144 = arith.addf %add3A_1086, %select_n3A_1143 : vector<16xf32>
        %mul3A_1145 = arith.mulf %exp3A_1137, %get3A_1097 : vector<16xf32>
        %swap3A_1146 = arith.index_cast %scan3A_920 : i32 to index
        %swap3A_1147 = arith.constant 96 : index
        %swap3A_1148 = tpu.vector_load %arg21[%swap3A_1146, %swap3A_1147] {strides = array<i32>} : memref<40x128xf32, #tpu.memory_space<vmem>>, vector<16xf32>,
        tpu.vector_store %arg21[%swap3A_1146, %swap3A_1147], %mul3A_1145 {strides = array<i32>} : memref<40x128xf32, #tpu.memory_space<vmem>>, vector<16xf32>,
        %mul3A_1149 = arith.mulf %exp3A_1137, %get3A_1115 : vector<16xf32>
        %swap3A_1150 = arith.index_cast %scan3A_920 : i32 to index
        %swap3A_1151 = arith.constant 112 : index
        %swap3A_1152 = tpu.vector_load %arg21[%swap3A_1150, %swap3A_1151] {strides = array<i32>} : memref<40x128xf32, #tpu.memory_space<vmem>>, vector<16xf32>,
        tpu.vector_store %arg21[%swap3A_1150, %swap3A_1151], %mul3A_1149 {strides = array<i32>} : memref<40x128xf32, #tpu.memory_space<vmem>>, vector<16xf32>,
        %mul3A_1153 = arith.constant 16 : i32
        %mul3A_1154 = arith.muli %scan3A_920, %mul3A_1153 : i32
        %get3A_1155 = arith.index_cast %mul3A_1154 : i32 to index
        %get3A_1156 = tpu.vector_load %arg26[%get3A_1155] {strides = array<i32>} : memref<640xf32, #tpu.memory_space<vmem>>, vector<16xf32>,
        %min3A_1157 = arith.constant 24 : i32
        %min3A_1158 = arith.minsi %scan3A_920, %min3A_1157 : i32
        %get3A_1159 = arith.index_cast %min3A_1158 : i32 to index
        %get3A_1160 = tpu.vector_load %arg18[%get3A_1159] {strides = array<i32>} : memref<40xi32, #tpu.memory_space<vmem>>, vector<16xi32>,
        %sub3A_1161 = arith.subi %scan3A_920, %min3A_1158 : i32
        %eq3A_1162 = vector.broadcast %sub3A_1161 : i32 to vector<16xi32>
        %eq3A_1163 = arith.cmpi eq, %iota3A, %eq3A_1162 : vector<16xi32>
        %jit3A_1164 = arith.constant 0 : i32
        %broadcast_in_dim3A_1165 = vector.broadcast %jit3A_1164 : i32 to vector<16xi32>
        %select_n3A_1166 = arith.select %eq3A_1163, %get3A_1160, %broadcast_in_dim3A_1165 : vector<16xi1>, vector<16xi32>
        %reduce_sum3A_1167 = arith.constant true
        %reduce_sum3A_1168 = vector.broadcast %reduce_sum3A_1167 : i1 to vector<16xi1>
        %reduce_sum3A_1169 = tpu.scan <sum>, %select_n3A_1166 masked %reduce_sum3A_1168 : vector<16xi32>, vector<16xi1> -> vector<16xi32>
        %reduce_sum3A_1170 = vector.extract %reduce_sum3A_1169[15] : i32 from vector<16xi32>
        %rem3A_1171 = arith.constant 4 : i32
        %rem3A_1172 = arith.remsi %reduce_sum3A_1170, %rem3A_1171 : i32
        %eq3A_1173 = arith.constant 0 : i32
        %eq3A_1174 = arith.cmpi eq, %rem3A_1172, %eq3A_1173 : i32
        %jit3A_1175 = arith.constant 1.000000e+00 : f32
        %jit3A_1176 = arith.constant 0.000000e+00 : f32
        %select_n3A_1177 = arith.select %eq3A_1174, %jit3A_1175, %jit3A_1176 : f32
        %mul3A_1178 = vector.broadcast %select_n3A_1177 : f32 to vector<16xf32>
        %mul3A_1179 = arith.mulf %mul3A_1178, %get3A_1156 : vector<16xf32>
        %swap3A_1180 = arith.index_cast %scan3A_920 : i32 to index
        %swap3A_1181 = arith.constant 0 : index
        %swap3A_1182 = tpu.vector_load %arg25[%swap3A_1180, %swap3A_1181] {strides = array<i32>} : memref<40x128xf32, #tpu.memory_space<vmem>>, vector<16xf32>,
        tpu.vector_store %arg25[%swap3A_1180, %swap3A_1181], %mul3A_1179 {strides = array<i32>} : memref<40x128xf32, #tpu.memory_space<vmem>>, vector<16xf32>,
        %mul3A_1183 = vector.broadcast %select_n3A_1177 : f32 to vector<16xf32>
        %mul3A_1184 = arith.mulf %mul3A_1183, %add3A_1144 : vector<16xf32>
        %swap3A_1185 = arith.index_cast %scan3A_920 : i32 to index
        %swap3A_1186 = arith.constant 16 : index
        %swap3A_1187 = tpu.vector_load %arg25[%swap3A_1185, %swap3A_1186] {strides = array<i32>} : memref<40x128xf32, #tpu.memory_space<vmem>>, vector<16xf32>,
        tpu.vector_store %arg25[%swap3A_1185, %swap3A_1186], %mul3A_1184 {strides = array<i32>} : memref<40x128xf32, #tpu.memory_space<vmem>>, vector<16xf32>,
        %eq3A_1188 = arith.constant 1 : i32
        %eq3A_1189 = arith.cmpi eq, %rem3A_1172, %eq3A_1188 : i32
        %jit3A_1190 = arith.constant 1.000000e+00 : f32
        %jit3A_1191 = arith.constant 0.000000e+00 : f32
        %select_n3A_1192 = arith.select %eq3A_1189, %jit3A_1190, %jit3A_1191 : f32
        %mul3A_1193 = vector.broadcast %select_n3A_1192 : f32 to vector<16xf32>
        %mul3A_1194 = arith.mulf %mul3A_1193, %get3A_1156 : vector<16xf32>
        %swap3A_1195 = arith.index_cast %scan3A_920 : i32 to index
        %swap3A_1196 = arith.constant 32 : index
        %swap3A_1197 = tpu.vector_load %arg25[%swap3A_1195, %swap3A_1196] {strides = array<i32>} : memref<40x128xf32, #tpu.memory_space<vmem>>, vector<16xf32>,
        tpu.vector_store %arg25[%swap3A_1195, %swap3A_1196], %mul3A_1194 {strides = array<i32>} : memref<40x128xf32, #tpu.memory_space<vmem>>, vector<16xf32>,
        %mul3A_1198 = vector.broadcast %select_n3A_1192 : f32 to vector<16xf32>
        %mul3A_1199 = arith.mulf %mul3A_1198, %add3A_1144 : vector<16xf32>
        %swap3A_1200 = arith.index_cast %scan3A_920 : i32 to index
        %swap3A_1201 = arith.constant 48 : index
        %swap3A_1202 = tpu.vector_load %arg25[%swap3A_1200, %swap3A_1201] {strides = array<i32>} : memref<40x128xf32, #tpu.memory_space<vmem>>, vector<16xf32>,
        tpu.vector_store %arg25[%swap3A_1200, %swap3A_1201], %mul3A_1199 {strides = array<i32>} : memref<40x128xf32, #tpu.memory_space<vmem>>, vector<16xf32>,
        %eq3A_1203 = arith.constant 2 : i32
        %eq3A_1204 = arith.cmpi eq, %rem3A_1172, %eq3A_1203 : i32
        %jit3A_1205 = arith.constant 1.000000e+00 : f32
        %jit3A_1206 = arith.constant 0.000000e+00 : f32
        %select_n3A_1207 = arith.select %eq3A_1204, %jit3A_1205, %jit3A_1206 : f32
        %mul3A_1208 = vector.broadcast %select_n3A_1207 : f32 to vector<16xf32>
        %mul3A_1209 = arith.mulf %mul3A_1208, %get3A_1156 : vector<16xf32>
        %swap3A_1210 = arith.index_cast %scan3A_920 : i32 to index
        %swap3A_1211 = arith.constant 64 : index
        %swap3A_1212 = tpu.vector_load %arg25[%swap3A_1210, %swap3A_1211] {strides = array<i32>} : memref<40x128xf32, #tpu.memory_space<vmem>>, vector<16xf32>,
        tpu.vector_store %arg25[%swap3A_1210, %swap3A_1211], %mul3A_1209 {strides = array<i32>} : memref<40x128xf32, #tpu.memory_space<vmem>>, vector<16xf32>,
        %mul3A_1213 = vector.broadcast %select_n3A_1207 : f32 to vector<16xf32>
        %mul3A_1214 = arith.mulf %mul3A_1213, %add3A_1144 : vector<16xf32>
        %swap3A_1215 = arith.index_cast %scan3A_920 : i32 to index
        %swap3A_1216 = arith.constant 80 : index
        %swap3A_1217 = tpu.vector_load %arg25[%swap3A_1215, %swap3A_1216] {strides = array<i32>} : memref<40x128xf32, #tpu.memory_space<vmem>>, vector<16xf32>,
        tpu.vector_store %arg25[%swap3A_1215, %swap3A_1216], %mul3A_1214 {strides = array<i32>} : memref<40x128xf32, #tpu.memory_space<vmem>>, vector<16xf32>,
        %eq3A_1218 = arith.constant 3 : i32
        %eq3A_1219 = arith.cmpi eq, %rem3A_1172, %eq3A_1218 : i32
        %jit3A_1220 = arith.constant 1.000000e+00 : f32
        %jit3A_1221 = arith.constant 0.000000e+00 : f32
        %select_n3A_1222 = arith.select %eq3A_1219, %jit3A_1220, %jit3A_1221 : f32
        %mul3A_1223 = vector.broadcast %select_n3A_1222 : f32 to vector<16xf32>
        %mul3A_1224 = arith.mulf %mul3A_1223, %get3A_1156 : vector<16xf32>
        %swap3A_1225 = arith.index_cast %scan3A_920 : i32 to index
        %swap3A_1226 = arith.constant 96 : index
        %swap3A_1227 = tpu.vector_load %arg25[%swap3A_1225, %swap3A_1226] {strides = array<i32>} : memref<40x128xf32, #tpu.memory_space<vmem>>, vector<16xf32>,
        tpu.vector_store %arg25[%swap3A_1225, %swap3A_1226], %mul3A_1224 {strides = array<i32>} : memref<40x128xf32, #tpu.memory_space<vmem>>, vector<16xf32>,
        %mul3A_1228 = vector.broadcast %select_n3A_1222 : f32 to vector<16xf32>
        %mul3A_1229 = arith.mulf %mul3A_1228, %add3A_1144 : vector<16xf32>
        %swap3A_1230 = arith.index_cast %scan3A_920 : i32 to index
        %swap3A_1231 = arith.constant 112 : index
        %swap3A_1232 = tpu.vector_load %arg25[%swap3A_1230, %swap3A_1231] {strides = array<i32>} : memref<40x128xf32, #tpu.memory_space<vmem>>, vector<16xf32>,
        tpu.vector_store %arg25[%swap3A_1230, %swap3A_1231], %mul3A_1229 {strides = array<i32>} : memref<40x128xf32, #tpu.memory_space<vmem>>, vector<16xf32>,
        %scan3A_1233 = arith.constant 3 : i32
        %scan3A_1234 = arith.addi %scan3A_298, %scan3A_1233 : i32
        %get3A_1235 = arith.index_cast %scan3A_1234 : i32 to index
        %get3A_1236 = arith.constant 0 : index
        %get3A_1237 = tpu.vector_load %arg21[%get3A_1235, %get3A_1236] {strides = array<i32>} : memref<40x128xf32, #tpu.memory_space<vmem>>, vector<16xf32>,
        %get3A_1238 = arith.index_cast %scan3A_1234 : i32 to index
        %get3A_1239 = arith.constant 0 : index
        %get3A_1240 = tpu.vector_load %arg23[%get3A_1238, %get3A_1239] {strides = array<i32>} : memref<40x128xf32, #tpu.memory_space<vmem>>, vector<16xf32>,
        %add3A_1241 = arith.addf %get3A_1237, %get3A_1240 : vector<16xf32>
        %get3A_1242 = arith.index_cast %scan3A_1234 : i32 to index
        %get3A_1243 = arith.constant 0 : index
        %get3A_1244 = tpu.vector_load %arg25[%get3A_1242, %get3A_1243] {strides = array<i32>} : memref<40x128xf32, #tpu.memory_space<vmem>>, vector<16xf32>,
        %add3A_1245 = arith.addf %add3A_1241, %get3A_1244 : vector<16xf32>
        %mul3A_1246 = arith.constant 2.000000e-01 : f32
        %mul3A_1247 = vector.broadcast %mul3A_1246 : f32 to vector<16xf32>
        %mul3A_1248 = arith.mulf %mul3A_1247, %add3A_1245 : vector<16xf32>
        %max3A_1249 = arith.maximumf %add3A_1245, %mul3A_1248 : vector<16xf32>
        %get3A_1250 = arith.constant 0 : index
        %get3A_1251 = tpu.vector_load %arg27[%get3A_1250] {strides = array<i32>} : memref<128xf32, #tpu.memory_space<vmem>>, vector<16xf32>,
        %mul3A_1252 = arith.mulf %max3A_1249, %get3A_1251 : vector<16xf32>
        %get3A_1253 = arith.index_cast %scan3A_1234 : i32 to index
        %get3A_1254 = arith.constant 16 : index
        %get3A_1255 = tpu.vector_load %arg21[%get3A_1253, %get3A_1254] {strides = array<i32>} : memref<40x128xf32, #tpu.memory_space<vmem>>, vector<16xf32>,
        %get3A_1256 = arith.index_cast %scan3A_1234 : i32 to index
        %get3A_1257 = arith.constant 16 : index
        %get3A_1258 = tpu.vector_load %arg23[%get3A_1256, %get3A_1257] {strides = array<i32>} : memref<40x128xf32, #tpu.memory_space<vmem>>, vector<16xf32>,
        %add3A_1259 = arith.addf %get3A_1255, %get3A_1258 : vector<16xf32>
        %get3A_1260 = arith.index_cast %scan3A_1234 : i32 to index
        %get3A_1261 = arith.constant 16 : index
        %get3A_1262 = tpu.vector_load %arg25[%get3A_1260, %get3A_1261] {strides = array<i32>} : memref<40x128xf32, #tpu.memory_space<vmem>>, vector<16xf32>,
        %add3A_1263 = arith.addf %add3A_1259, %get3A_1262 : vector<16xf32>
        %mul3A_1264 = arith.constant 2.000000e-01 : f32
        %mul3A_1265 = vector.broadcast %mul3A_1264 : f32 to vector<16xf32>
        %mul3A_1266 = arith.mulf %mul3A_1265, %add3A_1263 : vector<16xf32>
        %max3A_1267 = arith.maximumf %add3A_1263, %mul3A_1266 : vector<16xf32>
        %get3A_1268 = arith.constant 16 : index
        %get3A_1269 = tpu.vector_load %arg27[%get3A_1268] {strides = array<i32>} : memref<128xf32, #tpu.memory_space<vmem>>, vector<16xf32>,
        %mul3A_1270 = arith.mulf %max3A_1267, %get3A_1269 : vector<16xf32>
        %add3A_1271 = arith.addf %mul3A_1252, %mul3A_1270 : vector<16xf32>
        %reduce_sum3A_1272 = arith.constant true
        %reduce_sum3A_1273 = vector.broadcast %reduce_sum3A_1272 : i1 to vector<16xi1>
        %reduce_sum3A_1274 = tpu.scan <sum>, %add3A_1271 masked %reduce_sum3A_1273 : vector<16xf32>, vector<16xi1> -> vector<16xf32>
        %reduce_sum3A_1275 = vector.extract %reduce_sum3A_1274[15] : f32 from vector<16xf32>
        %broadcast_in_dim3A_1276 = vector.broadcast %reduce_sum3A_1275 : f32 to vector<16xf32>
        %exp3A_1277 = math.exp %broadcast_in_dim3A_1276 : vector<16xf32>
        %eq3A_1278 = arith.constant 0 : i32
        %eq3A_1279 = vector.broadcast %eq3A_1278 : i32 to vector<16xi32>
        %eq3A_1280 = arith.cmpi eq, %iota3A, %eq3A_1279 : vector<16xi32>
        %jit3A_1281 = arith.constant 0.000000e+00 : f32
        %broadcast_in_dim3A_1282 = vector.broadcast %jit3A_1281 : f32 to vector<16xf32>
        %select_n3A_1283 = arith.select %eq3A_1280, %exp3A_1277, %broadcast_in_dim3A_1282 : vector<16xi1>, vector<16xf32>
        %add3A_1284 = arith.addf %select_n3A, %select_n3A_1283 : vector<16xf32>
        %mul3A_1285 = arith.mulf %exp3A_1277, %get3A_1237 : vector<16xf32>
        %swap3A_1286 = arith.index_cast %scan3A_1234 : i32 to index
        %swap3A_1287 = arith.constant 0 : index
        %swap3A_1288 = tpu.vector_load %arg21[%swap3A_1286, %swap3A_1287] {strides = array<i32>} : memref<40x128xf32, #tpu.memory_space<vmem>>, vector<16xf32>,
        tpu.vector_store %arg21[%swap3A_1286, %swap3A_1287], %mul3A_1285 {strides = array<i32>} : memref<40x128xf32, #tpu.memory_space<vmem>>, vector<16xf32>,
        %mul3A_1289 = arith.mulf %exp3A_1277, %get3A_1255 : vector<16xf32>
        %swap3A_1290 = arith.index_cast %scan3A_1234 : i32 to index
        %swap3A_1291 = arith.constant 16 : index
        %swap3A_1292 = tpu.vector_load %arg21[%swap3A_1290, %swap3A_1291] {strides = array<i32>} : memref<40x128xf32, #tpu.memory_space<vmem>>, vector<16xf32>,
        tpu.vector_store %arg21[%swap3A_1290, %swap3A_1291], %mul3A_1289 {strides = array<i32>} : memref<40x128xf32, #tpu.memory_space<vmem>>, vector<16xf32>,
        %get3A_1293 = arith.index_cast %scan3A_1234 : i32 to index
        %get3A_1294 = arith.constant 32 : index
        %get3A_1295 = tpu.vector_load %arg21[%get3A_1293, %get3A_1294] {strides = array<i32>} : memref<40x128xf32, #tpu.memory_space<vmem>>, vector<16xf32>,
        %get3A_1296 = arith.index_cast %scan3A_1234 : i32 to index
        %get3A_1297 = arith.constant 32 : index
        %get3A_1298 = tpu.vector_load %arg23[%get3A_1296, %get3A_1297] {strides = array<i32>} : memref<40x128xf32, #tpu.memory_space<vmem>>, vector<16xf32>,
        %add3A_1299 = arith.addf %get3A_1295, %get3A_1298 : vector<16xf32>
        %get3A_1300 = arith.index_cast %scan3A_1234 : i32 to index
        %get3A_1301 = arith.constant 32 : index
        %get3A_1302 = tpu.vector_load %arg25[%get3A_1300, %get3A_1301] {strides = array<i32>} : memref<40x128xf32, #tpu.memory_space<vmem>>, vector<16xf32>,
        %add3A_1303 = arith.addf %add3A_1299, %get3A_1302 : vector<16xf32>
        %mul3A_1304 = arith.constant 2.000000e-01 : f32
        %mul3A_1305 = vector.broadcast %mul3A_1304 : f32 to vector<16xf32>
        %mul3A_1306 = arith.mulf %mul3A_1305, %add3A_1303 : vector<16xf32>
        %max3A_1307 = arith.maximumf %add3A_1303, %mul3A_1306 : vector<16xf32>
        %get3A_1308 = arith.constant 32 : index
        %get3A_1309 = tpu.vector_load %arg27[%get3A_1308] {strides = array<i32>} : memref<128xf32, #tpu.memory_space<vmem>>, vector<16xf32>,
        %mul3A_1310 = arith.mulf %max3A_1307, %get3A_1309 : vector<16xf32>
        %get3A_1311 = arith.index_cast %scan3A_1234 : i32 to index
        %get3A_1312 = arith.constant 48 : index
        %get3A_1313 = tpu.vector_load %arg21[%get3A_1311, %get3A_1312] {strides = array<i32>} : memref<40x128xf32, #tpu.memory_space<vmem>>, vector<16xf32>,
        %get3A_1314 = arith.index_cast %scan3A_1234 : i32 to index
        %get3A_1315 = arith.constant 48 : index
        %get3A_1316 = tpu.vector_load %arg23[%get3A_1314, %get3A_1315] {strides = array<i32>} : memref<40x128xf32, #tpu.memory_space<vmem>>, vector<16xf32>,
        %add3A_1317 = arith.addf %get3A_1313, %get3A_1316 : vector<16xf32>
        %get3A_1318 = arith.index_cast %scan3A_1234 : i32 to index
        %get3A_1319 = arith.constant 48 : index
        %get3A_1320 = tpu.vector_load %arg25[%get3A_1318, %get3A_1319] {strides = array<i32>} : memref<40x128xf32, #tpu.memory_space<vmem>>, vector<16xf32>,
        %add3A_1321 = arith.addf %add3A_1317, %get3A_1320 : vector<16xf32>
        %mul3A_1322 = arith.constant 2.000000e-01 : f32
        %mul3A_1323 = vector.broadcast %mul3A_1322 : f32 to vector<16xf32>
        %mul3A_1324 = arith.mulf %mul3A_1323, %add3A_1321 : vector<16xf32>
        %max3A_1325 = arith.maximumf %add3A_1321, %mul3A_1324 : vector<16xf32>
        %get3A_1326 = arith.constant 48 : index
        %get3A_1327 = tpu.vector_load %arg27[%get3A_1326] {strides = array<i32>} : memref<128xf32, #tpu.memory_space<vmem>>, vector<16xf32>,
        %mul3A_1328 = arith.mulf %max3A_1325, %get3A_1327 : vector<16xf32>
        %add3A_1329 = arith.addf %mul3A_1310, %mul3A_1328 : vector<16xf32>
        %reduce_sum3A_1330 = arith.constant true
        %reduce_sum3A_1331 = vector.broadcast %reduce_sum3A_1330 : i1 to vector<16xi1>
        %reduce_sum3A_1332 = tpu.scan <sum>, %add3A_1329 masked %reduce_sum3A_1331 : vector<16xf32>, vector<16xi1> -> vector<16xf32>
        %reduce_sum3A_1333 = vector.extract %reduce_sum3A_1332[15] : f32 from vector<16xf32>
        %broadcast_in_dim3A_1334 = vector.broadcast %reduce_sum3A_1333 : f32 to vector<16xf32>
        %exp3A_1335 = math.exp %broadcast_in_dim3A_1334 : vector<16xf32>
        %eq3A_1336 = arith.constant 1 : i32
        %eq3A_1337 = vector.broadcast %eq3A_1336 : i32 to vector<16xi32>
        %eq3A_1338 = arith.cmpi eq, %iota3A, %eq3A_1337 : vector<16xi32>
        %jit3A_1339 = arith.constant 0.000000e+00 : f32
        %broadcast_in_dim3A_1340 = vector.broadcast %jit3A_1339 : f32 to vector<16xf32>
        %select_n3A_1341 = arith.select %eq3A_1338, %exp3A_1335, %broadcast_in_dim3A_1340 : vector<16xi1>, vector<16xf32>
        %add3A_1342 = arith.addf %add3A_1284, %select_n3A_1341 : vector<16xf32>
        %mul3A_1343 = arith.mulf %exp3A_1335, %get3A_1295 : vector<16xf32>
        %swap3A_1344 = arith.index_cast %scan3A_1234 : i32 to index
        %swap3A_1345 = arith.constant 32 : index
        %swap3A_1346 = tpu.vector_load %arg21[%swap3A_1344, %swap3A_1345] {strides = array<i32>} : memref<40x128xf32, #tpu.memory_space<vmem>>, vector<16xf32>,
        tpu.vector_store %arg21[%swap3A_1344, %swap3A_1345], %mul3A_1343 {strides = array<i32>} : memref<40x128xf32, #tpu.memory_space<vmem>>, vector<16xf32>,
        %mul3A_1347 = arith.mulf %exp3A_1335, %get3A_1313 : vector<16xf32>
        %swap3A_1348 = arith.index_cast %scan3A_1234 : i32 to index
        %swap3A_1349 = arith.constant 48 : index
        %swap3A_1350 = tpu.vector_load %arg21[%swap3A_1348, %swap3A_1349] {strides = array<i32>} : memref<40x128xf32, #tpu.memory_space<vmem>>, vector<16xf32>,
        tpu.vector_store %arg21[%swap3A_1348, %swap3A_1349], %mul3A_1347 {strides = array<i32>} : memref<40x128xf32, #tpu.memory_space<vmem>>, vector<16xf32>,
        %get3A_1351 = arith.index_cast %scan3A_1234 : i32 to index
        %get3A_1352 = arith.constant 64 : index
        %get3A_1353 = tpu.vector_load %arg21[%get3A_1351, %get3A_1352] {strides = array<i32>} : memref<40x128xf32, #tpu.memory_space<vmem>>, vector<16xf32>,
        %get3A_1354 = arith.index_cast %scan3A_1234 : i32 to index
        %get3A_1355 = arith.constant 64 : index
        %get3A_1356 = tpu.vector_load %arg23[%get3A_1354, %get3A_1355] {strides = array<i32>} : memref<40x128xf32, #tpu.memory_space<vmem>>, vector<16xf32>,
        %add3A_1357 = arith.addf %get3A_1353, %get3A_1356 : vector<16xf32>
        %get3A_1358 = arith.index_cast %scan3A_1234 : i32 to index
        %get3A_1359 = arith.constant 64 : index
        %get3A_1360 = tpu.vector_load %arg25[%get3A_1358, %get3A_1359] {strides = array<i32>} : memref<40x128xf32, #tpu.memory_space<vmem>>, vector<16xf32>,
        %add3A_1361 = arith.addf %add3A_1357, %get3A_1360 : vector<16xf32>
        %mul3A_1362 = arith.constant 2.000000e-01 : f32
        %mul3A_1363 = vector.broadcast %mul3A_1362 : f32 to vector<16xf32>
        %mul3A_1364 = arith.mulf %mul3A_1363, %add3A_1361 : vector<16xf32>
        %max3A_1365 = arith.maximumf %add3A_1361, %mul3A_1364 : vector<16xf32>
        %get3A_1366 = arith.constant 64 : index
        %get3A_1367 = tpu.vector_load %arg27[%get3A_1366] {strides = array<i32>} : memref<128xf32, #tpu.memory_space<vmem>>, vector<16xf32>,
        %mul3A_1368 = arith.mulf %max3A_1365, %get3A_1367 : vector<16xf32>
        %get3A_1369 = arith.index_cast %scan3A_1234 : i32 to index
        %get3A_1370 = arith.constant 80 : index
        %get3A_1371 = tpu.vector_load %arg21[%get3A_1369, %get3A_1370] {strides = array<i32>} : memref<40x128xf32, #tpu.memory_space<vmem>>, vector<16xf32>,
        %get3A_1372 = arith.index_cast %scan3A_1234 : i32 to index
        %get3A_1373 = arith.constant 80 : index
        %get3A_1374 = tpu.vector_load %arg23[%get3A_1372, %get3A_1373] {strides = array<i32>} : memref<40x128xf32, #tpu.memory_space<vmem>>, vector<16xf32>,
        %add3A_1375 = arith.addf %get3A_1371, %get3A_1374 : vector<16xf32>
        %get3A_1376 = arith.index_cast %scan3A_1234 : i32 to index
        %get3A_1377 = arith.constant 80 : index
        %get3A_1378 = tpu.vector_load %arg25[%get3A_1376, %get3A_1377] {strides = array<i32>} : memref<40x128xf32, #tpu.memory_space<vmem>>, vector<16xf32>,
        %add3A_1379 = arith.addf %add3A_1375, %get3A_1378 : vector<16xf32>
        %mul3A_1380 = arith.constant 2.000000e-01 : f32
        %mul3A_1381 = vector.broadcast %mul3A_1380 : f32 to vector<16xf32>
        %mul3A_1382 = arith.mulf %mul3A_1381, %add3A_1379 : vector<16xf32>
        %max3A_1383 = arith.maximumf %add3A_1379, %mul3A_1382 : vector<16xf32>
        %get3A_1384 = arith.constant 80 : index
        %get3A_1385 = tpu.vector_load %arg27[%get3A_1384] {strides = array<i32>} : memref<128xf32, #tpu.memory_space<vmem>>, vector<16xf32>,
        %mul3A_1386 = arith.mulf %max3A_1383, %get3A_1385 : vector<16xf32>
        %add3A_1387 = arith.addf %mul3A_1368, %mul3A_1386 : vector<16xf32>
        %reduce_sum3A_1388 = arith.constant true
        %reduce_sum3A_1389 = vector.broadcast %reduce_sum3A_1388 : i1 to vector<16xi1>
        %reduce_sum3A_1390 = tpu.scan <sum>, %add3A_1387 masked %reduce_sum3A_1389 : vector<16xf32>, vector<16xi1> -> vector<16xf32>
        %reduce_sum3A_1391 = vector.extract %reduce_sum3A_1390[15] : f32 from vector<16xf32>
        %broadcast_in_dim3A_1392 = vector.broadcast %reduce_sum3A_1391 : f32 to vector<16xf32>
        %exp3A_1393 = math.exp %broadcast_in_dim3A_1392 : vector<16xf32>
        %eq3A_1394 = arith.constant 2 : i32
        %eq3A_1395 = vector.broadcast %eq3A_1394 : i32 to vector<16xi32>
        %eq3A_1396 = arith.cmpi eq, %iota3A, %eq3A_1395 : vector<16xi32>
        %jit3A_1397 = arith.constant 0.000000e+00 : f32
        %broadcast_in_dim3A_1398 = vector.broadcast %jit3A_1397 : f32 to vector<16xf32>
        %select_n3A_1399 = arith.select %eq3A_1396, %exp3A_1393, %broadcast_in_dim3A_1398 : vector<16xi1>, vector<16xf32>
        %add3A_1400 = arith.addf %add3A_1342, %select_n3A_1399 : vector<16xf32>
        %mul3A_1401 = arith.mulf %exp3A_1393, %get3A_1353 : vector<16xf32>
        %swap3A_1402 = arith.index_cast %scan3A_1234 : i32 to index
        %swap3A_1403 = arith.constant 64 : index
        %swap3A_1404 = tpu.vector_load %arg21[%swap3A_1402, %swap3A_1403] {strides = array<i32>} : memref<40x128xf32, #tpu.memory_space<vmem>>, vector<16xf32>,
        tpu.vector_store %arg21[%swap3A_1402, %swap3A_1403], %mul3A_1401 {strides = array<i32>} : memref<40x128xf32, #tpu.memory_space<vmem>>, vector<16xf32>,
        %mul3A_1405 = arith.mulf %exp3A_1393, %get3A_1371 : vector<16xf32>
        %swap3A_1406 = arith.index_cast %scan3A_1234 : i32 to index
        %swap3A_1407 = arith.constant 80 : index
        %swap3A_1408 = tpu.vector_load %arg21[%swap3A_1406, %swap3A_1407] {strides = array<i32>} : memref<40x128xf32, #tpu.memory_space<vmem>>, vector<16xf32>,
        tpu.vector_store %arg21[%swap3A_1406, %swap3A_1407], %mul3A_1405 {strides = array<i32>} : memref<40x128xf32, #tpu.memory_space<vmem>>, vector<16xf32>,
        %get3A_1409 = arith.index_cast %scan3A_1234 : i32 to index
        %get3A_1410 = arith.constant 96 : index
        %get3A_1411 = tpu.vector_load %arg21[%get3A_1409, %get3A_1410] {strides = array<i32>} : memref<40x128xf32, #tpu.memory_space<vmem>>, vector<16xf32>,
        %get3A_1412 = arith.index_cast %scan3A_1234 : i32 to index
        %get3A_1413 = arith.constant 96 : index
        %get3A_1414 = tpu.vector_load %arg23[%get3A_1412, %get3A_1413] {strides = array<i32>} : memref<40x128xf32, #tpu.memory_space<vmem>>, vector<16xf32>,
        %add3A_1415 = arith.addf %get3A_1411, %get3A_1414 : vector<16xf32>
        %get3A_1416 = arith.index_cast %scan3A_1234 : i32 to index
        %get3A_1417 = arith.constant 96 : index
        %get3A_1418 = tpu.vector_load %arg25[%get3A_1416, %get3A_1417] {strides = array<i32>} : memref<40x128xf32, #tpu.memory_space<vmem>>, vector<16xf32>,
        %add3A_1419 = arith.addf %add3A_1415, %get3A_1418 : vector<16xf32>
        %mul3A_1420 = arith.constant 2.000000e-01 : f32
        %mul3A_1421 = vector.broadcast %mul3A_1420 : f32 to vector<16xf32>
        %mul3A_1422 = arith.mulf %mul3A_1421, %add3A_1419 : vector<16xf32>
        %max3A_1423 = arith.maximumf %add3A_1419, %mul3A_1422 : vector<16xf32>
        %get3A_1424 = arith.constant 96 : index
        %get3A_1425 = tpu.vector_load %arg27[%get3A_1424] {strides = array<i32>} : memref<128xf32, #tpu.memory_space<vmem>>, vector<16xf32>,
        %mul3A_1426 = arith.mulf %max3A_1423, %get3A_1425 : vector<16xf32>
        %get3A_1427 = arith.index_cast %scan3A_1234 : i32 to index
        %get3A_1428 = arith.constant 112 : index
        %get3A_1429 = tpu.vector_load %arg21[%get3A_1427, %get3A_1428] {strides = array<i32>} : memref<40x128xf32, #tpu.memory_space<vmem>>, vector<16xf32>,
        %get3A_1430 = arith.index_cast %scan3A_1234 : i32 to index
        %get3A_1431 = arith.constant 112 : index
        %get3A_1432 = tpu.vector_load %arg23[%get3A_1430, %get3A_1431] {strides = array<i32>} : memref<40x128xf32, #tpu.memory_space<vmem>>, vector<16xf32>,
        %add3A_1433 = arith.addf %get3A_1429, %get3A_1432 : vector<16xf32>
        %get3A_1434 = arith.index_cast %scan3A_1234 : i32 to index
        %get3A_1435 = arith.constant 112 : index
        %get3A_1436 = tpu.vector_load %arg25[%get3A_1434, %get3A_1435] {strides = array<i32>} : memref<40x128xf32, #tpu.memory_space<vmem>>, vector<16xf32>,
        %add3A_1437 = arith.addf %add3A_1433, %get3A_1436 : vector<16xf32>
        %mul3A_1438 = arith.constant 2.000000e-01 : f32
        %mul3A_1439 = vector.broadcast %mul3A_1438 : f32 to vector<16xf32>
        %mul3A_1440 = arith.mulf %mul3A_1439, %add3A_1437 : vector<16xf32>
        %max3A_1441 = arith.maximumf %add3A_1437, %mul3A_1440 : vector<16xf32>
        %get3A_1442 = arith.constant 112 : index
        %get3A_1443 = tpu.vector_load %arg27[%get3A_1442] {strides = array<i32>} : memref<128xf32, #tpu.memory_space<vmem>>, vector<16xf32>,
        %mul3A_1444 = arith.mulf %max3A_1441, %get3A_1443 : vector<16xf32>
        %add3A_1445 = arith.addf %mul3A_1426, %mul3A_1444 : vector<16xf32>
        %reduce_sum3A_1446 = arith.constant true
        %reduce_sum3A_1447 = vector.broadcast %reduce_sum3A_1446 : i1 to vector<16xi1>
        %reduce_sum3A_1448 = tpu.scan <sum>, %add3A_1445 masked %reduce_sum3A_1447 : vector<16xf32>, vector<16xi1> -> vector<16xf32>
        %reduce_sum3A_1449 = vector.extract %reduce_sum3A_1448[15] : f32 from vector<16xf32>
        %broadcast_in_dim3A_1450 = vector.broadcast %reduce_sum3A_1449 : f32 to vector<16xf32>
        %exp3A_1451 = math.exp %broadcast_in_dim3A_1450 : vector<16xf32>
        %eq3A_1452 = arith.constant 3 : i32
        %eq3A_1453 = vector.broadcast %eq3A_1452 : i32 to vector<16xi32>
        %eq3A_1454 = arith.cmpi eq, %iota3A, %eq3A_1453 : vector<16xi32>
        %jit3A_1455 = arith.constant 0.000000e+00 : f32
        %broadcast_in_dim3A_1456 = vector.broadcast %jit3A_1455 : f32 to vector<16xf32>
        %select_n3A_1457 = arith.select %eq3A_1454, %exp3A_1451, %broadcast_in_dim3A_1456 : vector<16xi1>, vector<16xf32>
        %add3A_1458 = arith.addf %add3A_1400, %select_n3A_1457 : vector<16xf32>
        %mul3A_1459 = arith.mulf %exp3A_1451, %get3A_1411 : vector<16xf32>
        %swap3A_1460 = arith.index_cast %scan3A_1234 : i32 to index
        %swap3A_1461 = arith.constant 96 : index
        %swap3A_1462 = tpu.vector_load %arg21[%swap3A_1460, %swap3A_1461] {strides = array<i32>} : memref<40x128xf32, #tpu.memory_space<vmem>>, vector<16xf32>,
        tpu.vector_store %arg21[%swap3A_1460, %swap3A_1461], %mul3A_1459 {strides = array<i32>} : memref<40x128xf32, #tpu.memory_space<vmem>>, vector<16xf32>,
        %mul3A_1463 = arith.mulf %exp3A_1451, %get3A_1429 : vector<16xf32>
        %swap3A_1464 = arith.index_cast %scan3A_1234 : i32 to index
        %swap3A_1465 = arith.constant 112 : index
        %swap3A_1466 = tpu.vector_load %arg21[%swap3A_1464, %swap3A_1465] {strides = array<i32>} : memref<40x128xf32, #tpu.memory_space<vmem>>, vector<16xf32>,
        tpu.vector_store %arg21[%swap3A_1464, %swap3A_1465], %mul3A_1463 {strides = array<i32>} : memref<40x128xf32, #tpu.memory_space<vmem>>, vector<16xf32>,
        %mul3A_1467 = arith.constant 16 : i32
        %mul3A_1468 = arith.muli %scan3A_1234, %mul3A_1467 : i32
        %get3A_1469 = arith.index_cast %mul3A_1468 : i32 to index
        %get3A_1470 = tpu.vector_load %arg26[%get3A_1469] {strides = array<i32>} : memref<640xf32, #tpu.memory_space<vmem>>, vector<16xf32>,
        %min3A_1471 = arith.constant 24 : i32
        %min3A_1472 = arith.minsi %scan3A_1234, %min3A_1471 : i32
        %get3A_1473 = arith.index_cast %min3A_1472 : i32 to index
        %get3A_1474 = tpu.vector_load %arg18[%get3A_1473] {strides = array<i32>} : memref<40xi32, #tpu.memory_space<vmem>>, vector<16xi32>,
        %sub3A_1475 = arith.subi %scan3A_1234, %min3A_1472 : i32
        %eq3A_1476 = vector.broadcast %sub3A_1475 : i32 to vector<16xi32>
        %eq3A_1477 = arith.cmpi eq, %iota3A, %eq3A_1476 : vector<16xi32>
        %jit3A_1478 = arith.constant 0 : i32
        %broadcast_in_dim3A_1479 = vector.broadcast %jit3A_1478 : i32 to vector<16xi32>
        %select_n3A_1480 = arith.select %eq3A_1477, %get3A_1474, %broadcast_in_dim3A_1479 : vector<16xi1>, vector<16xi32>
        %reduce_sum3A_1481 = arith.constant true
        %reduce_sum3A_1482 = vector.broadcast %reduce_sum3A_1481 : i1 to vector<16xi1>
        %reduce_sum3A_1483 = tpu.scan <sum>, %select_n3A_1480 masked %reduce_sum3A_1482 : vector<16xi32>, vector<16xi1> -> vector<16xi32>
        %reduce_sum3A_1484 = vector.extract %reduce_sum3A_1483[15] : i32 from vector<16xi32>
        %rem3A_1485 = arith.constant 4 : i32
        %rem3A_1486 = arith.remsi %reduce_sum3A_1484, %rem3A_1485 : i32
        %eq3A_1487 = arith.constant 0 : i32
        %eq3A_1488 = arith.cmpi eq, %rem3A_1486, %eq3A_1487 : i32
        %jit3A_1489 = arith.constant 1.000000e+00 : f32
        %jit3A_1490 = arith.constant 0.000000e+00 : f32
        %select_n3A_1491 = arith.select %eq3A_1488, %jit3A_1489, %jit3A_1490 : f32
        %mul3A_1492 = vector.broadcast %select_n3A_1491 : f32 to vector<16xf32>
        %mul3A_1493 = arith.mulf %mul3A_1492, %get3A_1470 : vector<16xf32>
        %swap3A_1494 = arith.index_cast %scan3A_1234 : i32 to index
        %swap3A_1495 = arith.constant 0 : index
        %swap3A_1496 = tpu.vector_load %arg25[%swap3A_1494, %swap3A_1495] {strides = array<i32>} : memref<40x128xf32, #tpu.memory_space<vmem>>, vector<16xf32>,
        tpu.vector_store %arg25[%swap3A_1494, %swap3A_1495], %mul3A_1493 {strides = array<i32>} : memref<40x128xf32, #tpu.memory_space<vmem>>, vector<16xf32>,
        %mul3A_1497 = vector.broadcast %select_n3A_1491 : f32 to vector<16xf32>
        %mul3A_1498 = arith.mulf %mul3A_1497, %add3A_1458 : vector<16xf32>
        %swap3A_1499 = arith.index_cast %scan3A_1234 : i32 to index
        %swap3A_1500 = arith.constant 16 : index
        %swap3A_1501 = tpu.vector_load %arg25[%swap3A_1499, %swap3A_1500] {strides = array<i32>} : memref<40x128xf32, #tpu.memory_space<vmem>>, vector<16xf32>,
        tpu.vector_store %arg25[%swap3A_1499, %swap3A_1500], %mul3A_1498 {strides = array<i32>} : memref<40x128xf32, #tpu.memory_space<vmem>>, vector<16xf32>,
        %eq3A_1502 = arith.constant 1 : i32
        %eq3A_1503 = arith.cmpi eq, %rem3A_1486, %eq3A_1502 : i32
        %jit3A_1504 = arith.constant 1.000000e+00 : f32
        %jit3A_1505 = arith.constant 0.000000e+00 : f32
        %select_n3A_1506 = arith.select %eq3A_1503, %jit3A_1504, %jit3A_1505 : f32
        %mul3A_1507 = vector.broadcast %select_n3A_1506 : f32 to vector<16xf32>
        %mul3A_1508 = arith.mulf %mul3A_1507, %get3A_1470 : vector<16xf32>
        %swap3A_1509 = arith.index_cast %scan3A_1234 : i32 to index
        %swap3A_1510 = arith.constant 32 : index
        %swap3A_1511 = tpu.vector_load %arg25[%swap3A_1509, %swap3A_1510] {strides = array<i32>} : memref<40x128xf32, #tpu.memory_space<vmem>>, vector<16xf32>,
        tpu.vector_store %arg25[%swap3A_1509, %swap3A_1510], %mul3A_1508 {strides = array<i32>} : memref<40x128xf32, #tpu.memory_space<vmem>>, vector<16xf32>,
        %mul3A_1512 = vector.broadcast %select_n3A_1506 : f32 to vector<16xf32>
        %mul3A_1513 = arith.mulf %mul3A_1512, %add3A_1458 : vector<16xf32>
        %swap3A_1514 = arith.index_cast %scan3A_1234 : i32 to index
        %swap3A_1515 = arith.constant 48 : index
        %swap3A_1516 = tpu.vector_load %arg25[%swap3A_1514, %swap3A_1515] {strides = array<i32>} : memref<40x128xf32, #tpu.memory_space<vmem>>, vector<16xf32>,
        tpu.vector_store %arg25[%swap3A_1514, %swap3A_1515], %mul3A_1513 {strides = array<i32>} : memref<40x128xf32, #tpu.memory_space<vmem>>, vector<16xf32>,
        %eq3A_1517 = arith.constant 2 : i32
        %eq3A_1518 = arith.cmpi eq, %rem3A_1486, %eq3A_1517 : i32
        %jit3A_1519 = arith.constant 1.000000e+00 : f32
        %jit3A_1520 = arith.constant 0.000000e+00 : f32
        %select_n3A_1521 = arith.select %eq3A_1518, %jit3A_1519, %jit3A_1520 : f32
        %mul3A_1522 = vector.broadcast %select_n3A_1521 : f32 to vector<16xf32>
        %mul3A_1523 = arith.mulf %mul3A_1522, %get3A_1470 : vector<16xf32>
        %swap3A_1524 = arith.index_cast %scan3A_1234 : i32 to index
        %swap3A_1525 = arith.constant 64 : index
        %swap3A_1526 = tpu.vector_load %arg25[%swap3A_1524, %swap3A_1525] {strides = array<i32>} : memref<40x128xf32, #tpu.memory_space<vmem>>, vector<16xf32>,
        tpu.vector_store %arg25[%swap3A_1524, %swap3A_1525], %mul3A_1523 {strides = array<i32>} : memref<40x128xf32, #tpu.memory_space<vmem>>, vector<16xf32>,
        %mul3A_1527 = vector.broadcast %select_n3A_1521 : f32 to vector<16xf32>
        %mul3A_1528 = arith.mulf %mul3A_1527, %add3A_1458 : vector<16xf32>
        %swap3A_1529 = arith.index_cast %scan3A_1234 : i32 to index
        %swap3A_1530 = arith.constant 80 : index
        %swap3A_1531 = tpu.vector_load %arg25[%swap3A_1529, %swap3A_1530] {strides = array<i32>} : memref<40x128xf32, #tpu.memory_space<vmem>>, vector<16xf32>,
        tpu.vector_store %arg25[%swap3A_1529, %swap3A_1530], %mul3A_1528 {strides = array<i32>} : memref<40x128xf32, #tpu.memory_space<vmem>>, vector<16xf32>,
        %eq3A_1532 = arith.constant 3 : i32
        %eq3A_1533 = arith.cmpi eq, %rem3A_1486, %eq3A_1532 : i32
        %jit3A_1534 = arith.constant 1.000000e+00 : f32
        %jit3A_1535 = arith.constant 0.000000e+00 : f32
        %select_n3A_1536 = arith.select %eq3A_1533, %jit3A_1534, %jit3A_1535 : f32
        %mul3A_1537 = vector.broadcast %select_n3A_1536 : f32 to vector<16xf32>
        %mul3A_1538 = arith.mulf %mul3A_1537, %get3A_1470 : vector<16xf32>
        %swap3A_1539 = arith.index_cast %scan3A_1234 : i32 to index
        %swap3A_1540 = arith.constant 96 : index
        %swap3A_1541 = tpu.vector_load %arg25[%swap3A_1539, %swap3A_1540] {strides = array<i32>} : memref<40x128xf32, #tpu.memory_space<vmem>>, vector<16xf32>,
        tpu.vector_store %arg25[%swap3A_1539, %swap3A_1540], %mul3A_1538 {strides = array<i32>} : memref<40x128xf32, #tpu.memory_space<vmem>>, vector<16xf32>,
        %mul3A_1542 = vector.broadcast %select_n3A_1536 : f32 to vector<16xf32>
        %mul3A_1543 = arith.mulf %mul3A_1542, %add3A_1458 : vector<16xf32>
        %swap3A_1544 = arith.index_cast %scan3A_1234 : i32 to index
        %swap3A_1545 = arith.constant 112 : index
        %swap3A_1546 = tpu.vector_load %arg25[%swap3A_1544, %swap3A_1545] {strides = array<i32>} : memref<40x128xf32, #tpu.memory_space<vmem>>, vector<16xf32>,
        tpu.vector_store %arg25[%swap3A_1544, %swap3A_1545], %mul3A_1543 {strides = array<i32>} : memref<40x128xf32, #tpu.memory_space<vmem>>, vector<16xf32>,
      }
      %scan3A_247 = arith.constant 40 : i32
      "tpu.region"() ({
        %run_scoped3A = tpu.sem_alloc : memref<!tpu.dma_semaphore, #tpu.memory_space<semaphore_mem>>
        %dma_start3A_298 = arith.constant 0 : i32
        %dma_start3A_299 = arith.constant 0 : i32
        %dma_start3A_300 = tpu.memref_slice %arg12[%dma_start3A_298, %dma_start3A_299] : memref<10240x128xf32, #tpu.memory_space<vmem_shared>> -> memref<10240x128xf32, #tpu.memory_space<vmem_shared>>
        tpu.enqueue_indirect_dma source(%arg21 : memref<40x128xf32, #tpu.memory_space<vmem>>) target(%dma_start3A_300 : memref<10240x128xf32, #tpu.memory_space<vmem_shared>>) offsets(%arg18 : memref<40xi32, #tpu.memory_space<vmem>>) semaphore(%run_scoped3A : memref<!tpu.dma_semaphore, #tpu.memory_space<semaphore_mem>>) {add = true}
        %dma_wait3A_301 = arith.constant 0 : i32
        %dma_wait3A_302 = arith.constant 0 : i32
        %dma_wait3A_303 = tpu.memref_slice %arg12[%dma_wait3A_301, %dma_wait3A_302] : memref<10240x128xf32, #tpu.memory_space<vmem_shared>> -> memref<10240x128xf32, #tpu.memory_space<vmem_shared>>
        tpu.wait_indirect_dma semaphore(%run_scoped3A : memref<!tpu.dma_semaphore, #tpu.memory_space<semaphore_mem>>) src(%arg21 : memref<40x128xf32, #tpu.memory_space<vmem>>) dst(%dma_wait3A_303 : memref<10240x128xf32, #tpu.memory_space<vmem_shared>>)
        tpu.yield
      }) : () -> ()
      "tpu.region"() ({
        %run_scoped3A = tpu.sem_alloc : memref<!tpu.dma_semaphore, #tpu.memory_space<semaphore_mem>>
        %dma_start3A_298 = arith.constant 0 : i32
        %dma_start3A_299 = arith.constant 0 : i32
        %dma_start3A_300 = tpu.memref_slice %arg13[%dma_start3A_298, %dma_start3A_299] : memref<2560x128xf32, #tpu.memory_space<vmem_shared>> -> memref<2560x128xf32, #tpu.memory_space<vmem_shared>>
        tpu.enqueue_indirect_dma source(%arg25 : memref<40x128xf32, #tpu.memory_space<vmem>>) target(%dma_start3A_300 : memref<2560x128xf32, #tpu.memory_space<vmem_shared>>) offsets(%arg20 : memref<40xi32, #tpu.memory_space<vmem>>) semaphore(%run_scoped3A : memref<!tpu.dma_semaphore, #tpu.memory_space<semaphore_mem>>) {add = true}
        %dma_wait3A_301 = arith.constant 0 : i32
        %dma_wait3A_302 = arith.constant 0 : i32
        %dma_wait3A_303 = tpu.memref_slice %arg13[%dma_wait3A_301, %dma_wait3A_302] : memref<2560x128xf32, #tpu.memory_space<vmem_shared>> -> memref<2560x128xf32, #tpu.memory_space<vmem_shared>>
        tpu.wait_indirect_dma semaphore(%run_scoped3A : memref<!tpu.dma_semaphore, #tpu.memory_space<semaphore_mem>>) src(%arg25 : memref<40x128xf32, #tpu.memory_space<vmem>>) dst(%dma_wait3A_303 : memref<2560x128xf32, #tpu.memory_space<vmem_shared>>)
        tpu.yield
      }) : () -> ()
      %add3A_248 = arith.constant 2 : i32
      %add3A_249 = arith.addi %add3A_202, %add3A_248 : i32
      %lt3A_250 = arith.constant 250 : i32
      %lt3A_251 = arith.cmpi slt, %add3A_249, %lt3A_250 : i32
      %convert_element_type3A_252 = arith.extui %lt3A_251 : i1 to i32
      %cond3A_253 = arith.constant 0 : i32
      %cond3A_254 = arith.cmpi ne, %convert_element_type3A_252, %cond3A_253 : i32
      scf.if %cond3A_254 {
        %rem3A_298 = arith.constant 10 : i32
        %rem3A_299 = arith.remsi %add3A_249, %rem3A_298 : i32
        %eq3A_300 = arith.constant 0 : i32
        %eq3A_301 = arith.cmpi eq, %rem3A_299, %eq3A_300 : i32
        %convert_element_type3A_302 = arith.extui %eq3A_301 : i1 to i32
        %cond3A_303 = arith.constant 0 : i32
        %cond3A_304 = arith.cmpi ne, %convert_element_type3A_302, %cond3A_303 : i32
        scf.if %cond3A_304 {
          %mul3A_357 = arith.constant 40 : i32
          %mul3A_358 = arith.muli %add3A_249, %mul3A_357 : i32
          %add3A_359 = arith.addi %mul3A_46, %mul3A_358 : i32
          "tpu.region"() ({
            %run_scoped3A = tpu.sem_alloc : memref<!tpu.dma_semaphore, #tpu.memory_space<semaphore_mem>>
            %dma_start3A_363 = tpu.memref_slice %arg6[%add3A_359] : memref<320000xi32, #tpu.memory_space<hbm>> -> memref<400xi32, #tpu.memory_space<hbm>>
            %dma_start3A_364 = tpu.memref_slice %arg6[%add3A_359] : memref<320000xi32, #tpu.memory_space<hbm>> -> memref<400xi32, #tpu.memory_space<hbm>>
            tpu.enqueue_dma source(%dma_start3A_364 : memref<400xi32, #tpu.memory_space<hbm>>) target(%arg14 : memref<400xi32, #tpu.memory_space<vmem>>) target_semaphore(%run_scoped3A : memref<!tpu.dma_semaphore, #tpu.memory_space<semaphore_mem>>)
            %dma_wait3A_365 = tpu.memref_slice %arg6[%add3A_359] : memref<320000xi32, #tpu.memory_space<hbm>> -> memref<400xi32, #tpu.memory_space<hbm>>
            %dma_wait3A_366 = tpu.memref_slice %arg6[%add3A_359] : memref<320000xi32, #tpu.memory_space<hbm>> -> memref<400xi32, #tpu.memory_space<hbm>>
            tpu.wait_dma2 semaphore(%run_scoped3A : memref<!tpu.dma_semaphore, #tpu.memory_space<semaphore_mem>>) src(%dma_wait3A_366 : memref<400xi32, #tpu.memory_space<hbm>>) dst(%arg14 : memref<400xi32, #tpu.memory_space<vmem>>)
            tpu.yield
          }) : () -> ()
          %mul3A_360 = arith.constant 40 : i32
          %mul3A_361 = arith.muli %add3A_249, %mul3A_360 : i32
          %add3A_362 = arith.addi %mul3A_46, %mul3A_361 : i32
          "tpu.region"() ({
            %run_scoped3A = tpu.sem_alloc : memref<!tpu.dma_semaphore, #tpu.memory_space<semaphore_mem>>
            %dma_start3A_363 = tpu.memref_slice %arg7[%add3A_362] : memref<320000xi32, #tpu.memory_space<hbm>> -> memref<400xi32, #tpu.memory_space<hbm>>
            %dma_start3A_364 = tpu.memref_slice %arg7[%add3A_362] : memref<320000xi32, #tpu.memory_space<hbm>> -> memref<400xi32, #tpu.memory_space<hbm>>
            tpu.enqueue_dma source(%dma_start3A_364 : memref<400xi32, #tpu.memory_space<hbm>>) target(%arg15 : memref<400xi32, #tpu.memory_space<vmem>>) target_semaphore(%run_scoped3A : memref<!tpu.dma_semaphore, #tpu.memory_space<semaphore_mem>>)
            %dma_wait3A_365 = tpu.memref_slice %arg7[%add3A_362] : memref<320000xi32, #tpu.memory_space<hbm>> -> memref<400xi32, #tpu.memory_space<hbm>>
            %dma_wait3A_366 = tpu.memref_slice %arg7[%add3A_362] : memref<320000xi32, #tpu.memory_space<hbm>> -> memref<400xi32, #tpu.memory_space<hbm>>
            tpu.wait_dma2 semaphore(%run_scoped3A : memref<!tpu.dma_semaphore, #tpu.memory_space<semaphore_mem>>) src(%dma_wait3A_366 : memref<400xi32, #tpu.memory_space<hbm>>) dst(%arg15 : memref<400xi32, #tpu.memory_space<vmem>>)
            tpu.yield
          }) : () -> ()
        } else {
        }
        %rem3A_305 = arith.constant 10 : i32
        %rem3A_306 = arith.remsi %add3A_249, %rem3A_305 : i32
        %mul3A_307 = arith.constant 40 : i32
        %mul3A_308 = arith.muli %rem3A_306, %mul3A_307 : i32
        %add3A_309 = arith.constant 0 : i32
        %add3A_310 = vector.broadcast %add3A_309 : i32 to vector<16xi32>
        %add3A_311 = arith.addi %add3A_310, %iota3A : vector<16xi32>
        %add3A_312 = arith.constant 0 : i32
        %add3A_313 = arith.addi %mul3A_308, %add3A_312 : i32
        %get3A_314 = arith.index_cast %add3A_313 : i32 to index
        %get3A_315 = tpu.vector_load %arg14[%get3A_314] {strides = array<i32>} : memref<400xi32, #tpu.memory_space<vmem>>, vector<16xi32>,
        tpu.vector_store_idx %arg16[%add3A_311], %get3A_315 : memref<40xi32, #tpu.memory_space<vmem>>[vector<16xi32>], vector<16xi32>,
        %add3A_316 = arith.constant 0 : i32
        %add3A_317 = vector.broadcast %add3A_316 : i32 to vector<16xi32>
        %add3A_318 = arith.addi %add3A_317, %iota3A : vector<16xi32>
        %add3A_319 = arith.constant 0 : i32
        %add3A_320 = arith.addi %mul3A_308, %add3A_319 : i32
        %get3A_321 = arith.index_cast %add3A_320 : i32 to index
        %get3A_322 = tpu.vector_load %arg15[%get3A_321] {strides = array<i32>} : memref<400xi32, #tpu.memory_space<vmem>>, vector<16xi32>,
        tpu.vector_store_idx %arg18[%add3A_318], %get3A_322 : memref<40xi32, #tpu.memory_space<vmem>>[vector<16xi32>], vector<16xi32>,
        %add3A_323 = arith.constant 16 : i32
        %add3A_324 = vector.broadcast %add3A_323 : i32 to vector<16xi32>
        %add3A_325 = arith.addi %add3A_324, %iota3A : vector<16xi32>
        %add3A_326 = arith.constant 16 : i32
        %add3A_327 = arith.addi %mul3A_308, %add3A_326 : i32
        %get3A_328 = arith.index_cast %add3A_327 : i32 to index
        %get3A_329 = tpu.vector_load %arg14[%get3A_328] {strides = array<i32>} : memref<400xi32, #tpu.memory_space<vmem>>, vector<16xi32>,
        tpu.vector_store_idx %arg16[%add3A_325], %get3A_329 : memref<40xi32, #tpu.memory_space<vmem>>[vector<16xi32>], vector<16xi32>,
        %add3A_330 = arith.constant 16 : i32
        %add3A_331 = vector.broadcast %add3A_330 : i32 to vector<16xi32>
        %add3A_332 = arith.addi %add3A_331, %iota3A : vector<16xi32>
        %add3A_333 = arith.constant 16 : i32
        %add3A_334 = arith.addi %mul3A_308, %add3A_333 : i32
        %get3A_335 = arith.index_cast %add3A_334 : i32 to index
        %get3A_336 = tpu.vector_load %arg15[%get3A_335] {strides = array<i32>} : memref<400xi32, #tpu.memory_space<vmem>>, vector<16xi32>,
        tpu.vector_store_idx %arg18[%add3A_332], %get3A_336 : memref<40xi32, #tpu.memory_space<vmem>>[vector<16xi32>], vector<16xi32>,
        %add3A_337 = arith.constant 24 : i32
        %add3A_338 = vector.broadcast %add3A_337 : i32 to vector<16xi32>
        %add3A_339 = arith.addi %add3A_338, %iota3A : vector<16xi32>
        %add3A_340 = arith.constant 24 : i32
        %add3A_341 = arith.addi %mul3A_308, %add3A_340 : i32
        %get3A_342 = arith.index_cast %add3A_341 : i32 to index
        %get3A_343 = tpu.vector_load %arg14[%get3A_342] {strides = array<i32>} : memref<400xi32, #tpu.memory_space<vmem>>, vector<16xi32>,
        tpu.vector_store_idx %arg16[%add3A_339], %get3A_343 : memref<40xi32, #tpu.memory_space<vmem>>[vector<16xi32>], vector<16xi32>,
        %add3A_344 = arith.constant 24 : i32
        %add3A_345 = vector.broadcast %add3A_344 : i32 to vector<16xi32>
        %add3A_346 = arith.addi %add3A_345, %iota3A : vector<16xi32>
        %add3A_347 = arith.constant 24 : i32
        %add3A_348 = arith.addi %mul3A_308, %add3A_347 : i32
        %get3A_349 = arith.index_cast %add3A_348 : i32 to index
        %get3A_350 = tpu.vector_load %arg15[%get3A_349] {strides = array<i32>} : memref<400xi32, #tpu.memory_space<vmem>>, vector<16xi32>,
        tpu.vector_store_idx %arg18[%add3A_346], %get3A_350 : memref<40xi32, #tpu.memory_space<vmem>>[vector<16xi32>], vector<16xi32>,
        %dma_start3A_351 = arith.constant 0 : i32
        %dma_start3A_352 = arith.constant 0 : i32
        %dma_start3A_353 = tpu.memref_slice %arg2[%dma_start3A_351, %dma_start3A_352] : memref<10000x128xf32, #tpu.memory_space<hbm>> -> memref<10000x128xf32, #tpu.memory_space<hbm>>
        tpu.enqueue_indirect_dma source(%dma_start3A_353 : memref<10000x128xf32, #tpu.memory_space<hbm>>) target(%arg21 : memref<40x128xf32, #tpu.memory_space<vmem>>) offsets(%arg16 : memref<40xi32, #tpu.memory_space<vmem>>) semaphore(%arg28 : memref<!tpu.dma_semaphore, #tpu.memory_space<semaphore_mem>>)
        %dma_start3A_354 = arith.constant 0 : i32
        %dma_start3A_355 = arith.constant 0 : i32
        %dma_start3A_356 = tpu.memref_slice %arg3[%dma_start3A_354, %dma_start3A_355] : memref<10000x128xf32, #tpu.memory_space<hbm>> -> memref<10000x128xf32, #tpu.memory_space<hbm>>
        tpu.enqueue_indirect_dma source(%dma_start3A_356 : memref<10000x128xf32, #tpu.memory_space<hbm>>) target(%arg23 : memref<40x128xf32, #tpu.memory_space<vmem>>) offsets(%arg18 : memref<40xi32, #tpu.memory_space<vmem>>) semaphore(%arg30 : memref<!tpu.dma_semaphore, #tpu.memory_space<semaphore_mem>>)
      } else {
      }
      %add3A_255 = arith.constant 1 : i32
      %add3A_256 = arith.addi %add3A_202, %add3A_255 : i32
      %mul3A_257 = arith.constant 40 : i32
      %mul3A_258 = arith.muli %add3A_256, %mul3A_257 : i32
      %add3A_259 = arith.addi %mul3A_46, %mul3A_258 : i32
      "tpu.region"() ({
        %run_scoped3A = tpu.sem_alloc : memref<!tpu.dma_semaphore, #tpu.memory_space<semaphore_mem>>
        %dma_start3A_298 = arith.constant 0 : i32
        %dma_start3A_299 = tpu.memref_slice %arg4[%add3A_259, %dma_start3A_298] : memref<320000x128xf32, #tpu.memory_space<hbm>> -> memref<40x128xf32, #tpu.memory_space<hbm>>
        %dma_start3A_300 = arith.constant 0 : i32
        %dma_start3A_301 = tpu.memref_slice %arg4[%add3A_259, %dma_start3A_300] : memref<320000x128xf32, #tpu.memory_space<hbm>> -> memref<40x128xf32, #tpu.memory_space<hbm>>
        tpu.enqueue_dma source(%dma_start3A_301 : memref<40x128xf32, #tpu.memory_space<hbm>>) target(%arg25 : memref<40x128xf32, #tpu.memory_space<vmem>>) target_semaphore(%run_scoped3A : memref<!tpu.dma_semaphore, #tpu.memory_space<semaphore_mem>>)
        %dma_wait3A_302 = arith.constant 0 : i32
        %dma_wait3A_303 = tpu.memref_slice %arg4[%add3A_259, %dma_wait3A_302] : memref<320000x128xf32, #tpu.memory_space<hbm>> -> memref<40x128xf32, #tpu.memory_space<hbm>>
        %dma_wait3A_304 = arith.constant 0 : i32
        %dma_wait3A_305 = tpu.memref_slice %arg4[%add3A_259, %dma_wait3A_304] : memref<320000x128xf32, #tpu.memory_space<hbm>> -> memref<40x128xf32, #tpu.memory_space<hbm>>
        tpu.wait_dma2 semaphore(%run_scoped3A : memref<!tpu.dma_semaphore, #tpu.memory_space<semaphore_mem>>) src(%dma_wait3A_305 : memref<40x128xf32, #tpu.memory_space<hbm>>) dst(%arg25 : memref<40x128xf32, #tpu.memory_space<vmem>>)
        tpu.yield
      }) : () -> ()
      %mul3A_260 = arith.constant 16 : i32
      %mul3A_261 = arith.muli %add3A_259, %mul3A_260 : i32
      "tpu.region"() ({
        %run_scoped3A = tpu.sem_alloc : memref<!tpu.dma_semaphore, #tpu.memory_space<semaphore_mem>>
        %dma_start3A_298 = tpu.memref_slice %arg5[%mul3A_261] : memref<5120000xf32, #tpu.memory_space<hbm>> -> memref<640xf32, #tpu.memory_space<hbm>>
        %dma_start3A_299 = tpu.memref_slice %arg5[%mul3A_261] : memref<5120000xf32, #tpu.memory_space<hbm>> -> memref<640xf32, #tpu.memory_space<hbm>>
        tpu.enqueue_dma source(%dma_start3A_299 : memref<640xf32, #tpu.memory_space<hbm>>) target(%arg26 : memref<640xf32, #tpu.memory_space<vmem>>) target_semaphore(%run_scoped3A : memref<!tpu.dma_semaphore, #tpu.memory_space<semaphore_mem>>)
        %dma_wait3A_300 = tpu.memref_slice %arg5[%mul3A_261] : memref<5120000xf32, #tpu.memory_space<hbm>> -> memref<640xf32, #tpu.memory_space<hbm>>
        %dma_wait3A_301 = tpu.memref_slice %arg5[%mul3A_261] : memref<5120000xf32, #tpu.memory_space<hbm>> -> memref<640xf32, #tpu.memory_space<hbm>>
        tpu.wait_dma2 semaphore(%run_scoped3A : memref<!tpu.dma_semaphore, #tpu.memory_space<semaphore_mem>>) src(%dma_wait3A_301 : memref<640xf32, #tpu.memory_space<hbm>>) dst(%arg26 : memref<640xf32, #tpu.memory_space<vmem>>)
        tpu.yield
      }) : () -> ()
      %get3A_262 = arith.constant 0 : index
      %get3A_263 = tpu.vector_load %arg19[%get3A_262] {strides = array<i32>} : memref<40xi32, #tpu.memory_space<vmem>>, vector<16xi32>,
      %add3A_264 = arith.constant 0 : i32
      %add3A_265 = vector.broadcast %add3A_264 : i32 to vector<16xi32>
      %add3A_266 = arith.addi %add3A_265, %iota3A : vector<16xi32>
      %shift_right_logical3A_267 = arith.constant 2 : i32
      %shift_right_logical3A_268 = vector.broadcast %shift_right_logical3A_267 : i32 to vector<16xi32>
      %shift_right_logical3A_269 = arith.shrui %get3A_263, %shift_right_logical3A_268 : vector<16xi32>
      tpu.vector_store_idx %arg20[%add3A_266], %shift_right_logical3A_269 : memref<40xi32, #tpu.memory_space<vmem>>[vector<16xi32>], vector<16xi32>,
      %get3A_270 = arith.constant 16 : index
      %get3A_271 = tpu.vector_load %arg19[%get3A_270] {strides = array<i32>} : memref<40xi32, #tpu.memory_space<vmem>>, vector<16xi32>,
      %add3A_272 = arith.constant 16 : i32
      %add3A_273 = vector.broadcast %add3A_272 : i32 to vector<16xi32>
      %add3A_274 = arith.addi %add3A_273, %iota3A : vector<16xi32>
      %shift_right_logical3A_275 = arith.constant 2 : i32
      %shift_right_logical3A_276 = vector.broadcast %shift_right_logical3A_275 : i32 to vector<16xi32>
      %shift_right_logical3A_277 = arith.shrui %get3A_271, %shift_right_logical3A_276 : vector<16xi32>
      tpu.vector_store_idx %arg20[%add3A_274], %shift_right_logical3A_277 : memref<40xi32, #tpu.memory_space<vmem>>[vector<16xi32>], vector<16xi32>,
      %get3A_278 = arith.constant 24 : index
      %get3A_279 = tpu.vector_load %arg19[%get3A_278] {strides = array<i32>} : memref<40xi32, #tpu.memory_space<vmem>>, vector<16xi32>,
      %add3A_280 = arith.constant 24 : i32
      %add3A_281 = vector.broadcast %add3A_280 : i32 to vector<16xi32>
      %add3A_282 = arith.addi %add3A_281, %iota3A : vector<16xi32>
      %shift_right_logical3A_283 = arith.constant 2 : i32
      %shift_right_logical3A_284 = vector.broadcast %shift_right_logical3A_283 : i32 to vector<16xi32>
      %shift_right_logical3A_285 = arith.shrui %get3A_279, %shift_right_logical3A_284 : vector<16xi32>
      tpu.vector_store_idx %arg20[%add3A_282], %shift_right_logical3A_285 : memref<40xi32, #tpu.memory_space<vmem>>[vector<16xi32>], vector<16xi32>,
      %dma_wait3A_286 = arith.constant 0 : i32
      %dma_wait3A_287 = arith.constant 0 : i32
      %dma_wait3A_288 = tpu.memref_slice %arg2[%dma_wait3A_286, %dma_wait3A_287] : memref<10000x128xf32, #tpu.memory_space<hbm>> -> memref<10000x128xf32, #tpu.memory_space<hbm>>
      tpu.wait_indirect_dma semaphore(%arg29 : memref<!tpu.dma_semaphore, #tpu.memory_space<semaphore_mem>>) src(%dma_wait3A_288 : memref<10000x128xf32, #tpu.memory_space<hbm>>) dst(%arg22 : memref<40x128xf32, #tpu.memory_space<vmem>>)
      %dma_wait3A_289 = arith.constant 0 : i32
      %dma_wait3A_290 = arith.constant 0 : i32
      %dma_wait3A_291 = tpu.memref_slice %arg3[%dma_wait3A_289, %dma_wait3A_290] : memref<10000x128xf32, #tpu.memory_space<hbm>> -> memref<10000x128xf32, #tpu.memory_space<hbm>>
      tpu.wait_indirect_dma semaphore(%arg31 : memref<!tpu.dma_semaphore, #tpu.memory_space<semaphore_mem>>) src(%dma_wait3A_291 : memref<10000x128xf32, #tpu.memory_space<hbm>>) dst(%arg24 : memref<40x128xf32, #tpu.memory_space<vmem>>)
      %scan3A_292 = arith.constant 0 : i32
      %scan3A_293 = arith.constant 0 : i32
      %scan3A_294 = arith.constant 40 : i32
      %scan3A_295 = arith.addi %scan3A_293, %scan3A_294 : i32
      %scan3A_296 = arith.constant 4 : i32
      scf.for %scan3A_298 = %scan3A_293 to %scan3A_295 step %scan3A_296  : i32 {
        %get3A_299 = arith.index_cast %scan3A_298 : i32 to index
        %get3A_300 = arith.constant 0 : index
        %get3A_301 = tpu.vector_load %arg22[%get3A_299, %get3A_300] {strides = array<i32>} : memref<40x128xf32, #tpu.memory_space<vmem>>, vector<16xf32>,
        %get3A_302 = arith.index_cast %scan3A_298 : i32 to index
        %get3A_303 = arith.constant 0 : index
        %get3A_304 = tpu.vector_load %arg24[%get3A_302, %get3A_303] {strides = array<i32>} : memref<40x128xf32, #tpu.memory_space<vmem>>, vector<16xf32>,
        %add3A_305 = arith.addf %get3A_301, %get3A_304 : vector<16xf32>
        %get3A_306 = arith.index_cast %scan3A_298 : i32 to index
        %get3A_307 = arith.constant 0 : index
        %get3A_308 = tpu.vector_load %arg25[%get3A_306, %get3A_307] {strides = array<i32>} : memref<40x128xf32, #tpu.memory_space<vmem>>, vector<16xf32>,
        %add3A_309 = arith.addf %add3A_305, %get3A_308 : vector<16xf32>
        %mul3A_310 = arith.constant 2.000000e-01 : f32
        %mul3A_311 = vector.broadcast %mul3A_310 : f32 to vector<16xf32>
        %mul3A_312 = arith.mulf %mul3A_311, %add3A_309 : vector<16xf32>
        %max3A = arith.maximumf %add3A_309, %mul3A_312 : vector<16xf32>
        %get3A_313 = arith.constant 0 : index
        %get3A_314 = tpu.vector_load %arg27[%get3A_313] {strides = array<i32>} : memref<128xf32, #tpu.memory_space<vmem>>, vector<16xf32>,
        %mul3A_315 = arith.mulf %max3A, %get3A_314 : vector<16xf32>
        %get3A_316 = arith.index_cast %scan3A_298 : i32 to index
        %get3A_317 = arith.constant 16 : index
        %get3A_318 = tpu.vector_load %arg22[%get3A_316, %get3A_317] {strides = array<i32>} : memref<40x128xf32, #tpu.memory_space<vmem>>, vector<16xf32>,
        %get3A_319 = arith.index_cast %scan3A_298 : i32 to index
        %get3A_320 = arith.constant 16 : index
        %get3A_321 = tpu.vector_load %arg24[%get3A_319, %get3A_320] {strides = array<i32>} : memref<40x128xf32, #tpu.memory_space<vmem>>, vector<16xf32>,
        %add3A_322 = arith.addf %get3A_318, %get3A_321 : vector<16xf32>
        %get3A_323 = arith.index_cast %scan3A_298 : i32 to index
        %get3A_324 = arith.constant 16 : index
        %get3A_325 = tpu.vector_load %arg25[%get3A_323, %get3A_324] {strides = array<i32>} : memref<40x128xf32, #tpu.memory_space<vmem>>, vector<16xf32>,
        %add3A_326 = arith.addf %add3A_322, %get3A_325 : vector<16xf32>
        %mul3A_327 = arith.constant 2.000000e-01 : f32
        %mul3A_328 = vector.broadcast %mul3A_327 : f32 to vector<16xf32>
        %mul3A_329 = arith.mulf %mul3A_328, %add3A_326 : vector<16xf32>
        %max3A_330 = arith.maximumf %add3A_326, %mul3A_329 : vector<16xf32>
        %get3A_331 = arith.constant 16 : index
        %get3A_332 = tpu.vector_load %arg27[%get3A_331] {strides = array<i32>} : memref<128xf32, #tpu.memory_space<vmem>>, vector<16xf32>,
        %mul3A_333 = arith.mulf %max3A_330, %get3A_332 : vector<16xf32>
        %add3A_334 = arith.addf %mul3A_315, %mul3A_333 : vector<16xf32>
        %reduce_sum3A = arith.constant true
        %reduce_sum3A_335 = vector.broadcast %reduce_sum3A : i1 to vector<16xi1>
        %reduce_sum3A_336 = tpu.scan <sum>, %add3A_334 masked %reduce_sum3A_335 : vector<16xf32>, vector<16xi1> -> vector<16xf32>
        %reduce_sum3A_337 = vector.extract %reduce_sum3A_336[15] : f32 from vector<16xf32>
        %broadcast_in_dim3A_338 = vector.broadcast %reduce_sum3A_337 : f32 to vector<16xf32>
        %exp3A = math.exp %broadcast_in_dim3A_338 : vector<16xf32>
        %eq3A_339 = arith.constant 0 : i32
        %eq3A_340 = vector.broadcast %eq3A_339 : i32 to vector<16xi32>
        %eq3A_341 = arith.cmpi eq, %iota3A, %eq3A_340 : vector<16xi32>
        %jit3A_342 = arith.constant 0.000000e+00 : f32
        %broadcast_in_dim3A_343 = vector.broadcast %jit3A_342 : f32 to vector<16xf32>
        %select_n3A_344 = arith.select %eq3A_341, %exp3A, %broadcast_in_dim3A_343 : vector<16xi1>, vector<16xf32>
        %add3A_345 = arith.addf %select_n3A, %select_n3A_344 : vector<16xf32>
        %mul3A_346 = arith.mulf %exp3A, %get3A_301 : vector<16xf32>
        %swap3A = arith.index_cast %scan3A_298 : i32 to index
        %swap3A_347 = arith.constant 0 : index
        %swap3A_348 = tpu.vector_load %arg22[%swap3A, %swap3A_347] {strides = array<i32>} : memref<40x128xf32, #tpu.memory_space<vmem>>, vector<16xf32>,
        tpu.vector_store %arg22[%swap3A, %swap3A_347], %mul3A_346 {strides = array<i32>} : memref<40x128xf32, #tpu.memory_space<vmem>>, vector<16xf32>,
        %mul3A_349 = arith.mulf %exp3A, %get3A_318 : vector<16xf32>
        %swap3A_350 = arith.index_cast %scan3A_298 : i32 to index
        %swap3A_351 = arith.constant 16 : index
        %swap3A_352 = tpu.vector_load %arg22[%swap3A_350, %swap3A_351] {strides = array<i32>} : memref<40x128xf32, #tpu.memory_space<vmem>>, vector<16xf32>,
        tpu.vector_store %arg22[%swap3A_350, %swap3A_351], %mul3A_349 {strides = array<i32>} : memref<40x128xf32, #tpu.memory_space<vmem>>, vector<16xf32>,
        %get3A_353 = arith.index_cast %scan3A_298 : i32 to index
        %get3A_354 = arith.constant 32 : index
        %get3A_355 = tpu.vector_load %arg22[%get3A_353, %get3A_354] {strides = array<i32>} : memref<40x128xf32, #tpu.memory_space<vmem>>, vector<16xf32>,
        %get3A_356 = arith.index_cast %scan3A_298 : i32 to index
        %get3A_357 = arith.constant 32 : index
        %get3A_358 = tpu.vector_load %arg24[%get3A_356, %get3A_357] {strides = array<i32>} : memref<40x128xf32, #tpu.memory_space<vmem>>, vector<16xf32>,
        %add3A_359 = arith.addf %get3A_355, %get3A_358 : vector<16xf32>
        %get3A_360 = arith.index_cast %scan3A_298 : i32 to index
        %get3A_361 = arith.constant 32 : index
        %get3A_362 = tpu.vector_load %arg25[%get3A_360, %get3A_361] {strides = array<i32>} : memref<40x128xf32, #tpu.memory_space<vmem>>, vector<16xf32>,
        %add3A_363 = arith.addf %add3A_359, %get3A_362 : vector<16xf32>
        %mul3A_364 = arith.constant 2.000000e-01 : f32
        %mul3A_365 = vector.broadcast %mul3A_364 : f32 to vector<16xf32>
        %mul3A_366 = arith.mulf %mul3A_365, %add3A_363 : vector<16xf32>
        %max3A_367 = arith.maximumf %add3A_363, %mul3A_366 : vector<16xf32>
        %get3A_368 = arith.constant 32 : index
        %get3A_369 = tpu.vector_load %arg27[%get3A_368] {strides = array<i32>} : memref<128xf32, #tpu.memory_space<vmem>>, vector<16xf32>,
        %mul3A_370 = arith.mulf %max3A_367, %get3A_369 : vector<16xf32>
        %get3A_371 = arith.index_cast %scan3A_298 : i32 to index
        %get3A_372 = arith.constant 48 : index
        %get3A_373 = tpu.vector_load %arg22[%get3A_371, %get3A_372] {strides = array<i32>} : memref<40x128xf32, #tpu.memory_space<vmem>>, vector<16xf32>,
        %get3A_374 = arith.index_cast %scan3A_298 : i32 to index
        %get3A_375 = arith.constant 48 : index
        %get3A_376 = tpu.vector_load %arg24[%get3A_374, %get3A_375] {strides = array<i32>} : memref<40x128xf32, #tpu.memory_space<vmem>>, vector<16xf32>,
        %add3A_377 = arith.addf %get3A_373, %get3A_376 : vector<16xf32>
        %get3A_378 = arith.index_cast %scan3A_298 : i32 to index
        %get3A_379 = arith.constant 48 : index
        %get3A_380 = tpu.vector_load %arg25[%get3A_378, %get3A_379] {strides = array<i32>} : memref<40x128xf32, #tpu.memory_space<vmem>>, vector<16xf32>,
        %add3A_381 = arith.addf %add3A_377, %get3A_380 : vector<16xf32>
        %mul3A_382 = arith.constant 2.000000e-01 : f32
        %mul3A_383 = vector.broadcast %mul3A_382 : f32 to vector<16xf32>
        %mul3A_384 = arith.mulf %mul3A_383, %add3A_381 : vector<16xf32>
        %max3A_385 = arith.maximumf %add3A_381, %mul3A_384 : vector<16xf32>
        %get3A_386 = arith.constant 48 : index
        %get3A_387 = tpu.vector_load %arg27[%get3A_386] {strides = array<i32>} : memref<128xf32, #tpu.memory_space<vmem>>, vector<16xf32>,
        %mul3A_388 = arith.mulf %max3A_385, %get3A_387 : vector<16xf32>
        %add3A_389 = arith.addf %mul3A_370, %mul3A_388 : vector<16xf32>
        %reduce_sum3A_390 = arith.constant true
        %reduce_sum3A_391 = vector.broadcast %reduce_sum3A_390 : i1 to vector<16xi1>
        %reduce_sum3A_392 = tpu.scan <sum>, %add3A_389 masked %reduce_sum3A_391 : vector<16xf32>, vector<16xi1> -> vector<16xf32>
        %reduce_sum3A_393 = vector.extract %reduce_sum3A_392[15] : f32 from vector<16xf32>
        %broadcast_in_dim3A_394 = vector.broadcast %reduce_sum3A_393 : f32 to vector<16xf32>
        %exp3A_395 = math.exp %broadcast_in_dim3A_394 : vector<16xf32>
        %eq3A_396 = arith.constant 1 : i32
        %eq3A_397 = vector.broadcast %eq3A_396 : i32 to vector<16xi32>
        %eq3A_398 = arith.cmpi eq, %iota3A, %eq3A_397 : vector<16xi32>
        %jit3A_399 = arith.constant 0.000000e+00 : f32
        %broadcast_in_dim3A_400 = vector.broadcast %jit3A_399 : f32 to vector<16xf32>
        %select_n3A_401 = arith.select %eq3A_398, %exp3A_395, %broadcast_in_dim3A_400 : vector<16xi1>, vector<16xf32>
        %add3A_402 = arith.addf %add3A_345, %select_n3A_401 : vector<16xf32>
        %mul3A_403 = arith.mulf %exp3A_395, %get3A_355 : vector<16xf32>
        %swap3A_404 = arith.index_cast %scan3A_298 : i32 to index
        %swap3A_405 = arith.constant 32 : index
        %swap3A_406 = tpu.vector_load %arg22[%swap3A_404, %swap3A_405] {strides = array<i32>} : memref<40x128xf32, #tpu.memory_space<vmem>>, vector<16xf32>,
        tpu.vector_store %arg22[%swap3A_404, %swap3A_405], %mul3A_403 {strides = array<i32>} : memref<40x128xf32, #tpu.memory_space<vmem>>, vector<16xf32>,
        %mul3A_407 = arith.mulf %exp3A_395, %get3A_373 : vector<16xf32>
        %swap3A_408 = arith.index_cast %scan3A_298 : i32 to index
        %swap3A_409 = arith.constant 48 : index
        %swap3A_410 = tpu.vector_load %arg22[%swap3A_408, %swap3A_409] {strides = array<i32>} : memref<40x128xf32, #tpu.memory_space<vmem>>, vector<16xf32>,
        tpu.vector_store %arg22[%swap3A_408, %swap3A_409], %mul3A_407 {strides = array<i32>} : memref<40x128xf32, #tpu.memory_space<vmem>>, vector<16xf32>,
        %get3A_411 = arith.index_cast %scan3A_298 : i32 to index
        %get3A_412 = arith.constant 64 : index
        %get3A_413 = tpu.vector_load %arg22[%get3A_411, %get3A_412] {strides = array<i32>} : memref<40x128xf32, #tpu.memory_space<vmem>>, vector<16xf32>,
        %get3A_414 = arith.index_cast %scan3A_298 : i32 to index
        %get3A_415 = arith.constant 64 : index
        %get3A_416 = tpu.vector_load %arg24[%get3A_414, %get3A_415] {strides = array<i32>} : memref<40x128xf32, #tpu.memory_space<vmem>>, vector<16xf32>,
        %add3A_417 = arith.addf %get3A_413, %get3A_416 : vector<16xf32>
        %get3A_418 = arith.index_cast %scan3A_298 : i32 to index
        %get3A_419 = arith.constant 64 : index
        %get3A_420 = tpu.vector_load %arg25[%get3A_418, %get3A_419] {strides = array<i32>} : memref<40x128xf32, #tpu.memory_space<vmem>>, vector<16xf32>,
        %add3A_421 = arith.addf %add3A_417, %get3A_420 : vector<16xf32>
        %mul3A_422 = arith.constant 2.000000e-01 : f32
        %mul3A_423 = vector.broadcast %mul3A_422 : f32 to vector<16xf32>
        %mul3A_424 = arith.mulf %mul3A_423, %add3A_421 : vector<16xf32>
        %max3A_425 = arith.maximumf %add3A_421, %mul3A_424 : vector<16xf32>
        %get3A_426 = arith.constant 64 : index
        %get3A_427 = tpu.vector_load %arg27[%get3A_426] {strides = array<i32>} : memref<128xf32, #tpu.memory_space<vmem>>, vector<16xf32>,
        %mul3A_428 = arith.mulf %max3A_425, %get3A_427 : vector<16xf32>
        %get3A_429 = arith.index_cast %scan3A_298 : i32 to index
        %get3A_430 = arith.constant 80 : index
        %get3A_431 = tpu.vector_load %arg22[%get3A_429, %get3A_430] {strides = array<i32>} : memref<40x128xf32, #tpu.memory_space<vmem>>, vector<16xf32>,
        %get3A_432 = arith.index_cast %scan3A_298 : i32 to index
        %get3A_433 = arith.constant 80 : index
        %get3A_434 = tpu.vector_load %arg24[%get3A_432, %get3A_433] {strides = array<i32>} : memref<40x128xf32, #tpu.memory_space<vmem>>, vector<16xf32>,
        %add3A_435 = arith.addf %get3A_431, %get3A_434 : vector<16xf32>
        %get3A_436 = arith.index_cast %scan3A_298 : i32 to index
        %get3A_437 = arith.constant 80 : index
        %get3A_438 = tpu.vector_load %arg25[%get3A_436, %get3A_437] {strides = array<i32>} : memref<40x128xf32, #tpu.memory_space<vmem>>, vector<16xf32>,
        %add3A_439 = arith.addf %add3A_435, %get3A_438 : vector<16xf32>
        %mul3A_440 = arith.constant 2.000000e-01 : f32
        %mul3A_441 = vector.broadcast %mul3A_440 : f32 to vector<16xf32>
        %mul3A_442 = arith.mulf %mul3A_441, %add3A_439 : vector<16xf32>
        %max3A_443 = arith.maximumf %add3A_439, %mul3A_442 : vector<16xf32>
        %get3A_444 = arith.constant 80 : index
        %get3A_445 = tpu.vector_load %arg27[%get3A_444] {strides = array<i32>} : memref<128xf32, #tpu.memory_space<vmem>>, vector<16xf32>,
        %mul3A_446 = arith.mulf %max3A_443, %get3A_445 : vector<16xf32>
        %add3A_447 = arith.addf %mul3A_428, %mul3A_446 : vector<16xf32>
        %reduce_sum3A_448 = arith.constant true
        %reduce_sum3A_449 = vector.broadcast %reduce_sum3A_448 : i1 to vector<16xi1>
        %reduce_sum3A_450 = tpu.scan <sum>, %add3A_447 masked %reduce_sum3A_449 : vector<16xf32>, vector<16xi1> -> vector<16xf32>
        %reduce_sum3A_451 = vector.extract %reduce_sum3A_450[15] : f32 from vector<16xf32>
        %broadcast_in_dim3A_452 = vector.broadcast %reduce_sum3A_451 : f32 to vector<16xf32>
        %exp3A_453 = math.exp %broadcast_in_dim3A_452 : vector<16xf32>
        %eq3A_454 = arith.constant 2 : i32
        %eq3A_455 = vector.broadcast %eq3A_454 : i32 to vector<16xi32>
        %eq3A_456 = arith.cmpi eq, %iota3A, %eq3A_455 : vector<16xi32>
        %jit3A_457 = arith.constant 0.000000e+00 : f32
        %broadcast_in_dim3A_458 = vector.broadcast %jit3A_457 : f32 to vector<16xf32>
        %select_n3A_459 = arith.select %eq3A_456, %exp3A_453, %broadcast_in_dim3A_458 : vector<16xi1>, vector<16xf32>
        %add3A_460 = arith.addf %add3A_402, %select_n3A_459 : vector<16xf32>
        %mul3A_461 = arith.mulf %exp3A_453, %get3A_413 : vector<16xf32>
        %swap3A_462 = arith.index_cast %scan3A_298 : i32 to index
        %swap3A_463 = arith.constant 64 : index
        %swap3A_464 = tpu.vector_load %arg22[%swap3A_462, %swap3A_463] {strides = array<i32>} : memref<40x128xf32, #tpu.memory_space<vmem>>, vector<16xf32>,
        tpu.vector_store %arg22[%swap3A_462, %swap3A_463], %mul3A_461 {strides = array<i32>} : memref<40x128xf32, #tpu.memory_space<vmem>>, vector<16xf32>,
        %mul3A_465 = arith.mulf %exp3A_453, %get3A_431 : vector<16xf32>
        %swap3A_466 = arith.index_cast %scan3A_298 : i32 to index
        %swap3A_467 = arith.constant 80 : index
        %swap3A_468 = tpu.vector_load %arg22[%swap3A_466, %swap3A_467] {strides = array<i32>} : memref<40x128xf32, #tpu.memory_space<vmem>>, vector<16xf32>,
        tpu.vector_store %arg22[%swap3A_466, %swap3A_467], %mul3A_465 {strides = array<i32>} : memref<40x128xf32, #tpu.memory_space<vmem>>, vector<16xf32>,
        %get3A_469 = arith.index_cast %scan3A_298 : i32 to index
        %get3A_470 = arith.constant 96 : index
        %get3A_471 = tpu.vector_load %arg22[%get3A_469, %get3A_470] {strides = array<i32>} : memref<40x128xf32, #tpu.memory_space<vmem>>, vector<16xf32>,
        %get3A_472 = arith.index_cast %scan3A_298 : i32 to index
        %get3A_473 = arith.constant 96 : index
        %get3A_474 = tpu.vector_load %arg24[%get3A_472, %get3A_473] {strides = array<i32>} : memref<40x128xf32, #tpu.memory_space<vmem>>, vector<16xf32>,
        %add3A_475 = arith.addf %get3A_471, %get3A_474 : vector<16xf32>
        %get3A_476 = arith.index_cast %scan3A_298 : i32 to index
        %get3A_477 = arith.constant 96 : index
        %get3A_478 = tpu.vector_load %arg25[%get3A_476, %get3A_477] {strides = array<i32>} : memref<40x128xf32, #tpu.memory_space<vmem>>, vector<16xf32>,
        %add3A_479 = arith.addf %add3A_475, %get3A_478 : vector<16xf32>
        %mul3A_480 = arith.constant 2.000000e-01 : f32
        %mul3A_481 = vector.broadcast %mul3A_480 : f32 to vector<16xf32>
        %mul3A_482 = arith.mulf %mul3A_481, %add3A_479 : vector<16xf32>
        %max3A_483 = arith.maximumf %add3A_479, %mul3A_482 : vector<16xf32>
        %get3A_484 = arith.constant 96 : index
        %get3A_485 = tpu.vector_load %arg27[%get3A_484] {strides = array<i32>} : memref<128xf32, #tpu.memory_space<vmem>>, vector<16xf32>,
        %mul3A_486 = arith.mulf %max3A_483, %get3A_485 : vector<16xf32>
        %get3A_487 = arith.index_cast %scan3A_298 : i32 to index
        %get3A_488 = arith.constant 112 : index
        %get3A_489 = tpu.vector_load %arg22[%get3A_487, %get3A_488] {strides = array<i32>} : memref<40x128xf32, #tpu.memory_space<vmem>>, vector<16xf32>,
        %get3A_490 = arith.index_cast %scan3A_298 : i32 to index
        %get3A_491 = arith.constant 112 : index
        %get3A_492 = tpu.vector_load %arg24[%get3A_490, %get3A_491] {strides = array<i32>} : memref<40x128xf32, #tpu.memory_space<vmem>>, vector<16xf32>,
        %add3A_493 = arith.addf %get3A_489, %get3A_492 : vector<16xf32>
        %get3A_494 = arith.index_cast %scan3A_298 : i32 to index
        %get3A_495 = arith.constant 112 : index
        %get3A_496 = tpu.vector_load %arg25[%get3A_494, %get3A_495] {strides = array<i32>} : memref<40x128xf32, #tpu.memory_space<vmem>>, vector<16xf32>,
        %add3A_497 = arith.addf %add3A_493, %get3A_496 : vector<16xf32>
        %mul3A_498 = arith.constant 2.000000e-01 : f32
        %mul3A_499 = vector.broadcast %mul3A_498 : f32 to vector<16xf32>
        %mul3A_500 = arith.mulf %mul3A_499, %add3A_497 : vector<16xf32>
        %max3A_501 = arith.maximumf %add3A_497, %mul3A_500 : vector<16xf32>
        %get3A_502 = arith.constant 112 : index
        %get3A_503 = tpu.vector_load %arg27[%get3A_502] {strides = array<i32>} : memref<128xf32, #tpu.memory_space<vmem>>, vector<16xf32>,
        %mul3A_504 = arith.mulf %max3A_501, %get3A_503 : vector<16xf32>
        %add3A_505 = arith.addf %mul3A_486, %mul3A_504 : vector<16xf32>
        %reduce_sum3A_506 = arith.constant true
        %reduce_sum3A_507 = vector.broadcast %reduce_sum3A_506 : i1 to vector<16xi1>
        %reduce_sum3A_508 = tpu.scan <sum>, %add3A_505 masked %reduce_sum3A_507 : vector<16xf32>, vector<16xi1> -> vector<16xf32>
        %reduce_sum3A_509 = vector.extract %reduce_sum3A_508[15] : f32 from vector<16xf32>
        %broadcast_in_dim3A_510 = vector.broadcast %reduce_sum3A_509 : f32 to vector<16xf32>
        %exp3A_511 = math.exp %broadcast_in_dim3A_510 : vector<16xf32>
        %eq3A_512 = arith.constant 3 : i32
        %eq3A_513 = vector.broadcast %eq3A_512 : i32 to vector<16xi32>
        %eq3A_514 = arith.cmpi eq, %iota3A, %eq3A_513 : vector<16xi32>
        %jit3A_515 = arith.constant 0.000000e+00 : f32
        %broadcast_in_dim3A_516 = vector.broadcast %jit3A_515 : f32 to vector<16xf32>
        %select_n3A_517 = arith.select %eq3A_514, %exp3A_511, %broadcast_in_dim3A_516 : vector<16xi1>, vector<16xf32>
        %add3A_518 = arith.addf %add3A_460, %select_n3A_517 : vector<16xf32>
        %mul3A_519 = arith.mulf %exp3A_511, %get3A_471 : vector<16xf32>
        %swap3A_520 = arith.index_cast %scan3A_298 : i32 to index
        %swap3A_521 = arith.constant 96 : index
        %swap3A_522 = tpu.vector_load %arg22[%swap3A_520, %swap3A_521] {strides = array<i32>} : memref<40x128xf32, #tpu.memory_space<vmem>>, vector<16xf32>,
        tpu.vector_store %arg22[%swap3A_520, %swap3A_521], %mul3A_519 {strides = array<i32>} : memref<40x128xf32, #tpu.memory_space<vmem>>, vector<16xf32>,
        %mul3A_523 = arith.mulf %exp3A_511, %get3A_489 : vector<16xf32>
        %swap3A_524 = arith.index_cast %scan3A_298 : i32 to index
        %swap3A_525 = arith.constant 112 : index
        %swap3A_526 = tpu.vector_load %arg22[%swap3A_524, %swap3A_525] {strides = array<i32>} : memref<40x128xf32, #tpu.memory_space<vmem>>, vector<16xf32>,
        tpu.vector_store %arg22[%swap3A_524, %swap3A_525], %mul3A_523 {strides = array<i32>} : memref<40x128xf32, #tpu.memory_space<vmem>>, vector<16xf32>,
        %mul3A_527 = arith.constant 16 : i32
        %mul3A_528 = arith.muli %scan3A_298, %mul3A_527 : i32
        %get3A_529 = arith.index_cast %mul3A_528 : i32 to index
        %get3A_530 = tpu.vector_load %arg26[%get3A_529] {strides = array<i32>} : memref<640xf32, #tpu.memory_space<vmem>>, vector<16xf32>,
        %min3A = arith.constant 24 : i32
        %min3A_531 = arith.minsi %scan3A_298, %min3A : i32
        %get3A_532 = arith.index_cast %min3A_531 : i32 to index
        %get3A_533 = tpu.vector_load %arg19[%get3A_532] {strides = array<i32>} : memref<40xi32, #tpu.memory_space<vmem>>, vector<16xi32>,
        %sub3A = arith.subi %scan3A_298, %min3A_531 : i32
        %eq3A_534 = vector.broadcast %sub3A : i32 to vector<16xi32>
        %eq3A_535 = arith.cmpi eq, %iota3A, %eq3A_534 : vector<16xi32>
        %jit3A_536 = arith.constant 0 : i32
        %broadcast_in_dim3A_537 = vector.broadcast %jit3A_536 : i32 to vector<16xi32>
        %select_n3A_538 = arith.select %eq3A_535, %get3A_533, %broadcast_in_dim3A_537 : vector<16xi1>, vector<16xi32>
        %reduce_sum3A_539 = arith.constant true
        %reduce_sum3A_540 = vector.broadcast %reduce_sum3A_539 : i1 to vector<16xi1>
        %reduce_sum3A_541 = tpu.scan <sum>, %select_n3A_538 masked %reduce_sum3A_540 : vector<16xi32>, vector<16xi1> -> vector<16xi32>
        %reduce_sum3A_542 = vector.extract %reduce_sum3A_541[15] : i32 from vector<16xi32>
        %rem3A_543 = arith.constant 4 : i32
        %rem3A_544 = arith.remsi %reduce_sum3A_542, %rem3A_543 : i32
        %eq3A_545 = arith.constant 0 : i32
        %eq3A_546 = arith.cmpi eq, %rem3A_544, %eq3A_545 : i32
        %jit3A_547 = arith.constant 1.000000e+00 : f32
        %jit3A_548 = arith.constant 0.000000e+00 : f32
        %select_n3A_549 = arith.select %eq3A_546, %jit3A_547, %jit3A_548 : f32
        %mul3A_550 = vector.broadcast %select_n3A_549 : f32 to vector<16xf32>
        %mul3A_551 = arith.mulf %mul3A_550, %get3A_530 : vector<16xf32>
        %swap3A_552 = arith.index_cast %scan3A_298 : i32 to index
        %swap3A_553 = arith.constant 0 : index
        %swap3A_554 = tpu.vector_load %arg25[%swap3A_552, %swap3A_553] {strides = array<i32>} : memref<40x128xf32, #tpu.memory_space<vmem>>, vector<16xf32>,
        tpu.vector_store %arg25[%swap3A_552, %swap3A_553], %mul3A_551 {strides = array<i32>} : memref<40x128xf32, #tpu.memory_space<vmem>>, vector<16xf32>,
        %mul3A_555 = vector.broadcast %select_n3A_549 : f32 to vector<16xf32>
        %mul3A_556 = arith.mulf %mul3A_555, %add3A_518 : vector<16xf32>
        %swap3A_557 = arith.index_cast %scan3A_298 : i32 to index
        %swap3A_558 = arith.constant 16 : index
        %swap3A_559 = tpu.vector_load %arg25[%swap3A_557, %swap3A_558] {strides = array<i32>} : memref<40x128xf32, #tpu.memory_space<vmem>>, vector<16xf32>,
        tpu.vector_store %arg25[%swap3A_557, %swap3A_558], %mul3A_556 {strides = array<i32>} : memref<40x128xf32, #tpu.memory_space<vmem>>, vector<16xf32>,
        %eq3A_560 = arith.constant 1 : i32
        %eq3A_561 = arith.cmpi eq, %rem3A_544, %eq3A_560 : i32
        %jit3A_562 = arith.constant 1.000000e+00 : f32
        %jit3A_563 = arith.constant 0.000000e+00 : f32
        %select_n3A_564 = arith.select %eq3A_561, %jit3A_562, %jit3A_563 : f32
        %mul3A_565 = vector.broadcast %select_n3A_564 : f32 to vector<16xf32>
        %mul3A_566 = arith.mulf %mul3A_565, %get3A_530 : vector<16xf32>
        %swap3A_567 = arith.index_cast %scan3A_298 : i32 to index
        %swap3A_568 = arith.constant 32 : index
        %swap3A_569 = tpu.vector_load %arg25[%swap3A_567, %swap3A_568] {strides = array<i32>} : memref<40x128xf32, #tpu.memory_space<vmem>>, vector<16xf32>,
        tpu.vector_store %arg25[%swap3A_567, %swap3A_568], %mul3A_566 {strides = array<i32>} : memref<40x128xf32, #tpu.memory_space<vmem>>, vector<16xf32>,
        %mul3A_570 = vector.broadcast %select_n3A_564 : f32 to vector<16xf32>
        %mul3A_571 = arith.mulf %mul3A_570, %add3A_518 : vector<16xf32>
        %swap3A_572 = arith.index_cast %scan3A_298 : i32 to index
        %swap3A_573 = arith.constant 48 : index
        %swap3A_574 = tpu.vector_load %arg25[%swap3A_572, %swap3A_573] {strides = array<i32>} : memref<40x128xf32, #tpu.memory_space<vmem>>, vector<16xf32>,
        tpu.vector_store %arg25[%swap3A_572, %swap3A_573], %mul3A_571 {strides = array<i32>} : memref<40x128xf32, #tpu.memory_space<vmem>>, vector<16xf32>,
        %eq3A_575 = arith.constant 2 : i32
        %eq3A_576 = arith.cmpi eq, %rem3A_544, %eq3A_575 : i32
        %jit3A_577 = arith.constant 1.000000e+00 : f32
        %jit3A_578 = arith.constant 0.000000e+00 : f32
        %select_n3A_579 = arith.select %eq3A_576, %jit3A_577, %jit3A_578 : f32
        %mul3A_580 = vector.broadcast %select_n3A_579 : f32 to vector<16xf32>
        %mul3A_581 = arith.mulf %mul3A_580, %get3A_530 : vector<16xf32>
        %swap3A_582 = arith.index_cast %scan3A_298 : i32 to index
        %swap3A_583 = arith.constant 64 : index
        %swap3A_584 = tpu.vector_load %arg25[%swap3A_582, %swap3A_583] {strides = array<i32>} : memref<40x128xf32, #tpu.memory_space<vmem>>, vector<16xf32>,
        tpu.vector_store %arg25[%swap3A_582, %swap3A_583], %mul3A_581 {strides = array<i32>} : memref<40x128xf32, #tpu.memory_space<vmem>>, vector<16xf32>,
        %mul3A_585 = vector.broadcast %select_n3A_579 : f32 to vector<16xf32>
        %mul3A_586 = arith.mulf %mul3A_585, %add3A_518 : vector<16xf32>
        %swap3A_587 = arith.index_cast %scan3A_298 : i32 to index
        %swap3A_588 = arith.constant 80 : index
        %swap3A_589 = tpu.vector_load %arg25[%swap3A_587, %swap3A_588] {strides = array<i32>} : memref<40x128xf32, #tpu.memory_space<vmem>>, vector<16xf32>,
        tpu.vector_store %arg25[%swap3A_587, %swap3A_588], %mul3A_586 {strides = array<i32>} : memref<40x128xf32, #tpu.memory_space<vmem>>, vector<16xf32>,
        %eq3A_590 = arith.constant 3 : i32
        %eq3A_591 = arith.cmpi eq, %rem3A_544, %eq3A_590 : i32
        %jit3A_592 = arith.constant 1.000000e+00 : f32
        %jit3A_593 = arith.constant 0.000000e+00 : f32
        %select_n3A_594 = arith.select %eq3A_591, %jit3A_592, %jit3A_593 : f32
        %mul3A_595 = vector.broadcast %select_n3A_594 : f32 to vector<16xf32>
        %mul3A_596 = arith.mulf %mul3A_595, %get3A_530 : vector<16xf32>
        %swap3A_597 = arith.index_cast %scan3A_298 : i32 to index
        %swap3A_598 = arith.constant 96 : index
        %swap3A_599 = tpu.vector_load %arg25[%swap3A_597, %swap3A_598] {strides = array<i32>} : memref<40x128xf32, #tpu.memory_space<vmem>>, vector<16xf32>,
        tpu.vector_store %arg25[%swap3A_597, %swap3A_598], %mul3A_596 {strides = array<i32>} : memref<40x128xf32, #tpu.memory_space<vmem>>, vector<16xf32>,
        %mul3A_600 = vector.broadcast %select_n3A_594 : f32 to vector<16xf32>
        %mul3A_601 = arith.mulf %mul3A_600, %add3A_518 : vector<16xf32>
        %swap3A_602 = arith.index_cast %scan3A_298 : i32 to index
        %swap3A_603 = arith.constant 112 : index
        %swap3A_604 = tpu.vector_load %arg25[%swap3A_602, %swap3A_603] {strides = array<i32>} : memref<40x128xf32, #tpu.memory_space<vmem>>, vector<16xf32>,
        tpu.vector_store %arg25[%swap3A_602, %swap3A_603], %mul3A_601 {strides = array<i32>} : memref<40x128xf32, #tpu.memory_space<vmem>>, vector<16xf32>,
        %scan3A_605 = arith.constant 1 : i32
        %scan3A_606 = arith.addi %scan3A_298, %scan3A_605 : i32
        %get3A_607 = arith.index_cast %scan3A_606 : i32 to index
        %get3A_608 = arith.constant 0 : index
        %get3A_609 = tpu.vector_load %arg22[%get3A_607, %get3A_608] {strides = array<i32>} : memref<40x128xf32, #tpu.memory_space<vmem>>, vector<16xf32>,
        %get3A_610 = arith.index_cast %scan3A_606 : i32 to index
        %get3A_611 = arith.constant 0 : index
        %get3A_612 = tpu.vector_load %arg24[%get3A_610, %get3A_611] {strides = array<i32>} : memref<40x128xf32, #tpu.memory_space<vmem>>, vector<16xf32>,
        %add3A_613 = arith.addf %get3A_609, %get3A_612 : vector<16xf32>
        %get3A_614 = arith.index_cast %scan3A_606 : i32 to index
        %get3A_615 = arith.constant 0 : index
        %get3A_616 = tpu.vector_load %arg25[%get3A_614, %get3A_615] {strides = array<i32>} : memref<40x128xf32, #tpu.memory_space<vmem>>, vector<16xf32>,
        %add3A_617 = arith.addf %add3A_613, %get3A_616 : vector<16xf32>
        %mul3A_618 = arith.constant 2.000000e-01 : f32
        %mul3A_619 = vector.broadcast %mul3A_618 : f32 to vector<16xf32>
        %mul3A_620 = arith.mulf %mul3A_619, %add3A_617 : vector<16xf32>
        %max3A_621 = arith.maximumf %add3A_617, %mul3A_620 : vector<16xf32>
        %get3A_622 = arith.constant 0 : index
        %get3A_623 = tpu.vector_load %arg27[%get3A_622] {strides = array<i32>} : memref<128xf32, #tpu.memory_space<vmem>>, vector<16xf32>,
        %mul3A_624 = arith.mulf %max3A_621, %get3A_623 : vector<16xf32>
        %get3A_625 = arith.index_cast %scan3A_606 : i32 to index
        %get3A_626 = arith.constant 16 : index
        %get3A_627 = tpu.vector_load %arg22[%get3A_625, %get3A_626] {strides = array<i32>} : memref<40x128xf32, #tpu.memory_space<vmem>>, vector<16xf32>,
        %get3A_628 = arith.index_cast %scan3A_606 : i32 to index
        %get3A_629 = arith.constant 16 : index
        %get3A_630 = tpu.vector_load %arg24[%get3A_628, %get3A_629] {strides = array<i32>} : memref<40x128xf32, #tpu.memory_space<vmem>>, vector<16xf32>,
        %add3A_631 = arith.addf %get3A_627, %get3A_630 : vector<16xf32>
        %get3A_632 = arith.index_cast %scan3A_606 : i32 to index
        %get3A_633 = arith.constant 16 : index
        %get3A_634 = tpu.vector_load %arg25[%get3A_632, %get3A_633] {strides = array<i32>} : memref<40x128xf32, #tpu.memory_space<vmem>>, vector<16xf32>,
        %add3A_635 = arith.addf %add3A_631, %get3A_634 : vector<16xf32>
        %mul3A_636 = arith.constant 2.000000e-01 : f32
        %mul3A_637 = vector.broadcast %mul3A_636 : f32 to vector<16xf32>
        %mul3A_638 = arith.mulf %mul3A_637, %add3A_635 : vector<16xf32>
        %max3A_639 = arith.maximumf %add3A_635, %mul3A_638 : vector<16xf32>
        %get3A_640 = arith.constant 16 : index
        %get3A_641 = tpu.vector_load %arg27[%get3A_640] {strides = array<i32>} : memref<128xf32, #tpu.memory_space<vmem>>, vector<16xf32>,
        %mul3A_642 = arith.mulf %max3A_639, %get3A_641 : vector<16xf32>
        %add3A_643 = arith.addf %mul3A_624, %mul3A_642 : vector<16xf32>
        %reduce_sum3A_644 = arith.constant true
        %reduce_sum3A_645 = vector.broadcast %reduce_sum3A_644 : i1 to vector<16xi1>
        %reduce_sum3A_646 = tpu.scan <sum>, %add3A_643 masked %reduce_sum3A_645 : vector<16xf32>, vector<16xi1> -> vector<16xf32>
        %reduce_sum3A_647 = vector.extract %reduce_sum3A_646[15] : f32 from vector<16xf32>
        %broadcast_in_dim3A_648 = vector.broadcast %reduce_sum3A_647 : f32 to vector<16xf32>
        %exp3A_649 = math.exp %broadcast_in_dim3A_648 : vector<16xf32>
        %eq3A_650 = arith.constant 0 : i32
        %eq3A_651 = vector.broadcast %eq3A_650 : i32 to vector<16xi32>
        %eq3A_652 = arith.cmpi eq, %iota3A, %eq3A_651 : vector<16xi32>
        %jit3A_653 = arith.constant 0.000000e+00 : f32
        %broadcast_in_dim3A_654 = vector.broadcast %jit3A_653 : f32 to vector<16xf32>
        %select_n3A_655 = arith.select %eq3A_652, %exp3A_649, %broadcast_in_dim3A_654 : vector<16xi1>, vector<16xf32>
        %add3A_656 = arith.addf %select_n3A, %select_n3A_655 : vector<16xf32>
        %mul3A_657 = arith.mulf %exp3A_649, %get3A_609 : vector<16xf32>
        %swap3A_658 = arith.index_cast %scan3A_606 : i32 to index
        %swap3A_659 = arith.constant 0 : index
        %swap3A_660 = tpu.vector_load %arg22[%swap3A_658, %swap3A_659] {strides = array<i32>} : memref<40x128xf32, #tpu.memory_space<vmem>>, vector<16xf32>,
        tpu.vector_store %arg22[%swap3A_658, %swap3A_659], %mul3A_657 {strides = array<i32>} : memref<40x128xf32, #tpu.memory_space<vmem>>, vector<16xf32>,
        %mul3A_661 = arith.mulf %exp3A_649, %get3A_627 : vector<16xf32>
        %swap3A_662 = arith.index_cast %scan3A_606 : i32 to index
        %swap3A_663 = arith.constant 16 : index
        %swap3A_664 = tpu.vector_load %arg22[%swap3A_662, %swap3A_663] {strides = array<i32>} : memref<40x128xf32, #tpu.memory_space<vmem>>, vector<16xf32>,
        tpu.vector_store %arg22[%swap3A_662, %swap3A_663], %mul3A_661 {strides = array<i32>} : memref<40x128xf32, #tpu.memory_space<vmem>>, vector<16xf32>,
        %get3A_665 = arith.index_cast %scan3A_606 : i32 to index
        %get3A_666 = arith.constant 32 : index
        %get3A_667 = tpu.vector_load %arg22[%get3A_665, %get3A_666] {strides = array<i32>} : memref<40x128xf32, #tpu.memory_space<vmem>>, vector<16xf32>,
        %get3A_668 = arith.index_cast %scan3A_606 : i32 to index
        %get3A_669 = arith.constant 32 : index
        %get3A_670 = tpu.vector_load %arg24[%get3A_668, %get3A_669] {strides = array<i32>} : memref<40x128xf32, #tpu.memory_space<vmem>>, vector<16xf32>,
        %add3A_671 = arith.addf %get3A_667, %get3A_670 : vector<16xf32>
        %get3A_672 = arith.index_cast %scan3A_606 : i32 to index
        %get3A_673 = arith.constant 32 : index
        %get3A_674 = tpu.vector_load %arg25[%get3A_672, %get3A_673] {strides = array<i32>} : memref<40x128xf32, #tpu.memory_space<vmem>>, vector<16xf32>,
        %add3A_675 = arith.addf %add3A_671, %get3A_674 : vector<16xf32>
        %mul3A_676 = arith.constant 2.000000e-01 : f32
        %mul3A_677 = vector.broadcast %mul3A_676 : f32 to vector<16xf32>
        %mul3A_678 = arith.mulf %mul3A_677, %add3A_675 : vector<16xf32>
        %max3A_679 = arith.maximumf %add3A_675, %mul3A_678 : vector<16xf32>
        %get3A_680 = arith.constant 32 : index
        %get3A_681 = tpu.vector_load %arg27[%get3A_680] {strides = array<i32>} : memref<128xf32, #tpu.memory_space<vmem>>, vector<16xf32>,
        %mul3A_682 = arith.mulf %max3A_679, %get3A_681 : vector<16xf32>
        %get3A_683 = arith.index_cast %scan3A_606 : i32 to index
        %get3A_684 = arith.constant 48 : index
        %get3A_685 = tpu.vector_load %arg22[%get3A_683, %get3A_684] {strides = array<i32>} : memref<40x128xf32, #tpu.memory_space<vmem>>, vector<16xf32>,
        %get3A_686 = arith.index_cast %scan3A_606 : i32 to index
        %get3A_687 = arith.constant 48 : index
        %get3A_688 = tpu.vector_load %arg24[%get3A_686, %get3A_687] {strides = array<i32>} : memref<40x128xf32, #tpu.memory_space<vmem>>, vector<16xf32>,
        %add3A_689 = arith.addf %get3A_685, %get3A_688 : vector<16xf32>
        %get3A_690 = arith.index_cast %scan3A_606 : i32 to index
        %get3A_691 = arith.constant 48 : index
        %get3A_692 = tpu.vector_load %arg25[%get3A_690, %get3A_691] {strides = array<i32>} : memref<40x128xf32, #tpu.memory_space<vmem>>, vector<16xf32>,
        %add3A_693 = arith.addf %add3A_689, %get3A_692 : vector<16xf32>
        %mul3A_694 = arith.constant 2.000000e-01 : f32
        %mul3A_695 = vector.broadcast %mul3A_694 : f32 to vector<16xf32>
        %mul3A_696 = arith.mulf %mul3A_695, %add3A_693 : vector<16xf32>
        %max3A_697 = arith.maximumf %add3A_693, %mul3A_696 : vector<16xf32>
        %get3A_698 = arith.constant 48 : index
        %get3A_699 = tpu.vector_load %arg27[%get3A_698] {strides = array<i32>} : memref<128xf32, #tpu.memory_space<vmem>>, vector<16xf32>,
        %mul3A_700 = arith.mulf %max3A_697, %get3A_699 : vector<16xf32>
        %add3A_701 = arith.addf %mul3A_682, %mul3A_700 : vector<16xf32>
        %reduce_sum3A_702 = arith.constant true
        %reduce_sum3A_703 = vector.broadcast %reduce_sum3A_702 : i1 to vector<16xi1>
        %reduce_sum3A_704 = tpu.scan <sum>, %add3A_701 masked %reduce_sum3A_703 : vector<16xf32>, vector<16xi1> -> vector<16xf32>
        %reduce_sum3A_705 = vector.extract %reduce_sum3A_704[15] : f32 from vector<16xf32>
        %broadcast_in_dim3A_706 = vector.broadcast %reduce_sum3A_705 : f32 to vector<16xf32>
        %exp3A_707 = math.exp %broadcast_in_dim3A_706 : vector<16xf32>
        %eq3A_708 = arith.constant 1 : i32
        %eq3A_709 = vector.broadcast %eq3A_708 : i32 to vector<16xi32>
        %eq3A_710 = arith.cmpi eq, %iota3A, %eq3A_709 : vector<16xi32>
        %jit3A_711 = arith.constant 0.000000e+00 : f32
        %broadcast_in_dim3A_712 = vector.broadcast %jit3A_711 : f32 to vector<16xf32>
        %select_n3A_713 = arith.select %eq3A_710, %exp3A_707, %broadcast_in_dim3A_712 : vector<16xi1>, vector<16xf32>
        %add3A_714 = arith.addf %add3A_656, %select_n3A_713 : vector<16xf32>
        %mul3A_715 = arith.mulf %exp3A_707, %get3A_667 : vector<16xf32>
        %swap3A_716 = arith.index_cast %scan3A_606 : i32 to index
        %swap3A_717 = arith.constant 32 : index
        %swap3A_718 = tpu.vector_load %arg22[%swap3A_716, %swap3A_717] {strides = array<i32>} : memref<40x128xf32, #tpu.memory_space<vmem>>, vector<16xf32>,
        tpu.vector_store %arg22[%swap3A_716, %swap3A_717], %mul3A_715 {strides = array<i32>} : memref<40x128xf32, #tpu.memory_space<vmem>>, vector<16xf32>,
        %mul3A_719 = arith.mulf %exp3A_707, %get3A_685 : vector<16xf32>
        %swap3A_720 = arith.index_cast %scan3A_606 : i32 to index
        %swap3A_721 = arith.constant 48 : index
        %swap3A_722 = tpu.vector_load %arg22[%swap3A_720, %swap3A_721] {strides = array<i32>} : memref<40x128xf32, #tpu.memory_space<vmem>>, vector<16xf32>,
        tpu.vector_store %arg22[%swap3A_720, %swap3A_721], %mul3A_719 {strides = array<i32>} : memref<40x128xf32, #tpu.memory_space<vmem>>, vector<16xf32>,
        %get3A_723 = arith.index_cast %scan3A_606 : i32 to index
        %get3A_724 = arith.constant 64 : index
        %get3A_725 = tpu.vector_load %arg22[%get3A_723, %get3A_724] {strides = array<i32>} : memref<40x128xf32, #tpu.memory_space<vmem>>, vector<16xf32>,
        %get3A_726 = arith.index_cast %scan3A_606 : i32 to index
        %get3A_727 = arith.constant 64 : index
        %get3A_728 = tpu.vector_load %arg24[%get3A_726, %get3A_727] {strides = array<i32>} : memref<40x128xf32, #tpu.memory_space<vmem>>, vector<16xf32>,
        %add3A_729 = arith.addf %get3A_725, %get3A_728 : vector<16xf32>
        %get3A_730 = arith.index_cast %scan3A_606 : i32 to index
        %get3A_731 = arith.constant 64 : index
        %get3A_732 = tpu.vector_load %arg25[%get3A_730, %get3A_731] {strides = array<i32>} : memref<40x128xf32, #tpu.memory_space<vmem>>, vector<16xf32>,
        %add3A_733 = arith.addf %add3A_729, %get3A_732 : vector<16xf32>
        %mul3A_734 = arith.constant 2.000000e-01 : f32
        %mul3A_735 = vector.broadcast %mul3A_734 : f32 to vector<16xf32>
        %mul3A_736 = arith.mulf %mul3A_735, %add3A_733 : vector<16xf32>
        %max3A_737 = arith.maximumf %add3A_733, %mul3A_736 : vector<16xf32>
        %get3A_738 = arith.constant 64 : index
        %get3A_739 = tpu.vector_load %arg27[%get3A_738] {strides = array<i32>} : memref<128xf32, #tpu.memory_space<vmem>>, vector<16xf32>,
        %mul3A_740 = arith.mulf %max3A_737, %get3A_739 : vector<16xf32>
        %get3A_741 = arith.index_cast %scan3A_606 : i32 to index
        %get3A_742 = arith.constant 80 : index
        %get3A_743 = tpu.vector_load %arg22[%get3A_741, %get3A_742] {strides = array<i32>} : memref<40x128xf32, #tpu.memory_space<vmem>>, vector<16xf32>,
        %get3A_744 = arith.index_cast %scan3A_606 : i32 to index
        %get3A_745 = arith.constant 80 : index
        %get3A_746 = tpu.vector_load %arg24[%get3A_744, %get3A_745] {strides = array<i32>} : memref<40x128xf32, #tpu.memory_space<vmem>>, vector<16xf32>,
        %add3A_747 = arith.addf %get3A_743, %get3A_746 : vector<16xf32>
        %get3A_748 = arith.index_cast %scan3A_606 : i32 to index
        %get3A_749 = arith.constant 80 : index
        %get3A_750 = tpu.vector_load %arg25[%get3A_748, %get3A_749] {strides = array<i32>} : memref<40x128xf32, #tpu.memory_space<vmem>>, vector<16xf32>,
        %add3A_751 = arith.addf %add3A_747, %get3A_750 : vector<16xf32>
        %mul3A_752 = arith.constant 2.000000e-01 : f32
        %mul3A_753 = vector.broadcast %mul3A_752 : f32 to vector<16xf32>
        %mul3A_754 = arith.mulf %mul3A_753, %add3A_751 : vector<16xf32>
        %max3A_755 = arith.maximumf %add3A_751, %mul3A_754 : vector<16xf32>
        %get3A_756 = arith.constant 80 : index
        %get3A_757 = tpu.vector_load %arg27[%get3A_756] {strides = array<i32>} : memref<128xf32, #tpu.memory_space<vmem>>, vector<16xf32>,
        %mul3A_758 = arith.mulf %max3A_755, %get3A_757 : vector<16xf32>
        %add3A_759 = arith.addf %mul3A_740, %mul3A_758 : vector<16xf32>
        %reduce_sum3A_760 = arith.constant true
        %reduce_sum3A_761 = vector.broadcast %reduce_sum3A_760 : i1 to vector<16xi1>
        %reduce_sum3A_762 = tpu.scan <sum>, %add3A_759 masked %reduce_sum3A_761 : vector<16xf32>, vector<16xi1> -> vector<16xf32>
        %reduce_sum3A_763 = vector.extract %reduce_sum3A_762[15] : f32 from vector<16xf32>
        %broadcast_in_dim3A_764 = vector.broadcast %reduce_sum3A_763 : f32 to vector<16xf32>
        %exp3A_765 = math.exp %broadcast_in_dim3A_764 : vector<16xf32>
        %eq3A_766 = arith.constant 2 : i32
        %eq3A_767 = vector.broadcast %eq3A_766 : i32 to vector<16xi32>
        %eq3A_768 = arith.cmpi eq, %iota3A, %eq3A_767 : vector<16xi32>
        %jit3A_769 = arith.constant 0.000000e+00 : f32
        %broadcast_in_dim3A_770 = vector.broadcast %jit3A_769 : f32 to vector<16xf32>
        %select_n3A_771 = arith.select %eq3A_768, %exp3A_765, %broadcast_in_dim3A_770 : vector<16xi1>, vector<16xf32>
        %add3A_772 = arith.addf %add3A_714, %select_n3A_771 : vector<16xf32>
        %mul3A_773 = arith.mulf %exp3A_765, %get3A_725 : vector<16xf32>
        %swap3A_774 = arith.index_cast %scan3A_606 : i32 to index
        %swap3A_775 = arith.constant 64 : index
        %swap3A_776 = tpu.vector_load %arg22[%swap3A_774, %swap3A_775] {strides = array<i32>} : memref<40x128xf32, #tpu.memory_space<vmem>>, vector<16xf32>,
        tpu.vector_store %arg22[%swap3A_774, %swap3A_775], %mul3A_773 {strides = array<i32>} : memref<40x128xf32, #tpu.memory_space<vmem>>, vector<16xf32>,
        %mul3A_777 = arith.mulf %exp3A_765, %get3A_743 : vector<16xf32>
        %swap3A_778 = arith.index_cast %scan3A_606 : i32 to index
        %swap3A_779 = arith.constant 80 : index
        %swap3A_780 = tpu.vector_load %arg22[%swap3A_778, %swap3A_779] {strides = array<i32>} : memref<40x128xf32, #tpu.memory_space<vmem>>, vector<16xf32>,
        tpu.vector_store %arg22[%swap3A_778, %swap3A_779], %mul3A_777 {strides = array<i32>} : memref<40x128xf32, #tpu.memory_space<vmem>>, vector<16xf32>,
        %get3A_781 = arith.index_cast %scan3A_606 : i32 to index
        %get3A_782 = arith.constant 96 : index
        %get3A_783 = tpu.vector_load %arg22[%get3A_781, %get3A_782] {strides = array<i32>} : memref<40x128xf32, #tpu.memory_space<vmem>>, vector<16xf32>,
        %get3A_784 = arith.index_cast %scan3A_606 : i32 to index
        %get3A_785 = arith.constant 96 : index
        %get3A_786 = tpu.vector_load %arg24[%get3A_784, %get3A_785] {strides = array<i32>} : memref<40x128xf32, #tpu.memory_space<vmem>>, vector<16xf32>,
        %add3A_787 = arith.addf %get3A_783, %get3A_786 : vector<16xf32>
        %get3A_788 = arith.index_cast %scan3A_606 : i32 to index
        %get3A_789 = arith.constant 96 : index
        %get3A_790 = tpu.vector_load %arg25[%get3A_788, %get3A_789] {strides = array<i32>} : memref<40x128xf32, #tpu.memory_space<vmem>>, vector<16xf32>,
        %add3A_791 = arith.addf %add3A_787, %get3A_790 : vector<16xf32>
        %mul3A_792 = arith.constant 2.000000e-01 : f32
        %mul3A_793 = vector.broadcast %mul3A_792 : f32 to vector<16xf32>
        %mul3A_794 = arith.mulf %mul3A_793, %add3A_791 : vector<16xf32>
        %max3A_795 = arith.maximumf %add3A_791, %mul3A_794 : vector<16xf32>
        %get3A_796 = arith.constant 96 : index
        %get3A_797 = tpu.vector_load %arg27[%get3A_796] {strides = array<i32>} : memref<128xf32, #tpu.memory_space<vmem>>, vector<16xf32>,
        %mul3A_798 = arith.mulf %max3A_795, %get3A_797 : vector<16xf32>
        %get3A_799 = arith.index_cast %scan3A_606 : i32 to index
        %get3A_800 = arith.constant 112 : index
        %get3A_801 = tpu.vector_load %arg22[%get3A_799, %get3A_800] {strides = array<i32>} : memref<40x128xf32, #tpu.memory_space<vmem>>, vector<16xf32>,
        %get3A_802 = arith.index_cast %scan3A_606 : i32 to index
        %get3A_803 = arith.constant 112 : index
        %get3A_804 = tpu.vector_load %arg24[%get3A_802, %get3A_803] {strides = array<i32>} : memref<40x128xf32, #tpu.memory_space<vmem>>, vector<16xf32>,
        %add3A_805 = arith.addf %get3A_801, %get3A_804 : vector<16xf32>
        %get3A_806 = arith.index_cast %scan3A_606 : i32 to index
        %get3A_807 = arith.constant 112 : index
        %get3A_808 = tpu.vector_load %arg25[%get3A_806, %get3A_807] {strides = array<i32>} : memref<40x128xf32, #tpu.memory_space<vmem>>, vector<16xf32>,
        %add3A_809 = arith.addf %add3A_805, %get3A_808 : vector<16xf32>
        %mul3A_810 = arith.constant 2.000000e-01 : f32
        %mul3A_811 = vector.broadcast %mul3A_810 : f32 to vector<16xf32>
        %mul3A_812 = arith.mulf %mul3A_811, %add3A_809 : vector<16xf32>
        %max3A_813 = arith.maximumf %add3A_809, %mul3A_812 : vector<16xf32>
        %get3A_814 = arith.constant 112 : index
        %get3A_815 = tpu.vector_load %arg27[%get3A_814] {strides = array<i32>} : memref<128xf32, #tpu.memory_space<vmem>>, vector<16xf32>,
        %mul3A_816 = arith.mulf %max3A_813, %get3A_815 : vector<16xf32>
        %add3A_817 = arith.addf %mul3A_798, %mul3A_816 : vector<16xf32>
        %reduce_sum3A_818 = arith.constant true
        %reduce_sum3A_819 = vector.broadcast %reduce_sum3A_818 : i1 to vector<16xi1>
        %reduce_sum3A_820 = tpu.scan <sum>, %add3A_817 masked %reduce_sum3A_819 : vector<16xf32>, vector<16xi1> -> vector<16xf32>
        %reduce_sum3A_821 = vector.extract %reduce_sum3A_820[15] : f32 from vector<16xf32>
        %broadcast_in_dim3A_822 = vector.broadcast %reduce_sum3A_821 : f32 to vector<16xf32>
        %exp3A_823 = math.exp %broadcast_in_dim3A_822 : vector<16xf32>
        %eq3A_824 = arith.constant 3 : i32
        %eq3A_825 = vector.broadcast %eq3A_824 : i32 to vector<16xi32>
        %eq3A_826 = arith.cmpi eq, %iota3A, %eq3A_825 : vector<16xi32>
        %jit3A_827 = arith.constant 0.000000e+00 : f32
        %broadcast_in_dim3A_828 = vector.broadcast %jit3A_827 : f32 to vector<16xf32>
        %select_n3A_829 = arith.select %eq3A_826, %exp3A_823, %broadcast_in_dim3A_828 : vector<16xi1>, vector<16xf32>
        %add3A_830 = arith.addf %add3A_772, %select_n3A_829 : vector<16xf32>
        %mul3A_831 = arith.mulf %exp3A_823, %get3A_783 : vector<16xf32>
        %swap3A_832 = arith.index_cast %scan3A_606 : i32 to index
        %swap3A_833 = arith.constant 96 : index
        %swap3A_834 = tpu.vector_load %arg22[%swap3A_832, %swap3A_833] {strides = array<i32>} : memref<40x128xf32, #tpu.memory_space<vmem>>, vector<16xf32>,
        tpu.vector_store %arg22[%swap3A_832, %swap3A_833], %mul3A_831 {strides = array<i32>} : memref<40x128xf32, #tpu.memory_space<vmem>>, vector<16xf32>,
        %mul3A_835 = arith.mulf %exp3A_823, %get3A_801 : vector<16xf32>
        %swap3A_836 = arith.index_cast %scan3A_606 : i32 to index
        %swap3A_837 = arith.constant 112 : index
        %swap3A_838 = tpu.vector_load %arg22[%swap3A_836, %swap3A_837] {strides = array<i32>} : memref<40x128xf32, #tpu.memory_space<vmem>>, vector<16xf32>,
        tpu.vector_store %arg22[%swap3A_836, %swap3A_837], %mul3A_835 {strides = array<i32>} : memref<40x128xf32, #tpu.memory_space<vmem>>, vector<16xf32>,
        %mul3A_839 = arith.constant 16 : i32
        %mul3A_840 = arith.muli %scan3A_606, %mul3A_839 : i32
        %get3A_841 = arith.index_cast %mul3A_840 : i32 to index
        %get3A_842 = tpu.vector_load %arg26[%get3A_841] {strides = array<i32>} : memref<640xf32, #tpu.memory_space<vmem>>, vector<16xf32>,
        %min3A_843 = arith.constant 24 : i32
        %min3A_844 = arith.minsi %scan3A_606, %min3A_843 : i32
        %get3A_845 = arith.index_cast %min3A_844 : i32 to index
        %get3A_846 = tpu.vector_load %arg19[%get3A_845] {strides = array<i32>} : memref<40xi32, #tpu.memory_space<vmem>>, vector<16xi32>,
        %sub3A_847 = arith.subi %scan3A_606, %min3A_844 : i32
        %eq3A_848 = vector.broadcast %sub3A_847 : i32 to vector<16xi32>
        %eq3A_849 = arith.cmpi eq, %iota3A, %eq3A_848 : vector<16xi32>
        %jit3A_850 = arith.constant 0 : i32
        %broadcast_in_dim3A_851 = vector.broadcast %jit3A_850 : i32 to vector<16xi32>
        %select_n3A_852 = arith.select %eq3A_849, %get3A_846, %broadcast_in_dim3A_851 : vector<16xi1>, vector<16xi32>
        %reduce_sum3A_853 = arith.constant true
        %reduce_sum3A_854 = vector.broadcast %reduce_sum3A_853 : i1 to vector<16xi1>
        %reduce_sum3A_855 = tpu.scan <sum>, %select_n3A_852 masked %reduce_sum3A_854 : vector<16xi32>, vector<16xi1> -> vector<16xi32>
        %reduce_sum3A_856 = vector.extract %reduce_sum3A_855[15] : i32 from vector<16xi32>
        %rem3A_857 = arith.constant 4 : i32
        %rem3A_858 = arith.remsi %reduce_sum3A_856, %rem3A_857 : i32
        %eq3A_859 = arith.constant 0 : i32
        %eq3A_860 = arith.cmpi eq, %rem3A_858, %eq3A_859 : i32
        %jit3A_861 = arith.constant 1.000000e+00 : f32
        %jit3A_862 = arith.constant 0.000000e+00 : f32
        %select_n3A_863 = arith.select %eq3A_860, %jit3A_861, %jit3A_862 : f32
        %mul3A_864 = vector.broadcast %select_n3A_863 : f32 to vector<16xf32>
        %mul3A_865 = arith.mulf %mul3A_864, %get3A_842 : vector<16xf32>
        %swap3A_866 = arith.index_cast %scan3A_606 : i32 to index
        %swap3A_867 = arith.constant 0 : index
        %swap3A_868 = tpu.vector_load %arg25[%swap3A_866, %swap3A_867] {strides = array<i32>} : memref<40x128xf32, #tpu.memory_space<vmem>>, vector<16xf32>,
        tpu.vector_store %arg25[%swap3A_866, %swap3A_867], %mul3A_865 {strides = array<i32>} : memref<40x128xf32, #tpu.memory_space<vmem>>, vector<16xf32>,
        %mul3A_869 = vector.broadcast %select_n3A_863 : f32 to vector<16xf32>
        %mul3A_870 = arith.mulf %mul3A_869, %add3A_830 : vector<16xf32>
        %swap3A_871 = arith.index_cast %scan3A_606 : i32 to index
        %swap3A_872 = arith.constant 16 : index
        %swap3A_873 = tpu.vector_load %arg25[%swap3A_871, %swap3A_872] {strides = array<i32>} : memref<40x128xf32, #tpu.memory_space<vmem>>, vector<16xf32>,
        tpu.vector_store %arg25[%swap3A_871, %swap3A_872], %mul3A_870 {strides = array<i32>} : memref<40x128xf32, #tpu.memory_space<vmem>>, vector<16xf32>,
        %eq3A_874 = arith.constant 1 : i32
        %eq3A_875 = arith.cmpi eq, %rem3A_858, %eq3A_874 : i32
        %jit3A_876 = arith.constant 1.000000e+00 : f32
        %jit3A_877 = arith.constant 0.000000e+00 : f32
        %select_n3A_878 = arith.select %eq3A_875, %jit3A_876, %jit3A_877 : f32
        %mul3A_879 = vector.broadcast %select_n3A_878 : f32 to vector<16xf32>
        %mul3A_880 = arith.mulf %mul3A_879, %get3A_842 : vector<16xf32>
        %swap3A_881 = arith.index_cast %scan3A_606 : i32 to index
        %swap3A_882 = arith.constant 32 : index
        %swap3A_883 = tpu.vector_load %arg25[%swap3A_881, %swap3A_882] {strides = array<i32>} : memref<40x128xf32, #tpu.memory_space<vmem>>, vector<16xf32>,
        tpu.vector_store %arg25[%swap3A_881, %swap3A_882], %mul3A_880 {strides = array<i32>} : memref<40x128xf32, #tpu.memory_space<vmem>>, vector<16xf32>,
        %mul3A_884 = vector.broadcast %select_n3A_878 : f32 to vector<16xf32>
        %mul3A_885 = arith.mulf %mul3A_884, %add3A_830 : vector<16xf32>
        %swap3A_886 = arith.index_cast %scan3A_606 : i32 to index
        %swap3A_887 = arith.constant 48 : index
        %swap3A_888 = tpu.vector_load %arg25[%swap3A_886, %swap3A_887] {strides = array<i32>} : memref<40x128xf32, #tpu.memory_space<vmem>>, vector<16xf32>,
        tpu.vector_store %arg25[%swap3A_886, %swap3A_887], %mul3A_885 {strides = array<i32>} : memref<40x128xf32, #tpu.memory_space<vmem>>, vector<16xf32>,
        %eq3A_889 = arith.constant 2 : i32
        %eq3A_890 = arith.cmpi eq, %rem3A_858, %eq3A_889 : i32
        %jit3A_891 = arith.constant 1.000000e+00 : f32
        %jit3A_892 = arith.constant 0.000000e+00 : f32
        %select_n3A_893 = arith.select %eq3A_890, %jit3A_891, %jit3A_892 : f32
        %mul3A_894 = vector.broadcast %select_n3A_893 : f32 to vector<16xf32>
        %mul3A_895 = arith.mulf %mul3A_894, %get3A_842 : vector<16xf32>
        %swap3A_896 = arith.index_cast %scan3A_606 : i32 to index
        %swap3A_897 = arith.constant 64 : index
        %swap3A_898 = tpu.vector_load %arg25[%swap3A_896, %swap3A_897] {strides = array<i32>} : memref<40x128xf32, #tpu.memory_space<vmem>>, vector<16xf32>,
        tpu.vector_store %arg25[%swap3A_896, %swap3A_897], %mul3A_895 {strides = array<i32>} : memref<40x128xf32, #tpu.memory_space<vmem>>, vector<16xf32>,
        %mul3A_899 = vector.broadcast %select_n3A_893 : f32 to vector<16xf32>
        %mul3A_900 = arith.mulf %mul3A_899, %add3A_830 : vector<16xf32>
        %swap3A_901 = arith.index_cast %scan3A_606 : i32 to index
        %swap3A_902 = arith.constant 80 : index
        %swap3A_903 = tpu.vector_load %arg25[%swap3A_901, %swap3A_902] {strides = array<i32>} : memref<40x128xf32, #tpu.memory_space<vmem>>, vector<16xf32>,
        tpu.vector_store %arg25[%swap3A_901, %swap3A_902], %mul3A_900 {strides = array<i32>} : memref<40x128xf32, #tpu.memory_space<vmem>>, vector<16xf32>,
        %eq3A_904 = arith.constant 3 : i32
        %eq3A_905 = arith.cmpi eq, %rem3A_858, %eq3A_904 : i32
        %jit3A_906 = arith.constant 1.000000e+00 : f32
        %jit3A_907 = arith.constant 0.000000e+00 : f32
        %select_n3A_908 = arith.select %eq3A_905, %jit3A_906, %jit3A_907 : f32
        %mul3A_909 = vector.broadcast %select_n3A_908 : f32 to vector<16xf32>
        %mul3A_910 = arith.mulf %mul3A_909, %get3A_842 : vector<16xf32>
        %swap3A_911 = arith.index_cast %scan3A_606 : i32 to index
        %swap3A_912 = arith.constant 96 : index
        %swap3A_913 = tpu.vector_load %arg25[%swap3A_911, %swap3A_912] {strides = array<i32>} : memref<40x128xf32, #tpu.memory_space<vmem>>, vector<16xf32>,
        tpu.vector_store %arg25[%swap3A_911, %swap3A_912], %mul3A_910 {strides = array<i32>} : memref<40x128xf32, #tpu.memory_space<vmem>>, vector<16xf32>,
        %mul3A_914 = vector.broadcast %select_n3A_908 : f32 to vector<16xf32>
        %mul3A_915 = arith.mulf %mul3A_914, %add3A_830 : vector<16xf32>
        %swap3A_916 = arith.index_cast %scan3A_606 : i32 to index
        %swap3A_917 = arith.constant 112 : index
        %swap3A_918 = tpu.vector_load %arg25[%swap3A_916, %swap3A_917] {strides = array<i32>} : memref<40x128xf32, #tpu.memory_space<vmem>>, vector<16xf32>,
        tpu.vector_store %arg25[%swap3A_916, %swap3A_917], %mul3A_915 {strides = array<i32>} : memref<40x128xf32, #tpu.memory_space<vmem>>, vector<16xf32>,
        %scan3A_919 = arith.constant 2 : i32
        %scan3A_920 = arith.addi %scan3A_298, %scan3A_919 : i32
        %get3A_921 = arith.index_cast %scan3A_920 : i32 to index
        %get3A_922 = arith.constant 0 : index
        %get3A_923 = tpu.vector_load %arg22[%get3A_921, %get3A_922] {strides = array<i32>} : memref<40x128xf32, #tpu.memory_space<vmem>>, vector<16xf32>,
        %get3A_924 = arith.index_cast %scan3A_920 : i32 to index
        %get3A_925 = arith.constant 0 : index
        %get3A_926 = tpu.vector_load %arg24[%get3A_924, %get3A_925] {strides = array<i32>} : memref<40x128xf32, #tpu.memory_space<vmem>>, vector<16xf32>,
        %add3A_927 = arith.addf %get3A_923, %get3A_926 : vector<16xf32>
        %get3A_928 = arith.index_cast %scan3A_920 : i32 to index
        %get3A_929 = arith.constant 0 : index
        %get3A_930 = tpu.vector_load %arg25[%get3A_928, %get3A_929] {strides = array<i32>} : memref<40x128xf32, #tpu.memory_space<vmem>>, vector<16xf32>,
        %add3A_931 = arith.addf %add3A_927, %get3A_930 : vector<16xf32>
        %mul3A_932 = arith.constant 2.000000e-01 : f32
        %mul3A_933 = vector.broadcast %mul3A_932 : f32 to vector<16xf32>
        %mul3A_934 = arith.mulf %mul3A_933, %add3A_931 : vector<16xf32>
        %max3A_935 = arith.maximumf %add3A_931, %mul3A_934 : vector<16xf32>
        %get3A_936 = arith.constant 0 : index
        %get3A_937 = tpu.vector_load %arg27[%get3A_936] {strides = array<i32>} : memref<128xf32, #tpu.memory_space<vmem>>, vector<16xf32>,
        %mul3A_938 = arith.mulf %max3A_935, %get3A_937 : vector<16xf32>
        %get3A_939 = arith.index_cast %scan3A_920 : i32 to index
        %get3A_940 = arith.constant 16 : index
        %get3A_941 = tpu.vector_load %arg22[%get3A_939, %get3A_940] {strides = array<i32>} : memref<40x128xf32, #tpu.memory_space<vmem>>, vector<16xf32>,
        %get3A_942 = arith.index_cast %scan3A_920 : i32 to index
        %get3A_943 = arith.constant 16 : index
        %get3A_944 = tpu.vector_load %arg24[%get3A_942, %get3A_943] {strides = array<i32>} : memref<40x128xf32, #tpu.memory_space<vmem>>, vector<16xf32>,
        %add3A_945 = arith.addf %get3A_941, %get3A_944 : vector<16xf32>
        %get3A_946 = arith.index_cast %scan3A_920 : i32 to index
        %get3A_947 = arith.constant 16 : index
        %get3A_948 = tpu.vector_load %arg25[%get3A_946, %get3A_947] {strides = array<i32>} : memref<40x128xf32, #tpu.memory_space<vmem>>, vector<16xf32>,
        %add3A_949 = arith.addf %add3A_945, %get3A_948 : vector<16xf32>
        %mul3A_950 = arith.constant 2.000000e-01 : f32
        %mul3A_951 = vector.broadcast %mul3A_950 : f32 to vector<16xf32>
        %mul3A_952 = arith.mulf %mul3A_951, %add3A_949 : vector<16xf32>
        %max3A_953 = arith.maximumf %add3A_949, %mul3A_952 : vector<16xf32>
        %get3A_954 = arith.constant 16 : index
        %get3A_955 = tpu.vector_load %arg27[%get3A_954] {strides = array<i32>} : memref<128xf32, #tpu.memory_space<vmem>>, vector<16xf32>,
        %mul3A_956 = arith.mulf %max3A_953, %get3A_955 : vector<16xf32>
        %add3A_957 = arith.addf %mul3A_938, %mul3A_956 : vector<16xf32>
        %reduce_sum3A_958 = arith.constant true
        %reduce_sum3A_959 = vector.broadcast %reduce_sum3A_958 : i1 to vector<16xi1>
        %reduce_sum3A_960 = tpu.scan <sum>, %add3A_957 masked %reduce_sum3A_959 : vector<16xf32>, vector<16xi1> -> vector<16xf32>
        %reduce_sum3A_961 = vector.extract %reduce_sum3A_960[15] : f32 from vector<16xf32>
        %broadcast_in_dim3A_962 = vector.broadcast %reduce_sum3A_961 : f32 to vector<16xf32>
        %exp3A_963 = math.exp %broadcast_in_dim3A_962 : vector<16xf32>
        %eq3A_964 = arith.constant 0 : i32
        %eq3A_965 = vector.broadcast %eq3A_964 : i32 to vector<16xi32>
        %eq3A_966 = arith.cmpi eq, %iota3A, %eq3A_965 : vector<16xi32>
        %jit3A_967 = arith.constant 0.000000e+00 : f32
        %broadcast_in_dim3A_968 = vector.broadcast %jit3A_967 : f32 to vector<16xf32>
        %select_n3A_969 = arith.select %eq3A_966, %exp3A_963, %broadcast_in_dim3A_968 : vector<16xi1>, vector<16xf32>
        %add3A_970 = arith.addf %select_n3A, %select_n3A_969 : vector<16xf32>
        %mul3A_971 = arith.mulf %exp3A_963, %get3A_923 : vector<16xf32>
        %swap3A_972 = arith.index_cast %scan3A_920 : i32 to index
        %swap3A_973 = arith.constant 0 : index
        %swap3A_974 = tpu.vector_load %arg22[%swap3A_972, %swap3A_973] {strides = array<i32>} : memref<40x128xf32, #tpu.memory_space<vmem>>, vector<16xf32>,
        tpu.vector_store %arg22[%swap3A_972, %swap3A_973], %mul3A_971 {strides = array<i32>} : memref<40x128xf32, #tpu.memory_space<vmem>>, vector<16xf32>,
        %mul3A_975 = arith.mulf %exp3A_963, %get3A_941 : vector<16xf32>
        %swap3A_976 = arith.index_cast %scan3A_920 : i32 to index
        %swap3A_977 = arith.constant 16 : index
        %swap3A_978 = tpu.vector_load %arg22[%swap3A_976, %swap3A_977] {strides = array<i32>} : memref<40x128xf32, #tpu.memory_space<vmem>>, vector<16xf32>,
        tpu.vector_store %arg22[%swap3A_976, %swap3A_977], %mul3A_975 {strides = array<i32>} : memref<40x128xf32, #tpu.memory_space<vmem>>, vector<16xf32>,
        %get3A_979 = arith.index_cast %scan3A_920 : i32 to index
        %get3A_980 = arith.constant 32 : index
        %get3A_981 = tpu.vector_load %arg22[%get3A_979, %get3A_980] {strides = array<i32>} : memref<40x128xf32, #tpu.memory_space<vmem>>, vector<16xf32>,
        %get3A_982 = arith.index_cast %scan3A_920 : i32 to index
        %get3A_983 = arith.constant 32 : index
        %get3A_984 = tpu.vector_load %arg24[%get3A_982, %get3A_983] {strides = array<i32>} : memref<40x128xf32, #tpu.memory_space<vmem>>, vector<16xf32>,
        %add3A_985 = arith.addf %get3A_981, %get3A_984 : vector<16xf32>
        %get3A_986 = arith.index_cast %scan3A_920 : i32 to index
        %get3A_987 = arith.constant 32 : index
        %get3A_988 = tpu.vector_load %arg25[%get3A_986, %get3A_987] {strides = array<i32>} : memref<40x128xf32, #tpu.memory_space<vmem>>, vector<16xf32>,
        %add3A_989 = arith.addf %add3A_985, %get3A_988 : vector<16xf32>
        %mul3A_990 = arith.constant 2.000000e-01 : f32
        %mul3A_991 = vector.broadcast %mul3A_990 : f32 to vector<16xf32>
        %mul3A_992 = arith.mulf %mul3A_991, %add3A_989 : vector<16xf32>
        %max3A_993 = arith.maximumf %add3A_989, %mul3A_992 : vector<16xf32>
        %get3A_994 = arith.constant 32 : index
        %get3A_995 = tpu.vector_load %arg27[%get3A_994] {strides = array<i32>} : memref<128xf32, #tpu.memory_space<vmem>>, vector<16xf32>,
        %mul3A_996 = arith.mulf %max3A_993, %get3A_995 : vector<16xf32>
        %get3A_997 = arith.index_cast %scan3A_920 : i32 to index
        %get3A_998 = arith.constant 48 : index
        %get3A_999 = tpu.vector_load %arg22[%get3A_997, %get3A_998] {strides = array<i32>} : memref<40x128xf32, #tpu.memory_space<vmem>>, vector<16xf32>,
        %get3A_1000 = arith.index_cast %scan3A_920 : i32 to index
        %get3A_1001 = arith.constant 48 : index
        %get3A_1002 = tpu.vector_load %arg24[%get3A_1000, %get3A_1001] {strides = array<i32>} : memref<40x128xf32, #tpu.memory_space<vmem>>, vector<16xf32>,
        %add3A_1003 = arith.addf %get3A_999, %get3A_1002 : vector<16xf32>
        %get3A_1004 = arith.index_cast %scan3A_920 : i32 to index
        %get3A_1005 = arith.constant 48 : index
        %get3A_1006 = tpu.vector_load %arg25[%get3A_1004, %get3A_1005] {strides = array<i32>} : memref<40x128xf32, #tpu.memory_space<vmem>>, vector<16xf32>,
        %add3A_1007 = arith.addf %add3A_1003, %get3A_1006 : vector<16xf32>
        %mul3A_1008 = arith.constant 2.000000e-01 : f32
        %mul3A_1009 = vector.broadcast %mul3A_1008 : f32 to vector<16xf32>
        %mul3A_1010 = arith.mulf %mul3A_1009, %add3A_1007 : vector<16xf32>
        %max3A_1011 = arith.maximumf %add3A_1007, %mul3A_1010 : vector<16xf32>
        %get3A_1012 = arith.constant 48 : index
        %get3A_1013 = tpu.vector_load %arg27[%get3A_1012] {strides = array<i32>} : memref<128xf32, #tpu.memory_space<vmem>>, vector<16xf32>,
        %mul3A_1014 = arith.mulf %max3A_1011, %get3A_1013 : vector<16xf32>
        %add3A_1015 = arith.addf %mul3A_996, %mul3A_1014 : vector<16xf32>
        %reduce_sum3A_1016 = arith.constant true
        %reduce_sum3A_1017 = vector.broadcast %reduce_sum3A_1016 : i1 to vector<16xi1>
        %reduce_sum3A_1018 = tpu.scan <sum>, %add3A_1015 masked %reduce_sum3A_1017 : vector<16xf32>, vector<16xi1> -> vector<16xf32>
        %reduce_sum3A_1019 = vector.extract %reduce_sum3A_1018[15] : f32 from vector<16xf32>
        %broadcast_in_dim3A_1020 = vector.broadcast %reduce_sum3A_1019 : f32 to vector<16xf32>
        %exp3A_1021 = math.exp %broadcast_in_dim3A_1020 : vector<16xf32>
        %eq3A_1022 = arith.constant 1 : i32
        %eq3A_1023 = vector.broadcast %eq3A_1022 : i32 to vector<16xi32>
        %eq3A_1024 = arith.cmpi eq, %iota3A, %eq3A_1023 : vector<16xi32>
        %jit3A_1025 = arith.constant 0.000000e+00 : f32
        %broadcast_in_dim3A_1026 = vector.broadcast %jit3A_1025 : f32 to vector<16xf32>
        %select_n3A_1027 = arith.select %eq3A_1024, %exp3A_1021, %broadcast_in_dim3A_1026 : vector<16xi1>, vector<16xf32>
        %add3A_1028 = arith.addf %add3A_970, %select_n3A_1027 : vector<16xf32>
        %mul3A_1029 = arith.mulf %exp3A_1021, %get3A_981 : vector<16xf32>
        %swap3A_1030 = arith.index_cast %scan3A_920 : i32 to index
        %swap3A_1031 = arith.constant 32 : index
        %swap3A_1032 = tpu.vector_load %arg22[%swap3A_1030, %swap3A_1031] {strides = array<i32>} : memref<40x128xf32, #tpu.memory_space<vmem>>, vector<16xf32>,
        tpu.vector_store %arg22[%swap3A_1030, %swap3A_1031], %mul3A_1029 {strides = array<i32>} : memref<40x128xf32, #tpu.memory_space<vmem>>, vector<16xf32>,
        %mul3A_1033 = arith.mulf %exp3A_1021, %get3A_999 : vector<16xf32>
        %swap3A_1034 = arith.index_cast %scan3A_920 : i32 to index
        %swap3A_1035 = arith.constant 48 : index
        %swap3A_1036 = tpu.vector_load %arg22[%swap3A_1034, %swap3A_1035] {strides = array<i32>} : memref<40x128xf32, #tpu.memory_space<vmem>>, vector<16xf32>,
        tpu.vector_store %arg22[%swap3A_1034, %swap3A_1035], %mul3A_1033 {strides = array<i32>} : memref<40x128xf32, #tpu.memory_space<vmem>>, vector<16xf32>,
        %get3A_1037 = arith.index_cast %scan3A_920 : i32 to index
        %get3A_1038 = arith.constant 64 : index
        %get3A_1039 = tpu.vector_load %arg22[%get3A_1037, %get3A_1038] {strides = array<i32>} : memref<40x128xf32, #tpu.memory_space<vmem>>, vector<16xf32>,
        %get3A_1040 = arith.index_cast %scan3A_920 : i32 to index
        %get3A_1041 = arith.constant 64 : index
        %get3A_1042 = tpu.vector_load %arg24[%get3A_1040, %get3A_1041] {strides = array<i32>} : memref<40x128xf32, #tpu.memory_space<vmem>>, vector<16xf32>,
        %add3A_1043 = arith.addf %get3A_1039, %get3A_1042 : vector<16xf32>
        %get3A_1044 = arith.index_cast %scan3A_920 : i32 to index
        %get3A_1045 = arith.constant 64 : index
        %get3A_1046 = tpu.vector_load %arg25[%get3A_1044, %get3A_1045] {strides = array<i32>} : memref<40x128xf32, #tpu.memory_space<vmem>>, vector<16xf32>,
        %add3A_1047 = arith.addf %add3A_1043, %get3A_1046 : vector<16xf32>
        %mul3A_1048 = arith.constant 2.000000e-01 : f32
        %mul3A_1049 = vector.broadcast %mul3A_1048 : f32 to vector<16xf32>
        %mul3A_1050 = arith.mulf %mul3A_1049, %add3A_1047 : vector<16xf32>
        %max3A_1051 = arith.maximumf %add3A_1047, %mul3A_1050 : vector<16xf32>
        %get3A_1052 = arith.constant 64 : index
        %get3A_1053 = tpu.vector_load %arg27[%get3A_1052] {strides = array<i32>} : memref<128xf32, #tpu.memory_space<vmem>>, vector<16xf32>,
        %mul3A_1054 = arith.mulf %max3A_1051, %get3A_1053 : vector<16xf32>
        %get3A_1055 = arith.index_cast %scan3A_920 : i32 to index
        %get3A_1056 = arith.constant 80 : index
        %get3A_1057 = tpu.vector_load %arg22[%get3A_1055, %get3A_1056] {strides = array<i32>} : memref<40x128xf32, #tpu.memory_space<vmem>>, vector<16xf32>,
        %get3A_1058 = arith.index_cast %scan3A_920 : i32 to index
        %get3A_1059 = arith.constant 80 : index
        %get3A_1060 = tpu.vector_load %arg24[%get3A_1058, %get3A_1059] {strides = array<i32>} : memref<40x128xf32, #tpu.memory_space<vmem>>, vector<16xf32>,
        %add3A_1061 = arith.addf %get3A_1057, %get3A_1060 : vector<16xf32>
        %get3A_1062 = arith.index_cast %scan3A_920 : i32 to index
        %get3A_1063 = arith.constant 80 : index
        %get3A_1064 = tpu.vector_load %arg25[%get3A_1062, %get3A_1063] {strides = array<i32>} : memref<40x128xf32, #tpu.memory_space<vmem>>, vector<16xf32>,
        %add3A_1065 = arith.addf %add3A_1061, %get3A_1064 : vector<16xf32>
        %mul3A_1066 = arith.constant 2.000000e-01 : f32
        %mul3A_1067 = vector.broadcast %mul3A_1066 : f32 to vector<16xf32>
        %mul3A_1068 = arith.mulf %mul3A_1067, %add3A_1065 : vector<16xf32>
        %max3A_1069 = arith.maximumf %add3A_1065, %mul3A_1068 : vector<16xf32>
        %get3A_1070 = arith.constant 80 : index
        %get3A_1071 = tpu.vector_load %arg27[%get3A_1070] {strides = array<i32>} : memref<128xf32, #tpu.memory_space<vmem>>, vector<16xf32>,
        %mul3A_1072 = arith.mulf %max3A_1069, %get3A_1071 : vector<16xf32>
        %add3A_1073 = arith.addf %mul3A_1054, %mul3A_1072 : vector<16xf32>
        %reduce_sum3A_1074 = arith.constant true
        %reduce_sum3A_1075 = vector.broadcast %reduce_sum3A_1074 : i1 to vector<16xi1>
        %reduce_sum3A_1076 = tpu.scan <sum>, %add3A_1073 masked %reduce_sum3A_1075 : vector<16xf32>, vector<16xi1> -> vector<16xf32>
        %reduce_sum3A_1077 = vector.extract %reduce_sum3A_1076[15] : f32 from vector<16xf32>
        %broadcast_in_dim3A_1078 = vector.broadcast %reduce_sum3A_1077 : f32 to vector<16xf32>
        %exp3A_1079 = math.exp %broadcast_in_dim3A_1078 : vector<16xf32>
        %eq3A_1080 = arith.constant 2 : i32
        %eq3A_1081 = vector.broadcast %eq3A_1080 : i32 to vector<16xi32>
        %eq3A_1082 = arith.cmpi eq, %iota3A, %eq3A_1081 : vector<16xi32>
        %jit3A_1083 = arith.constant 0.000000e+00 : f32
        %broadcast_in_dim3A_1084 = vector.broadcast %jit3A_1083 : f32 to vector<16xf32>
        %select_n3A_1085 = arith.select %eq3A_1082, %exp3A_1079, %broadcast_in_dim3A_1084 : vector<16xi1>, vector<16xf32>
        %add3A_1086 = arith.addf %add3A_1028, %select_n3A_1085 : vector<16xf32>
        %mul3A_1087 = arith.mulf %exp3A_1079, %get3A_1039 : vector<16xf32>
        %swap3A_1088 = arith.index_cast %scan3A_920 : i32 to index
        %swap3A_1089 = arith.constant 64 : index
        %swap3A_1090 = tpu.vector_load %arg22[%swap3A_1088, %swap3A_1089] {strides = array<i32>} : memref<40x128xf32, #tpu.memory_space<vmem>>, vector<16xf32>,
        tpu.vector_store %arg22[%swap3A_1088, %swap3A_1089], %mul3A_1087 {strides = array<i32>} : memref<40x128xf32, #tpu.memory_space<vmem>>, vector<16xf32>,
        %mul3A_1091 = arith.mulf %exp3A_1079, %get3A_1057 : vector<16xf32>
        %swap3A_1092 = arith.index_cast %scan3A_920 : i32 to index
        %swap3A_1093 = arith.constant 80 : index
        %swap3A_1094 = tpu.vector_load %arg22[%swap3A_1092, %swap3A_1093] {strides = array<i32>} : memref<40x128xf32, #tpu.memory_space<vmem>>, vector<16xf32>,
        tpu.vector_store %arg22[%swap3A_1092, %swap3A_1093], %mul3A_1091 {strides = array<i32>} : memref<40x128xf32, #tpu.memory_space<vmem>>, vector<16xf32>,
        %get3A_1095 = arith.index_cast %scan3A_920 : i32 to index
        %get3A_1096 = arith.constant 96 : index
        %get3A_1097 = tpu.vector_load %arg22[%get3A_1095, %get3A_1096] {strides = array<i32>} : memref<40x128xf32, #tpu.memory_space<vmem>>, vector<16xf32>,
        %get3A_1098 = arith.index_cast %scan3A_920 : i32 to index
        %get3A_1099 = arith.constant 96 : index
        %get3A_1100 = tpu.vector_load %arg24[%get3A_1098, %get3A_1099] {strides = array<i32>} : memref<40x128xf32, #tpu.memory_space<vmem>>, vector<16xf32>,
        %add3A_1101 = arith.addf %get3A_1097, %get3A_1100 : vector<16xf32>
        %get3A_1102 = arith.index_cast %scan3A_920 : i32 to index
        %get3A_1103 = arith.constant 96 : index
        %get3A_1104 = tpu.vector_load %arg25[%get3A_1102, %get3A_1103] {strides = array<i32>} : memref<40x128xf32, #tpu.memory_space<vmem>>, vector<16xf32>,
        %add3A_1105 = arith.addf %add3A_1101, %get3A_1104 : vector<16xf32>
        %mul3A_1106 = arith.constant 2.000000e-01 : f32
        %mul3A_1107 = vector.broadcast %mul3A_1106 : f32 to vector<16xf32>
        %mul3A_1108 = arith.mulf %mul3A_1107, %add3A_1105 : vector<16xf32>
        %max3A_1109 = arith.maximumf %add3A_1105, %mul3A_1108 : vector<16xf32>
        %get3A_1110 = arith.constant 96 : index
        %get3A_1111 = tpu.vector_load %arg27[%get3A_1110] {strides = array<i32>} : memref<128xf32, #tpu.memory_space<vmem>>, vector<16xf32>,
        %mul3A_1112 = arith.mulf %max3A_1109, %get3A_1111 : vector<16xf32>
        %get3A_1113 = arith.index_cast %scan3A_920 : i32 to index
        %get3A_1114 = arith.constant 112 : index
        %get3A_1115 = tpu.vector_load %arg22[%get3A_1113, %get3A_1114] {strides = array<i32>} : memref<40x128xf32, #tpu.memory_space<vmem>>, vector<16xf32>,
        %get3A_1116 = arith.index_cast %scan3A_920 : i32 to index
        %get3A_1117 = arith.constant 112 : index
        %get3A_1118 = tpu.vector_load %arg24[%get3A_1116, %get3A_1117] {strides = array<i32>} : memref<40x128xf32, #tpu.memory_space<vmem>>, vector<16xf32>,
        %add3A_1119 = arith.addf %get3A_1115, %get3A_1118 : vector<16xf32>
        %get3A_1120 = arith.index_cast %scan3A_920 : i32 to index
        %get3A_1121 = arith.constant 112 : index
        %get3A_1122 = tpu.vector_load %arg25[%get3A_1120, %get3A_1121] {strides = array<i32>} : memref<40x128xf32, #tpu.memory_space<vmem>>, vector<16xf32>,
        %add3A_1123 = arith.addf %add3A_1119, %get3A_1122 : vector<16xf32>
        %mul3A_1124 = arith.constant 2.000000e-01 : f32
        %mul3A_1125 = vector.broadcast %mul3A_1124 : f32 to vector<16xf32>
        %mul3A_1126 = arith.mulf %mul3A_1125, %add3A_1123 : vector<16xf32>
        %max3A_1127 = arith.maximumf %add3A_1123, %mul3A_1126 : vector<16xf32>
        %get3A_1128 = arith.constant 112 : index
        %get3A_1129 = tpu.vector_load %arg27[%get3A_1128] {strides = array<i32>} : memref<128xf32, #tpu.memory_space<vmem>>, vector<16xf32>,
        %mul3A_1130 = arith.mulf %max3A_1127, %get3A_1129 : vector<16xf32>
        %add3A_1131 = arith.addf %mul3A_1112, %mul3A_1130 : vector<16xf32>
        %reduce_sum3A_1132 = arith.constant true
        %reduce_sum3A_1133 = vector.broadcast %reduce_sum3A_1132 : i1 to vector<16xi1>
        %reduce_sum3A_1134 = tpu.scan <sum>, %add3A_1131 masked %reduce_sum3A_1133 : vector<16xf32>, vector<16xi1> -> vector<16xf32>
        %reduce_sum3A_1135 = vector.extract %reduce_sum3A_1134[15] : f32 from vector<16xf32>
        %broadcast_in_dim3A_1136 = vector.broadcast %reduce_sum3A_1135 : f32 to vector<16xf32>
        %exp3A_1137 = math.exp %broadcast_in_dim3A_1136 : vector<16xf32>
        %eq3A_1138 = arith.constant 3 : i32
        %eq3A_1139 = vector.broadcast %eq3A_1138 : i32 to vector<16xi32>
        %eq3A_1140 = arith.cmpi eq, %iota3A, %eq3A_1139 : vector<16xi32>
        %jit3A_1141 = arith.constant 0.000000e+00 : f32
        %broadcast_in_dim3A_1142 = vector.broadcast %jit3A_1141 : f32 to vector<16xf32>
        %select_n3A_1143 = arith.select %eq3A_1140, %exp3A_1137, %broadcast_in_dim3A_1142 : vector<16xi1>, vector<16xf32>
        %add3A_1144 = arith.addf %add3A_1086, %select_n3A_1143 : vector<16xf32>
        %mul3A_1145 = arith.mulf %exp3A_1137, %get3A_1097 : vector<16xf32>
        %swap3A_1146 = arith.index_cast %scan3A_920 : i32 to index
        %swap3A_1147 = arith.constant 96 : index
        %swap3A_1148 = tpu.vector_load %arg22[%swap3A_1146, %swap3A_1147] {strides = array<i32>} : memref<40x128xf32, #tpu.memory_space<vmem>>, vector<16xf32>,
        tpu.vector_store %arg22[%swap3A_1146, %swap3A_1147], %mul3A_1145 {strides = array<i32>} : memref<40x128xf32, #tpu.memory_space<vmem>>, vector<16xf32>,
        %mul3A_1149 = arith.mulf %exp3A_1137, %get3A_1115 : vector<16xf32>
        %swap3A_1150 = arith.index_cast %scan3A_920 : i32 to index
        %swap3A_1151 = arith.constant 112 : index
        %swap3A_1152 = tpu.vector_load %arg22[%swap3A_1150, %swap3A_1151] {strides = array<i32>} : memref<40x128xf32, #tpu.memory_space<vmem>>, vector<16xf32>,
        tpu.vector_store %arg22[%swap3A_1150, %swap3A_1151], %mul3A_1149 {strides = array<i32>} : memref<40x128xf32, #tpu.memory_space<vmem>>, vector<16xf32>,
        %mul3A_1153 = arith.constant 16 : i32
        %mul3A_1154 = arith.muli %scan3A_920, %mul3A_1153 : i32
        %get3A_1155 = arith.index_cast %mul3A_1154 : i32 to index
        %get3A_1156 = tpu.vector_load %arg26[%get3A_1155] {strides = array<i32>} : memref<640xf32, #tpu.memory_space<vmem>>, vector<16xf32>,
        %min3A_1157 = arith.constant 24 : i32
        %min3A_1158 = arith.minsi %scan3A_920, %min3A_1157 : i32
        %get3A_1159 = arith.index_cast %min3A_1158 : i32 to index
        %get3A_1160 = tpu.vector_load %arg19[%get3A_1159] {strides = array<i32>} : memref<40xi32, #tpu.memory_space<vmem>>, vector<16xi32>,
        %sub3A_1161 = arith.subi %scan3A_920, %min3A_1158 : i32
        %eq3A_1162 = vector.broadcast %sub3A_1161 : i32 to vector<16xi32>
        %eq3A_1163 = arith.cmpi eq, %iota3A, %eq3A_1162 : vector<16xi32>
        %jit3A_1164 = arith.constant 0 : i32
        %broadcast_in_dim3A_1165 = vector.broadcast %jit3A_1164 : i32 to vector<16xi32>
        %select_n3A_1166 = arith.select %eq3A_1163, %get3A_1160, %broadcast_in_dim3A_1165 : vector<16xi1>, vector<16xi32>
        %reduce_sum3A_1167 = arith.constant true
        %reduce_sum3A_1168 = vector.broadcast %reduce_sum3A_1167 : i1 to vector<16xi1>
        %reduce_sum3A_1169 = tpu.scan <sum>, %select_n3A_1166 masked %reduce_sum3A_1168 : vector<16xi32>, vector<16xi1> -> vector<16xi32>
        %reduce_sum3A_1170 = vector.extract %reduce_sum3A_1169[15] : i32 from vector<16xi32>
        %rem3A_1171 = arith.constant 4 : i32
        %rem3A_1172 = arith.remsi %reduce_sum3A_1170, %rem3A_1171 : i32
        %eq3A_1173 = arith.constant 0 : i32
        %eq3A_1174 = arith.cmpi eq, %rem3A_1172, %eq3A_1173 : i32
        %jit3A_1175 = arith.constant 1.000000e+00 : f32
        %jit3A_1176 = arith.constant 0.000000e+00 : f32
        %select_n3A_1177 = arith.select %eq3A_1174, %jit3A_1175, %jit3A_1176 : f32
        %mul3A_1178 = vector.broadcast %select_n3A_1177 : f32 to vector<16xf32>
        %mul3A_1179 = arith.mulf %mul3A_1178, %get3A_1156 : vector<16xf32>
        %swap3A_1180 = arith.index_cast %scan3A_920 : i32 to index
        %swap3A_1181 = arith.constant 0 : index
        %swap3A_1182 = tpu.vector_load %arg25[%swap3A_1180, %swap3A_1181] {strides = array<i32>} : memref<40x128xf32, #tpu.memory_space<vmem>>, vector<16xf32>,
        tpu.vector_store %arg25[%swap3A_1180, %swap3A_1181], %mul3A_1179 {strides = array<i32>} : memref<40x128xf32, #tpu.memory_space<vmem>>, vector<16xf32>,
        %mul3A_1183 = vector.broadcast %select_n3A_1177 : f32 to vector<16xf32>
        %mul3A_1184 = arith.mulf %mul3A_1183, %add3A_1144 : vector<16xf32>
        %swap3A_1185 = arith.index_cast %scan3A_920 : i32 to index
        %swap3A_1186 = arith.constant 16 : index
        %swap3A_1187 = tpu.vector_load %arg25[%swap3A_1185, %swap3A_1186] {strides = array<i32>} : memref<40x128xf32, #tpu.memory_space<vmem>>, vector<16xf32>,
        tpu.vector_store %arg25[%swap3A_1185, %swap3A_1186], %mul3A_1184 {strides = array<i32>} : memref<40x128xf32, #tpu.memory_space<vmem>>, vector<16xf32>,
        %eq3A_1188 = arith.constant 1 : i32
        %eq3A_1189 = arith.cmpi eq, %rem3A_1172, %eq3A_1188 : i32
        %jit3A_1190 = arith.constant 1.000000e+00 : f32
        %jit3A_1191 = arith.constant 0.000000e+00 : f32
        %select_n3A_1192 = arith.select %eq3A_1189, %jit3A_1190, %jit3A_1191 : f32
        %mul3A_1193 = vector.broadcast %select_n3A_1192 : f32 to vector<16xf32>
        %mul3A_1194 = arith.mulf %mul3A_1193, %get3A_1156 : vector<16xf32>
        %swap3A_1195 = arith.index_cast %scan3A_920 : i32 to index
        %swap3A_1196 = arith.constant 32 : index
        %swap3A_1197 = tpu.vector_load %arg25[%swap3A_1195, %swap3A_1196] {strides = array<i32>} : memref<40x128xf32, #tpu.memory_space<vmem>>, vector<16xf32>,
        tpu.vector_store %arg25[%swap3A_1195, %swap3A_1196], %mul3A_1194 {strides = array<i32>} : memref<40x128xf32, #tpu.memory_space<vmem>>, vector<16xf32>,
        %mul3A_1198 = vector.broadcast %select_n3A_1192 : f32 to vector<16xf32>
        %mul3A_1199 = arith.mulf %mul3A_1198, %add3A_1144 : vector<16xf32>
        %swap3A_1200 = arith.index_cast %scan3A_920 : i32 to index
        %swap3A_1201 = arith.constant 48 : index
        %swap3A_1202 = tpu.vector_load %arg25[%swap3A_1200, %swap3A_1201] {strides = array<i32>} : memref<40x128xf32, #tpu.memory_space<vmem>>, vector<16xf32>,
        tpu.vector_store %arg25[%swap3A_1200, %swap3A_1201], %mul3A_1199 {strides = array<i32>} : memref<40x128xf32, #tpu.memory_space<vmem>>, vector<16xf32>,
        %eq3A_1203 = arith.constant 2 : i32
        %eq3A_1204 = arith.cmpi eq, %rem3A_1172, %eq3A_1203 : i32
        %jit3A_1205 = arith.constant 1.000000e+00 : f32
        %jit3A_1206 = arith.constant 0.000000e+00 : f32
        %select_n3A_1207 = arith.select %eq3A_1204, %jit3A_1205, %jit3A_1206 : f32
        %mul3A_1208 = vector.broadcast %select_n3A_1207 : f32 to vector<16xf32>
        %mul3A_1209 = arith.mulf %mul3A_1208, %get3A_1156 : vector<16xf32>
        %swap3A_1210 = arith.index_cast %scan3A_920 : i32 to index
        %swap3A_1211 = arith.constant 64 : index
        %swap3A_1212 = tpu.vector_load %arg25[%swap3A_1210, %swap3A_1211] {strides = array<i32>} : memref<40x128xf32, #tpu.memory_space<vmem>>, vector<16xf32>,
        tpu.vector_store %arg25[%swap3A_1210, %swap3A_1211], %mul3A_1209 {strides = array<i32>} : memref<40x128xf32, #tpu.memory_space<vmem>>, vector<16xf32>,
        %mul3A_1213 = vector.broadcast %select_n3A_1207 : f32 to vector<16xf32>
        %mul3A_1214 = arith.mulf %mul3A_1213, %add3A_1144 : vector<16xf32>
        %swap3A_1215 = arith.index_cast %scan3A_920 : i32 to index
        %swap3A_1216 = arith.constant 80 : index
        %swap3A_1217 = tpu.vector_load %arg25[%swap3A_1215, %swap3A_1216] {strides = array<i32>} : memref<40x128xf32, #tpu.memory_space<vmem>>, vector<16xf32>,
        tpu.vector_store %arg25[%swap3A_1215, %swap3A_1216], %mul3A_1214 {strides = array<i32>} : memref<40x128xf32, #tpu.memory_space<vmem>>, vector<16xf32>,
        %eq3A_1218 = arith.constant 3 : i32
        %eq3A_1219 = arith.cmpi eq, %rem3A_1172, %eq3A_1218 : i32
        %jit3A_1220 = arith.constant 1.000000e+00 : f32
        %jit3A_1221 = arith.constant 0.000000e+00 : f32
        %select_n3A_1222 = arith.select %eq3A_1219, %jit3A_1220, %jit3A_1221 : f32
        %mul3A_1223 = vector.broadcast %select_n3A_1222 : f32 to vector<16xf32>
        %mul3A_1224 = arith.mulf %mul3A_1223, %get3A_1156 : vector<16xf32>
        %swap3A_1225 = arith.index_cast %scan3A_920 : i32 to index
        %swap3A_1226 = arith.constant 96 : index
        %swap3A_1227 = tpu.vector_load %arg25[%swap3A_1225, %swap3A_1226] {strides = array<i32>} : memref<40x128xf32, #tpu.memory_space<vmem>>, vector<16xf32>,
        tpu.vector_store %arg25[%swap3A_1225, %swap3A_1226], %mul3A_1224 {strides = array<i32>} : memref<40x128xf32, #tpu.memory_space<vmem>>, vector<16xf32>,
        %mul3A_1228 = vector.broadcast %select_n3A_1222 : f32 to vector<16xf32>
        %mul3A_1229 = arith.mulf %mul3A_1228, %add3A_1144 : vector<16xf32>
        %swap3A_1230 = arith.index_cast %scan3A_920 : i32 to index
        %swap3A_1231 = arith.constant 112 : index
        %swap3A_1232 = tpu.vector_load %arg25[%swap3A_1230, %swap3A_1231] {strides = array<i32>} : memref<40x128xf32, #tpu.memory_space<vmem>>, vector<16xf32>,
        tpu.vector_store %arg25[%swap3A_1230, %swap3A_1231], %mul3A_1229 {strides = array<i32>} : memref<40x128xf32, #tpu.memory_space<vmem>>, vector<16xf32>,
        %scan3A_1233 = arith.constant 3 : i32
        %scan3A_1234 = arith.addi %scan3A_298, %scan3A_1233 : i32
        %get3A_1235 = arith.index_cast %scan3A_1234 : i32 to index
        %get3A_1236 = arith.constant 0 : index
        %get3A_1237 = tpu.vector_load %arg22[%get3A_1235, %get3A_1236] {strides = array<i32>} : memref<40x128xf32, #tpu.memory_space<vmem>>, vector<16xf32>,
        %get3A_1238 = arith.index_cast %scan3A_1234 : i32 to index
        %get3A_1239 = arith.constant 0 : index
        %get3A_1240 = tpu.vector_load %arg24[%get3A_1238, %get3A_1239] {strides = array<i32>} : memref<40x128xf32, #tpu.memory_space<vmem>>, vector<16xf32>,
        %add3A_1241 = arith.addf %get3A_1237, %get3A_1240 : vector<16xf32>
        %get3A_1242 = arith.index_cast %scan3A_1234 : i32 to index
        %get3A_1243 = arith.constant 0 : index
        %get3A_1244 = tpu.vector_load %arg25[%get3A_1242, %get3A_1243] {strides = array<i32>} : memref<40x128xf32, #tpu.memory_space<vmem>>, vector<16xf32>,
        %add3A_1245 = arith.addf %add3A_1241, %get3A_1244 : vector<16xf32>
        %mul3A_1246 = arith.constant 2.000000e-01 : f32
        %mul3A_1247 = vector.broadcast %mul3A_1246 : f32 to vector<16xf32>
        %mul3A_1248 = arith.mulf %mul3A_1247, %add3A_1245 : vector<16xf32>
        %max3A_1249 = arith.maximumf %add3A_1245, %mul3A_1248 : vector<16xf32>
        %get3A_1250 = arith.constant 0 : index
        %get3A_1251 = tpu.vector_load %arg27[%get3A_1250] {strides = array<i32>} : memref<128xf32, #tpu.memory_space<vmem>>, vector<16xf32>,
        %mul3A_1252 = arith.mulf %max3A_1249, %get3A_1251 : vector<16xf32>
        %get3A_1253 = arith.index_cast %scan3A_1234 : i32 to index
        %get3A_1254 = arith.constant 16 : index
        %get3A_1255 = tpu.vector_load %arg22[%get3A_1253, %get3A_1254] {strides = array<i32>} : memref<40x128xf32, #tpu.memory_space<vmem>>, vector<16xf32>,
        %get3A_1256 = arith.index_cast %scan3A_1234 : i32 to index
        %get3A_1257 = arith.constant 16 : index
        %get3A_1258 = tpu.vector_load %arg24[%get3A_1256, %get3A_1257] {strides = array<i32>} : memref<40x128xf32, #tpu.memory_space<vmem>>, vector<16xf32>,
        %add3A_1259 = arith.addf %get3A_1255, %get3A_1258 : vector<16xf32>
        %get3A_1260 = arith.index_cast %scan3A_1234 : i32 to index
        %get3A_1261 = arith.constant 16 : index
        %get3A_1262 = tpu.vector_load %arg25[%get3A_1260, %get3A_1261] {strides = array<i32>} : memref<40x128xf32, #tpu.memory_space<vmem>>, vector<16xf32>,
        %add3A_1263 = arith.addf %add3A_1259, %get3A_1262 : vector<16xf32>
        %mul3A_1264 = arith.constant 2.000000e-01 : f32
        %mul3A_1265 = vector.broadcast %mul3A_1264 : f32 to vector<16xf32>
        %mul3A_1266 = arith.mulf %mul3A_1265, %add3A_1263 : vector<16xf32>
        %max3A_1267 = arith.maximumf %add3A_1263, %mul3A_1266 : vector<16xf32>
        %get3A_1268 = arith.constant 16 : index
        %get3A_1269 = tpu.vector_load %arg27[%get3A_1268] {strides = array<i32>} : memref<128xf32, #tpu.memory_space<vmem>>, vector<16xf32>,
        %mul3A_1270 = arith.mulf %max3A_1267, %get3A_1269 : vector<16xf32>
        %add3A_1271 = arith.addf %mul3A_1252, %mul3A_1270 : vector<16xf32>
        %reduce_sum3A_1272 = arith.constant true
        %reduce_sum3A_1273 = vector.broadcast %reduce_sum3A_1272 : i1 to vector<16xi1>
        %reduce_sum3A_1274 = tpu.scan <sum>, %add3A_1271 masked %reduce_sum3A_1273 : vector<16xf32>, vector<16xi1> -> vector<16xf32>
        %reduce_sum3A_1275 = vector.extract %reduce_sum3A_1274[15] : f32 from vector<16xf32>
        %broadcast_in_dim3A_1276 = vector.broadcast %reduce_sum3A_1275 : f32 to vector<16xf32>
        %exp3A_1277 = math.exp %broadcast_in_dim3A_1276 : vector<16xf32>
        %eq3A_1278 = arith.constant 0 : i32
        %eq3A_1279 = vector.broadcast %eq3A_1278 : i32 to vector<16xi32>
        %eq3A_1280 = arith.cmpi eq, %iota3A, %eq3A_1279 : vector<16xi32>
        %jit3A_1281 = arith.constant 0.000000e+00 : f32
        %broadcast_in_dim3A_1282 = vector.broadcast %jit3A_1281 : f32 to vector<16xf32>
        %select_n3A_1283 = arith.select %eq3A_1280, %exp3A_1277, %broadcast_in_dim3A_1282 : vector<16xi1>, vector<16xf32>
        %add3A_1284 = arith.addf %select_n3A, %select_n3A_1283 : vector<16xf32>
        %mul3A_1285 = arith.mulf %exp3A_1277, %get3A_1237 : vector<16xf32>
        %swap3A_1286 = arith.index_cast %scan3A_1234 : i32 to index
        %swap3A_1287 = arith.constant 0 : index
        %swap3A_1288 = tpu.vector_load %arg22[%swap3A_1286, %swap3A_1287] {strides = array<i32>} : memref<40x128xf32, #tpu.memory_space<vmem>>, vector<16xf32>,
        tpu.vector_store %arg22[%swap3A_1286, %swap3A_1287], %mul3A_1285 {strides = array<i32>} : memref<40x128xf32, #tpu.memory_space<vmem>>, vector<16xf32>,
        %mul3A_1289 = arith.mulf %exp3A_1277, %get3A_1255 : vector<16xf32>
        %swap3A_1290 = arith.index_cast %scan3A_1234 : i32 to index
        %swap3A_1291 = arith.constant 16 : index
        %swap3A_1292 = tpu.vector_load %arg22[%swap3A_1290, %swap3A_1291] {strides = array<i32>} : memref<40x128xf32, #tpu.memory_space<vmem>>, vector<16xf32>,
        tpu.vector_store %arg22[%swap3A_1290, %swap3A_1291], %mul3A_1289 {strides = array<i32>} : memref<40x128xf32, #tpu.memory_space<vmem>>, vector<16xf32>,
        %get3A_1293 = arith.index_cast %scan3A_1234 : i32 to index
        %get3A_1294 = arith.constant 32 : index
        %get3A_1295 = tpu.vector_load %arg22[%get3A_1293, %get3A_1294] {strides = array<i32>} : memref<40x128xf32, #tpu.memory_space<vmem>>, vector<16xf32>,
        %get3A_1296 = arith.index_cast %scan3A_1234 : i32 to index
        %get3A_1297 = arith.constant 32 : index
        %get3A_1298 = tpu.vector_load %arg24[%get3A_1296, %get3A_1297] {strides = array<i32>} : memref<40x128xf32, #tpu.memory_space<vmem>>, vector<16xf32>,
        %add3A_1299 = arith.addf %get3A_1295, %get3A_1298 : vector<16xf32>
        %get3A_1300 = arith.index_cast %scan3A_1234 : i32 to index
        %get3A_1301 = arith.constant 32 : index
        %get3A_1302 = tpu.vector_load %arg25[%get3A_1300, %get3A_1301] {strides = array<i32>} : memref<40x128xf32, #tpu.memory_space<vmem>>, vector<16xf32>,
        %add3A_1303 = arith.addf %add3A_1299, %get3A_1302 : vector<16xf32>
        %mul3A_1304 = arith.constant 2.000000e-01 : f32
        %mul3A_1305 = vector.broadcast %mul3A_1304 : f32 to vector<16xf32>
        %mul3A_1306 = arith.mulf %mul3A_1305, %add3A_1303 : vector<16xf32>
        %max3A_1307 = arith.maximumf %add3A_1303, %mul3A_1306 : vector<16xf32>
        %get3A_1308 = arith.constant 32 : index
        %get3A_1309 = tpu.vector_load %arg27[%get3A_1308] {strides = array<i32>} : memref<128xf32, #tpu.memory_space<vmem>>, vector<16xf32>,
        %mul3A_1310 = arith.mulf %max3A_1307, %get3A_1309 : vector<16xf32>
        %get3A_1311 = arith.index_cast %scan3A_1234 : i32 to index
        %get3A_1312 = arith.constant 48 : index
        %get3A_1313 = tpu.vector_load %arg22[%get3A_1311, %get3A_1312] {strides = array<i32>} : memref<40x128xf32, #tpu.memory_space<vmem>>, vector<16xf32>,
        %get3A_1314 = arith.index_cast %scan3A_1234 : i32 to index
        %get3A_1315 = arith.constant 48 : index
        %get3A_1316 = tpu.vector_load %arg24[%get3A_1314, %get3A_1315] {strides = array<i32>} : memref<40x128xf32, #tpu.memory_space<vmem>>, vector<16xf32>,
        %add3A_1317 = arith.addf %get3A_1313, %get3A_1316 : vector<16xf32>
        %get3A_1318 = arith.index_cast %scan3A_1234 : i32 to index
        %get3A_1319 = arith.constant 48 : index
        %get3A_1320 = tpu.vector_load %arg25[%get3A_1318, %get3A_1319] {strides = array<i32>} : memref<40x128xf32, #tpu.memory_space<vmem>>, vector<16xf32>,
        %add3A_1321 = arith.addf %add3A_1317, %get3A_1320 : vector<16xf32>
        %mul3A_1322 = arith.constant 2.000000e-01 : f32
        %mul3A_1323 = vector.broadcast %mul3A_1322 : f32 to vector<16xf32>
        %mul3A_1324 = arith.mulf %mul3A_1323, %add3A_1321 : vector<16xf32>
        %max3A_1325 = arith.maximumf %add3A_1321, %mul3A_1324 : vector<16xf32>
        %get3A_1326 = arith.constant 48 : index
        %get3A_1327 = tpu.vector_load %arg27[%get3A_1326] {strides = array<i32>} : memref<128xf32, #tpu.memory_space<vmem>>, vector<16xf32>,
        %mul3A_1328 = arith.mulf %max3A_1325, %get3A_1327 : vector<16xf32>
        %add3A_1329 = arith.addf %mul3A_1310, %mul3A_1328 : vector<16xf32>
        %reduce_sum3A_1330 = arith.constant true
        %reduce_sum3A_1331 = vector.broadcast %reduce_sum3A_1330 : i1 to vector<16xi1>
        %reduce_sum3A_1332 = tpu.scan <sum>, %add3A_1329 masked %reduce_sum3A_1331 : vector<16xf32>, vector<16xi1> -> vector<16xf32>
        %reduce_sum3A_1333 = vector.extract %reduce_sum3A_1332[15] : f32 from vector<16xf32>
        %broadcast_in_dim3A_1334 = vector.broadcast %reduce_sum3A_1333 : f32 to vector<16xf32>
        %exp3A_1335 = math.exp %broadcast_in_dim3A_1334 : vector<16xf32>
        %eq3A_1336 = arith.constant 1 : i32
        %eq3A_1337 = vector.broadcast %eq3A_1336 : i32 to vector<16xi32>
        %eq3A_1338 = arith.cmpi eq, %iota3A, %eq3A_1337 : vector<16xi32>
        %jit3A_1339 = arith.constant 0.000000e+00 : f32
        %broadcast_in_dim3A_1340 = vector.broadcast %jit3A_1339 : f32 to vector<16xf32>
        %select_n3A_1341 = arith.select %eq3A_1338, %exp3A_1335, %broadcast_in_dim3A_1340 : vector<16xi1>, vector<16xf32>
        %add3A_1342 = arith.addf %add3A_1284, %select_n3A_1341 : vector<16xf32>
        %mul3A_1343 = arith.mulf %exp3A_1335, %get3A_1295 : vector<16xf32>
        %swap3A_1344 = arith.index_cast %scan3A_1234 : i32 to index
        %swap3A_1345 = arith.constant 32 : index
        %swap3A_1346 = tpu.vector_load %arg22[%swap3A_1344, %swap3A_1345] {strides = array<i32>} : memref<40x128xf32, #tpu.memory_space<vmem>>, vector<16xf32>,
        tpu.vector_store %arg22[%swap3A_1344, %swap3A_1345], %mul3A_1343 {strides = array<i32>} : memref<40x128xf32, #tpu.memory_space<vmem>>, vector<16xf32>,
        %mul3A_1347 = arith.mulf %exp3A_1335, %get3A_1313 : vector<16xf32>
        %swap3A_1348 = arith.index_cast %scan3A_1234 : i32 to index
        %swap3A_1349 = arith.constant 48 : index
        %swap3A_1350 = tpu.vector_load %arg22[%swap3A_1348, %swap3A_1349] {strides = array<i32>} : memref<40x128xf32, #tpu.memory_space<vmem>>, vector<16xf32>,
        tpu.vector_store %arg22[%swap3A_1348, %swap3A_1349], %mul3A_1347 {strides = array<i32>} : memref<40x128xf32, #tpu.memory_space<vmem>>, vector<16xf32>,
        %get3A_1351 = arith.index_cast %scan3A_1234 : i32 to index
        %get3A_1352 = arith.constant 64 : index
        %get3A_1353 = tpu.vector_load %arg22[%get3A_1351, %get3A_1352] {strides = array<i32>} : memref<40x128xf32, #tpu.memory_space<vmem>>, vector<16xf32>,
        %get3A_1354 = arith.index_cast %scan3A_1234 : i32 to index
        %get3A_1355 = arith.constant 64 : index
        %get3A_1356 = tpu.vector_load %arg24[%get3A_1354, %get3A_1355] {strides = array<i32>} : memref<40x128xf32, #tpu.memory_space<vmem>>, vector<16xf32>,
        %add3A_1357 = arith.addf %get3A_1353, %get3A_1356 : vector<16xf32>
        %get3A_1358 = arith.index_cast %scan3A_1234 : i32 to index
        %get3A_1359 = arith.constant 64 : index
        %get3A_1360 = tpu.vector_load %arg25[%get3A_1358, %get3A_1359] {strides = array<i32>} : memref<40x128xf32, #tpu.memory_space<vmem>>, vector<16xf32>,
        %add3A_1361 = arith.addf %add3A_1357, %get3A_1360 : vector<16xf32>
        %mul3A_1362 = arith.constant 2.000000e-01 : f32
        %mul3A_1363 = vector.broadcast %mul3A_1362 : f32 to vector<16xf32>
        %mul3A_1364 = arith.mulf %mul3A_1363, %add3A_1361 : vector<16xf32>
        %max3A_1365 = arith.maximumf %add3A_1361, %mul3A_1364 : vector<16xf32>
        %get3A_1366 = arith.constant 64 : index
        %get3A_1367 = tpu.vector_load %arg27[%get3A_1366] {strides = array<i32>} : memref<128xf32, #tpu.memory_space<vmem>>, vector<16xf32>,
        %mul3A_1368 = arith.mulf %max3A_1365, %get3A_1367 : vector<16xf32>
        %get3A_1369 = arith.index_cast %scan3A_1234 : i32 to index
        %get3A_1370 = arith.constant 80 : index
        %get3A_1371 = tpu.vector_load %arg22[%get3A_1369, %get3A_1370] {strides = array<i32>} : memref<40x128xf32, #tpu.memory_space<vmem>>, vector<16xf32>,
        %get3A_1372 = arith.index_cast %scan3A_1234 : i32 to index
        %get3A_1373 = arith.constant 80 : index
        %get3A_1374 = tpu.vector_load %arg24[%get3A_1372, %get3A_1373] {strides = array<i32>} : memref<40x128xf32, #tpu.memory_space<vmem>>, vector<16xf32>,
        %add3A_1375 = arith.addf %get3A_1371, %get3A_1374 : vector<16xf32>
        %get3A_1376 = arith.index_cast %scan3A_1234 : i32 to index
        %get3A_1377 = arith.constant 80 : index
        %get3A_1378 = tpu.vector_load %arg25[%get3A_1376, %get3A_1377] {strides = array<i32>} : memref<40x128xf32, #tpu.memory_space<vmem>>, vector<16xf32>,
        %add3A_1379 = arith.addf %add3A_1375, %get3A_1378 : vector<16xf32>
        %mul3A_1380 = arith.constant 2.000000e-01 : f32
        %mul3A_1381 = vector.broadcast %mul3A_1380 : f32 to vector<16xf32>
        %mul3A_1382 = arith.mulf %mul3A_1381, %add3A_1379 : vector<16xf32>
        %max3A_1383 = arith.maximumf %add3A_1379, %mul3A_1382 : vector<16xf32>
        %get3A_1384 = arith.constant 80 : index
        %get3A_1385 = tpu.vector_load %arg27[%get3A_1384] {strides = array<i32>} : memref<128xf32, #tpu.memory_space<vmem>>, vector<16xf32>,
        %mul3A_1386 = arith.mulf %max3A_1383, %get3A_1385 : vector<16xf32>
        %add3A_1387 = arith.addf %mul3A_1368, %mul3A_1386 : vector<16xf32>
        %reduce_sum3A_1388 = arith.constant true
        %reduce_sum3A_1389 = vector.broadcast %reduce_sum3A_1388 : i1 to vector<16xi1>
        %reduce_sum3A_1390 = tpu.scan <sum>, %add3A_1387 masked %reduce_sum3A_1389 : vector<16xf32>, vector<16xi1> -> vector<16xf32>
        %reduce_sum3A_1391 = vector.extract %reduce_sum3A_1390[15] : f32 from vector<16xf32>
        %broadcast_in_dim3A_1392 = vector.broadcast %reduce_sum3A_1391 : f32 to vector<16xf32>
        %exp3A_1393 = math.exp %broadcast_in_dim3A_1392 : vector<16xf32>
        %eq3A_1394 = arith.constant 2 : i32
        %eq3A_1395 = vector.broadcast %eq3A_1394 : i32 to vector<16xi32>
        %eq3A_1396 = arith.cmpi eq, %iota3A, %eq3A_1395 : vector<16xi32>
        %jit3A_1397 = arith.constant 0.000000e+00 : f32
        %broadcast_in_dim3A_1398 = vector.broadcast %jit3A_1397 : f32 to vector<16xf32>
        %select_n3A_1399 = arith.select %eq3A_1396, %exp3A_1393, %broadcast_in_dim3A_1398 : vector<16xi1>, vector<16xf32>
        %add3A_1400 = arith.addf %add3A_1342, %select_n3A_1399 : vector<16xf32>
        %mul3A_1401 = arith.mulf %exp3A_1393, %get3A_1353 : vector<16xf32>
        %swap3A_1402 = arith.index_cast %scan3A_1234 : i32 to index
        %swap3A_1403 = arith.constant 64 : index
        %swap3A_1404 = tpu.vector_load %arg22[%swap3A_1402, %swap3A_1403] {strides = array<i32>} : memref<40x128xf32, #tpu.memory_space<vmem>>, vector<16xf32>,
        tpu.vector_store %arg22[%swap3A_1402, %swap3A_1403], %mul3A_1401 {strides = array<i32>} : memref<40x128xf32, #tpu.memory_space<vmem>>, vector<16xf32>,
        %mul3A_1405 = arith.mulf %exp3A_1393, %get3A_1371 : vector<16xf32>
        %swap3A_1406 = arith.index_cast %scan3A_1234 : i32 to index
        %swap3A_1407 = arith.constant 80 : index
        %swap3A_1408 = tpu.vector_load %arg22[%swap3A_1406, %swap3A_1407] {strides = array<i32>} : memref<40x128xf32, #tpu.memory_space<vmem>>, vector<16xf32>,
        tpu.vector_store %arg22[%swap3A_1406, %swap3A_1407], %mul3A_1405 {strides = array<i32>} : memref<40x128xf32, #tpu.memory_space<vmem>>, vector<16xf32>,
        %get3A_1409 = arith.index_cast %scan3A_1234 : i32 to index
        %get3A_1410 = arith.constant 96 : index
        %get3A_1411 = tpu.vector_load %arg22[%get3A_1409, %get3A_1410] {strides = array<i32>} : memref<40x128xf32, #tpu.memory_space<vmem>>, vector<16xf32>,
        %get3A_1412 = arith.index_cast %scan3A_1234 : i32 to index
        %get3A_1413 = arith.constant 96 : index
        %get3A_1414 = tpu.vector_load %arg24[%get3A_1412, %get3A_1413] {strides = array<i32>} : memref<40x128xf32, #tpu.memory_space<vmem>>, vector<16xf32>,
        %add3A_1415 = arith.addf %get3A_1411, %get3A_1414 : vector<16xf32>
        %get3A_1416 = arith.index_cast %scan3A_1234 : i32 to index
        %get3A_1417 = arith.constant 96 : index
        %get3A_1418 = tpu.vector_load %arg25[%get3A_1416, %get3A_1417] {strides = array<i32>} : memref<40x128xf32, #tpu.memory_space<vmem>>, vector<16xf32>,
        %add3A_1419 = arith.addf %add3A_1415, %get3A_1418 : vector<16xf32>
        %mul3A_1420 = arith.constant 2.000000e-01 : f32
        %mul3A_1421 = vector.broadcast %mul3A_1420 : f32 to vector<16xf32>
        %mul3A_1422 = arith.mulf %mul3A_1421, %add3A_1419 : vector<16xf32>
        %max3A_1423 = arith.maximumf %add3A_1419, %mul3A_1422 : vector<16xf32>
        %get3A_1424 = arith.constant 96 : index
        %get3A_1425 = tpu.vector_load %arg27[%get3A_1424] {strides = array<i32>} : memref<128xf32, #tpu.memory_space<vmem>>, vector<16xf32>,
        %mul3A_1426 = arith.mulf %max3A_1423, %get3A_1425 : vector<16xf32>
        %get3A_1427 = arith.index_cast %scan3A_1234 : i32 to index
        %get3A_1428 = arith.constant 112 : index
        %get3A_1429 = tpu.vector_load %arg22[%get3A_1427, %get3A_1428] {strides = array<i32>} : memref<40x128xf32, #tpu.memory_space<vmem>>, vector<16xf32>,
        %get3A_1430 = arith.index_cast %scan3A_1234 : i32 to index
        %get3A_1431 = arith.constant 112 : index
        %get3A_1432 = tpu.vector_load %arg24[%get3A_1430, %get3A_1431] {strides = array<i32>} : memref<40x128xf32, #tpu.memory_space<vmem>>, vector<16xf32>,
        %add3A_1433 = arith.addf %get3A_1429, %get3A_1432 : vector<16xf32>
        %get3A_1434 = arith.index_cast %scan3A_1234 : i32 to index
        %get3A_1435 = arith.constant 112 : index
        %get3A_1436 = tpu.vector_load %arg25[%get3A_1434, %get3A_1435] {strides = array<i32>} : memref<40x128xf32, #tpu.memory_space<vmem>>, vector<16xf32>,
        %add3A_1437 = arith.addf %add3A_1433, %get3A_1436 : vector<16xf32>
        %mul3A_1438 = arith.constant 2.000000e-01 : f32
        %mul3A_1439 = vector.broadcast %mul3A_1438 : f32 to vector<16xf32>
        %mul3A_1440 = arith.mulf %mul3A_1439, %add3A_1437 : vector<16xf32>
        %max3A_1441 = arith.maximumf %add3A_1437, %mul3A_1440 : vector<16xf32>
        %get3A_1442 = arith.constant 112 : index
        %get3A_1443 = tpu.vector_load %arg27[%get3A_1442] {strides = array<i32>} : memref<128xf32, #tpu.memory_space<vmem>>, vector<16xf32>,
        %mul3A_1444 = arith.mulf %max3A_1441, %get3A_1443 : vector<16xf32>
        %add3A_1445 = arith.addf %mul3A_1426, %mul3A_1444 : vector<16xf32>
        %reduce_sum3A_1446 = arith.constant true
        %reduce_sum3A_1447 = vector.broadcast %reduce_sum3A_1446 : i1 to vector<16xi1>
        %reduce_sum3A_1448 = tpu.scan <sum>, %add3A_1445 masked %reduce_sum3A_1447 : vector<16xf32>, vector<16xi1> -> vector<16xf32>
        %reduce_sum3A_1449 = vector.extract %reduce_sum3A_1448[15] : f32 from vector<16xf32>
        %broadcast_in_dim3A_1450 = vector.broadcast %reduce_sum3A_1449 : f32 to vector<16xf32>
        %exp3A_1451 = math.exp %broadcast_in_dim3A_1450 : vector<16xf32>
        %eq3A_1452 = arith.constant 3 : i32
        %eq3A_1453 = vector.broadcast %eq3A_1452 : i32 to vector<16xi32>
        %eq3A_1454 = arith.cmpi eq, %iota3A, %eq3A_1453 : vector<16xi32>
        %jit3A_1455 = arith.constant 0.000000e+00 : f32
        %broadcast_in_dim3A_1456 = vector.broadcast %jit3A_1455 : f32 to vector<16xf32>
        %select_n3A_1457 = arith.select %eq3A_1454, %exp3A_1451, %broadcast_in_dim3A_1456 : vector<16xi1>, vector<16xf32>
        %add3A_1458 = arith.addf %add3A_1400, %select_n3A_1457 : vector<16xf32>
        %mul3A_1459 = arith.mulf %exp3A_1451, %get3A_1411 : vector<16xf32>
        %swap3A_1460 = arith.index_cast %scan3A_1234 : i32 to index
        %swap3A_1461 = arith.constant 96 : index
        %swap3A_1462 = tpu.vector_load %arg22[%swap3A_1460, %swap3A_1461] {strides = array<i32>} : memref<40x128xf32, #tpu.memory_space<vmem>>, vector<16xf32>,
        tpu.vector_store %arg22[%swap3A_1460, %swap3A_1461], %mul3A_1459 {strides = array<i32>} : memref<40x128xf32, #tpu.memory_space<vmem>>, vector<16xf32>,
        %mul3A_1463 = arith.mulf %exp3A_1451, %get3A_1429 : vector<16xf32>
        %swap3A_1464 = arith.index_cast %scan3A_1234 : i32 to index
        %swap3A_1465 = arith.constant 112 : index
        %swap3A_1466 = tpu.vector_load %arg22[%swap3A_1464, %swap3A_1465] {strides = array<i32>} : memref<40x128xf32, #tpu.memory_space<vmem>>, vector<16xf32>,
        tpu.vector_store %arg22[%swap3A_1464, %swap3A_1465], %mul3A_1463 {strides = array<i32>} : memref<40x128xf32, #tpu.memory_space<vmem>>, vector<16xf32>,
        %mul3A_1467 = arith.constant 16 : i32
        %mul3A_1468 = arith.muli %scan3A_1234, %mul3A_1467 : i32
        %get3A_1469 = arith.index_cast %mul3A_1468 : i32 to index
        %get3A_1470 = tpu.vector_load %arg26[%get3A_1469] {strides = array<i32>} : memref<640xf32, #tpu.memory_space<vmem>>, vector<16xf32>,
        %min3A_1471 = arith.constant 24 : i32
        %min3A_1472 = arith.minsi %scan3A_1234, %min3A_1471 : i32
        %get3A_1473 = arith.index_cast %min3A_1472 : i32 to index
        %get3A_1474 = tpu.vector_load %arg19[%get3A_1473] {strides = array<i32>} : memref<40xi32, #tpu.memory_space<vmem>>, vector<16xi32>,
        %sub3A_1475 = arith.subi %scan3A_1234, %min3A_1472 : i32
        %eq3A_1476 = vector.broadcast %sub3A_1475 : i32 to vector<16xi32>
        %eq3A_1477 = arith.cmpi eq, %iota3A, %eq3A_1476 : vector<16xi32>
        %jit3A_1478 = arith.constant 0 : i32
        %broadcast_in_dim3A_1479 = vector.broadcast %jit3A_1478 : i32 to vector<16xi32>
        %select_n3A_1480 = arith.select %eq3A_1477, %get3A_1474, %broadcast_in_dim3A_1479 : vector<16xi1>, vector<16xi32>
        %reduce_sum3A_1481 = arith.constant true
        %reduce_sum3A_1482 = vector.broadcast %reduce_sum3A_1481 : i1 to vector<16xi1>
        %reduce_sum3A_1483 = tpu.scan <sum>, %select_n3A_1480 masked %reduce_sum3A_1482 : vector<16xi32>, vector<16xi1> -> vector<16xi32>
        %reduce_sum3A_1484 = vector.extract %reduce_sum3A_1483[15] : i32 from vector<16xi32>
        %rem3A_1485 = arith.constant 4 : i32
        %rem3A_1486 = arith.remsi %reduce_sum3A_1484, %rem3A_1485 : i32
        %eq3A_1487 = arith.constant 0 : i32
        %eq3A_1488 = arith.cmpi eq, %rem3A_1486, %eq3A_1487 : i32
        %jit3A_1489 = arith.constant 1.000000e+00 : f32
        %jit3A_1490 = arith.constant 0.000000e+00 : f32
        %select_n3A_1491 = arith.select %eq3A_1488, %jit3A_1489, %jit3A_1490 : f32
        %mul3A_1492 = vector.broadcast %select_n3A_1491 : f32 to vector<16xf32>
        %mul3A_1493 = arith.mulf %mul3A_1492, %get3A_1470 : vector<16xf32>
        %swap3A_1494 = arith.index_cast %scan3A_1234 : i32 to index
        %swap3A_1495 = arith.constant 0 : index
        %swap3A_1496 = tpu.vector_load %arg25[%swap3A_1494, %swap3A_1495] {strides = array<i32>} : memref<40x128xf32, #tpu.memory_space<vmem>>, vector<16xf32>,
        tpu.vector_store %arg25[%swap3A_1494, %swap3A_1495], %mul3A_1493 {strides = array<i32>} : memref<40x128xf32, #tpu.memory_space<vmem>>, vector<16xf32>,
        %mul3A_1497 = vector.broadcast %select_n3A_1491 : f32 to vector<16xf32>
        %mul3A_1498 = arith.mulf %mul3A_1497, %add3A_1458 : vector<16xf32>
        %swap3A_1499 = arith.index_cast %scan3A_1234 : i32 to index
        %swap3A_1500 = arith.constant 16 : index
        %swap3A_1501 = tpu.vector_load %arg25[%swap3A_1499, %swap3A_1500] {strides = array<i32>} : memref<40x128xf32, #tpu.memory_space<vmem>>, vector<16xf32>,
        tpu.vector_store %arg25[%swap3A_1499, %swap3A_1500], %mul3A_1498 {strides = array<i32>} : memref<40x128xf32, #tpu.memory_space<vmem>>, vector<16xf32>,
        %eq3A_1502 = arith.constant 1 : i32
        %eq3A_1503 = arith.cmpi eq, %rem3A_1486, %eq3A_1502 : i32
        %jit3A_1504 = arith.constant 1.000000e+00 : f32
        %jit3A_1505 = arith.constant 0.000000e+00 : f32
        %select_n3A_1506 = arith.select %eq3A_1503, %jit3A_1504, %jit3A_1505 : f32
        %mul3A_1507 = vector.broadcast %select_n3A_1506 : f32 to vector<16xf32>
        %mul3A_1508 = arith.mulf %mul3A_1507, %get3A_1470 : vector<16xf32>
        %swap3A_1509 = arith.index_cast %scan3A_1234 : i32 to index
        %swap3A_1510 = arith.constant 32 : index
        %swap3A_1511 = tpu.vector_load %arg25[%swap3A_1509, %swap3A_1510] {strides = array<i32>} : memref<40x128xf32, #tpu.memory_space<vmem>>, vector<16xf32>,
        tpu.vector_store %arg25[%swap3A_1509, %swap3A_1510], %mul3A_1508 {strides = array<i32>} : memref<40x128xf32, #tpu.memory_space<vmem>>, vector<16xf32>,
        %mul3A_1512 = vector.broadcast %select_n3A_1506 : f32 to vector<16xf32>
        %mul3A_1513 = arith.mulf %mul3A_1512, %add3A_1458 : vector<16xf32>
        %swap3A_1514 = arith.index_cast %scan3A_1234 : i32 to index
        %swap3A_1515 = arith.constant 48 : index
        %swap3A_1516 = tpu.vector_load %arg25[%swap3A_1514, %swap3A_1515] {strides = array<i32>} : memref<40x128xf32, #tpu.memory_space<vmem>>, vector<16xf32>,
        tpu.vector_store %arg25[%swap3A_1514, %swap3A_1515], %mul3A_1513 {strides = array<i32>} : memref<40x128xf32, #tpu.memory_space<vmem>>, vector<16xf32>,
        %eq3A_1517 = arith.constant 2 : i32
        %eq3A_1518 = arith.cmpi eq, %rem3A_1486, %eq3A_1517 : i32
        %jit3A_1519 = arith.constant 1.000000e+00 : f32
        %jit3A_1520 = arith.constant 0.000000e+00 : f32
        %select_n3A_1521 = arith.select %eq3A_1518, %jit3A_1519, %jit3A_1520 : f32
        %mul3A_1522 = vector.broadcast %select_n3A_1521 : f32 to vector<16xf32>
        %mul3A_1523 = arith.mulf %mul3A_1522, %get3A_1470 : vector<16xf32>
        %swap3A_1524 = arith.index_cast %scan3A_1234 : i32 to index
        %swap3A_1525 = arith.constant 64 : index
        %swap3A_1526 = tpu.vector_load %arg25[%swap3A_1524, %swap3A_1525] {strides = array<i32>} : memref<40x128xf32, #tpu.memory_space<vmem>>, vector<16xf32>,
        tpu.vector_store %arg25[%swap3A_1524, %swap3A_1525], %mul3A_1523 {strides = array<i32>} : memref<40x128xf32, #tpu.memory_space<vmem>>, vector<16xf32>,
        %mul3A_1527 = vector.broadcast %select_n3A_1521 : f32 to vector<16xf32>
        %mul3A_1528 = arith.mulf %mul3A_1527, %add3A_1458 : vector<16xf32>
        %swap3A_1529 = arith.index_cast %scan3A_1234 : i32 to index
        %swap3A_1530 = arith.constant 80 : index
        %swap3A_1531 = tpu.vector_load %arg25[%swap3A_1529, %swap3A_1530] {strides = array<i32>} : memref<40x128xf32, #tpu.memory_space<vmem>>, vector<16xf32>,
        tpu.vector_store %arg25[%swap3A_1529, %swap3A_1530], %mul3A_1528 {strides = array<i32>} : memref<40x128xf32, #tpu.memory_space<vmem>>, vector<16xf32>,
        %eq3A_1532 = arith.constant 3 : i32
        %eq3A_1533 = arith.cmpi eq, %rem3A_1486, %eq3A_1532 : i32
        %jit3A_1534 = arith.constant 1.000000e+00 : f32
        %jit3A_1535 = arith.constant 0.000000e+00 : f32
        %select_n3A_1536 = arith.select %eq3A_1533, %jit3A_1534, %jit3A_1535 : f32
        %mul3A_1537 = vector.broadcast %select_n3A_1536 : f32 to vector<16xf32>
        %mul3A_1538 = arith.mulf %mul3A_1537, %get3A_1470 : vector<16xf32>
        %swap3A_1539 = arith.index_cast %scan3A_1234 : i32 to index
        %swap3A_1540 = arith.constant 96 : index
        %swap3A_1541 = tpu.vector_load %arg25[%swap3A_1539, %swap3A_1540] {strides = array<i32>} : memref<40x128xf32, #tpu.memory_space<vmem>>, vector<16xf32>,
        tpu.vector_store %arg25[%swap3A_1539, %swap3A_1540], %mul3A_1538 {strides = array<i32>} : memref<40x128xf32, #tpu.memory_space<vmem>>, vector<16xf32>,
        %mul3A_1542 = vector.broadcast %select_n3A_1536 : f32 to vector<16xf32>
        %mul3A_1543 = arith.mulf %mul3A_1542, %add3A_1458 : vector<16xf32>
        %swap3A_1544 = arith.index_cast %scan3A_1234 : i32 to index
        %swap3A_1545 = arith.constant 112 : index
        %swap3A_1546 = tpu.vector_load %arg25[%swap3A_1544, %swap3A_1545] {strides = array<i32>} : memref<40x128xf32, #tpu.memory_space<vmem>>, vector<16xf32>,
        tpu.vector_store %arg25[%swap3A_1544, %swap3A_1545], %mul3A_1543 {strides = array<i32>} : memref<40x128xf32, #tpu.memory_space<vmem>>, vector<16xf32>,
      }
      %scan3A_297 = arith.constant 40 : i32
      "tpu.region"() ({
        %run_scoped3A = tpu.sem_alloc : memref<!tpu.dma_semaphore, #tpu.memory_space<semaphore_mem>>
        %dma_start3A_298 = arith.constant 0 : i32
        %dma_start3A_299 = arith.constant 0 : i32
        %dma_start3A_300 = tpu.memref_slice %arg12[%dma_start3A_298, %dma_start3A_299] : memref<10240x128xf32, #tpu.memory_space<vmem_shared>> -> memref<10240x128xf32, #tpu.memory_space<vmem_shared>>
        tpu.enqueue_indirect_dma source(%arg22 : memref<40x128xf32, #tpu.memory_space<vmem>>) target(%dma_start3A_300 : memref<10240x128xf32, #tpu.memory_space<vmem_shared>>) offsets(%arg19 : memref<40xi32, #tpu.memory_space<vmem>>) semaphore(%run_scoped3A : memref<!tpu.dma_semaphore, #tpu.memory_space<semaphore_mem>>) {add = true}
        %dma_wait3A_301 = arith.constant 0 : i32
        %dma_wait3A_302 = arith.constant 0 : i32
        %dma_wait3A_303 = tpu.memref_slice %arg12[%dma_wait3A_301, %dma_wait3A_302] : memref<10240x128xf32, #tpu.memory_space<vmem_shared>> -> memref<10240x128xf32, #tpu.memory_space<vmem_shared>>
        tpu.wait_indirect_dma semaphore(%run_scoped3A : memref<!tpu.dma_semaphore, #tpu.memory_space<semaphore_mem>>) src(%arg22 : memref<40x128xf32, #tpu.memory_space<vmem>>) dst(%dma_wait3A_303 : memref<10240x128xf32, #tpu.memory_space<vmem_shared>>)
        tpu.yield
      }) : () -> ()
      "tpu.region"() ({
        %run_scoped3A = tpu.sem_alloc : memref<!tpu.dma_semaphore, #tpu.memory_space<semaphore_mem>>
        %dma_start3A_298 = arith.constant 0 : i32
        %dma_start3A_299 = arith.constant 0 : i32
        %dma_start3A_300 = tpu.memref_slice %arg13[%dma_start3A_298, %dma_start3A_299] : memref<2560x128xf32, #tpu.memory_space<vmem_shared>> -> memref<2560x128xf32, #tpu.memory_space<vmem_shared>>
        tpu.enqueue_indirect_dma source(%arg25 : memref<40x128xf32, #tpu.memory_space<vmem>>) target(%dma_start3A_300 : memref<2560x128xf32, #tpu.memory_space<vmem_shared>>) offsets(%arg20 : memref<40xi32, #tpu.memory_space<vmem>>) semaphore(%run_scoped3A : memref<!tpu.dma_semaphore, #tpu.memory_space<semaphore_mem>>) {add = true}
        %dma_wait3A_301 = arith.constant 0 : i32
        %dma_wait3A_302 = arith.constant 0 : i32
        %dma_wait3A_303 = tpu.memref_slice %arg13[%dma_wait3A_301, %dma_wait3A_302] : memref<2560x128xf32, #tpu.memory_space<vmem_shared>> -> memref<2560x128xf32, #tpu.memory_space<vmem_shared>>
        tpu.wait_indirect_dma semaphore(%run_scoped3A : memref<!tpu.dma_semaphore, #tpu.memory_space<semaphore_mem>>) src(%arg25 : memref<40x128xf32, #tpu.memory_space<vmem>>) dst(%dma_wait3A_303 : memref<2560x128xf32, #tpu.memory_space<vmem_shared>>)
        tpu.yield
      }) : () -> ()
    }
    %scan3A_110 = arith.constant 125 : i32
    %barrier3A_111 = arith.constant 0 : index
    tpu.barrier barrier_id(%barrier3A_111)
    %mul3A_112 = arith.constant 10240 : i32
    %mul3A_113 = arith.muli %arg0, %mul3A_112 : i32
    %add3A_114 = arith.addi %mul3A_113, %mul3A_2 : i32
    %add3A_115 = arith.constant 0 : i32
    %add3A_116 = arith.addi %mul3A_2, %add3A_115 : i32
    "tpu.region"() ({
      %run_scoped3A = tpu.sem_alloc : memref<!tpu.dma_semaphore, #tpu.memory_space<semaphore_mem>>
      %dma_start3A_198 = arith.constant 0 : i32
      %dma_start3A_199 = tpu.memref_slice %arg12[%add3A_116, %dma_start3A_198] : memref<10240x128xf32, #tpu.memory_space<vmem_shared>> -> memref<40x128xf32, #tpu.memory_space<vmem_shared>>
      %dma_start3A_200 = arith.constant 0 : i32
      %dma_start3A_201 = tpu.memref_slice %arg12[%add3A_116, %dma_start3A_200] : memref<10240x128xf32, #tpu.memory_space<vmem_shared>> -> memref<40x128xf32, #tpu.memory_space<vmem_shared>>
      tpu.enqueue_dma source(%dma_start3A_201 : memref<40x128xf32, #tpu.memory_space<vmem_shared>>) target(%arg21 : memref<40x128xf32, #tpu.memory_space<vmem>>) target_semaphore(%run_scoped3A : memref<!tpu.dma_semaphore, #tpu.memory_space<semaphore_mem>>)
      %dma_wait3A = arith.constant 0 : i32
      %dma_wait3A_202 = tpu.memref_slice %arg12[%add3A_116, %dma_wait3A] : memref<10240x128xf32, #tpu.memory_space<vmem_shared>> -> memref<40x128xf32, #tpu.memory_space<vmem_shared>>
      %dma_wait3A_203 = arith.constant 0 : i32
      %dma_wait3A_204 = tpu.memref_slice %arg12[%add3A_116, %dma_wait3A_203] : memref<10240x128xf32, #tpu.memory_space<vmem_shared>> -> memref<40x128xf32, #tpu.memory_space<vmem_shared>>
      tpu.wait_dma2 semaphore(%run_scoped3A : memref<!tpu.dma_semaphore, #tpu.memory_space<semaphore_mem>>) src(%dma_wait3A_204 : memref<40x128xf32, #tpu.memory_space<vmem_shared>>) dst(%arg21 : memref<40x128xf32, #tpu.memory_space<vmem>>)
      tpu.yield
    }) : () -> ()
    %add3A_117 = arith.constant 0 : i32
    %add3A_118 = arith.addi %add3A_114, %add3A_117 : i32
    "tpu.region"() ({
      %run_scoped3A = tpu.sem_alloc : memref<!tpu.dma_semaphore, #tpu.memory_space<semaphore_mem>>
      %dma_start3A_198 = arith.constant 0 : i32
      %dma_start3A_199 = tpu.memref_slice %arg10[%add3A_118, %dma_start3A_198] : memref<20480x128xf32, #tpu.memory_space<hbm>> -> memref<40x128xf32, #tpu.memory_space<hbm>>
      %dma_start3A_200 = arith.constant 0 : i32
      %dma_start3A_201 = tpu.memref_slice %arg10[%add3A_118, %dma_start3A_200] : memref<20480x128xf32, #tpu.memory_space<hbm>> -> memref<40x128xf32, #tpu.memory_space<hbm>>
      tpu.enqueue_dma source(%arg21 : memref<40x128xf32, #tpu.memory_space<vmem>>) target(%dma_start3A_201 : memref<40x128xf32, #tpu.memory_space<hbm>>) target_semaphore(%run_scoped3A : memref<!tpu.dma_semaphore, #tpu.memory_space<semaphore_mem>>)
      %dma_wait3A = arith.constant 0 : i32
      %dma_wait3A_202 = tpu.memref_slice %arg10[%add3A_118, %dma_wait3A] : memref<20480x128xf32, #tpu.memory_space<hbm>> -> memref<40x128xf32, #tpu.memory_space<hbm>>
      %dma_wait3A_203 = arith.constant 0 : i32
      %dma_wait3A_204 = tpu.memref_slice %arg10[%add3A_118, %dma_wait3A_203] : memref<20480x128xf32, #tpu.memory_space<hbm>> -> memref<40x128xf32, #tpu.memory_space<hbm>>
      tpu.wait_dma2 semaphore(%run_scoped3A : memref<!tpu.dma_semaphore, #tpu.memory_space<semaphore_mem>>) src(%arg21 : memref<40x128xf32, #tpu.memory_space<vmem>>) dst(%dma_wait3A_204 : memref<40x128xf32, #tpu.memory_space<hbm>>)
      tpu.yield
    }) : () -> ()
    %add3A_119 = arith.constant 40 : i32
    %add3A_120 = arith.addi %mul3A_2, %add3A_119 : i32
    "tpu.region"() ({
      %run_scoped3A = tpu.sem_alloc : memref<!tpu.dma_semaphore, #tpu.memory_space<semaphore_mem>>
      %dma_start3A_198 = arith.constant 0 : i32
      %dma_start3A_199 = tpu.memref_slice %arg12[%add3A_120, %dma_start3A_198] : memref<10240x128xf32, #tpu.memory_space<vmem_shared>> -> memref<40x128xf32, #tpu.memory_space<vmem_shared>>
      %dma_start3A_200 = arith.constant 0 : i32
      %dma_start3A_201 = tpu.memref_slice %arg12[%add3A_120, %dma_start3A_200] : memref<10240x128xf32, #tpu.memory_space<vmem_shared>> -> memref<40x128xf32, #tpu.memory_space<vmem_shared>>
      tpu.enqueue_dma source(%dma_start3A_201 : memref<40x128xf32, #tpu.memory_space<vmem_shared>>) target(%arg21 : memref<40x128xf32, #tpu.memory_space<vmem>>) target_semaphore(%run_scoped3A : memref<!tpu.dma_semaphore, #tpu.memory_space<semaphore_mem>>)
      %dma_wait3A = arith.constant 0 : i32
      %dma_wait3A_202 = tpu.memref_slice %arg12[%add3A_120, %dma_wait3A] : memref<10240x128xf32, #tpu.memory_space<vmem_shared>> -> memref<40x128xf32, #tpu.memory_space<vmem_shared>>
      %dma_wait3A_203 = arith.constant 0 : i32
      %dma_wait3A_204 = tpu.memref_slice %arg12[%add3A_120, %dma_wait3A_203] : memref<10240x128xf32, #tpu.memory_space<vmem_shared>> -> memref<40x128xf32, #tpu.memory_space<vmem_shared>>
      tpu.wait_dma2 semaphore(%run_scoped3A : memref<!tpu.dma_semaphore, #tpu.memory_space<semaphore_mem>>) src(%dma_wait3A_204 : memref<40x128xf32, #tpu.memory_space<vmem_shared>>) dst(%arg21 : memref<40x128xf32, #tpu.memory_space<vmem>>)
      tpu.yield
    }) : () -> ()
    %add3A_121 = arith.constant 40 : i32
    %add3A_122 = arith.addi %add3A_114, %add3A_121 : i32
    "tpu.region"() ({
      %run_scoped3A = tpu.sem_alloc : memref<!tpu.dma_semaphore, #tpu.memory_space<semaphore_mem>>
      %dma_start3A_198 = arith.constant 0 : i32
      %dma_start3A_199 = tpu.memref_slice %arg10[%add3A_122, %dma_start3A_198] : memref<20480x128xf32, #tpu.memory_space<hbm>> -> memref<40x128xf32, #tpu.memory_space<hbm>>
      %dma_start3A_200 = arith.constant 0 : i32
      %dma_start3A_201 = tpu.memref_slice %arg10[%add3A_122, %dma_start3A_200] : memref<20480x128xf32, #tpu.memory_space<hbm>> -> memref<40x128xf32, #tpu.memory_space<hbm>>
      tpu.enqueue_dma source(%arg21 : memref<40x128xf32, #tpu.memory_space<vmem>>) target(%dma_start3A_201 : memref<40x128xf32, #tpu.memory_space<hbm>>) target_semaphore(%run_scoped3A : memref<!tpu.dma_semaphore, #tpu.memory_space<semaphore_mem>>)
      %dma_wait3A = arith.constant 0 : i32
      %dma_wait3A_202 = tpu.memref_slice %arg10[%add3A_122, %dma_wait3A] : memref<20480x128xf32, #tpu.memory_space<hbm>> -> memref<40x128xf32, #tpu.memory_space<hbm>>
      %dma_wait3A_203 = arith.constant 0 : i32
      %dma_wait3A_204 = tpu.memref_slice %arg10[%add3A_122, %dma_wait3A_203] : memref<20480x128xf32, #tpu.memory_space<hbm>> -> memref<40x128xf32, #tpu.memory_space<hbm>>
      tpu.wait_dma2 semaphore(%run_scoped3A : memref<!tpu.dma_semaphore, #tpu.memory_space<semaphore_mem>>) src(%arg21 : memref<40x128xf32, #tpu.memory_space<vmem>>) dst(%dma_wait3A_204 : memref<40x128xf32, #tpu.memory_space<hbm>>)
      tpu.yield
    }) : () -> ()
    %add3A_123 = arith.constant 80 : i32
    %add3A_124 = arith.addi %mul3A_2, %add3A_123 : i32
    "tpu.region"() ({
      %run_scoped3A = tpu.sem_alloc : memref<!tpu.dma_semaphore, #tpu.memory_space<semaphore_mem>>
      %dma_start3A_198 = arith.constant 0 : i32
      %dma_start3A_199 = tpu.memref_slice %arg12[%add3A_124, %dma_start3A_198] : memref<10240x128xf32, #tpu.memory_space<vmem_shared>> -> memref<40x128xf32, #tpu.memory_space<vmem_shared>>
      %dma_start3A_200 = arith.constant 0 : i32
      %dma_start3A_201 = tpu.memref_slice %arg12[%add3A_124, %dma_start3A_200] : memref<10240x128xf32, #tpu.memory_space<vmem_shared>> -> memref<40x128xf32, #tpu.memory_space<vmem_shared>>
      tpu.enqueue_dma source(%dma_start3A_201 : memref<40x128xf32, #tpu.memory_space<vmem_shared>>) target(%arg21 : memref<40x128xf32, #tpu.memory_space<vmem>>) target_semaphore(%run_scoped3A : memref<!tpu.dma_semaphore, #tpu.memory_space<semaphore_mem>>)
      %dma_wait3A = arith.constant 0 : i32
      %dma_wait3A_202 = tpu.memref_slice %arg12[%add3A_124, %dma_wait3A] : memref<10240x128xf32, #tpu.memory_space<vmem_shared>> -> memref<40x128xf32, #tpu.memory_space<vmem_shared>>
      %dma_wait3A_203 = arith.constant 0 : i32
      %dma_wait3A_204 = tpu.memref_slice %arg12[%add3A_124, %dma_wait3A_203] : memref<10240x128xf32, #tpu.memory_space<vmem_shared>> -> memref<40x128xf32, #tpu.memory_space<vmem_shared>>
      tpu.wait_dma2 semaphore(%run_scoped3A : memref<!tpu.dma_semaphore, #tpu.memory_space<semaphore_mem>>) src(%dma_wait3A_204 : memref<40x128xf32, #tpu.memory_space<vmem_shared>>) dst(%arg21 : memref<40x128xf32, #tpu.memory_space<vmem>>)
      tpu.yield
    }) : () -> ()
    %add3A_125 = arith.constant 80 : i32
    %add3A_126 = arith.addi %add3A_114, %add3A_125 : i32
    "tpu.region"() ({
      %run_scoped3A = tpu.sem_alloc : memref<!tpu.dma_semaphore, #tpu.memory_space<semaphore_mem>>
      %dma_start3A_198 = arith.constant 0 : i32
      %dma_start3A_199 = tpu.memref_slice %arg10[%add3A_126, %dma_start3A_198] : memref<20480x128xf32, #tpu.memory_space<hbm>> -> memref<40x128xf32, #tpu.memory_space<hbm>>
      %dma_start3A_200 = arith.constant 0 : i32
      %dma_start3A_201 = tpu.memref_slice %arg10[%add3A_126, %dma_start3A_200] : memref<20480x128xf32, #tpu.memory_space<hbm>> -> memref<40x128xf32, #tpu.memory_space<hbm>>
      tpu.enqueue_dma source(%arg21 : memref<40x128xf32, #tpu.memory_space<vmem>>) target(%dma_start3A_201 : memref<40x128xf32, #tpu.memory_space<hbm>>) target_semaphore(%run_scoped3A : memref<!tpu.dma_semaphore, #tpu.memory_space<semaphore_mem>>)
      %dma_wait3A = arith.constant 0 : i32
      %dma_wait3A_202 = tpu.memref_slice %arg10[%add3A_126, %dma_wait3A] : memref<20480x128xf32, #tpu.memory_space<hbm>> -> memref<40x128xf32, #tpu.memory_space<hbm>>
      %dma_wait3A_203 = arith.constant 0 : i32
      %dma_wait3A_204 = tpu.memref_slice %arg10[%add3A_126, %dma_wait3A_203] : memref<20480x128xf32, #tpu.memory_space<hbm>> -> memref<40x128xf32, #tpu.memory_space<hbm>>
      tpu.wait_dma2 semaphore(%run_scoped3A : memref<!tpu.dma_semaphore, #tpu.memory_space<semaphore_mem>>) src(%arg21 : memref<40x128xf32, #tpu.memory_space<vmem>>) dst(%dma_wait3A_204 : memref<40x128xf32, #tpu.memory_space<hbm>>)
      tpu.yield
    }) : () -> ()
    %add3A_127 = arith.constant 120 : i32
    %add3A_128 = arith.addi %mul3A_2, %add3A_127 : i32
    "tpu.region"() ({
      %run_scoped3A = tpu.sem_alloc : memref<!tpu.dma_semaphore, #tpu.memory_space<semaphore_mem>>
      %dma_start3A_198 = arith.constant 0 : i32
      %dma_start3A_199 = tpu.memref_slice %arg12[%add3A_128, %dma_start3A_198] : memref<10240x128xf32, #tpu.memory_space<vmem_shared>> -> memref<40x128xf32, #tpu.memory_space<vmem_shared>>
      %dma_start3A_200 = arith.constant 0 : i32
      %dma_start3A_201 = tpu.memref_slice %arg12[%add3A_128, %dma_start3A_200] : memref<10240x128xf32, #tpu.memory_space<vmem_shared>> -> memref<40x128xf32, #tpu.memory_space<vmem_shared>>
      tpu.enqueue_dma source(%dma_start3A_201 : memref<40x128xf32, #tpu.memory_space<vmem_shared>>) target(%arg21 : memref<40x128xf32, #tpu.memory_space<vmem>>) target_semaphore(%run_scoped3A : memref<!tpu.dma_semaphore, #tpu.memory_space<semaphore_mem>>)
      %dma_wait3A = arith.constant 0 : i32
      %dma_wait3A_202 = tpu.memref_slice %arg12[%add3A_128, %dma_wait3A] : memref<10240x128xf32, #tpu.memory_space<vmem_shared>> -> memref<40x128xf32, #tpu.memory_space<vmem_shared>>
      %dma_wait3A_203 = arith.constant 0 : i32
      %dma_wait3A_204 = tpu.memref_slice %arg12[%add3A_128, %dma_wait3A_203] : memref<10240x128xf32, #tpu.memory_space<vmem_shared>> -> memref<40x128xf32, #tpu.memory_space<vmem_shared>>
      tpu.wait_dma2 semaphore(%run_scoped3A : memref<!tpu.dma_semaphore, #tpu.memory_space<semaphore_mem>>) src(%dma_wait3A_204 : memref<40x128xf32, #tpu.memory_space<vmem_shared>>) dst(%arg21 : memref<40x128xf32, #tpu.memory_space<vmem>>)
      tpu.yield
    }) : () -> ()
    %add3A_129 = arith.constant 120 : i32
    %add3A_130 = arith.addi %add3A_114, %add3A_129 : i32
    "tpu.region"() ({
      %run_scoped3A = tpu.sem_alloc : memref<!tpu.dma_semaphore, #tpu.memory_space<semaphore_mem>>
      %dma_start3A_198 = arith.constant 0 : i32
      %dma_start3A_199 = tpu.memref_slice %arg10[%add3A_130, %dma_start3A_198] : memref<20480x128xf32, #tpu.memory_space<hbm>> -> memref<40x128xf32, #tpu.memory_space<hbm>>
      %dma_start3A_200 = arith.constant 0 : i32
      %dma_start3A_201 = tpu.memref_slice %arg10[%add3A_130, %dma_start3A_200] : memref<20480x128xf32, #tpu.memory_space<hbm>> -> memref<40x128xf32, #tpu.memory_space<hbm>>
      tpu.enqueue_dma source(%arg21 : memref<40x128xf32, #tpu.memory_space<vmem>>) target(%dma_start3A_201 : memref<40x128xf32, #tpu.memory_space<hbm>>) target_semaphore(%run_scoped3A : memref<!tpu.dma_semaphore, #tpu.memory_space<semaphore_mem>>)
      %dma_wait3A = arith.constant 0 : i32
      %dma_wait3A_202 = tpu.memref_slice %arg10[%add3A_130, %dma_wait3A] : memref<20480x128xf32, #tpu.memory_space<hbm>> -> memref<40x128xf32, #tpu.memory_space<hbm>>
      %dma_wait3A_203 = arith.constant 0 : i32
      %dma_wait3A_204 = tpu.memref_slice %arg10[%add3A_130, %dma_wait3A_203] : memref<20480x128xf32, #tpu.memory_space<hbm>> -> memref<40x128xf32, #tpu.memory_space<hbm>>
      tpu.wait_dma2 semaphore(%run_scoped3A : memref<!tpu.dma_semaphore, #tpu.memory_space<semaphore_mem>>) src(%arg21 : memref<40x128xf32, #tpu.memory_space<vmem>>) dst(%dma_wait3A_204 : memref<40x128xf32, #tpu.memory_space<hbm>>)
      tpu.yield
    }) : () -> ()
    %add3A_131 = arith.constant 160 : i32
    %add3A_132 = arith.addi %mul3A_2, %add3A_131 : i32
    "tpu.region"() ({
      %run_scoped3A = tpu.sem_alloc : memref<!tpu.dma_semaphore, #tpu.memory_space<semaphore_mem>>
      %dma_start3A_198 = arith.constant 0 : i32
      %dma_start3A_199 = tpu.memref_slice %arg12[%add3A_132, %dma_start3A_198] : memref<10240x128xf32, #tpu.memory_space<vmem_shared>> -> memref<40x128xf32, #tpu.memory_space<vmem_shared>>
      %dma_start3A_200 = arith.constant 0 : i32
      %dma_start3A_201 = tpu.memref_slice %arg12[%add3A_132, %dma_start3A_200] : memref<10240x128xf32, #tpu.memory_space<vmem_shared>> -> memref<40x128xf32, #tpu.memory_space<vmem_shared>>
      tpu.enqueue_dma source(%dma_start3A_201 : memref<40x128xf32, #tpu.memory_space<vmem_shared>>) target(%arg21 : memref<40x128xf32, #tpu.memory_space<vmem>>) target_semaphore(%run_scoped3A : memref<!tpu.dma_semaphore, #tpu.memory_space<semaphore_mem>>)
      %dma_wait3A = arith.constant 0 : i32
      %dma_wait3A_202 = tpu.memref_slice %arg12[%add3A_132, %dma_wait3A] : memref<10240x128xf32, #tpu.memory_space<vmem_shared>> -> memref<40x128xf32, #tpu.memory_space<vmem_shared>>
      %dma_wait3A_203 = arith.constant 0 : i32
      %dma_wait3A_204 = tpu.memref_slice %arg12[%add3A_132, %dma_wait3A_203] : memref<10240x128xf32, #tpu.memory_space<vmem_shared>> -> memref<40x128xf32, #tpu.memory_space<vmem_shared>>
      tpu.wait_dma2 semaphore(%run_scoped3A : memref<!tpu.dma_semaphore, #tpu.memory_space<semaphore_mem>>) src(%dma_wait3A_204 : memref<40x128xf32, #tpu.memory_space<vmem_shared>>) dst(%arg21 : memref<40x128xf32, #tpu.memory_space<vmem>>)
      tpu.yield
    }) : () -> ()
    %add3A_133 = arith.constant 160 : i32
    %add3A_134 = arith.addi %add3A_114, %add3A_133 : i32
    "tpu.region"() ({
      %run_scoped3A = tpu.sem_alloc : memref<!tpu.dma_semaphore, #tpu.memory_space<semaphore_mem>>
      %dma_start3A_198 = arith.constant 0 : i32
      %dma_start3A_199 = tpu.memref_slice %arg10[%add3A_134, %dma_start3A_198] : memref<20480x128xf32, #tpu.memory_space<hbm>> -> memref<40x128xf32, #tpu.memory_space<hbm>>
      %dma_start3A_200 = arith.constant 0 : i32
      %dma_start3A_201 = tpu.memref_slice %arg10[%add3A_134, %dma_start3A_200] : memref<20480x128xf32, #tpu.memory_space<hbm>> -> memref<40x128xf32, #tpu.memory_space<hbm>>
      tpu.enqueue_dma source(%arg21 : memref<40x128xf32, #tpu.memory_space<vmem>>) target(%dma_start3A_201 : memref<40x128xf32, #tpu.memory_space<hbm>>) target_semaphore(%run_scoped3A : memref<!tpu.dma_semaphore, #tpu.memory_space<semaphore_mem>>)
      %dma_wait3A = arith.constant 0 : i32
      %dma_wait3A_202 = tpu.memref_slice %arg10[%add3A_134, %dma_wait3A] : memref<20480x128xf32, #tpu.memory_space<hbm>> -> memref<40x128xf32, #tpu.memory_space<hbm>>
      %dma_wait3A_203 = arith.constant 0 : i32
      %dma_wait3A_204 = tpu.memref_slice %arg10[%add3A_134, %dma_wait3A_203] : memref<20480x128xf32, #tpu.memory_space<hbm>> -> memref<40x128xf32, #tpu.memory_space<hbm>>
      tpu.wait_dma2 semaphore(%run_scoped3A : memref<!tpu.dma_semaphore, #tpu.memory_space<semaphore_mem>>) src(%arg21 : memref<40x128xf32, #tpu.memory_space<vmem>>) dst(%dma_wait3A_204 : memref<40x128xf32, #tpu.memory_space<hbm>>)
      tpu.yield
    }) : () -> ()
    %add3A_135 = arith.constant 200 : i32
    %add3A_136 = arith.addi %mul3A_2, %add3A_135 : i32
    "tpu.region"() ({
      %run_scoped3A = tpu.sem_alloc : memref<!tpu.dma_semaphore, #tpu.memory_space<semaphore_mem>>
      %dma_start3A_198 = arith.constant 0 : i32
      %dma_start3A_199 = tpu.memref_slice %arg12[%add3A_136, %dma_start3A_198] : memref<10240x128xf32, #tpu.memory_space<vmem_shared>> -> memref<40x128xf32, #tpu.memory_space<vmem_shared>>
      %dma_start3A_200 = arith.constant 0 : i32
      %dma_start3A_201 = tpu.memref_slice %arg12[%add3A_136, %dma_start3A_200] : memref<10240x128xf32, #tpu.memory_space<vmem_shared>> -> memref<40x128xf32, #tpu.memory_space<vmem_shared>>
      tpu.enqueue_dma source(%dma_start3A_201 : memref<40x128xf32, #tpu.memory_space<vmem_shared>>) target(%arg21 : memref<40x128xf32, #tpu.memory_space<vmem>>) target_semaphore(%run_scoped3A : memref<!tpu.dma_semaphore, #tpu.memory_space<semaphore_mem>>)
      %dma_wait3A = arith.constant 0 : i32
      %dma_wait3A_202 = tpu.memref_slice %arg12[%add3A_136, %dma_wait3A] : memref<10240x128xf32, #tpu.memory_space<vmem_shared>> -> memref<40x128xf32, #tpu.memory_space<vmem_shared>>
      %dma_wait3A_203 = arith.constant 0 : i32
      %dma_wait3A_204 = tpu.memref_slice %arg12[%add3A_136, %dma_wait3A_203] : memref<10240x128xf32, #tpu.memory_space<vmem_shared>> -> memref<40x128xf32, #tpu.memory_space<vmem_shared>>
      tpu.wait_dma2 semaphore(%run_scoped3A : memref<!tpu.dma_semaphore, #tpu.memory_space<semaphore_mem>>) src(%dma_wait3A_204 : memref<40x128xf32, #tpu.memory_space<vmem_shared>>) dst(%arg21 : memref<40x128xf32, #tpu.memory_space<vmem>>)
      tpu.yield
    }) : () -> ()
    %add3A_137 = arith.constant 200 : i32
    %add3A_138 = arith.addi %add3A_114, %add3A_137 : i32
    "tpu.region"() ({
      %run_scoped3A = tpu.sem_alloc : memref<!tpu.dma_semaphore, #tpu.memory_space<semaphore_mem>>
      %dma_start3A_198 = arith.constant 0 : i32
      %dma_start3A_199 = tpu.memref_slice %arg10[%add3A_138, %dma_start3A_198] : memref<20480x128xf32, #tpu.memory_space<hbm>> -> memref<40x128xf32, #tpu.memory_space<hbm>>
      %dma_start3A_200 = arith.constant 0 : i32
      %dma_start3A_201 = tpu.memref_slice %arg10[%add3A_138, %dma_start3A_200] : memref<20480x128xf32, #tpu.memory_space<hbm>> -> memref<40x128xf32, #tpu.memory_space<hbm>>
      tpu.enqueue_dma source(%arg21 : memref<40x128xf32, #tpu.memory_space<vmem>>) target(%dma_start3A_201 : memref<40x128xf32, #tpu.memory_space<hbm>>) target_semaphore(%run_scoped3A : memref<!tpu.dma_semaphore, #tpu.memory_space<semaphore_mem>>)
      %dma_wait3A = arith.constant 0 : i32
      %dma_wait3A_202 = tpu.memref_slice %arg10[%add3A_138, %dma_wait3A] : memref<20480x128xf32, #tpu.memory_space<hbm>> -> memref<40x128xf32, #tpu.memory_space<hbm>>
      %dma_wait3A_203 = arith.constant 0 : i32
      %dma_wait3A_204 = tpu.memref_slice %arg10[%add3A_138, %dma_wait3A_203] : memref<20480x128xf32, #tpu.memory_space<hbm>> -> memref<40x128xf32, #tpu.memory_space<hbm>>
      tpu.wait_dma2 semaphore(%run_scoped3A : memref<!tpu.dma_semaphore, #tpu.memory_space<semaphore_mem>>) src(%arg21 : memref<40x128xf32, #tpu.memory_space<vmem>>) dst(%dma_wait3A_204 : memref<40x128xf32, #tpu.memory_space<hbm>>)
      tpu.yield
    }) : () -> ()
    %add3A_139 = arith.constant 240 : i32
    %add3A_140 = arith.addi %mul3A_2, %add3A_139 : i32
    "tpu.region"() ({
      %run_scoped3A = tpu.sem_alloc : memref<!tpu.dma_semaphore, #tpu.memory_space<semaphore_mem>>
      %dma_start3A_198 = arith.constant 0 : i32
      %dma_start3A_199 = tpu.memref_slice %arg12[%add3A_140, %dma_start3A_198] : memref<10240x128xf32, #tpu.memory_space<vmem_shared>> -> memref<40x128xf32, #tpu.memory_space<vmem_shared>>
      %dma_start3A_200 = arith.constant 0 : i32
      %dma_start3A_201 = tpu.memref_slice %arg12[%add3A_140, %dma_start3A_200] : memref<10240x128xf32, #tpu.memory_space<vmem_shared>> -> memref<40x128xf32, #tpu.memory_space<vmem_shared>>
      tpu.enqueue_dma source(%dma_start3A_201 : memref<40x128xf32, #tpu.memory_space<vmem_shared>>) target(%arg21 : memref<40x128xf32, #tpu.memory_space<vmem>>) target_semaphore(%run_scoped3A : memref<!tpu.dma_semaphore, #tpu.memory_space<semaphore_mem>>)
      %dma_wait3A = arith.constant 0 : i32
      %dma_wait3A_202 = tpu.memref_slice %arg12[%add3A_140, %dma_wait3A] : memref<10240x128xf32, #tpu.memory_space<vmem_shared>> -> memref<40x128xf32, #tpu.memory_space<vmem_shared>>
      %dma_wait3A_203 = arith.constant 0 : i32
      %dma_wait3A_204 = tpu.memref_slice %arg12[%add3A_140, %dma_wait3A_203] : memref<10240x128xf32, #tpu.memory_space<vmem_shared>> -> memref<40x128xf32, #tpu.memory_space<vmem_shared>>
      tpu.wait_dma2 semaphore(%run_scoped3A : memref<!tpu.dma_semaphore, #tpu.memory_space<semaphore_mem>>) src(%dma_wait3A_204 : memref<40x128xf32, #tpu.memory_space<vmem_shared>>) dst(%arg21 : memref<40x128xf32, #tpu.memory_space<vmem>>)
      tpu.yield
    }) : () -> ()
    %add3A_141 = arith.constant 240 : i32
    %add3A_142 = arith.addi %add3A_114, %add3A_141 : i32
    "tpu.region"() ({
      %run_scoped3A = tpu.sem_alloc : memref<!tpu.dma_semaphore, #tpu.memory_space<semaphore_mem>>
      %dma_start3A_198 = arith.constant 0 : i32
      %dma_start3A_199 = tpu.memref_slice %arg10[%add3A_142, %dma_start3A_198] : memref<20480x128xf32, #tpu.memory_space<hbm>> -> memref<40x128xf32, #tpu.memory_space<hbm>>
      %dma_start3A_200 = arith.constant 0 : i32
      %dma_start3A_201 = tpu.memref_slice %arg10[%add3A_142, %dma_start3A_200] : memref<20480x128xf32, #tpu.memory_space<hbm>> -> memref<40x128xf32, #tpu.memory_space<hbm>>
      tpu.enqueue_dma source(%arg21 : memref<40x128xf32, #tpu.memory_space<vmem>>) target(%dma_start3A_201 : memref<40x128xf32, #tpu.memory_space<hbm>>) target_semaphore(%run_scoped3A : memref<!tpu.dma_semaphore, #tpu.memory_space<semaphore_mem>>)
      %dma_wait3A = arith.constant 0 : i32
      %dma_wait3A_202 = tpu.memref_slice %arg10[%add3A_142, %dma_wait3A] : memref<20480x128xf32, #tpu.memory_space<hbm>> -> memref<40x128xf32, #tpu.memory_space<hbm>>
      %dma_wait3A_203 = arith.constant 0 : i32
      %dma_wait3A_204 = tpu.memref_slice %arg10[%add3A_142, %dma_wait3A_203] : memref<20480x128xf32, #tpu.memory_space<hbm>> -> memref<40x128xf32, #tpu.memory_space<hbm>>
      tpu.wait_dma2 semaphore(%run_scoped3A : memref<!tpu.dma_semaphore, #tpu.memory_space<semaphore_mem>>) src(%arg21 : memref<40x128xf32, #tpu.memory_space<vmem>>) dst(%dma_wait3A_204 : memref<40x128xf32, #tpu.memory_space<hbm>>)
      tpu.yield
    }) : () -> ()
    %add3A_143 = arith.constant 280 : i32
    %add3A_144 = arith.addi %mul3A_2, %add3A_143 : i32
    "tpu.region"() ({
      %run_scoped3A = tpu.sem_alloc : memref<!tpu.dma_semaphore, #tpu.memory_space<semaphore_mem>>
      %dma_start3A_198 = arith.constant 0 : i32
      %dma_start3A_199 = tpu.memref_slice %arg12[%add3A_144, %dma_start3A_198] : memref<10240x128xf32, #tpu.memory_space<vmem_shared>> -> memref<40x128xf32, #tpu.memory_space<vmem_shared>>
      %dma_start3A_200 = arith.constant 0 : i32
      %dma_start3A_201 = tpu.memref_slice %arg12[%add3A_144, %dma_start3A_200] : memref<10240x128xf32, #tpu.memory_space<vmem_shared>> -> memref<40x128xf32, #tpu.memory_space<vmem_shared>>
      tpu.enqueue_dma source(%dma_start3A_201 : memref<40x128xf32, #tpu.memory_space<vmem_shared>>) target(%arg21 : memref<40x128xf32, #tpu.memory_space<vmem>>) target_semaphore(%run_scoped3A : memref<!tpu.dma_semaphore, #tpu.memory_space<semaphore_mem>>)
      %dma_wait3A = arith.constant 0 : i32
      %dma_wait3A_202 = tpu.memref_slice %arg12[%add3A_144, %dma_wait3A] : memref<10240x128xf32, #tpu.memory_space<vmem_shared>> -> memref<40x128xf32, #tpu.memory_space<vmem_shared>>
      %dma_wait3A_203 = arith.constant 0 : i32
      %dma_wait3A_204 = tpu.memref_slice %arg12[%add3A_144, %dma_wait3A_203] : memref<10240x128xf32, #tpu.memory_space<vmem_shared>> -> memref<40x128xf32, #tpu.memory_space<vmem_shared>>
      tpu.wait_dma2 semaphore(%run_scoped3A : memref<!tpu.dma_semaphore, #tpu.memory_space<semaphore_mem>>) src(%dma_wait3A_204 : memref<40x128xf32, #tpu.memory_space<vmem_shared>>) dst(%arg21 : memref<40x128xf32, #tpu.memory_space<vmem>>)
      tpu.yield
    }) : () -> ()
    %add3A_145 = arith.constant 280 : i32
    %add3A_146 = arith.addi %add3A_114, %add3A_145 : i32
    "tpu.region"() ({
      %run_scoped3A = tpu.sem_alloc : memref<!tpu.dma_semaphore, #tpu.memory_space<semaphore_mem>>
      %dma_start3A_198 = arith.constant 0 : i32
      %dma_start3A_199 = tpu.memref_slice %arg10[%add3A_146, %dma_start3A_198] : memref<20480x128xf32, #tpu.memory_space<hbm>> -> memref<40x128xf32, #tpu.memory_space<hbm>>
      %dma_start3A_200 = arith.constant 0 : i32
      %dma_start3A_201 = tpu.memref_slice %arg10[%add3A_146, %dma_start3A_200] : memref<20480x128xf32, #tpu.memory_space<hbm>> -> memref<40x128xf32, #tpu.memory_space<hbm>>
      tpu.enqueue_dma source(%arg21 : memref<40x128xf32, #tpu.memory_space<vmem>>) target(%dma_start3A_201 : memref<40x128xf32, #tpu.memory_space<hbm>>) target_semaphore(%run_scoped3A : memref<!tpu.dma_semaphore, #tpu.memory_space<semaphore_mem>>)
      %dma_wait3A = arith.constant 0 : i32
      %dma_wait3A_202 = tpu.memref_slice %arg10[%add3A_146, %dma_wait3A] : memref<20480x128xf32, #tpu.memory_space<hbm>> -> memref<40x128xf32, #tpu.memory_space<hbm>>
      %dma_wait3A_203 = arith.constant 0 : i32
      %dma_wait3A_204 = tpu.memref_slice %arg10[%add3A_146, %dma_wait3A_203] : memref<20480x128xf32, #tpu.memory_space<hbm>> -> memref<40x128xf32, #tpu.memory_space<hbm>>
      tpu.wait_dma2 semaphore(%run_scoped3A : memref<!tpu.dma_semaphore, #tpu.memory_space<semaphore_mem>>) src(%arg21 : memref<40x128xf32, #tpu.memory_space<vmem>>) dst(%dma_wait3A_204 : memref<40x128xf32, #tpu.memory_space<hbm>>)
      tpu.yield
    }) : () -> ()
    %add3A_147 = arith.constant 320 : i32
    %add3A_148 = arith.addi %mul3A_2, %add3A_147 : i32
    "tpu.region"() ({
      %run_scoped3A = tpu.sem_alloc : memref<!tpu.dma_semaphore, #tpu.memory_space<semaphore_mem>>
      %dma_start3A_198 = arith.constant 0 : i32
      %dma_start3A_199 = tpu.memref_slice %arg12[%add3A_148, %dma_start3A_198] : memref<10240x128xf32, #tpu.memory_space<vmem_shared>> -> memref<40x128xf32, #tpu.memory_space<vmem_shared>>
      %dma_start3A_200 = arith.constant 0 : i32
      %dma_start3A_201 = tpu.memref_slice %arg12[%add3A_148, %dma_start3A_200] : memref<10240x128xf32, #tpu.memory_space<vmem_shared>> -> memref<40x128xf32, #tpu.memory_space<vmem_shared>>
      tpu.enqueue_dma source(%dma_start3A_201 : memref<40x128xf32, #tpu.memory_space<vmem_shared>>) target(%arg21 : memref<40x128xf32, #tpu.memory_space<vmem>>) target_semaphore(%run_scoped3A : memref<!tpu.dma_semaphore, #tpu.memory_space<semaphore_mem>>)
      %dma_wait3A = arith.constant 0 : i32
      %dma_wait3A_202 = tpu.memref_slice %arg12[%add3A_148, %dma_wait3A] : memref<10240x128xf32, #tpu.memory_space<vmem_shared>> -> memref<40x128xf32, #tpu.memory_space<vmem_shared>>
      %dma_wait3A_203 = arith.constant 0 : i32
      %dma_wait3A_204 = tpu.memref_slice %arg12[%add3A_148, %dma_wait3A_203] : memref<10240x128xf32, #tpu.memory_space<vmem_shared>> -> memref<40x128xf32, #tpu.memory_space<vmem_shared>>
      tpu.wait_dma2 semaphore(%run_scoped3A : memref<!tpu.dma_semaphore, #tpu.memory_space<semaphore_mem>>) src(%dma_wait3A_204 : memref<40x128xf32, #tpu.memory_space<vmem_shared>>) dst(%arg21 : memref<40x128xf32, #tpu.memory_space<vmem>>)
      tpu.yield
    }) : () -> ()
    %add3A_149 = arith.constant 320 : i32
    %add3A_150 = arith.addi %add3A_114, %add3A_149 : i32
    "tpu.region"() ({
      %run_scoped3A = tpu.sem_alloc : memref<!tpu.dma_semaphore, #tpu.memory_space<semaphore_mem>>
      %dma_start3A_198 = arith.constant 0 : i32
      %dma_start3A_199 = tpu.memref_slice %arg10[%add3A_150, %dma_start3A_198] : memref<20480x128xf32, #tpu.memory_space<hbm>> -> memref<40x128xf32, #tpu.memory_space<hbm>>
      %dma_start3A_200 = arith.constant 0 : i32
      %dma_start3A_201 = tpu.memref_slice %arg10[%add3A_150, %dma_start3A_200] : memref<20480x128xf32, #tpu.memory_space<hbm>> -> memref<40x128xf32, #tpu.memory_space<hbm>>
      tpu.enqueue_dma source(%arg21 : memref<40x128xf32, #tpu.memory_space<vmem>>) target(%dma_start3A_201 : memref<40x128xf32, #tpu.memory_space<hbm>>) target_semaphore(%run_scoped3A : memref<!tpu.dma_semaphore, #tpu.memory_space<semaphore_mem>>)
      %dma_wait3A = arith.constant 0 : i32
      %dma_wait3A_202 = tpu.memref_slice %arg10[%add3A_150, %dma_wait3A] : memref<20480x128xf32, #tpu.memory_space<hbm>> -> memref<40x128xf32, #tpu.memory_space<hbm>>
      %dma_wait3A_203 = arith.constant 0 : i32
      %dma_wait3A_204 = tpu.memref_slice %arg10[%add3A_150, %dma_wait3A_203] : memref<20480x128xf32, #tpu.memory_space<hbm>> -> memref<40x128xf32, #tpu.memory_space<hbm>>
      tpu.wait_dma2 semaphore(%run_scoped3A : memref<!tpu.dma_semaphore, #tpu.memory_space<semaphore_mem>>) src(%arg21 : memref<40x128xf32, #tpu.memory_space<vmem>>) dst(%dma_wait3A_204 : memref<40x128xf32, #tpu.memory_space<hbm>>)
      tpu.yield
    }) : () -> ()
    %add3A_151 = arith.constant 360 : i32
    %add3A_152 = arith.addi %mul3A_2, %add3A_151 : i32
    "tpu.region"() ({
      %run_scoped3A = tpu.sem_alloc : memref<!tpu.dma_semaphore, #tpu.memory_space<semaphore_mem>>
      %dma_start3A_198 = arith.constant 0 : i32
      %dma_start3A_199 = tpu.memref_slice %arg12[%add3A_152, %dma_start3A_198] : memref<10240x128xf32, #tpu.memory_space<vmem_shared>> -> memref<40x128xf32, #tpu.memory_space<vmem_shared>>
      %dma_start3A_200 = arith.constant 0 : i32
      %dma_start3A_201 = tpu.memref_slice %arg12[%add3A_152, %dma_start3A_200] : memref<10240x128xf32, #tpu.memory_space<vmem_shared>> -> memref<40x128xf32, #tpu.memory_space<vmem_shared>>
      tpu.enqueue_dma source(%dma_start3A_201 : memref<40x128xf32, #tpu.memory_space<vmem_shared>>) target(%arg21 : memref<40x128xf32, #tpu.memory_space<vmem>>) target_semaphore(%run_scoped3A : memref<!tpu.dma_semaphore, #tpu.memory_space<semaphore_mem>>)
      %dma_wait3A = arith.constant 0 : i32
      %dma_wait3A_202 = tpu.memref_slice %arg12[%add3A_152, %dma_wait3A] : memref<10240x128xf32, #tpu.memory_space<vmem_shared>> -> memref<40x128xf32, #tpu.memory_space<vmem_shared>>
      %dma_wait3A_203 = arith.constant 0 : i32
      %dma_wait3A_204 = tpu.memref_slice %arg12[%add3A_152, %dma_wait3A_203] : memref<10240x128xf32, #tpu.memory_space<vmem_shared>> -> memref<40x128xf32, #tpu.memory_space<vmem_shared>>
      tpu.wait_dma2 semaphore(%run_scoped3A : memref<!tpu.dma_semaphore, #tpu.memory_space<semaphore_mem>>) src(%dma_wait3A_204 : memref<40x128xf32, #tpu.memory_space<vmem_shared>>) dst(%arg21 : memref<40x128xf32, #tpu.memory_space<vmem>>)
      tpu.yield
    }) : () -> ()
    %add3A_153 = arith.constant 360 : i32
    %add3A_154 = arith.addi %add3A_114, %add3A_153 : i32
    "tpu.region"() ({
      %run_scoped3A = tpu.sem_alloc : memref<!tpu.dma_semaphore, #tpu.memory_space<semaphore_mem>>
      %dma_start3A_198 = arith.constant 0 : i32
      %dma_start3A_199 = tpu.memref_slice %arg10[%add3A_154, %dma_start3A_198] : memref<20480x128xf32, #tpu.memory_space<hbm>> -> memref<40x128xf32, #tpu.memory_space<hbm>>
      %dma_start3A_200 = arith.constant 0 : i32
      %dma_start3A_201 = tpu.memref_slice %arg10[%add3A_154, %dma_start3A_200] : memref<20480x128xf32, #tpu.memory_space<hbm>> -> memref<40x128xf32, #tpu.memory_space<hbm>>
      tpu.enqueue_dma source(%arg21 : memref<40x128xf32, #tpu.memory_space<vmem>>) target(%dma_start3A_201 : memref<40x128xf32, #tpu.memory_space<hbm>>) target_semaphore(%run_scoped3A : memref<!tpu.dma_semaphore, #tpu.memory_space<semaphore_mem>>)
      %dma_wait3A = arith.constant 0 : i32
      %dma_wait3A_202 = tpu.memref_slice %arg10[%add3A_154, %dma_wait3A] : memref<20480x128xf32, #tpu.memory_space<hbm>> -> memref<40x128xf32, #tpu.memory_space<hbm>>
      %dma_wait3A_203 = arith.constant 0 : i32
      %dma_wait3A_204 = tpu.memref_slice %arg10[%add3A_154, %dma_wait3A_203] : memref<20480x128xf32, #tpu.memory_space<hbm>> -> memref<40x128xf32, #tpu.memory_space<hbm>>
      tpu.wait_dma2 semaphore(%run_scoped3A : memref<!tpu.dma_semaphore, #tpu.memory_space<semaphore_mem>>) src(%arg21 : memref<40x128xf32, #tpu.memory_space<vmem>>) dst(%dma_wait3A_204 : memref<40x128xf32, #tpu.memory_space<hbm>>)
      tpu.yield
    }) : () -> ()
    %add3A_155 = arith.constant 400 : i32
    %add3A_156 = arith.addi %mul3A_2, %add3A_155 : i32
    "tpu.region"() ({
      %run_scoped3A = tpu.sem_alloc : memref<!tpu.dma_semaphore, #tpu.memory_space<semaphore_mem>>
      %dma_start3A_198 = arith.constant 0 : i32
      %dma_start3A_199 = tpu.memref_slice %arg12[%add3A_156, %dma_start3A_198] : memref<10240x128xf32, #tpu.memory_space<vmem_shared>> -> memref<40x128xf32, #tpu.memory_space<vmem_shared>>
      %dma_start3A_200 = arith.constant 0 : i32
      %dma_start3A_201 = tpu.memref_slice %arg12[%add3A_156, %dma_start3A_200] : memref<10240x128xf32, #tpu.memory_space<vmem_shared>> -> memref<40x128xf32, #tpu.memory_space<vmem_shared>>
      tpu.enqueue_dma source(%dma_start3A_201 : memref<40x128xf32, #tpu.memory_space<vmem_shared>>) target(%arg21 : memref<40x128xf32, #tpu.memory_space<vmem>>) target_semaphore(%run_scoped3A : memref<!tpu.dma_semaphore, #tpu.memory_space<semaphore_mem>>)
      %dma_wait3A = arith.constant 0 : i32
      %dma_wait3A_202 = tpu.memref_slice %arg12[%add3A_156, %dma_wait3A] : memref<10240x128xf32, #tpu.memory_space<vmem_shared>> -> memref<40x128xf32, #tpu.memory_space<vmem_shared>>
      %dma_wait3A_203 = arith.constant 0 : i32
      %dma_wait3A_204 = tpu.memref_slice %arg12[%add3A_156, %dma_wait3A_203] : memref<10240x128xf32, #tpu.memory_space<vmem_shared>> -> memref<40x128xf32, #tpu.memory_space<vmem_shared>>
      tpu.wait_dma2 semaphore(%run_scoped3A : memref<!tpu.dma_semaphore, #tpu.memory_space<semaphore_mem>>) src(%dma_wait3A_204 : memref<40x128xf32, #tpu.memory_space<vmem_shared>>) dst(%arg21 : memref<40x128xf32, #tpu.memory_space<vmem>>)
      tpu.yield
    }) : () -> ()
    %add3A_157 = arith.constant 400 : i32
    %add3A_158 = arith.addi %add3A_114, %add3A_157 : i32
    "tpu.region"() ({
      %run_scoped3A = tpu.sem_alloc : memref<!tpu.dma_semaphore, #tpu.memory_space<semaphore_mem>>
      %dma_start3A_198 = arith.constant 0 : i32
      %dma_start3A_199 = tpu.memref_slice %arg10[%add3A_158, %dma_start3A_198] : memref<20480x128xf32, #tpu.memory_space<hbm>> -> memref<40x128xf32, #tpu.memory_space<hbm>>
      %dma_start3A_200 = arith.constant 0 : i32
      %dma_start3A_201 = tpu.memref_slice %arg10[%add3A_158, %dma_start3A_200] : memref<20480x128xf32, #tpu.memory_space<hbm>> -> memref<40x128xf32, #tpu.memory_space<hbm>>
      tpu.enqueue_dma source(%arg21 : memref<40x128xf32, #tpu.memory_space<vmem>>) target(%dma_start3A_201 : memref<40x128xf32, #tpu.memory_space<hbm>>) target_semaphore(%run_scoped3A : memref<!tpu.dma_semaphore, #tpu.memory_space<semaphore_mem>>)
      %dma_wait3A = arith.constant 0 : i32
      %dma_wait3A_202 = tpu.memref_slice %arg10[%add3A_158, %dma_wait3A] : memref<20480x128xf32, #tpu.memory_space<hbm>> -> memref<40x128xf32, #tpu.memory_space<hbm>>
      %dma_wait3A_203 = arith.constant 0 : i32
      %dma_wait3A_204 = tpu.memref_slice %arg10[%add3A_158, %dma_wait3A_203] : memref<20480x128xf32, #tpu.memory_space<hbm>> -> memref<40x128xf32, #tpu.memory_space<hbm>>
      tpu.wait_dma2 semaphore(%run_scoped3A : memref<!tpu.dma_semaphore, #tpu.memory_space<semaphore_mem>>) src(%arg21 : memref<40x128xf32, #tpu.memory_space<vmem>>) dst(%dma_wait3A_204 : memref<40x128xf32, #tpu.memory_space<hbm>>)
      tpu.yield
    }) : () -> ()
    %add3A_159 = arith.constant 440 : i32
    %add3A_160 = arith.addi %mul3A_2, %add3A_159 : i32
    "tpu.region"() ({
      %run_scoped3A = tpu.sem_alloc : memref<!tpu.dma_semaphore, #tpu.memory_space<semaphore_mem>>
      %dma_start3A_198 = arith.constant 0 : i32
      %dma_start3A_199 = tpu.memref_slice %arg12[%add3A_160, %dma_start3A_198] : memref<10240x128xf32, #tpu.memory_space<vmem_shared>> -> memref<40x128xf32, #tpu.memory_space<vmem_shared>>
      %dma_start3A_200 = arith.constant 0 : i32
      %dma_start3A_201 = tpu.memref_slice %arg12[%add3A_160, %dma_start3A_200] : memref<10240x128xf32, #tpu.memory_space<vmem_shared>> -> memref<40x128xf32, #tpu.memory_space<vmem_shared>>
      tpu.enqueue_dma source(%dma_start3A_201 : memref<40x128xf32, #tpu.memory_space<vmem_shared>>) target(%arg21 : memref<40x128xf32, #tpu.memory_space<vmem>>) target_semaphore(%run_scoped3A : memref<!tpu.dma_semaphore, #tpu.memory_space<semaphore_mem>>)
      %dma_wait3A = arith.constant 0 : i32
      %dma_wait3A_202 = tpu.memref_slice %arg12[%add3A_160, %dma_wait3A] : memref<10240x128xf32, #tpu.memory_space<vmem_shared>> -> memref<40x128xf32, #tpu.memory_space<vmem_shared>>
      %dma_wait3A_203 = arith.constant 0 : i32
      %dma_wait3A_204 = tpu.memref_slice %arg12[%add3A_160, %dma_wait3A_203] : memref<10240x128xf32, #tpu.memory_space<vmem_shared>> -> memref<40x128xf32, #tpu.memory_space<vmem_shared>>
      tpu.wait_dma2 semaphore(%run_scoped3A : memref<!tpu.dma_semaphore, #tpu.memory_space<semaphore_mem>>) src(%dma_wait3A_204 : memref<40x128xf32, #tpu.memory_space<vmem_shared>>) dst(%arg21 : memref<40x128xf32, #tpu.memory_space<vmem>>)
      tpu.yield
    }) : () -> ()
    %add3A_161 = arith.constant 440 : i32
    %add3A_162 = arith.addi %add3A_114, %add3A_161 : i32
    "tpu.region"() ({
      %run_scoped3A = tpu.sem_alloc : memref<!tpu.dma_semaphore, #tpu.memory_space<semaphore_mem>>
      %dma_start3A_198 = arith.constant 0 : i32
      %dma_start3A_199 = tpu.memref_slice %arg10[%add3A_162, %dma_start3A_198] : memref<20480x128xf32, #tpu.memory_space<hbm>> -> memref<40x128xf32, #tpu.memory_space<hbm>>
      %dma_start3A_200 = arith.constant 0 : i32
      %dma_start3A_201 = tpu.memref_slice %arg10[%add3A_162, %dma_start3A_200] : memref<20480x128xf32, #tpu.memory_space<hbm>> -> memref<40x128xf32, #tpu.memory_space<hbm>>
      tpu.enqueue_dma source(%arg21 : memref<40x128xf32, #tpu.memory_space<vmem>>) target(%dma_start3A_201 : memref<40x128xf32, #tpu.memory_space<hbm>>) target_semaphore(%run_scoped3A : memref<!tpu.dma_semaphore, #tpu.memory_space<semaphore_mem>>)
      %dma_wait3A = arith.constant 0 : i32
      %dma_wait3A_202 = tpu.memref_slice %arg10[%add3A_162, %dma_wait3A] : memref<20480x128xf32, #tpu.memory_space<hbm>> -> memref<40x128xf32, #tpu.memory_space<hbm>>
      %dma_wait3A_203 = arith.constant 0 : i32
      %dma_wait3A_204 = tpu.memref_slice %arg10[%add3A_162, %dma_wait3A_203] : memref<20480x128xf32, #tpu.memory_space<hbm>> -> memref<40x128xf32, #tpu.memory_space<hbm>>
      tpu.wait_dma2 semaphore(%run_scoped3A : memref<!tpu.dma_semaphore, #tpu.memory_space<semaphore_mem>>) src(%arg21 : memref<40x128xf32, #tpu.memory_space<vmem>>) dst(%dma_wait3A_204 : memref<40x128xf32, #tpu.memory_space<hbm>>)
      tpu.yield
    }) : () -> ()
    %add3A_163 = arith.constant 480 : i32
    %add3A_164 = arith.addi %mul3A_2, %add3A_163 : i32
    "tpu.region"() ({
      %run_scoped3A = tpu.sem_alloc : memref<!tpu.dma_semaphore, #tpu.memory_space<semaphore_mem>>
      %dma_start3A_198 = arith.constant 0 : i32
      %dma_start3A_199 = tpu.memref_slice %arg12[%add3A_164, %dma_start3A_198] : memref<10240x128xf32, #tpu.memory_space<vmem_shared>> -> memref<40x128xf32, #tpu.memory_space<vmem_shared>>
      %dma_start3A_200 = arith.constant 0 : i32
      %dma_start3A_201 = tpu.memref_slice %arg12[%add3A_164, %dma_start3A_200] : memref<10240x128xf32, #tpu.memory_space<vmem_shared>> -> memref<40x128xf32, #tpu.memory_space<vmem_shared>>
      tpu.enqueue_dma source(%dma_start3A_201 : memref<40x128xf32, #tpu.memory_space<vmem_shared>>) target(%arg21 : memref<40x128xf32, #tpu.memory_space<vmem>>) target_semaphore(%run_scoped3A : memref<!tpu.dma_semaphore, #tpu.memory_space<semaphore_mem>>)
      %dma_wait3A = arith.constant 0 : i32
      %dma_wait3A_202 = tpu.memref_slice %arg12[%add3A_164, %dma_wait3A] : memref<10240x128xf32, #tpu.memory_space<vmem_shared>> -> memref<40x128xf32, #tpu.memory_space<vmem_shared>>
      %dma_wait3A_203 = arith.constant 0 : i32
      %dma_wait3A_204 = tpu.memref_slice %arg12[%add3A_164, %dma_wait3A_203] : memref<10240x128xf32, #tpu.memory_space<vmem_shared>> -> memref<40x128xf32, #tpu.memory_space<vmem_shared>>
      tpu.wait_dma2 semaphore(%run_scoped3A : memref<!tpu.dma_semaphore, #tpu.memory_space<semaphore_mem>>) src(%dma_wait3A_204 : memref<40x128xf32, #tpu.memory_space<vmem_shared>>) dst(%arg21 : memref<40x128xf32, #tpu.memory_space<vmem>>)
      tpu.yield
    }) : () -> ()
    %add3A_165 = arith.constant 480 : i32
    %add3A_166 = arith.addi %add3A_114, %add3A_165 : i32
    "tpu.region"() ({
      %run_scoped3A = tpu.sem_alloc : memref<!tpu.dma_semaphore, #tpu.memory_space<semaphore_mem>>
      %dma_start3A_198 = arith.constant 0 : i32
      %dma_start3A_199 = tpu.memref_slice %arg10[%add3A_166, %dma_start3A_198] : memref<20480x128xf32, #tpu.memory_space<hbm>> -> memref<40x128xf32, #tpu.memory_space<hbm>>
      %dma_start3A_200 = arith.constant 0 : i32
      %dma_start3A_201 = tpu.memref_slice %arg10[%add3A_166, %dma_start3A_200] : memref<20480x128xf32, #tpu.memory_space<hbm>> -> memref<40x128xf32, #tpu.memory_space<hbm>>
      tpu.enqueue_dma source(%arg21 : memref<40x128xf32, #tpu.memory_space<vmem>>) target(%dma_start3A_201 : memref<40x128xf32, #tpu.memory_space<hbm>>) target_semaphore(%run_scoped3A : memref<!tpu.dma_semaphore, #tpu.memory_space<semaphore_mem>>)
      %dma_wait3A = arith.constant 0 : i32
      %dma_wait3A_202 = tpu.memref_slice %arg10[%add3A_166, %dma_wait3A] : memref<20480x128xf32, #tpu.memory_space<hbm>> -> memref<40x128xf32, #tpu.memory_space<hbm>>
      %dma_wait3A_203 = arith.constant 0 : i32
      %dma_wait3A_204 = tpu.memref_slice %arg10[%add3A_166, %dma_wait3A_203] : memref<20480x128xf32, #tpu.memory_space<hbm>> -> memref<40x128xf32, #tpu.memory_space<hbm>>
      tpu.wait_dma2 semaphore(%run_scoped3A : memref<!tpu.dma_semaphore, #tpu.memory_space<semaphore_mem>>) src(%arg21 : memref<40x128xf32, #tpu.memory_space<vmem>>) dst(%dma_wait3A_204 : memref<40x128xf32, #tpu.memory_space<hbm>>)
      tpu.yield
    }) : () -> ()
    %add3A_167 = arith.constant 520 : i32
    %add3A_168 = arith.addi %mul3A_2, %add3A_167 : i32
    "tpu.region"() ({
      %run_scoped3A = tpu.sem_alloc : memref<!tpu.dma_semaphore, #tpu.memory_space<semaphore_mem>>
      %dma_start3A_198 = arith.constant 0 : i32
      %dma_start3A_199 = tpu.memref_slice %arg12[%add3A_168, %dma_start3A_198] : memref<10240x128xf32, #tpu.memory_space<vmem_shared>> -> memref<40x128xf32, #tpu.memory_space<vmem_shared>>
      %dma_start3A_200 = arith.constant 0 : i32
      %dma_start3A_201 = tpu.memref_slice %arg12[%add3A_168, %dma_start3A_200] : memref<10240x128xf32, #tpu.memory_space<vmem_shared>> -> memref<40x128xf32, #tpu.memory_space<vmem_shared>>
      tpu.enqueue_dma source(%dma_start3A_201 : memref<40x128xf32, #tpu.memory_space<vmem_shared>>) target(%arg21 : memref<40x128xf32, #tpu.memory_space<vmem>>) target_semaphore(%run_scoped3A : memref<!tpu.dma_semaphore, #tpu.memory_space<semaphore_mem>>)
      %dma_wait3A = arith.constant 0 : i32
      %dma_wait3A_202 = tpu.memref_slice %arg12[%add3A_168, %dma_wait3A] : memref<10240x128xf32, #tpu.memory_space<vmem_shared>> -> memref<40x128xf32, #tpu.memory_space<vmem_shared>>
      %dma_wait3A_203 = arith.constant 0 : i32
      %dma_wait3A_204 = tpu.memref_slice %arg12[%add3A_168, %dma_wait3A_203] : memref<10240x128xf32, #tpu.memory_space<vmem_shared>> -> memref<40x128xf32, #tpu.memory_space<vmem_shared>>
      tpu.wait_dma2 semaphore(%run_scoped3A : memref<!tpu.dma_semaphore, #tpu.memory_space<semaphore_mem>>) src(%dma_wait3A_204 : memref<40x128xf32, #tpu.memory_space<vmem_shared>>) dst(%arg21 : memref<40x128xf32, #tpu.memory_space<vmem>>)
      tpu.yield
    }) : () -> ()
    %add3A_169 = arith.constant 520 : i32
    %add3A_170 = arith.addi %add3A_114, %add3A_169 : i32
    "tpu.region"() ({
      %run_scoped3A = tpu.sem_alloc : memref<!tpu.dma_semaphore, #tpu.memory_space<semaphore_mem>>
      %dma_start3A_198 = arith.constant 0 : i32
      %dma_start3A_199 = tpu.memref_slice %arg10[%add3A_170, %dma_start3A_198] : memref<20480x128xf32, #tpu.memory_space<hbm>> -> memref<40x128xf32, #tpu.memory_space<hbm>>
      %dma_start3A_200 = arith.constant 0 : i32
      %dma_start3A_201 = tpu.memref_slice %arg10[%add3A_170, %dma_start3A_200] : memref<20480x128xf32, #tpu.memory_space<hbm>> -> memref<40x128xf32, #tpu.memory_space<hbm>>
      tpu.enqueue_dma source(%arg21 : memref<40x128xf32, #tpu.memory_space<vmem>>) target(%dma_start3A_201 : memref<40x128xf32, #tpu.memory_space<hbm>>) target_semaphore(%run_scoped3A : memref<!tpu.dma_semaphore, #tpu.memory_space<semaphore_mem>>)
      %dma_wait3A = arith.constant 0 : i32
      %dma_wait3A_202 = tpu.memref_slice %arg10[%add3A_170, %dma_wait3A] : memref<20480x128xf32, #tpu.memory_space<hbm>> -> memref<40x128xf32, #tpu.memory_space<hbm>>
      %dma_wait3A_203 = arith.constant 0 : i32
      %dma_wait3A_204 = tpu.memref_slice %arg10[%add3A_170, %dma_wait3A_203] : memref<20480x128xf32, #tpu.memory_space<hbm>> -> memref<40x128xf32, #tpu.memory_space<hbm>>
      tpu.wait_dma2 semaphore(%run_scoped3A : memref<!tpu.dma_semaphore, #tpu.memory_space<semaphore_mem>>) src(%arg21 : memref<40x128xf32, #tpu.memory_space<vmem>>) dst(%dma_wait3A_204 : memref<40x128xf32, #tpu.memory_space<hbm>>)
      tpu.yield
    }) : () -> ()
    %add3A_171 = arith.constant 560 : i32
    %add3A_172 = arith.addi %mul3A_2, %add3A_171 : i32
    "tpu.region"() ({
      %run_scoped3A = tpu.sem_alloc : memref<!tpu.dma_semaphore, #tpu.memory_space<semaphore_mem>>
      %dma_start3A_198 = arith.constant 0 : i32
      %dma_start3A_199 = tpu.memref_slice %arg12[%add3A_172, %dma_start3A_198] : memref<10240x128xf32, #tpu.memory_space<vmem_shared>> -> memref<40x128xf32, #tpu.memory_space<vmem_shared>>
      %dma_start3A_200 = arith.constant 0 : i32
      %dma_start3A_201 = tpu.memref_slice %arg12[%add3A_172, %dma_start3A_200] : memref<10240x128xf32, #tpu.memory_space<vmem_shared>> -> memref<40x128xf32, #tpu.memory_space<vmem_shared>>
      tpu.enqueue_dma source(%dma_start3A_201 : memref<40x128xf32, #tpu.memory_space<vmem_shared>>) target(%arg21 : memref<40x128xf32, #tpu.memory_space<vmem>>) target_semaphore(%run_scoped3A : memref<!tpu.dma_semaphore, #tpu.memory_space<semaphore_mem>>)
      %dma_wait3A = arith.constant 0 : i32
      %dma_wait3A_202 = tpu.memref_slice %arg12[%add3A_172, %dma_wait3A] : memref<10240x128xf32, #tpu.memory_space<vmem_shared>> -> memref<40x128xf32, #tpu.memory_space<vmem_shared>>
      %dma_wait3A_203 = arith.constant 0 : i32
      %dma_wait3A_204 = tpu.memref_slice %arg12[%add3A_172, %dma_wait3A_203] : memref<10240x128xf32, #tpu.memory_space<vmem_shared>> -> memref<40x128xf32, #tpu.memory_space<vmem_shared>>
      tpu.wait_dma2 semaphore(%run_scoped3A : memref<!tpu.dma_semaphore, #tpu.memory_space<semaphore_mem>>) src(%dma_wait3A_204 : memref<40x128xf32, #tpu.memory_space<vmem_shared>>) dst(%arg21 : memref<40x128xf32, #tpu.memory_space<vmem>>)
      tpu.yield
    }) : () -> ()
    %add3A_173 = arith.constant 560 : i32
    %add3A_174 = arith.addi %add3A_114, %add3A_173 : i32
    "tpu.region"() ({
      %run_scoped3A = tpu.sem_alloc : memref<!tpu.dma_semaphore, #tpu.memory_space<semaphore_mem>>
      %dma_start3A_198 = arith.constant 0 : i32
      %dma_start3A_199 = tpu.memref_slice %arg10[%add3A_174, %dma_start3A_198] : memref<20480x128xf32, #tpu.memory_space<hbm>> -> memref<40x128xf32, #tpu.memory_space<hbm>>
      %dma_start3A_200 = arith.constant 0 : i32
      %dma_start3A_201 = tpu.memref_slice %arg10[%add3A_174, %dma_start3A_200] : memref<20480x128xf32, #tpu.memory_space<hbm>> -> memref<40x128xf32, #tpu.memory_space<hbm>>
      tpu.enqueue_dma source(%arg21 : memref<40x128xf32, #tpu.memory_space<vmem>>) target(%dma_start3A_201 : memref<40x128xf32, #tpu.memory_space<hbm>>) target_semaphore(%run_scoped3A : memref<!tpu.dma_semaphore, #tpu.memory_space<semaphore_mem>>)
      %dma_wait3A = arith.constant 0 : i32
      %dma_wait3A_202 = tpu.memref_slice %arg10[%add3A_174, %dma_wait3A] : memref<20480x128xf32, #tpu.memory_space<hbm>> -> memref<40x128xf32, #tpu.memory_space<hbm>>
      %dma_wait3A_203 = arith.constant 0 : i32
      %dma_wait3A_204 = tpu.memref_slice %arg10[%add3A_174, %dma_wait3A_203] : memref<20480x128xf32, #tpu.memory_space<hbm>> -> memref<40x128xf32, #tpu.memory_space<hbm>>
      tpu.wait_dma2 semaphore(%run_scoped3A : memref<!tpu.dma_semaphore, #tpu.memory_space<semaphore_mem>>) src(%arg21 : memref<40x128xf32, #tpu.memory_space<vmem>>) dst(%dma_wait3A_204 : memref<40x128xf32, #tpu.memory_space<hbm>>)
      tpu.yield
    }) : () -> ()
    %add3A_175 = arith.constant 600 : i32
    %add3A_176 = arith.addi %mul3A_2, %add3A_175 : i32
    "tpu.region"() ({
      %run_scoped3A = tpu.sem_alloc : memref<!tpu.dma_semaphore, #tpu.memory_space<semaphore_mem>>
      %dma_start3A_198 = arith.constant 0 : i32
      %dma_start3A_199 = tpu.memref_slice %arg12[%add3A_176, %dma_start3A_198] : memref<10240x128xf32, #tpu.memory_space<vmem_shared>> -> memref<40x128xf32, #tpu.memory_space<vmem_shared>>
      %dma_start3A_200 = arith.constant 0 : i32
      %dma_start3A_201 = tpu.memref_slice %arg12[%add3A_176, %dma_start3A_200] : memref<10240x128xf32, #tpu.memory_space<vmem_shared>> -> memref<40x128xf32, #tpu.memory_space<vmem_shared>>
      tpu.enqueue_dma source(%dma_start3A_201 : memref<40x128xf32, #tpu.memory_space<vmem_shared>>) target(%arg21 : memref<40x128xf32, #tpu.memory_space<vmem>>) target_semaphore(%run_scoped3A : memref<!tpu.dma_semaphore, #tpu.memory_space<semaphore_mem>>)
      %dma_wait3A = arith.constant 0 : i32
      %dma_wait3A_202 = tpu.memref_slice %arg12[%add3A_176, %dma_wait3A] : memref<10240x128xf32, #tpu.memory_space<vmem_shared>> -> memref<40x128xf32, #tpu.memory_space<vmem_shared>>
      %dma_wait3A_203 = arith.constant 0 : i32
      %dma_wait3A_204 = tpu.memref_slice %arg12[%add3A_176, %dma_wait3A_203] : memref<10240x128xf32, #tpu.memory_space<vmem_shared>> -> memref<40x128xf32, #tpu.memory_space<vmem_shared>>
      tpu.wait_dma2 semaphore(%run_scoped3A : memref<!tpu.dma_semaphore, #tpu.memory_space<semaphore_mem>>) src(%dma_wait3A_204 : memref<40x128xf32, #tpu.memory_space<vmem_shared>>) dst(%arg21 : memref<40x128xf32, #tpu.memory_space<vmem>>)
      tpu.yield
    }) : () -> ()
    %add3A_177 = arith.constant 600 : i32
    %add3A_178 = arith.addi %add3A_114, %add3A_177 : i32
    "tpu.region"() ({
      %run_scoped3A = tpu.sem_alloc : memref<!tpu.dma_semaphore, #tpu.memory_space<semaphore_mem>>
      %dma_start3A_198 = arith.constant 0 : i32
      %dma_start3A_199 = tpu.memref_slice %arg10[%add3A_178, %dma_start3A_198] : memref<20480x128xf32, #tpu.memory_space<hbm>> -> memref<40x128xf32, #tpu.memory_space<hbm>>
      %dma_start3A_200 = arith.constant 0 : i32
      %dma_start3A_201 = tpu.memref_slice %arg10[%add3A_178, %dma_start3A_200] : memref<20480x128xf32, #tpu.memory_space<hbm>> -> memref<40x128xf32, #tpu.memory_space<hbm>>
      tpu.enqueue_dma source(%arg21 : memref<40x128xf32, #tpu.memory_space<vmem>>) target(%dma_start3A_201 : memref<40x128xf32, #tpu.memory_space<hbm>>) target_semaphore(%run_scoped3A : memref<!tpu.dma_semaphore, #tpu.memory_space<semaphore_mem>>)
      %dma_wait3A = arith.constant 0 : i32
      %dma_wait3A_202 = tpu.memref_slice %arg10[%add3A_178, %dma_wait3A] : memref<20480x128xf32, #tpu.memory_space<hbm>> -> memref<40x128xf32, #tpu.memory_space<hbm>>
      %dma_wait3A_203 = arith.constant 0 : i32
      %dma_wait3A_204 = tpu.memref_slice %arg10[%add3A_178, %dma_wait3A_203] : memref<20480x128xf32, #tpu.memory_space<hbm>> -> memref<40x128xf32, #tpu.memory_space<hbm>>
      tpu.wait_dma2 semaphore(%run_scoped3A : memref<!tpu.dma_semaphore, #tpu.memory_space<semaphore_mem>>) src(%arg21 : memref<40x128xf32, #tpu.memory_space<vmem>>) dst(%dma_wait3A_204 : memref<40x128xf32, #tpu.memory_space<hbm>>)
      tpu.yield
    }) : () -> ()
    %mul3A_179 = arith.constant 2560 : i32
    %mul3A_180 = arith.muli %arg0, %mul3A_179 : i32
    %add3A_181 = arith.addi %mul3A_180, %mul3A_4 : i32
    %add3A_182 = arith.constant 0 : i32
    %add3A_183 = arith.addi %mul3A_4, %add3A_182 : i32
    "tpu.region"() ({
      %run_scoped3A = tpu.sem_alloc : memref<!tpu.dma_semaphore, #tpu.memory_space<semaphore_mem>>
      %dma_start3A_198 = arith.constant 0 : i32
      %dma_start3A_199 = tpu.memref_slice %arg13[%add3A_183, %dma_start3A_198] : memref<2560x128xf32, #tpu.memory_space<vmem_shared>> -> memref<40x128xf32, #tpu.memory_space<vmem_shared>>
      %dma_start3A_200 = arith.constant 0 : i32
      %dma_start3A_201 = tpu.memref_slice %arg13[%add3A_183, %dma_start3A_200] : memref<2560x128xf32, #tpu.memory_space<vmem_shared>> -> memref<40x128xf32, #tpu.memory_space<vmem_shared>>
      tpu.enqueue_dma source(%dma_start3A_201 : memref<40x128xf32, #tpu.memory_space<vmem_shared>>) target(%arg21 : memref<40x128xf32, #tpu.memory_space<vmem>>) target_semaphore(%run_scoped3A : memref<!tpu.dma_semaphore, #tpu.memory_space<semaphore_mem>>)
      %dma_wait3A = arith.constant 0 : i32
      %dma_wait3A_202 = tpu.memref_slice %arg13[%add3A_183, %dma_wait3A] : memref<2560x128xf32, #tpu.memory_space<vmem_shared>> -> memref<40x128xf32, #tpu.memory_space<vmem_shared>>
      %dma_wait3A_203 = arith.constant 0 : i32
      %dma_wait3A_204 = tpu.memref_slice %arg13[%add3A_183, %dma_wait3A_203] : memref<2560x128xf32, #tpu.memory_space<vmem_shared>> -> memref<40x128xf32, #tpu.memory_space<vmem_shared>>
      tpu.wait_dma2 semaphore(%run_scoped3A : memref<!tpu.dma_semaphore, #tpu.memory_space<semaphore_mem>>) src(%dma_wait3A_204 : memref<40x128xf32, #tpu.memory_space<vmem_shared>>) dst(%arg21 : memref<40x128xf32, #tpu.memory_space<vmem>>)
      tpu.yield
    }) : () -> ()
    %add3A_184 = arith.constant 0 : i32
    %add3A_185 = arith.addi %add3A_181, %add3A_184 : i32
    "tpu.region"() ({
      %run_scoped3A = tpu.sem_alloc : memref<!tpu.dma_semaphore, #tpu.memory_space<semaphore_mem>>
      %dma_start3A_198 = arith.constant 0 : i32
      %dma_start3A_199 = tpu.memref_slice %arg11[%add3A_185, %dma_start3A_198] : memref<5120x128xf32, #tpu.memory_space<hbm>> -> memref<40x128xf32, #tpu.memory_space<hbm>>
      %dma_start3A_200 = arith.constant 0 : i32
      %dma_start3A_201 = tpu.memref_slice %arg11[%add3A_185, %dma_start3A_200] : memref<5120x128xf32, #tpu.memory_space<hbm>> -> memref<40x128xf32, #tpu.memory_space<hbm>>
      tpu.enqueue_dma source(%arg21 : memref<40x128xf32, #tpu.memory_space<vmem>>) target(%dma_start3A_201 : memref<40x128xf32, #tpu.memory_space<hbm>>) target_semaphore(%run_scoped3A : memref<!tpu.dma_semaphore, #tpu.memory_space<semaphore_mem>>)
      %dma_wait3A = arith.constant 0 : i32
      %dma_wait3A_202 = tpu.memref_slice %arg11[%add3A_185, %dma_wait3A] : memref<5120x128xf32, #tpu.memory_space<hbm>> -> memref<40x128xf32, #tpu.memory_space<hbm>>
      %dma_wait3A_203 = arith.constant 0 : i32
      %dma_wait3A_204 = tpu.memref_slice %arg11[%add3A_185, %dma_wait3A_203] : memref<5120x128xf32, #tpu.memory_space<hbm>> -> memref<40x128xf32, #tpu.memory_space<hbm>>
      tpu.wait_dma2 semaphore(%run_scoped3A : memref<!tpu.dma_semaphore, #tpu.memory_space<semaphore_mem>>) src(%arg21 : memref<40x128xf32, #tpu.memory_space<vmem>>) dst(%dma_wait3A_204 : memref<40x128xf32, #tpu.memory_space<hbm>>)
      tpu.yield
    }) : () -> ()
    %add3A_186 = arith.constant 40 : i32
    %add3A_187 = arith.addi %mul3A_4, %add3A_186 : i32
    "tpu.region"() ({
      %run_scoped3A = tpu.sem_alloc : memref<!tpu.dma_semaphore, #tpu.memory_space<semaphore_mem>>
      %dma_start3A_198 = arith.constant 0 : i32
      %dma_start3A_199 = tpu.memref_slice %arg13[%add3A_187, %dma_start3A_198] : memref<2560x128xf32, #tpu.memory_space<vmem_shared>> -> memref<40x128xf32, #tpu.memory_space<vmem_shared>>
      %dma_start3A_200 = arith.constant 0 : i32
      %dma_start3A_201 = tpu.memref_slice %arg13[%add3A_187, %dma_start3A_200] : memref<2560x128xf32, #tpu.memory_space<vmem_shared>> -> memref<40x128xf32, #tpu.memory_space<vmem_shared>>
      tpu.enqueue_dma source(%dma_start3A_201 : memref<40x128xf32, #tpu.memory_space<vmem_shared>>) target(%arg21 : memref<40x128xf32, #tpu.memory_space<vmem>>) target_semaphore(%run_scoped3A : memref<!tpu.dma_semaphore, #tpu.memory_space<semaphore_mem>>)
      %dma_wait3A = arith.constant 0 : i32
      %dma_wait3A_202 = tpu.memref_slice %arg13[%add3A_187, %dma_wait3A] : memref<2560x128xf32, #tpu.memory_space<vmem_shared>> -> memref<40x128xf32, #tpu.memory_space<vmem_shared>>
      %dma_wait3A_203 = arith.constant 0 : i32
      %dma_wait3A_204 = tpu.memref_slice %arg13[%add3A_187, %dma_wait3A_203] : memref<2560x128xf32, #tpu.memory_space<vmem_shared>> -> memref<40x128xf32, #tpu.memory_space<vmem_shared>>
      tpu.wait_dma2 semaphore(%run_scoped3A : memref<!tpu.dma_semaphore, #tpu.memory_space<semaphore_mem>>) src(%dma_wait3A_204 : memref<40x128xf32, #tpu.memory_space<vmem_shared>>) dst(%arg21 : memref<40x128xf32, #tpu.memory_space<vmem>>)
      tpu.yield
    }) : () -> ()
    %add3A_188 = arith.constant 40 : i32
    %add3A_189 = arith.addi %add3A_181, %add3A_188 : i32
    "tpu.region"() ({
      %run_scoped3A = tpu.sem_alloc : memref<!tpu.dma_semaphore, #tpu.memory_space<semaphore_mem>>
      %dma_start3A_198 = arith.constant 0 : i32
      %dma_start3A_199 = tpu.memref_slice %arg11[%add3A_189, %dma_start3A_198] : memref<5120x128xf32, #tpu.memory_space<hbm>> -> memref<40x128xf32, #tpu.memory_space<hbm>>
      %dma_start3A_200 = arith.constant 0 : i32
      %dma_start3A_201 = tpu.memref_slice %arg11[%add3A_189, %dma_start3A_200] : memref<5120x128xf32, #tpu.memory_space<hbm>> -> memref<40x128xf32, #tpu.memory_space<hbm>>
      tpu.enqueue_dma source(%arg21 : memref<40x128xf32, #tpu.memory_space<vmem>>) target(%dma_start3A_201 : memref<40x128xf32, #tpu.memory_space<hbm>>) target_semaphore(%run_scoped3A : memref<!tpu.dma_semaphore, #tpu.memory_space<semaphore_mem>>)
      %dma_wait3A = arith.constant 0 : i32
      %dma_wait3A_202 = tpu.memref_slice %arg11[%add3A_189, %dma_wait3A] : memref<5120x128xf32, #tpu.memory_space<hbm>> -> memref<40x128xf32, #tpu.memory_space<hbm>>
      %dma_wait3A_203 = arith.constant 0 : i32
      %dma_wait3A_204 = tpu.memref_slice %arg11[%add3A_189, %dma_wait3A_203] : memref<5120x128xf32, #tpu.memory_space<hbm>> -> memref<40x128xf32, #tpu.memory_space<hbm>>
      tpu.wait_dma2 semaphore(%run_scoped3A : memref<!tpu.dma_semaphore, #tpu.memory_space<semaphore_mem>>) src(%arg21 : memref<40x128xf32, #tpu.memory_space<vmem>>) dst(%dma_wait3A_204 : memref<40x128xf32, #tpu.memory_space<hbm>>)
      tpu.yield
    }) : () -> ()
    %add3A_190 = arith.constant 80 : i32
    %add3A_191 = arith.addi %mul3A_4, %add3A_190 : i32
    "tpu.region"() ({
      %run_scoped3A = tpu.sem_alloc : memref<!tpu.dma_semaphore, #tpu.memory_space<semaphore_mem>>
      %dma_start3A_198 = arith.constant 0 : i32
      %dma_start3A_199 = tpu.memref_slice %arg13[%add3A_191, %dma_start3A_198] : memref<2560x128xf32, #tpu.memory_space<vmem_shared>> -> memref<40x128xf32, #tpu.memory_space<vmem_shared>>
      %dma_start3A_200 = arith.constant 0 : i32
      %dma_start3A_201 = tpu.memref_slice %arg13[%add3A_191, %dma_start3A_200] : memref<2560x128xf32, #tpu.memory_space<vmem_shared>> -> memref<40x128xf32, #tpu.memory_space<vmem_shared>>
      tpu.enqueue_dma source(%dma_start3A_201 : memref<40x128xf32, #tpu.memory_space<vmem_shared>>) target(%arg21 : memref<40x128xf32, #tpu.memory_space<vmem>>) target_semaphore(%run_scoped3A : memref<!tpu.dma_semaphore, #tpu.memory_space<semaphore_mem>>)
      %dma_wait3A = arith.constant 0 : i32
      %dma_wait3A_202 = tpu.memref_slice %arg13[%add3A_191, %dma_wait3A] : memref<2560x128xf32, #tpu.memory_space<vmem_shared>> -> memref<40x128xf32, #tpu.memory_space<vmem_shared>>
      %dma_wait3A_203 = arith.constant 0 : i32
      %dma_wait3A_204 = tpu.memref_slice %arg13[%add3A_191, %dma_wait3A_203] : memref<2560x128xf32, #tpu.memory_space<vmem_shared>> -> memref<40x128xf32, #tpu.memory_space<vmem_shared>>
      tpu.wait_dma2 semaphore(%run_scoped3A : memref<!tpu.dma_semaphore, #tpu.memory_space<semaphore_mem>>) src(%dma_wait3A_204 : memref<40x128xf32, #tpu.memory_space<vmem_shared>>) dst(%arg21 : memref<40x128xf32, #tpu.memory_space<vmem>>)
      tpu.yield
    }) : () -> ()
    %add3A_192 = arith.constant 80 : i32
    %add3A_193 = arith.addi %add3A_181, %add3A_192 : i32
    "tpu.region"() ({
      %run_scoped3A = tpu.sem_alloc : memref<!tpu.dma_semaphore, #tpu.memory_space<semaphore_mem>>
      %dma_start3A_198 = arith.constant 0 : i32
      %dma_start3A_199 = tpu.memref_slice %arg11[%add3A_193, %dma_start3A_198] : memref<5120x128xf32, #tpu.memory_space<hbm>> -> memref<40x128xf32, #tpu.memory_space<hbm>>
      %dma_start3A_200 = arith.constant 0 : i32
      %dma_start3A_201 = tpu.memref_slice %arg11[%add3A_193, %dma_start3A_200] : memref<5120x128xf32, #tpu.memory_space<hbm>> -> memref<40x128xf32, #tpu.memory_space<hbm>>
      tpu.enqueue_dma source(%arg21 : memref<40x128xf32, #tpu.memory_space<vmem>>) target(%dma_start3A_201 : memref<40x128xf32, #tpu.memory_space<hbm>>) target_semaphore(%run_scoped3A : memref<!tpu.dma_semaphore, #tpu.memory_space<semaphore_mem>>)
      %dma_wait3A = arith.constant 0 : i32
      %dma_wait3A_202 = tpu.memref_slice %arg11[%add3A_193, %dma_wait3A] : memref<5120x128xf32, #tpu.memory_space<hbm>> -> memref<40x128xf32, #tpu.memory_space<hbm>>
      %dma_wait3A_203 = arith.constant 0 : i32
      %dma_wait3A_204 = tpu.memref_slice %arg11[%add3A_193, %dma_wait3A_203] : memref<5120x128xf32, #tpu.memory_space<hbm>> -> memref<40x128xf32, #tpu.memory_space<hbm>>
      tpu.wait_dma2 semaphore(%run_scoped3A : memref<!tpu.dma_semaphore, #tpu.memory_space<semaphore_mem>>) src(%arg21 : memref<40x128xf32, #tpu.memory_space<vmem>>) dst(%dma_wait3A_204 : memref<40x128xf32, #tpu.memory_space<hbm>>)
      tpu.yield
    }) : () -> ()
    %add3A_194 = arith.constant 120 : i32
    %add3A_195 = arith.addi %mul3A_4, %add3A_194 : i32
    "tpu.region"() ({
      %run_scoped3A = tpu.sem_alloc : memref<!tpu.dma_semaphore, #tpu.memory_space<semaphore_mem>>
      %dma_start3A_198 = arith.constant 0 : i32
      %dma_start3A_199 = tpu.memref_slice %arg13[%add3A_195, %dma_start3A_198] : memref<2560x128xf32, #tpu.memory_space<vmem_shared>> -> memref<40x128xf32, #tpu.memory_space<vmem_shared>>
      %dma_start3A_200 = arith.constant 0 : i32
      %dma_start3A_201 = tpu.memref_slice %arg13[%add3A_195, %dma_start3A_200] : memref<2560x128xf32, #tpu.memory_space<vmem_shared>> -> memref<40x128xf32, #tpu.memory_space<vmem_shared>>
      tpu.enqueue_dma source(%dma_start3A_201 : memref<40x128xf32, #tpu.memory_space<vmem_shared>>) target(%arg21 : memref<40x128xf32, #tpu.memory_space<vmem>>) target_semaphore(%run_scoped3A : memref<!tpu.dma_semaphore, #tpu.memory_space<semaphore_mem>>)
      %dma_wait3A = arith.constant 0 : i32
      %dma_wait3A_202 = tpu.memref_slice %arg13[%add3A_195, %dma_wait3A] : memref<2560x128xf32, #tpu.memory_space<vmem_shared>> -> memref<40x128xf32, #tpu.memory_space<vmem_shared>>
      %dma_wait3A_203 = arith.constant 0 : i32
      %dma_wait3A_204 = tpu.memref_slice %arg13[%add3A_195, %dma_wait3A_203] : memref<2560x128xf32, #tpu.memory_space<vmem_shared>> -> memref<40x128xf32, #tpu.memory_space<vmem_shared>>
      tpu.wait_dma2 semaphore(%run_scoped3A : memref<!tpu.dma_semaphore, #tpu.memory_space<semaphore_mem>>) src(%dma_wait3A_204 : memref<40x128xf32, #tpu.memory_space<vmem_shared>>) dst(%arg21 : memref<40x128xf32, #tpu.memory_space<vmem>>)
      tpu.yield
    }) : () -> ()
    %add3A_196 = arith.constant 120 : i32
    %add3A_197 = arith.addi %add3A_181, %add3A_196 : i32
    "tpu.region"() ({
      %run_scoped3A = tpu.sem_alloc : memref<!tpu.dma_semaphore, #tpu.memory_space<semaphore_mem>>
      %dma_start3A_198 = arith.constant 0 : i32
      %dma_start3A_199 = tpu.memref_slice %arg11[%add3A_197, %dma_start3A_198] : memref<5120x128xf32, #tpu.memory_space<hbm>> -> memref<40x128xf32, #tpu.memory_space<hbm>>
      %dma_start3A_200 = arith.constant 0 : i32
      %dma_start3A_201 = tpu.memref_slice %arg11[%add3A_197, %dma_start3A_200] : memref<5120x128xf32, #tpu.memory_space<hbm>> -> memref<40x128xf32, #tpu.memory_space<hbm>>
      tpu.enqueue_dma source(%arg21 : memref<40x128xf32, #tpu.memory_space<vmem>>) target(%dma_start3A_201 : memref<40x128xf32, #tpu.memory_space<hbm>>) target_semaphore(%run_scoped3A : memref<!tpu.dma_semaphore, #tpu.memory_space<semaphore_mem>>)
      %dma_wait3A = arith.constant 0 : i32
      %dma_wait3A_202 = tpu.memref_slice %arg11[%add3A_197, %dma_wait3A] : memref<5120x128xf32, #tpu.memory_space<hbm>> -> memref<40x128xf32, #tpu.memory_space<hbm>>
      %dma_wait3A_203 = arith.constant 0 : i32
      %dma_wait3A_204 = tpu.memref_slice %arg11[%add3A_197, %dma_wait3A_203] : memref<5120x128xf32, #tpu.memory_space<hbm>> -> memref<40x128xf32, #tpu.memory_space<hbm>>
      tpu.wait_dma2 semaphore(%run_scoped3A : memref<!tpu.dma_semaphore, #tpu.memory_space<semaphore_mem>>) src(%arg21 : memref<40x128xf32, #tpu.memory_space<vmem>>) dst(%dma_wait3A_204 : memref<40x128xf32, #tpu.memory_space<hbm>>)
      tpu.yield
    }) : () -> ()
    return
  }
}

module attributes {stable_mosaic.version = 14 : i64} {
  func.func @_edge_proj_body(%arg0: i32, %arg1: memref<8000x16xf32, #tpu.memory_space<vmem>>, %arg2: memref<16x128xf32, #tpu.memory_space<vmem>>, %arg3: memref<8000x128xf32, #tpu.memory_space<vmem>>) attributes {dimension_semantics = [#tpu.dimension_semantics<arbitrary>], iteration_bounds = array<i64: 40>, scalar_prefetch = 0 : i64, scratch_operands = 0 : i64, tpu.core_type = #tpu.core_type<tc>, window_params = [{transform_indices = @transform_0, window_bounds = array<i64: 8000, 16>}, {pipeline_mode = #tpu.pipeline_mode<synchronous>, transform_indices = @transform_1, window_bounds = array<i64: 16, 128>}, {transform_indices = @transform_2, window_bounds = array<i64: 8000, 128>}]} {
    %get3A = arith.constant 0 : index
    %get3A_0 = arith.constant 0 : index
    %get3A_1 = vector.load %arg1[%get3A, %get3A_0] : memref<8000x16xf32, #tpu.memory_space<vmem>>, vector<8000x16xf32>
    %get3A_2 = arith.constant 0 : index
    %get3A_3 = arith.constant 0 : index
    %get3A_4 = vector.load %arg2[%get3A_2, %get3A_3] : memref<16x128xf32, #tpu.memory_space<vmem>>, vector<16x128xf32>
    %dot_general3A = arith.constant dense<0.000000e+00> : vector<8000x128xf32>
    %dot_general3A_5 = tpu.matmul %get3A_1, %get3A_4, %dot_general3A {dimension_numbers = #tpu.dot_dimension_numbers<[1], [0], [0], [1], [0, 0, 1, 1], [], []>, transpose_lhs_hint = false} : vector<8000x16xf32>, vector<16x128xf32>, vector<8000x128xf32> -> vector<8000x128xf32>
    %swap3A = arith.constant 0 : index
    %swap3A_6 = arith.constant 0 : index
    %swap3A_7 = vector.load %arg3[%swap3A, %swap3A_6] : memref<8000x128xf32, #tpu.memory_space<vmem>>, vector<8000x128xf32>
    tpu.vector_store %arg3[%swap3A, %swap3A_6], %dot_general3A_5 {strides = array<i32>} : memref<8000x128xf32, #tpu.memory_space<vmem>>, vector<8000x128xf32>,
    return
  }
  func.func @transform_0(%arg0: i32) -> (i32, i32) {
    %c0_i32 = arith.constant 0 : i32
    %c0_i32_0 = arith.constant 0 : i32
    return %arg0, %c0_i32 : i32, i32
  }
  func.func @transform_1(%arg0: i32) -> (i32, i32) {
    %c0_i32 = arith.constant 0 : i32
    %c0_i32_0 = arith.constant 0 : i32
    %c0_i32_1 = arith.constant 0 : i32
    return %c0_i32, %c0_i32_0 : i32, i32
  }
  func.func @transform_2(%arg0: i32) -> (i32, i32) {
    %c0_i32 = arith.constant 0 : i32
    %c0_i32_0 = arith.constant 0 : i32
    return %arg0, %c0_i32 : i32, i32
  }
}

module attributes {stable_mosaic.version = 14 : i64} {
  func.func @_proj_body(%arg0: i32, %arg1: memref<1000x128xf32, #tpu.memory_space<vmem>>, %arg2: memref<128x128xf32, #tpu.memory_space<vmem>>, %arg3: memref<1x128xf32, #tpu.memory_space<vmem>>, %arg4: memref<128x128xf32, #tpu.memory_space<vmem>>, %arg5: memref<1x128xf32, #tpu.memory_space<vmem>>, %arg6: memref<1000x128xf32, #tpu.memory_space<vmem>>, %arg7: memref<1000x128xf32, #tpu.memory_space<vmem>>) attributes {dimension_semantics = [#tpu.dimension_semantics<arbitrary>], iteration_bounds = array<i64: 10>, scalar_prefetch = 0 : i64, scratch_operands = 0 : i64, tpu.core_type = #tpu.core_type<tc>, window_params = [{transform_indices = @transform_0, window_bounds = array<i64: 1000, 128>}, {pipeline_mode = #tpu.pipeline_mode<synchronous>, transform_indices = @transform_1, window_bounds = array<i64: 128, 128>}, {pipeline_mode = #tpu.pipeline_mode<synchronous>, transform_indices = @transform_2, window_bounds = array<i64: 1, 128>}, {pipeline_mode = #tpu.pipeline_mode<synchronous>, transform_indices = @transform_3, window_bounds = array<i64: 128, 128>}, {pipeline_mode = #tpu.pipeline_mode<synchronous>, transform_indices = @transform_4, window_bounds = array<i64: 1, 128>}, {transform_indices = @transform_5, window_bounds = array<i64: 1000, 128>}, {transform_indices = @transform_6, window_bounds = array<i64: 1000, 128>}]} {
    %get3A = arith.constant 0 : index
    %get3A_0 = arith.constant 0 : index
    %get3A_1 = vector.load %arg1[%get3A, %get3A_0] : memref<1000x128xf32, #tpu.memory_space<vmem>>, vector<1000x128xf32>
    %get3A_2 = arith.constant 0 : index
    %get3A_3 = arith.constant 0 : index
    %get3A_4 = vector.load %arg2[%get3A_2, %get3A_3] : memref<128x128xf32, #tpu.memory_space<vmem>>, vector<128x128xf32>
    %dot_general3A = arith.constant dense<0.000000e+00> : vector<1000x128xf32>
    %dot_general3A_5 = tpu.matmul %get3A_1, %get3A_4, %dot_general3A {dimension_numbers = #tpu.dot_dimension_numbers<[1], [0], [0], [1], [0, 0, 1, 1], [], []>, transpose_lhs_hint = false} : vector<1000x128xf32>, vector<128x128xf32>, vector<1000x128xf32> -> vector<1000x128xf32>
    %get3A_6 = arith.constant 0 : index
    %get3A_7 = arith.constant 0 : index
    %get3A_8 = vector.load %arg3[%get3A_6, %get3A_7] : memref<1x128xf32, #tpu.memory_space<vmem>>, vector<1x128xf32>
    %add3A = vector.broadcast %get3A_8 : vector<1x128xf32> to vector<1000x128xf32>
    %add3A_9 = arith.addf %dot_general3A_5, %add3A : vector<1000x128xf32>
    %swap3A = arith.constant 0 : index
    %swap3A_10 = arith.constant 0 : index
    %swap3A_11 = vector.load %arg6[%swap3A, %swap3A_10] : memref<1000x128xf32, #tpu.memory_space<vmem>>, vector<1000x128xf32>
    tpu.vector_store %arg6[%swap3A, %swap3A_10], %add3A_9 {strides = array<i32>} : memref<1000x128xf32, #tpu.memory_space<vmem>>, vector<1000x128xf32>,
    %get3A_12 = arith.constant 0 : index
    %get3A_13 = arith.constant 0 : index
    %get3A_14 = vector.load %arg4[%get3A_12, %get3A_13] : memref<128x128xf32, #tpu.memory_space<vmem>>, vector<128x128xf32>
    %dot_general3A_15 = arith.constant dense<0.000000e+00> : vector<1000x128xf32>
    %dot_general3A_16 = tpu.matmul %get3A_1, %get3A_14, %dot_general3A_15 {dimension_numbers = #tpu.dot_dimension_numbers<[1], [0], [0], [1], [0, 0, 1, 1], [], []>, transpose_lhs_hint = false} : vector<1000x128xf32>, vector<128x128xf32>, vector<1000x128xf32> -> vector<1000x128xf32>
    %get3A_17 = arith.constant 0 : index
    %get3A_18 = arith.constant 0 : index
    %get3A_19 = vector.load %arg5[%get3A_17, %get3A_18] : memref<1x128xf32, #tpu.memory_space<vmem>>, vector<1x128xf32>
    %add3A_20 = vector.broadcast %get3A_19 : vector<1x128xf32> to vector<1000x128xf32>
    %add3A_21 = arith.addf %dot_general3A_16, %add3A_20 : vector<1000x128xf32>
    %swap3A_22 = arith.constant 0 : index
    %swap3A_23 = arith.constant 0 : index
    %swap3A_24 = vector.load %arg7[%swap3A_22, %swap3A_23] : memref<1000x128xf32, #tpu.memory_space<vmem>>, vector<1000x128xf32>
    tpu.vector_store %arg7[%swap3A_22, %swap3A_23], %add3A_21 {strides = array<i32>} : memref<1000x128xf32, #tpu.memory_space<vmem>>, vector<1000x128xf32>,
    return
  }
  func.func @transform_0(%arg0: i32) -> (i32, i32) {
    %c0_i32 = arith.constant 0 : i32
    %c0_i32_0 = arith.constant 0 : i32
    return %arg0, %c0_i32 : i32, i32
  }
  func.func @transform_1(%arg0: i32) -> (i32, i32) {
    %c0_i32 = arith.constant 0 : i32
    %c0_i32_0 = arith.constant 0 : i32
    %c0_i32_1 = arith.constant 0 : i32
    return %c0_i32, %c0_i32_0 : i32, i32
  }
  func.func @transform_2(%arg0: i32) -> (i32, i32) {
    %c0_i32 = arith.constant 0 : i32
    %c0_i32_0 = arith.constant 0 : i32
    %c0_i32_1 = arith.constant 0 : i32
    return %c0_i32, %c0_i32_0 : i32, i32
  }
  func.func @transform_3(%arg0: i32) -> (i32, i32) {
    %c0_i32 = arith.constant 0 : i32
    %c0_i32_0 = arith.constant 0 : i32
    %c0_i32_1 = arith.constant 0 : i32
    return %c0_i32, %c0_i32_0 : i32, i32
  }
  func.func @transform_4(%arg0: i32) -> (i32, i32) {
    %c0_i32 = arith.constant 0 : i32
    %c0_i32_0 = arith.constant 0 : i32
    %c0_i32_1 = arith.constant 0 : i32
    return %c0_i32, %c0_i32_0 : i32, i32
  }
  func.func @transform_5(%arg0: i32) -> (i32, i32) {
    %c0_i32 = arith.constant 0 : i32
    %c0_i32_0 = arith.constant 0 : i32
    return %arg0, %c0_i32 : i32, i32
  }
  func.func @transform_6(%arg0: i32) -> (i32, i32) {
    %c0_i32 = arith.constant 0 : i32
    %c0_i32_0 = arith.constant 0 : i32
    return %arg0, %c0_i32 : i32, i32
  }
}

module attributes {stable_mosaic.version = 14 : i64} {
  func.func @_combine_body(%arg0: i32, %arg1: memref<1000x128xf32, #tpu.memory_space<vmem>>, %arg2: memref<1000x128xf32, #tpu.memory_space<vmem>>, %arg3: memref<1000x128xf32, #tpu.memory_space<vmem>>, %arg4: memref<2x1000x128xf32, #tpu.memory_space<vmem>>, %arg5: memref<2x1000x32xf32, #tpu.memory_space<vmem>>, %arg6: memref<16x128xf32, #tpu.memory_space<vmem>>, %arg7: memref<1x128xf32, #tpu.memory_space<vmem>>, %arg8: memref<1x128xf32, #tpu.memory_space<vmem>>, %arg9: memref<1x128xf32, #tpu.memory_space<vmem>>, %arg10: memref<1x128xf32, #tpu.memory_space<vmem>>, %arg11: memref<1000x128xf32, #tpu.memory_space<vmem>>) attributes {dimension_semantics = [#tpu.dimension_semantics<arbitrary>], iteration_bounds = array<i64: 10>, scalar_prefetch = 0 : i64, scratch_operands = 0 : i64, tpu.core_type = #tpu.core_type<tc>, window_params = [{transform_indices = @transform_0, window_bounds = array<i64: 1000, 128>}, {transform_indices = @transform_1, window_bounds = array<i64: 1000, 128>}, {transform_indices = @transform_2, window_bounds = array<i64: 1000, 128>}, {transform_indices = @transform_3, window_bounds = array<i64: 2, 1000, 128>}, {transform_indices = @transform_4, window_bounds = array<i64: 2, 1000, 32>}, {pipeline_mode = #tpu.pipeline_mode<synchronous>, transform_indices = @transform_5, window_bounds = array<i64: 16, 128>}, {pipeline_mode = #tpu.pipeline_mode<synchronous>, transform_indices = @transform_6, window_bounds = array<i64: 1, 128>}, {pipeline_mode = #tpu.pipeline_mode<synchronous>, transform_indices = @transform_7, window_bounds = array<i64: 1, 128>}, {pipeline_mode = #tpu.pipeline_mode<synchronous>, transform_indices = @transform_8, window_bounds = array<i64: 1, 128>}, {pipeline_mode = #tpu.pipeline_mode<synchronous>, transform_indices = @transform_9, window_bounds = array<i64: 1, 128>}, {transform_indices = @transform_10, window_bounds = array<i64: 1000, 128>}]} {
    %get3A = arith.constant 0 : index
    %get3A_0 = arith.constant 0 : index
    %get3A_1 = arith.constant 0 : index
    %get3A_2 = vector.load %arg4[%get3A, %get3A_0, %get3A_1] : memref<2x1000x128xf32, #tpu.memory_space<vmem>>, vector<1x1000x128xf32>
    %get3A_3 = vector.shape_cast %get3A_2 : vector<1x1000x128xf32> to vector<1000x128xf32>
    %get3A_4 = arith.constant 1 : index
    %get3A_5 = arith.constant 0 : index
    %get3A_6 = arith.constant 0 : index
    %get3A_7 = vector.load %arg4[%get3A_4, %get3A_5, %get3A_6] : memref<2x1000x128xf32, #tpu.memory_space<vmem>>, vector<1x1000x128xf32>
    %get3A_8 = vector.shape_cast %get3A_7 : vector<1x1000x128xf32> to vector<1000x128xf32>
    %add3A = arith.addf %get3A_3, %get3A_8 : vector<1000x128xf32>
    %get3A_9 = arith.constant 0 : index
    %get3A_10 = arith.constant 0 : index
    %get3A_11 = arith.constant 0 : index
    %get3A_12 = vector.load %arg5[%get3A_9, %get3A_10, %get3A_11] : memref<2x1000x32xf32, #tpu.memory_space<vmem>>, vector<1x1000x32xf32>
    %get3A_13 = vector.shape_cast %get3A_12 : vector<1x1000x32xf32> to vector<1000x32xf32>
    %get3A_14 = arith.constant 1 : index
    %get3A_15 = arith.constant 0 : index
    %get3A_16 = arith.constant 0 : index
    %get3A_17 = vector.load %arg5[%get3A_14, %get3A_15, %get3A_16] : memref<2x1000x32xf32, #tpu.memory_space<vmem>>, vector<1x1000x32xf32>
    %get3A_18 = vector.shape_cast %get3A_17 : vector<1x1000x32xf32> to vector<1000x32xf32>
    %add3A_19 = arith.addf %get3A_13, %get3A_18 : vector<1000x32xf32>
    %slice3A = vector.extract_strided_slice %add3A_19 {offsets = [0, 20], sizes = [1000, 1], strides = [1, 1]} : vector<1000x32xf32> to vector<1000x1xf32>
    %slice3A_20 = vector.extract_strided_slice %add3A_19 {offsets = [0, 0], sizes = [1000, 16], strides = [1, 1]} : vector<1000x32xf32> to vector<1000x16xf32>
    %max3A = arith.constant 1.000000e+00 : f32
    %max3A_21 = vector.broadcast %max3A : f32 to vector<1000x1xf32>
    %max3A_22 = arith.maximumf %slice3A, %max3A_21 : vector<1000x1xf32>
    %div3A = vector.broadcast %max3A_22 : vector<1000x1xf32> to vector<1000x16xf32>
    %div3A_23 = arith.divf %slice3A_20, %div3A : vector<1000x16xf32>
    %get3A_24 = arith.constant 0 : index
    %get3A_25 = arith.constant 0 : index
    %get3A_26 = vector.load %arg6[%get3A_24, %get3A_25] : memref<16x128xf32, #tpu.memory_space<vmem>>, vector<16x128xf32>
    %dot_general3A = arith.constant dense<0.000000e+00> : vector<1000x128xf32>
    %dot_general3A_27 = tpu.matmul %div3A_23, %get3A_26, %dot_general3A {dimension_numbers = #tpu.dot_dimension_numbers<[1], [0], [0], [1], [0, 0, 1, 1], [], []>, transpose_lhs_hint = false} : vector<1000x16xf32>, vector<16x128xf32>, vector<1000x128xf32> -> vector<1000x128xf32>
    %get3A_28 = arith.constant 0 : index
    %get3A_29 = arith.constant 0 : index
    %get3A_30 = vector.load %arg2[%get3A_28, %get3A_29] : memref<1000x128xf32, #tpu.memory_space<vmem>>, vector<1000x128xf32>
    %get3A_31 = arith.constant 0 : index
    %get3A_32 = arith.constant 0 : index
    %get3A_33 = vector.load %arg3[%get3A_31, %get3A_32] : memref<1000x128xf32, #tpu.memory_space<vmem>>, vector<1000x128xf32>
    %add3A_34 = arith.addf %get3A_30, %get3A_33 : vector<1000x128xf32>
    %add3A_35 = arith.addf %add3A_34, %dot_general3A_27 : vector<1000x128xf32>
    %mul3A = arith.constant 2.000000e-01 : f32
    %mul3A_36 = vector.broadcast %mul3A : f32 to vector<1000x128xf32>
    %mul3A_37 = arith.mulf %mul3A_36, %add3A_35 : vector<1000x128xf32>
    %max3A_38 = arith.maximumf %add3A_35, %mul3A_37 : vector<1000x128xf32>
    %get3A_39 = arith.constant 0 : index
    %get3A_40 = arith.constant 0 : index
    %get3A_41 = vector.load %arg7[%get3A_39, %get3A_40] : memref<1x128xf32, #tpu.memory_space<vmem>>, vector<1x128xf32>
    %mul3A_42 = vector.broadcast %get3A_41 : vector<1x128xf32> to vector<1000x128xf32>
    %mul3A_43 = arith.mulf %max3A_38, %mul3A_42 : vector<1000x128xf32>
    %slice3A_44 = vector.extract_strided_slice %mul3A_43 {offsets = [0, 0], sizes = [1000, 32], strides = [1, 1]} : vector<1000x128xf32> to vector<1000x32xf32>
    %reduce_sum3A = arith.constant dense<0.000000e+00> : vector<1000xf32>
    %reduce_sum3A_45 = vector.multi_reduction <add>, %slice3A_44, %reduce_sum3A [1] : vector<1000x32xf32> to vector<1000xf32>
    %broadcast_in_dim3A = vector.shape_cast %reduce_sum3A_45 : vector<1000xf32> to vector<1000x1xf32>
    %exp3A = math.exp %broadcast_in_dim3A : vector<1000x1xf32>
    %slice3A_46 = vector.extract_strided_slice %add3A {offsets = [0, 0], sizes = [1000, 32], strides = [1, 1]} : vector<1000x128xf32> to vector<1000x32xf32>
    %slice3A_47 = vector.extract_strided_slice %get3A_30 {offsets = [0, 0], sizes = [1000, 32], strides = [1, 1]} : vector<1000x128xf32> to vector<1000x32xf32>
    %mul3A_48 = vector.broadcast %exp3A : vector<1000x1xf32> to vector<1000x32xf32>
    %mul3A_49 = arith.mulf %mul3A_48, %slice3A_47 : vector<1000x32xf32>
    %add3A_50 = arith.addf %slice3A_46, %mul3A_49 : vector<1000x32xf32>
    %slice3A_51 = vector.extract_strided_slice %add3A_19 {offsets = [0, 16], sizes = [1000, 1], strides = [1, 1]} : vector<1000x32xf32> to vector<1000x1xf32>
    %add3A_52 = arith.addf %slice3A_51, %exp3A : vector<1000x1xf32>
    %add3A_53 = arith.constant 1.000000e-16 : f32
    %add3A_54 = vector.broadcast %add3A_53 : f32 to vector<1000x1xf32>
    %add3A_55 = arith.addf %add3A_52, %add3A_54 : vector<1000x1xf32>
    %div3A_56 = vector.broadcast %add3A_55 : vector<1000x1xf32> to vector<1000x32xf32>
    %div3A_57 = arith.divf %add3A_50, %div3A_56 : vector<1000x32xf32>
    %slice3A_58 = vector.extract_strided_slice %mul3A_43 {offsets = [0, 32], sizes = [1000, 32], strides = [1, 1]} : vector<1000x128xf32> to vector<1000x32xf32>
    %reduce_sum3A_59 = arith.constant dense<0.000000e+00> : vector<1000xf32>
    %reduce_sum3A_60 = vector.multi_reduction <add>, %slice3A_58, %reduce_sum3A_59 [1] : vector<1000x32xf32> to vector<1000xf32>
    %broadcast_in_dim3A_61 = vector.shape_cast %reduce_sum3A_60 : vector<1000xf32> to vector<1000x1xf32>
    %exp3A_62 = math.exp %broadcast_in_dim3A_61 : vector<1000x1xf32>
    %slice3A_63 = vector.extract_strided_slice %add3A {offsets = [0, 32], sizes = [1000, 32], strides = [1, 1]} : vector<1000x128xf32> to vector<1000x32xf32>
    %slice3A_64 = vector.extract_strided_slice %get3A_30 {offsets = [0, 32], sizes = [1000, 32], strides = [1, 1]} : vector<1000x128xf32> to vector<1000x32xf32>
    %mul3A_65 = vector.broadcast %exp3A_62 : vector<1000x1xf32> to vector<1000x32xf32>
    %mul3A_66 = arith.mulf %mul3A_65, %slice3A_64 : vector<1000x32xf32>
    %add3A_67 = arith.addf %slice3A_63, %mul3A_66 : vector<1000x32xf32>
    %slice3A_68 = vector.extract_strided_slice %add3A_19 {offsets = [0, 17], sizes = [1000, 1], strides = [1, 1]} : vector<1000x32xf32> to vector<1000x1xf32>
    %add3A_69 = arith.addf %slice3A_68, %exp3A_62 : vector<1000x1xf32>
    %add3A_70 = arith.constant 1.000000e-16 : f32
    %add3A_71 = vector.broadcast %add3A_70 : f32 to vector<1000x1xf32>
    %add3A_72 = arith.addf %add3A_69, %add3A_71 : vector<1000x1xf32>
    %div3A_73 = vector.broadcast %add3A_72 : vector<1000x1xf32> to vector<1000x32xf32>
    %div3A_74 = arith.divf %add3A_67, %div3A_73 : vector<1000x32xf32>
    %slice3A_75 = vector.extract_strided_slice %mul3A_43 {offsets = [0, 64], sizes = [1000, 32], strides = [1, 1]} : vector<1000x128xf32> to vector<1000x32xf32>
    %reduce_sum3A_76 = arith.constant dense<0.000000e+00> : vector<1000xf32>
    %reduce_sum3A_77 = vector.multi_reduction <add>, %slice3A_75, %reduce_sum3A_76 [1] : vector<1000x32xf32> to vector<1000xf32>
    %broadcast_in_dim3A_78 = vector.shape_cast %reduce_sum3A_77 : vector<1000xf32> to vector<1000x1xf32>
    %exp3A_79 = math.exp %broadcast_in_dim3A_78 : vector<1000x1xf32>
    %slice3A_80 = vector.extract_strided_slice %add3A {offsets = [0, 64], sizes = [1000, 32], strides = [1, 1]} : vector<1000x128xf32> to vector<1000x32xf32>
    %slice3A_81 = vector.extract_strided_slice %get3A_30 {offsets = [0, 64], sizes = [1000, 32], strides = [1, 1]} : vector<1000x128xf32> to vector<1000x32xf32>
    %mul3A_82 = vector.broadcast %exp3A_79 : vector<1000x1xf32> to vector<1000x32xf32>
    %mul3A_83 = arith.mulf %mul3A_82, %slice3A_81 : vector<1000x32xf32>
    %add3A_84 = arith.addf %slice3A_80, %mul3A_83 : vector<1000x32xf32>
    %slice3A_85 = vector.extract_strided_slice %add3A_19 {offsets = [0, 18], sizes = [1000, 1], strides = [1, 1]} : vector<1000x32xf32> to vector<1000x1xf32>
    %add3A_86 = arith.addf %slice3A_85, %exp3A_79 : vector<1000x1xf32>
    %add3A_87 = arith.constant 1.000000e-16 : f32
    %add3A_88 = vector.broadcast %add3A_87 : f32 to vector<1000x1xf32>
    %add3A_89 = arith.addf %add3A_86, %add3A_88 : vector<1000x1xf32>
    %div3A_90 = vector.broadcast %add3A_89 : vector<1000x1xf32> to vector<1000x32xf32>
    %div3A_91 = arith.divf %add3A_84, %div3A_90 : vector<1000x32xf32>
    %slice3A_92 = vector.extract_strided_slice %mul3A_43 {offsets = [0, 96], sizes = [1000, 32], strides = [1, 1]} : vector<1000x128xf32> to vector<1000x32xf32>
    %reduce_sum3A_93 = arith.constant dense<0.000000e+00> : vector<1000xf32>
    %reduce_sum3A_94 = vector.multi_reduction <add>, %slice3A_92, %reduce_sum3A_93 [1] : vector<1000x32xf32> to vector<1000xf32>
    %broadcast_in_dim3A_95 = vector.shape_cast %reduce_sum3A_94 : vector<1000xf32> to vector<1000x1xf32>
    %exp3A_96 = math.exp %broadcast_in_dim3A_95 : vector<1000x1xf32>
    %slice3A_97 = vector.extract_strided_slice %add3A {offsets = [0, 96], sizes = [1000, 32], strides = [1, 1]} : vector<1000x128xf32> to vector<1000x32xf32>
    %slice3A_98 = vector.extract_strided_slice %get3A_30 {offsets = [0, 96], sizes = [1000, 32], strides = [1, 1]} : vector<1000x128xf32> to vector<1000x32xf32>
    %mul3A_99 = vector.broadcast %exp3A_96 : vector<1000x1xf32> to vector<1000x32xf32>
    %mul3A_100 = arith.mulf %mul3A_99, %slice3A_98 : vector<1000x32xf32>
    %add3A_101 = arith.addf %slice3A_97, %mul3A_100 : vector<1000x32xf32>
    %slice3A_102 = vector.extract_strided_slice %add3A_19 {offsets = [0, 19], sizes = [1000, 1], strides = [1, 1]} : vector<1000x32xf32> to vector<1000x1xf32>
    %add3A_103 = arith.addf %slice3A_102, %exp3A_96 : vector<1000x1xf32>
    %add3A_104 = arith.constant 1.000000e-16 : f32
    %add3A_105 = vector.broadcast %add3A_104 : f32 to vector<1000x1xf32>
    %add3A_106 = arith.addf %add3A_103, %add3A_105 : vector<1000x1xf32>
    %div3A_107 = vector.broadcast %add3A_106 : vector<1000x1xf32> to vector<1000x32xf32>
    %div3A_108 = arith.divf %add3A_101, %div3A_107 : vector<1000x32xf32>
    %concatenate3A = tpu.concatenate %div3A_57, %div3A_74, %div3A_91, %div3A_108 in 1 : vector<1000x32xf32>, vector<1000x32xf32>, vector<1000x32xf32>, vector<1000x32xf32> -> vector<1000x128xf32>
    %get3A_109 = arith.constant 0 : index
    %get3A_110 = arith.constant 0 : index
    %get3A_111 = vector.load %arg8[%get3A_109, %get3A_110] : memref<1x128xf32, #tpu.memory_space<vmem>>, vector<1x128xf32>
    %add3A_112 = vector.broadcast %get3A_111 : vector<1x128xf32> to vector<1000x128xf32>
    %add3A_113 = arith.addf %concatenate3A, %add3A_112 : vector<1000x128xf32>
    %get3A_114 = arith.constant 0 : index
    %get3A_115 = arith.constant 0 : index
    %get3A_116 = vector.load %arg1[%get3A_114, %get3A_115] : memref<1000x128xf32, #tpu.memory_space<vmem>>, vector<1000x128xf32>
    %add3A_117 = arith.addf %get3A_116, %add3A_113 : vector<1000x128xf32>
    %reduce_sum3A_118 = arith.constant dense<0.000000e+00> : vector<1000xf32>
    %reduce_sum3A_119 = vector.multi_reduction <add>, %add3A_117, %reduce_sum3A_118 [1] : vector<1000x128xf32> to vector<1000xf32>
    %broadcast_in_dim3A_120 = vector.shape_cast %reduce_sum3A_119 : vector<1000xf32> to vector<1000x1xf32>
    %div3A_121 = arith.constant 1.280000e+02 : f32
    %div3A_122 = vector.broadcast %div3A_121 : f32 to vector<1000x1xf32>
    %div3A_123 = arith.divf %broadcast_in_dim3A_120, %div3A_122 : vector<1000x1xf32>
    %sub3A = vector.broadcast %div3A_123 : vector<1000x1xf32> to vector<1000x128xf32>
    %sub3A_124 = arith.subf %add3A_117, %sub3A : vector<1000x128xf32>
    %sub3A_125 = vector.broadcast %div3A_123 : vector<1000x1xf32> to vector<1000x128xf32>
    %sub3A_126 = arith.subf %add3A_117, %sub3A_125 : vector<1000x128xf32>
    %mul3A_127 = arith.mulf %sub3A_124, %sub3A_126 : vector<1000x128xf32>
    %reduce_sum3A_128 = arith.constant dense<0.000000e+00> : vector<1000xf32>
    %reduce_sum3A_129 = vector.multi_reduction <add>, %mul3A_127, %reduce_sum3A_128 [1] : vector<1000x128xf32> to vector<1000xf32>
    %broadcast_in_dim3A_130 = vector.shape_cast %reduce_sum3A_129 : vector<1000xf32> to vector<1000x1xf32>
    %div3A_131 = arith.constant 1.280000e+02 : f32
    %div3A_132 = vector.broadcast %div3A_131 : f32 to vector<1000x1xf32>
    %div3A_133 = arith.divf %broadcast_in_dim3A_130, %div3A_132 : vector<1000x1xf32>
    %sub3A_134 = vector.broadcast %div3A_123 : vector<1000x1xf32> to vector<1000x128xf32>
    %sub3A_135 = arith.subf %add3A_117, %sub3A_134 : vector<1000x128xf32>
    %add3A_136 = arith.constant 9.99999974E-6 : f32
    %add3A_137 = vector.broadcast %add3A_136 : f32 to vector<1000x1xf32>
    %add3A_138 = arith.addf %div3A_133, %add3A_137 : vector<1000x1xf32>
    %sqrt3A = math.sqrt %add3A_138 : vector<1000x1xf32>
    %div3A_139 = vector.broadcast %sqrt3A : vector<1000x1xf32> to vector<1000x128xf32>
    %div3A_140 = arith.divf %sub3A_135, %div3A_139 : vector<1000x128xf32>
    %get3A_141 = arith.constant 0 : index
    %get3A_142 = arith.constant 0 : index
    %get3A_143 = vector.load %arg9[%get3A_141, %get3A_142] : memref<1x128xf32, #tpu.memory_space<vmem>>, vector<1x128xf32>
    %mul3A_144 = vector.broadcast %get3A_143 : vector<1x128xf32> to vector<1000x128xf32>
    %mul3A_145 = arith.mulf %div3A_140, %mul3A_144 : vector<1000x128xf32>
    %get3A_146 = arith.constant 0 : index
    %get3A_147 = arith.constant 0 : index
    %get3A_148 = vector.load %arg10[%get3A_146, %get3A_147] : memref<1x128xf32, #tpu.memory_space<vmem>>, vector<1x128xf32>
    %add3A_149 = vector.broadcast %get3A_148 : vector<1x128xf32> to vector<1000x128xf32>
    %add3A_150 = arith.addf %mul3A_145, %add3A_149 : vector<1000x128xf32>
    %max3A_151 = arith.constant 0.000000e+00 : f32
    %max3A_152 = vector.broadcast %max3A_151 : f32 to vector<1000x128xf32>
    %max3A_153 = arith.maximumf %add3A_150, %max3A_152 : vector<1000x128xf32>
    %swap3A = arith.constant 0 : index
    %swap3A_154 = arith.constant 0 : index
    %swap3A_155 = vector.load %arg11[%swap3A, %swap3A_154] : memref<1000x128xf32, #tpu.memory_space<vmem>>, vector<1000x128xf32>
    tpu.vector_store %arg11[%swap3A, %swap3A_154], %max3A_153 {strides = array<i32>} : memref<1000x128xf32, #tpu.memory_space<vmem>>, vector<1000x128xf32>,
    return
  }
  func.func @transform_0(%arg0: i32) -> (i32, i32) {
    %c0_i32 = arith.constant 0 : i32
    %c0_i32_0 = arith.constant 0 : i32
    return %arg0, %c0_i32 : i32, i32
  }
  func.func @transform_1(%arg0: i32) -> (i32, i32) {
    %c0_i32 = arith.constant 0 : i32
    %c0_i32_0 = arith.constant 0 : i32
    return %arg0, %c0_i32 : i32, i32
  }
  func.func @transform_2(%arg0: i32) -> (i32, i32) {
    %c0_i32 = arith.constant 0 : i32
    %c0_i32_0 = arith.constant 0 : i32
    return %arg0, %c0_i32 : i32, i32
  }
  func.func @transform_3(%arg0: i32) -> (i32, i32, i32) {
    %c0_i32 = arith.constant 0 : i32
    %c0_i32_0 = arith.constant 0 : i32
    %c0_i32_1 = arith.constant 0 : i32
    return %c0_i32, %arg0, %c0_i32_0 : i32, i32, i32
  }
  func.func @transform_4(%arg0: i32) -> (i32, i32, i32) {
    %c0_i32 = arith.constant 0 : i32
    %c0_i32_0 = arith.constant 0 : i32
    %c0_i32_1 = arith.constant 0 : i32
    return %c0_i32, %arg0, %c0_i32_0 : i32, i32, i32
  }
  func.func @transform_5(%arg0: i32) -> (i32, i32) {
    %c0_i32 = arith.constant 0 : i32
    %c0_i32_0 = arith.constant 0 : i32
    %c0_i32_1 = arith.constant 0 : i32
    return %c0_i32, %c0_i32_0 : i32, i32
  }
  func.func @transform_6(%arg0: i32) -> (i32, i32) {
    %c0_i32 = arith.constant 0 : i32
    %c0_i32_0 = arith.constant 0 : i32
    %c0_i32_1 = arith.constant 0 : i32
    return %c0_i32, %c0_i32_0 : i32, i32
  }
  func.func @transform_7(%arg0: i32) -> (i32, i32) {
    %c0_i32 = arith.constant 0 : i32
    %c0_i32_0 = arith.constant 0 : i32
    %c0_i32_1 = arith.constant 0 : i32
    return %c0_i32, %c0_i32_0 : i32, i32
  }
  func.func @transform_8(%arg0: i32) -> (i32, i32) {
    %c0_i32 = arith.constant 0 : i32
    %c0_i32_0 = arith.constant 0 : i32
    %c0_i32_1 = arith.constant 0 : i32
    return %c0_i32, %c0_i32_0 : i32, i32
  }
  func.func @transform_9(%arg0: i32) -> (i32, i32) {
    %c0_i32 = arith.constant 0 : i32
    %c0_i32_0 = arith.constant 0 : i32
    %c0_i32_1 = arith.constant 0 : i32
    return %c0_i32, %c0_i32_0 : i32, i32
  }
  func.func @transform_10(%arg0: i32) -> (i32, i32) {
    %c0_i32 = arith.constant 0 : i32
    %c0_i32_0 = arith.constant 0 : i32
    return %arg0, %c0_i32 : i32, i32
  }
}

</mosaic_0001>

<sc_bundles>
// kernel: kernel.6.cloned.1.call-start
scs
__scs_entry_jumppad:
0x0: {  	(pc) =	sbr.rel $0x88, $3  }
0x1: {  	(tag) =	ssettag $0x0;
	lr =	simm.s32 $0x1  }
0x2: {  	[smem:$0x3F95] =	sst lr;
	_ =	strace $0xD0000000  }
0x3: {  	_ = 	snop  }
0x4: {  	_ = 	snop  }
0x5: {  	_ = 	snop  }
0x6: {  	_ = 	snop  }
0x7: {  	_ = 	snop  }
__scs_overlays_trampoline_lowered:
0x8: {  	[smem:$0x3FA4] =	sst s0  }
0x9: {  	[smem:$0x3FA5] =	sst s1  }
0xa: {  	[smem:$0x3FA6] =	sst s2  }
0xb: {  	[smem:$0x3FA7] =	sst s3  }
0xc: {  	[smem:$0x3FA8] =	sst s4  }
0xd: {  	[smem:$0x3FA9] =	sst s5  }
0xe: {  	[smem:$0x3FAA] =	sst s6  }
0xf: {  	[smem:$0x3FAB] =	sst s7  }
0x10: {  	[smem:$0x3FAC] =	sst s8  }
0x11: {  	[smem:$0x3FAD] =	sst s9;
	s0 =	simm.s32 @!p0 $0x0  }
0x12: {  	s1 =	sld [smem:$0x3F93];
	s0 =	simm.s32 @p0 $0x1  }
0x13: {  	[smem:$0x3FAE] =	sst s0;
	s0 =	simm.s32 @!p1 $0x0  }
0x14: {  	s2 =	sld [smem:$0x3F92];
	s0 =	simm.s32 @p1 $0x1  }
0x15: {  	[smem:$0x3FAF] =	sst s0;
	s0 =	simm.s32 @!p2 $0x0  }
0x16: {  	s3 =	sld [smem:$0x3FDB];
	s0 =	simm.s32 @p2 $0x1  }
0x17: {  	s4 =	simm.s32 $0x1BF5;
	[smem:$0x3FB1] =	sst s0  }
0x18: {  	s0 =	sld [smem:$0x3F94];
	_ =	swait.ge [sflag:s4], $0x0  }
0x19: {  	s7 =	sld [smem:$0x3F95]  }
0x1a: {  	s8 =	sadd.s32 $0xFFFFE003, lr  }
0x1b: {  	s9 =	sadd.s32 $0xFFFFFEF7, lr;
	s5 =	simm.s32 $0xFFFFFFFF;
	p2 =	slt.u32 s8, $0xFFFFF086  }
0x1c: {  	p1 =	slt.u32 s9, $0xF7A;
	s5 =	simm.s32 @!p2 $0x0  }
0x1d: {  	s5 =	simm.s32 @p1 $0x1;
	p0 =	seq.s32 s7, s2  }
0x1e: {  	s7 =	smul.u32 @!p0 $0xF7A, s2;
	p2 =	seq.s32 @!p0 s5, $0x0  }
0x1f: {  	s9 =	smul.u32 $0xF7A, s1;
	s8 =	simm.s32 @!p0 $0x1BF5;
	p2 =	por !p2, p0  }
0x20: {  	[sflag:s8] =	ssyncset.s32 @!p0 $0xFFFFF086;
	s6 =	sadd.s32 @!p0 s3, s7;
	s7 =	simm.s32 @!p0 $0x108  }
0x21: {  	s3 =	sadd.s32 s3, s9;
	s6 =	sadd.s32 @!p0 $0x88, s6;
	s7 =	simm.s32 @p2 $0x1082  }
0x22: {  	[simem:s7], [sflag:s8] =	dma.local @!p0 [hbm:s6], $0xF7A  }
0x23: {  	s9 =	sor.u32 $0xD0000000, s2;
	s6 =	simm.s32 $0x108;
	_ =	swait.ge @!p0 [sflag:s8], $0x0  }
0x24: {  	s3 =	sadd.s32 $0x88, s3;
	s6 =	simm.s32 @!p1 $0x1082;
	[sflag:s4] =	ssyncset.s32 $0xFFFFF086  }
0x25: {  	[simem:s6], [sflag:s4] =	dma.local [hbm:s3], $0xF7A  }
0x26: {  	[smem:$0x3F95] =	sst s1;
	(tag) =	ssettag s2;
	_ =	strace s9  }
0x27: {  	s1 =	sld [smem:$0x3FA5]  }
0x28: {  	s2 =	sld [smem:$0x3FA6]  }
0x29: {  	s4 =	sld [smem:$0x3FA8]  }
0x2a: {  	p0 =	seq.s32 s5, $0x0;
	s5 =	sld [smem:$0x3FA9]  }
0x2b: {  	s6 =	sld [smem:$0x3FAA]  }
0x2c: {  	s7 =	sld [smem:$0x3FAB]  }
0x2d: {  	s3 =	simm.s32 $0x108;
	s8 =	sld [smem:$0x3FAC]  }
0x2e: {  	s3 =	simm.s32 @!p0 $0x1082;
	s9 =	sld [smem:$0x3FAD]  }
0x2f: {  	lr =	sadd.s32 s0, s3;
	s0 =	sld [smem:$0x3FA4]  }
0x30: {  	s3 =	sld [smem:$0x3FA7]  }
0x31: {  	[smem:$0x3FB0] =	sst s10  }
0x32: {  	s10 =	sld [smem:$0x3FAE];
	_ =	sdelay $0x3  }
0x33: {  	p0 =	seq.s32 s10, $0x1;
	s10 =	sld [smem:$0x3FB0];
	_ =	sdelay $0x3  }
0x34: {  	[smem:$0x3FB0] =	sst s10  }
0x35: {  	s10 =	sld [smem:$0x3FAF];
	_ =	sdelay $0x3  }
0x36: {  	p1 =	seq.s32 s10, $0x1;
	s10 =	sld [smem:$0x3FB0];
	_ =	sdelay $0x3  }
0x37: {  	[smem:$0x3FB0] =	sst s10  }
0x38: {  	s10 =	sld [smem:$0x3FB1]  }
0x39: {  	_ = 	snop;
	(pc) =	sbr.ind lr, $3  }
0x3a: {  	_ = 	snop  }
0x3b: {  	_ = 	snop  }
0x3c: {  	p2 =	seq.s32 s10, $0x1;
	s10 =	sld [smem:$0x3FB0]  }
0x3d: {  	_ =	shalt  }
0x3e: {  	_ =	shalt  }
0x3f: {  	_ =	shalt  }
0x40: {  	_ =	shalt  }
0x41: {  	_ =	shalt  }
0x42: {  	_ =	shalt  }
0x43: {  	_ =	shalt  }
0x44: {  	_ =	shalt  }
0x45: {  	_ =	shalt  }
0x46: {  	_ =	shalt  }
0x47: {  	_ =	shalt  }
0x48: {  	_ =	shalt  }
0x49: {  	_ =	shalt  }
0x4a: {  	_ =	shalt  }
0x4b: {  	_ =	shalt  }
0x4c: {  	_ =	shalt  }
0x4d: {  	_ =	shalt  }
0x4e: {  	_ =	shalt  }
0x4f: {  	_ =	shalt  }
0x50: {  	_ =	shalt  }
0x51: {  	_ =	shalt  }
0x52: {  	_ =	shalt  }
0x53: {  	_ =	shalt  }
0x54: {  	_ =	shalt  }
0x55: {  	_ =	shalt  }
0x56: {  	_ =	shalt  }
0x57: {  	_ =	shalt  }
0x58: {  	_ =	shalt  }
0x59: {  	_ =	shalt  }
0x5a: {  	_ =	shalt  }
0x5b: {  	_ =	shalt  }
0x5c: {  	_ =	shalt  }
0x5d: {  	_ =	shalt  }
0x5e: {  	_ =	shalt  }
0x5f: {  	_ =	shalt  }
0x60: {  	_ =	shalt  }
0x61: {  	_ =	shalt  }
0x62: {  	_ =	shalt  }
0x63: {  	_ =	shalt  }
0x64: {  	_ =	shalt  }
0x65: {  	_ =	shalt  }
0x66: {  	_ =	shalt  }
0x67: {  	_ =	shalt  }
0x68: {  	_ =	shalt  }
0x69: {  	_ =	shalt  }
0x6a: {  	_ =	shalt  }
0x6b: {  	_ =	shalt  }
0x6c: {  	_ =	shalt  }
0x6d: {  	_ =	shalt  }
0x6e: {  	_ =	shalt  }
0x6f: {  	_ =	shalt  }
0x70: {  	_ =	shalt  }
0x71: {  	_ =	shalt  }
0x72: {  	_ =	shalt  }
0x73: {  	_ =	shalt  }
0x74: {  	_ =	shalt  }
0x75: {  	_ =	shalt  }
0x76: {  	_ =	shalt  }
0x77: {  	_ =	shalt  }
0x78: {  	_ =	shalt  }
0x79: {  	_ =	shalt  }
0x7a: {  	_ =	shalt  }
0x7b: {  	_ =	shalt  }
0x7c: {  	_ =	shalt  }
0x7d: {  	_ =	shalt  }
0x7e: {  	_ =	shalt  }
0x7f: {  	_ =	shalt  }
0x80: {  	_ =	shalt  }
0x81: {  	_ =	shalt  }
0x82: {  	_ =	shalt  }
0x83: {  	_ =	shalt  }
0x84: {  	_ =	shalt  }
0x85: {  	_ =	shalt  }
0x86: {  	_ =	shalt  }
0x87: {  	_ =	shalt  }
.Lfunc_end0:
.L_simem_size_0:
called_computation_lowered:
.L_overlay_start_0:
0x88: {  	s2 =	sld [smem:$0x3FD9]  }
0x89: {  	s3 =	sld [smem:$0x3FFE];
	_ =	sdelay $0x1  }
0x8a: {  	s1 =	srdreg.scid  }
0x8b: {  	s0 =	sand.u32 $0x1, s1  }
0x8c: {  	s17 =	sshll.u32 s0, $0xA;
	s2 =	sadd.s32 s3, s2  }
0x8d: {  	s2 =	sadd.s32 s2, s17  }
0x8e: {  	[smem:$0x3FBC] =	sst s2  }
0x8f: {  	_ = 	snop  }
0x90: {  	s2 =	sld [smem:$0x3FD0];
	(tm) =	ssettm $0x1  }
0x91: {  	s18 =	sld [smem:$0x3FFB];
	_ =	sdelay $0x3  }
0x92: {  	_ =	strace s18  }
0x93: {  	s3 =	sld [smem:$0x3FFC];
	_ =	sdelay $0x3  }
0x94: {  	_ =	strace s3  }
0x95: {  	s3 =	sld [smem:$0x3FFD];
	_ =	sdelay $0x3  }
0x96: {  	_ =	strace s3  }
0x97: {  	_ =	strace $0x8FFFFFFF  }
0x98: {  	s19 =	sld [smem:$0x3FDB];
	_ =	sdelay $0x1  }
0x99: {  	s4 =	simm.s32 $_scs_section_size  }
0x9a: {  	s5 =	simm.s32 $_size__tile_overlayer_lowered;
	s6 =	simm.s32 $_tile_overlayer_lowered  }
0x9b: {  	s22 =	simm.s32 $0x1BFF;
	s21 =	sshll.u32 s6, $0x1;
	s3 =	sadd.s32 s4, s19  }
0x9c: {  	s7 =	simm.s32 $0x0;
	s20 =	sshll.u32 s5, $0x1;
	s5 =	sadd.s32 s21, s3  }
0x9d: {  	[timem:s7], [sflag:s22] =	dma.local [hbm:s5], s20  }
0x9e: {  	_ =	swait.ge [sflag:s22], s20  }
0x9f: {  	s4 =	ssub.s32 $0x0, s20;
	[sflag:s22] =	ssyncset.done $0x0  }
0xa0: {  	[sflag:s22] =	ssyncadd.s32 s4;
	_ =	sdelay $0x1  }
0xa1: {  	s23 =	simm.s32 $0x1B8B  }
0xa2: {  	_ =	swait.ge [sflag:s23], $0x1  }
0xa3: {  	[sflag:s23] =	ssyncset.done $0x0  }
0xa4: {  	s25 =	simm.s32 $0x1B8E;
	s24 =	sld [smem:$0x3FFE];
	[sflag:s23] =	ssyncadd.s32 $0xFFFFFFFF  }
0xa5: {  	s26 =	simm.s32 $execute0_lowered;
	[smem:$0x3FD2] =	sst s25  }
0xa6: {  	s5 =	sshll.u32 s26, $0x1;
	_ =	strace $0x80000046;
	[dreg:$0x1] =	wrdreg $0xFFFFFFFF  }
0xa7: {  	s28 =	simm.s32 $_size_execute0_lowered;
	s3 =	sadd.s32 s3, s5;
	[dreg:$0x0] =	wrdreg $0x0  }
0xa8: {  	s5 =	sshll.u32 s28, $0x1;
	[dreg:$0x2] =	wrdreg s3  }
0xa9: {  	[dreg:$0x3] =	wrdreg s5  }
0xaa: {  	[dreg:$0x4] =	wrdreg $0xC0  }
0xab: {  	_ =	task [dreg:s7], $0x5FFFF  }
0xac: {  	[dreg:$0x1] =	wrdreg $0xFFFFFFFF  }
0xad: {  	[dreg:$0x0] =	wrdreg $0x60  }
0xae: {  	[dreg:$0x2] =	wrdreg s2  }
0xaf: {  	[dreg:$0x3] =	wrdreg s24  }
0xb0: {  	[dreg:$0x4] =	wrdreg $0x0  }
0xb1: {  	[dreg:$0x5] =	wrdreg $0x140000  }
0xb2: {  	[dreg:$0x6] =	wrdreg $0x9  }
0xb3: {  	_ =	task.clear_ibuf [dreg:s7], $0x7FFFF;
	_ =	strace $0x90000046  }
0xb4: {  	s29 =	simm.s32 $0x9;
	_ =	strace $0x80000048  }
0xb5: {  	_ =	swait.ge [sflag:s29], $0x1  }
0xb6: {  	[sflag:s29] =	ssyncadd.s32 $0xFFFFFFFF  }
0xb7: {  	_ =	strace $0x90000048  }
0xb8: {  	_ =	sfence  }
0xb9: {  	s30 =	sld [smem:$0x0];
	_ =	sdelay $0x2  }
0xba: {  	s31 =	sshll.u32 s1, $0xD;
	s1 =	sshrl.u32 s1, $0x2  }
0xbb: {  	s3 =	sand.u32 $0x4000, s31;
	s1 =	sadd.s32 s1, s30  }
0xbc: {  	s0 =	sor.u32 s3, s0;
	s1 =	sshll.u32 s1, $0x11  }
0xbd: {  	s0 =	sor.u32 s1, s0  }
0xbe: {  	s0 =	sadd.s32 $0x8F2B, s0  }
0xbf: {  	[sflag:s0] =	ssyncadd.remote.s32 $0x1  }
0xc0: {  	_ =	sfence.sel $0xFFFF  }
0xc1: {  	[dreg:$0x0] =	wrdreg $0xFFFFFFFF;
	(pc) =	sbr.abs _section_cstart, $3  }
0xc2: {  	[dreg:$0x1] =	wrdreg $0xFFFFFFFF  }
0xc3: {  	_ =	task.clear_ibuf [dreg:s7], $0x2FFFF;
	_ =	strace $0x9FFFFFFF  }
0xc4: {  	(tm) =	ssettm $0x7FFFFFFF  }
0xc5: {  	_ =	shalt  }
tec
execute0_lowered:
.L_overlay_start_1:
0x0: {  	(tag) =	ssettag $0x1  }
0x1: {  	s28 =	rddreg [dreg:$0x0]  }
0x2: {  	s0 =	rddreg [dreg:$0x1]  }
0x3: {  	s22 =	rddreg [dreg:$0x2]  }
0x4: {  	s9 =	rddreg [dreg:$0x3];
	s2 =	stileid.u32  }
0x5: {  	s4 =	simm.s32 $0x0;
	s3 =	srdreg.scid;
	s5 =	smul.u32 $0x280, s2  }
0x6: {  	[smem:$0x7FF] =	sst s4;
	s3 =	sand.u32 $0x1, s3;
	s11 =	smul.u32 $0xA0, s2  }
0x7: {  	s24 =	sadd.s32 $0x16800, s0;
	s25 =	sadd.s32 $0x3DC00, s0;
	s14 =	smul.u32 $0x50000, s2  }
0x8: {  	s15 =	smul.u32 $0x14000, s2;
	_ =	strace $0x80000047;
	[dreg:$0x7] =	wrdreg s24  }
0x9: {  	s17 =	sadd.s32 $0xCA00, s0;
	s10 =	smul.u32 $0x2800, s3;
	[dreg:$0x8] =	wrdreg s25  }
0xa: {  	s1 =	sadd.s32 $0x2C00, s0;
	s12 =	smul.u32 $0xA00, s3;
	[dreg:$0x5] =	wrdreg s17  }
0xb: {  	s26 =	sshll.u32 s3, $0x4;
	s3 =	ssub.s32 $0x2, s3;
	[dreg:$0x6] =	wrdreg s1  }
0xc: {  	s11 =	sadd.s32 s11, s12;
	s12 =	sor.u32 s2, s26;
	s2 =	sshrl.u32 s14, $0x2  }
0xd: {  	s5 =	sadd.s32 s5, s10;
	s10 =	sshrl.u32 s15, $0x2;
	s20 =	sadd.s32 s2, s22  }
0xe: {  	s5 =	sshll.u32 s5, $0x4;
	s10 =	sadd.s32 s10, s9;
	[dreg:$0x9] =	wrdreg s20  }
0xf: {  	s5 =	sadd.s32 s5, s0;
	s31 =	sadd.s32 $0x12C00, s20;
	[dreg:$0xa] =	wrdreg s10  }
0x10: {  	s16 =	sshrl.u32 s3, $0x1;
	s15 =	sadd.s32 $0x52000, s5;
	[smem:$0x7FA] =	sst s31  }
0x11: {  	s3 =	ssub.s32 s3, s16;
	s16 =	sadd.s32 $0x52280, s5;
	[dreg:$0xd] =	wrdreg s15  }
0x12: {  	s18 =	sadd.s32 $0x52780, s5;
	[dreg:$0xe] =	wrdreg s16  }
0x13: {  	s19 =	sadd.s32 $0x52A00, s5;
	[dreg:$0x10] =	wrdreg s18  }
0x14: {  	s6 =	sadd.s32 $0x16A00, s0;
	s21 =	sadd.s32 $0x52C80, s5;
	[dreg:$0x11] =	wrdreg s19  }
0x15: {  	s7 =	sadd.s32 $0x581000, s0;
	s23 =	sadd.s32 $0x52F00, s5;
	[dreg:$0x12] =	wrdreg s21  }
0x16: {  	s8 =	sadd.s32 $0x4E4C00, s0;
	s24 =	sadd.s32 $0x53180, s5;
	[dreg:$0x13] =	wrdreg s23  }
0x17: {  	s11 =	sshll.u32 s11, $0x4;
	s25 =	sadd.s32 $0x53400, s5;
	[dreg:$0x14] =	wrdreg s24  }
0x18: {  	s13 =	smul.u32 $0x2710, s12;
	s26 =	sadd.s32 $0x53680, s5;
	[dreg:$0x15] =	wrdreg s25  }
0x19: {  	s0 =	sadd.s32 s11, s0;
	s2 =	sadd.s32 $0x53900, s5;
	[dreg:$0x16] =	wrdreg s26  }
0x1a: {  	s12 =	sshrl.u32 s13, $0x3;
	s11 =	sadd.s32 $0x53B80, s5;
	[dreg:$0x17] =	wrdreg s2  }
0x1b: {  	s14 =	sadd.s32 s17, s12;
	[dreg:$0x18] =	wrdreg s11  }
0x1c: {  	s1 =	sadd.s32 s1, s12;
	[dreg:$0xb] =	wrdreg s14  }
0x1d: {  	s17 =	sadd.s32 $0x52500, s5;
	[dreg:$0xc] =	wrdreg s1  }
0x1e: {  	s12 =	sadd.s32 $0x53E00, s5;
	[dreg:$0xf] =	wrdreg s17  }
0x1f: {  	s15 =	sadd.s32 $0x54300, s5;
	[dreg:$0x19] =	wrdreg s12  }
0x20: {  	s16 =	sadd.s32 $0x54580, s5;
	[dreg:$0x1b] =	wrdreg s15  }
0x21: {  	s18 =	sadd.s32 $0x3E280, s0;
	[dreg:$0x1c] =	wrdreg s16  }
0x22: {  	s19 =	sadd.s32 $0x3E500, s0;
	[dreg:$0x1e] =	wrdreg s18  }
0x23: {  	s21 =	smax.u32 s3, $0x1;
	[dreg:$0x1f] =	wrdreg s19  }
0x24: {  	s23 =	sadd.s32 $0x2800, s20;
	[smem:$0x7EA] =	sst s21  }
0x25: {  	s24 =	sadd.s32 $0x3C00, s20;
	[smem:$0x7EB] =	sst s23  }
0x26: {  	s25 =	sadd.s32 $0x5000, s20;
	[smem:$0x7EC] =	sst s24  }
0x27: {  	s26 =	sadd.s32 $0x6400, s20;
	[smem:$0x7ED] =	sst s25  }
0x28: {  	s2 =	sadd.s32 $0x10400, s20;
	[smem:$0x7EE] =	sst s26  }
0x29: {  	s3 =	sadd.s32 $0x2800, s10;
	[smem:$0x7F8] =	sst s2  }
0x2a: {  	s14 =	sadd.s32 $0x54080, s5;
	[smem:$0x7FC] =	sst s3  }
0x2b: {  	s17 =	sadd.s32 $0x3E000, s0;
	[dreg:$0x1a] =	wrdreg s14  }
0x2c: {  	s0 =	sadd.s32 $0x3E780, s0;
	[dreg:$0x1d] =	wrdreg s17  }
0x2d: {  	s12 =	sadd.s32 $0x1400, s20;
	[smem:$0x7E9] =	sst s0  }
0x2e: {  	s15 =	sadd.s32 $0x8C00, s20;
	[smem:$0x7F0] =	sst s12  }
0x2f: {  	s16 =	sadd.s32 $0xA000, s20;
	[smem:$0x7F2] =	sst s15  }
0x30: {  	s18 =	sadd.s32 $0xC800, s20;
	[smem:$0x7F3] =	sst s16  }
0x31: {  	s26 =	sadd.s32 $0xDC00, s20;
	[smem:$0x7F5] =	sst s18  }
0x32: {  	s21 =	sadd.s32 $0xF000, s20;
	[smem:$0x7F6] =	sst s26  }
0x33: {  	s19 =	sadd.s32 $0x11800, s20;
	[smem:$0x7F7] =	sst s21  }
0x34: {  	s29 =	simm.s32 $0x1E680;
	s1 =	sadd.s32 $0x1400, s10;
	[smem:$0x7F9] =	sst s19  }
0x35: {  	s30 =	simm.s32 $0x19600;
	s5 =	sadd.s32 $0x3C00, s10;
	[smem:$0x7FB] =	sst s1  }
0x36: {  	v0 =	vlaneseq.u32;
	s11 =	simm.s32 $0x19680;
	s0 =	simm.s32 $0x0;
	[smem:$0x7FD] =	sst s5  }
0x37: {  	vm1 =	vcmask $0x1310;
	v3 =	vimm.f32 $0.0e+00;
	vm0 =	vmmov $0x1;
	s23 =	simm.s32 $0x28;
	s14 =	sadd.s32 $0x7800, s20;
	[smem:$0x7EF] =	sst s0  }
0x38: {  	vm2 =	vcmask $0x70C;
	vm3 =	vcmask $0xB10;
	v1 =	vor.u32 $0x10, v0;
	s24 =	simm.s32 $0x19480;
	s17 =	sadd.s32 $0xB400, s20;
	[smem:$0x7F1] =	sst s14  }
0x39: {  	v2 =	vadd.s32 $0x18, v0;
	v3 =	vsel vm1, $0x3F800000, v3;
	vm1 =	vcmask $0x308;
	s25 =	simm.s32 $0x19580;
	s20 =	simm.s32 $0x5;
	[smem:$0x7F4] =	sst s17  }
.LBB2_1:
0x3a: {  	s0 =	rddreg [dreg:$0x8]  }
0x3b: {  	[tilespmem:s11], [sflag:$0x5] =	stream.linear.gather [hbm4b:s0+s4], $0x1400, $0x38;
	[tilespmem:$0x1FD80] =	vst v63  }
0x3c: {  	_ =	swait.ge [sflag:s20], $0x1400  }
0x3d: {  	[sflag:s20] =	ssyncset.done $0x0  }
0x3e: {  	s0 =	rddreg [dreg:$0x9];
	[sflag:s20] =	ssyncadd.s32 $0xFFFFEC00  }
0x3f: {  	[spmem:s0] =	stream.linear.scatter [tilespmem:s11], [sflag:$0x5], $0x1400, $0x38;
	[tilespmem:$0x1FD80] =	vst v63  }
0x40: {  	_ =	swait.ge [sflag:s20], $0x1400  }
0x41: {  	[sflag:s20] =	ssyncset.done $0x0  }
0x42: {  	[sflag:s20] =	ssyncadd.s32 $0xFFFFEC00  }
0x43: {  	[spmem:s12] =	stream.linear.scatter [tilespmem:s11], [sflag:$0x5], $0x1400, $0x38;
	[tilespmem:$0x1FD80] =	vst v63  }
0x44: {  	_ =	swait.ge [sflag:s20], $0x1400  }
0x45: {  	s12 =	sld [smem:$0x7EB]  }
0x46: {  	[sflag:s20] =	ssyncset.done $0x0  }
0x47: {  	[sflag:s20] =	ssyncadd.s32 $0xFFFFEC00  }
0x48: {  	[spmem:s12] =	stream.linear.scatter [tilespmem:s11], [sflag:$0x5], $0x1400, $0x38;
	[tilespmem:$0x1FD80] =	vst v63  }
0x49: {  	_ =	swait.ge [sflag:s20], $0x1400  }
0x4a: {  	s12 =	sld [smem:$0x7EC]  }
0x4b: {  	[sflag:s20] =	ssyncset.done $0x0  }
0x4c: {  	[sflag:s20] =	ssyncadd.s32 $0xFFFFEC00  }
0x4d: {  	[spmem:s12] =	stream.linear.scatter [tilespmem:s11], [sflag:$0x5], $0x1400, $0x38;
	[tilespmem:$0x1FD80] =	vst v63  }
0x4e: {  	_ =	swait.ge [sflag:s20], $0x1400  }
0x4f: {  	s12 =	sld [smem:$0x7ED]  }
0x50: {  	[sflag:s20] =	ssyncset.done $0x0  }
0x51: {  	[sflag:s20] =	ssyncadd.s32 $0xFFFFEC00  }
0x52: {  	[spmem:s12] =	stream.linear.scatter [tilespmem:s11], [sflag:$0x5], $0x1400, $0x38;
	[tilespmem:$0x1FD80] =	vst v63  }
0x53: {  	_ =	swait.ge [sflag:s20], $0x1400  }
0x54: {  	s12 =	sld [smem:$0x7EE]  }
0x55: {  	[sflag:s20] =	ssyncset.done $0x0  }
0x56: {  	[sflag:s20] =	ssyncadd.s32 $0xFFFFEC00  }
0x57: {  	[spmem:s12] =	stream.linear.scatter [tilespmem:s11], [sflag:$0x5], $0x1400, $0x38;
	[tilespmem:$0x1FD80] =	vst v63  }
0x58: {  	_ =	swait.ge [sflag:s20], $0x1400  }
0x59: {  	[sflag:s20] =	ssyncset.done $0x0  }
0x5a: {  	[sflag:s20] =	ssyncadd.s32 $0xFFFFEC00  }
0x5b: {  	[spmem:s14] =	stream.linear.scatter [tilespmem:s11], [sflag:$0x5], $0x1400, $0x38;
	[tilespmem:$0x1FD80] =	vst v63  }
0x5c: {  	_ =	swait.ge [sflag:s20], $0x1400  }
0x5d: {  	[sflag:s20] =	ssyncset.done $0x0  }
0x5e: {  	[sflag:s20] =	ssyncadd.s32 $0xFFFFEC00  }
0x5f: {  	[spmem:s15] =	stream.linear.scatter [tilespmem:s11], [sflag:$0x5], $0x1400, $0x38;
	[tilespmem:$0x1FD80] =	vst v63  }
0x60: {  	_ =	swait.ge [sflag:s20], $0x1400  }
0x61: {  	[sflag:s20] =	ssyncset.done $0x0  }
0x62: {  	[sflag:s20] =	ssyncadd.s32 $0xFFFFEC00  }
0x63: {  	[spmem:s16] =	stream.linear.scatter [tilespmem:s11], [sflag:$0x5], $0x1400, $0x38;
	[tilespmem:$0x1FD80] =	vst v63  }
0x64: {  	_ =	swait.ge [sflag:s20], $0x1400  }
0x65: {  	[sflag:s20] =	ssyncset.done $0x0  }
0x66: {  	[sflag:s20] =	ssyncadd.s32 $0xFFFFEC00  }
0x67: {  	[spmem:s17] =	stream.linear.scatter [tilespmem:s11], [sflag:$0x5], $0x1400, $0x38;
	[tilespmem:$0x1FD80] =	vst v63  }
0x68: {  	_ =	swait.ge [sflag:s20], $0x1400  }
0x69: {  	[sflag:s20] =	ssyncset.done $0x0  }
0x6a: {  	[sflag:s20] =	ssyncadd.s32 $0xFFFFEC00  }
0x6b: {  	[spmem:s18] =	stream.linear.scatter [tilespmem:s11], [sflag:$0x5], $0x1400, $0x38;
	[tilespmem:$0x1FD80] =	vst v63  }
0x6c: {  	_ =	swait.ge [sflag:s20], $0x1400  }
0x6d: {  	[sflag:s20] =	ssyncset.done $0x0  }
0x6e: {  	[sflag:s20] =	ssyncadd.s32 $0xFFFFEC00  }
0x6f: {  	[spmem:s26] =	stream.linear.scatter [tilespmem:s11], [sflag:$0x5], $0x1400, $0x38;
	[tilespmem:$0x1FD80] =	vst v63  }
0x70: {  	_ =	swait.ge [sflag:s20], $0x1400  }
0x71: {  	[sflag:s20] =	ssyncset.done $0x0  }
0x72: {  	[sflag:s20] =	ssyncadd.s32 $0xFFFFEC00  }
0x73: {  	[spmem:s21] =	stream.linear.scatter [tilespmem:s11], [sflag:$0x5], $0x1400, $0x38;
	[tilespmem:$0x1FD80] =	vst v63  }
0x74: {  	_ =	swait.ge [sflag:s20], $0x1400  }
0x75: {  	[sflag:s20] =	ssyncset.done $0x0  }
0x76: {  	[sflag:s20] =	ssyncadd.s32 $0xFFFFEC00  }
0x77: {  	[spmem:s2] =	stream.linear.scatter [tilespmem:s11], [sflag:$0x5], $0x1400, $0x38;
	[tilespmem:$0x1FD80] =	vst v63  }
0x78: {  	_ =	swait.ge [sflag:s20], $0x1400  }
0x79: {  	[sflag:s20] =	ssyncset.done $0x0  }
0x7a: {  	[sflag:s20] =	ssyncadd.s32 $0xFFFFEC00  }
0x7b: {  	[spmem:s19] =	stream.linear.scatter [tilespmem:s11], [sflag:$0x5], $0x1400, $0x38;
	[tilespmem:$0x1FD80] =	vst v63  }
0x7c: {  	_ =	swait.ge [sflag:s20], $0x1400  }
0x7d: {  	[sflag:s20] =	ssyncset.done $0x0  }
0x7e: {  	[sflag:s20] =	ssyncadd.s32 $0xFFFFEC00  }
0x7f: {  	[spmem:s31] =	stream.linear.scatter [tilespmem:s11], [sflag:$0x5], $0x1400, $0x38;
	[tilespmem:$0x1FD80] =	vst v63  }
0x80: {  	_ =	swait.ge [sflag:s20], $0x1400  }
0x81: {  	[sflag:s20] =	ssyncset.done $0x0  }
0x82: {  	[sflag:s20] =	ssyncadd.s32 $0xFFFFEC00  }
0x83: {  	[spmem:s10] =	stream.linear.scatter [tilespmem:s11], [sflag:$0x5], $0x1400, $0x38;
	[tilespmem:$0x1FD80] =	vst v63  }
0x84: {  	_ =	swait.ge [sflag:s20], $0x1400  }
0x85: {  	[sflag:s20] =	ssyncset.done $0x0  }
0x86: {  	[sflag:s20] =	ssyncadd.s32 $0xFFFFEC00  }
0x87: {  	[spmem:s1] =	stream.linear.scatter [tilespmem:s11], [sflag:$0x5], $0x1400, $0x38;
	[tilespmem:$0x1FD80] =	vst v63  }
0x88: {  	_ =	swait.ge [sflag:s20], $0x1400  }
0x89: {  	[sflag:s20] =	ssyncset.done $0x0  }
0x8a: {  	[sflag:s20] =	ssyncadd.s32 $0xFFFFEC00  }
0x8b: {  	[spmem:s3] =	stream.linear.scatter [tilespmem:s11], [sflag:$0x5], $0x1400, $0x38;
	[tilespmem:$0x1FD80] =	vst v63  }
0x8c: {  	_ =	swait.ge [sflag:s20], $0x1400  }
0x8d: {  	[sflag:s20] =	ssyncset.done $0x0  }
0x8e: {  	[sflag:s20] =	ssyncadd.s32 $0xFFFFEC00  }
0x8f: {  	[spmem:s5] =	stream.linear.scatter [tilespmem:s11], [sflag:$0x5], $0x1400, $0x38;
	[tilespmem:$0x1FD80] =	vst v63  }
0x90: {  	_ =	swait.ge [sflag:s20], $0x1400  }
0x91: {  	[sflag:s20] =	ssyncset.done $0x0  }
0x92: {  	s14 =	simm.s32 $0x1FD00;
	s12 =	rddreg [dreg:$0x7];
	[sflag:s20] =	ssyncadd.s32 $0xFFFFEC00  }
0x93: {  	[tilespmem:s14], [sflag:$0x5] =	stream.linear.gather [hbm4b:s12+s4], $0x80, $0x38;
	[tilespmem:$0x1FD80] =	vst v63  }
0x94: {  	_ =	swait.ge [sflag:s20], $0x80  }
0x95: {  	[sflag:s20] =	ssyncset.done $0x0  }
0x96: {  	[sflag:s20] =	ssyncadd.s32 $0xFFFFFF80  }
0x97: {  	[bflag:$0x0] =	sbarrier.arrive $0xFFFF  }
0x98: {  	s16 =	simm.s32 $0x19000;
	s15 =	rddreg [dreg:$0xb]  }
0x99: {  	[tilespmem:s16], [sflag:$0x5] =	stream.linear.gather [hbm4b:s15+s4], $0x190, $0x38;
	[tilespmem:$0x1FD80] =	vst v63  }
0x9a: {  	_ =	swait.ge [sflag:s20], $0x190  }
0x9b: {  	[sflag:s20] =	ssyncset.done $0x0  }
0x9c: {  	s18 =	simm.s32 $0x19200;
	s17 =	rddreg [dreg:$0xc];
	[sflag:s20] =	ssyncadd.s32 $0xFFFFFE70  }
0x9d: {  	[tilespmem:s18], [sflag:$0x5] =	stream.linear.gather [hbm4b:s17+s4], $0x190, $0x38;
	[tilespmem:$0x1FD80] =	vst v63  }
0x9e: {  	_ =	swait.ge [sflag:s20], $0x190  }
0x9f: {  	[sflag:s20] =	ssyncset.done $0x0  }
0xa0: {  	[sflag:s20] =	ssyncadd.s32 $0xFFFFFE70  }
0xa1: {  	v4 =	vld [tilespmem:$0x19000];
	_ =	sdelay $0x3  }
0xa2: {  	s19 =	simm.s32 $0x19400  }
0xa3: {  	[tilespmem:v0+s19+$0x0] =	vst.idx.msk $0xffff, v4  }
0xa4: {  	v4 =	vld [tilespmem:$0x19200];
	_ =	sdelay $0x3  }
0xa5: {  	s21 =	simm.s32 $0x19500  }
0xa6: {  	[tilespmem:v0+s21+$0x0] =	vst.idx.msk $0xffff, v4  }
0xa7: {  	v4 =	vld [tilespmem:$0x19010];
	_ =	sdelay $0x4  }
0xa8: {  	[tilespmem:v1+s19+$0x0] =	vst.idx.msk $0xffff, v4  }
0xa9: {  	v4 =	vld [tilespmem:$0x19210];
	_ =	sdelay $0x4  }
0xaa: {  	[tilespmem:v1+s21+$0x0] =	vst.idx.msk $0xffff, v4  }
0xab: {  	v4 =	vld [tilespmem:$0x19018];
	_ =	sdelay $0x4  }
0xac: {  	[tilespmem:v2+s19+$0x0] =	vst.idx.msk $0xffff, v4  }
0xad: {  	v4 =	vld [tilespmem:$0x19218];
	_ =	sdelay $0x4  }
0xae: {  	[tilespmem:v2+s21+$0x0] =	vst.idx.msk $0xffff, v4  }
0xaf: {  	[tilespmem:s11], [sflag:$0x1] =	stream.indirect.gather [hbm4b:s28+s23], $0x80, s19, s23, $0xb8;
	[tilespmem:$0x1FD80] =	vst v63  }
0xb0: {  	s26 =	simm.s32 $0x1BE80;
	s31 =	simm.s32 $0x1D280  }
0xb1: {  	[tilespmem:s26], [sflag:$0x3] =	stream.indirect.gather [hbm4b:s6+s23], $0x80, s21, s23, $0xb8;
	[tilespmem:$0x1FD80] =	vst v63  }
0xb2: {  	s3 =	simm.s32 $0x0;
	s19 =	simm.s32 $0x19680;
	s26 =	simm.s32 $0x1AA80  }
.LBB2_2:
0xb3: {  	s11 =	sshllo.u32 s3, $0x1  }
0xb4: {  	s0 =	smul.u32 $0xCD, s11;
	_ =	sdelay $0x1  }
0xb5: {  	s0 =	sshrl.u32 s0, $0xB  }
0xb6: {  	s0 =	sand.u32 $0x1F, s0  }
0xb7: {  	s0 =	smul.u32 $0xA, s0;
	_ =	sdelay $0x1  }
0xb8: {  	s0 =	ssub.s32 s11, s0  }
0xb9: {  	s0 =	sand.u32 $0xFF, s0  }
0xba: {  	s0 =	smul.u32 $0x28, s0;
	_ =	sdelay $0x1  }
0xbb: {  	s5 =	sor.u32 $0x19000, s0  }
0xbc: {  	v4 =	vld [tilespmem:s5+$0x0];
	_ =	sdelay $0x4  }
0xbd: {  	[tilespmem:v0+s24+$0x0] =	vst.idx.msk $0xffff, v4  }
0xbe: {  	v4 =	vld [tilespmem:s0+$0x19200];
	_ =	sdelay $0x4  }
0xbf: {  	[tilespmem:v0+s25+$0x0] =	vst.idx.msk $0xffff, v4  }
0xc0: {  	v4 =	vld [tilespmem:s0+$0x19010];
	_ =	sdelay $0x4  }
0xc1: {  	[tilespmem:v1+s24+$0x0] =	vst.idx.msk $0xffff, v4  }
0xc2: {  	v4 =	vld [tilespmem:s0+$0x19210];
	_ =	sdelay $0x4  }
0xc3: {  	[tilespmem:v1+s25+$0x0] =	vst.idx.msk $0xffff, v4  }
0xc4: {  	v4 =	vld [tilespmem:s0+$0x19018];
	_ =	sdelay $0x4  }
0xc5: {  	[tilespmem:v2+s24+$0x0] =	vst.idx.msk $0xffff, v4  }
0xc6: {  	v4 =	vld [tilespmem:s0+$0x19218];
	_ =	sdelay $0x2  }
0xc7: {  	s18 =	smul.u32 $0x50, s3;
	_ =	sdelay $0x1  }
0xc8: {  	s0 =	sadd.s32 s13, s18;
	[tilespmem:v2+s25+$0x0] =	vst.idx.msk $0xffff, v4  }
0xc9: {  	[tilespmem:s26], [sflag:$0x2] =	stream.indirect.gather [hbm4b:s28+s23], $0x80, s24, s23, $0xb8;
	[tilespmem:$0x1FD80] =	vst v63  }
0xca: {  	s10 =	smov.u32 s9;
	s9 =	smov.u32 s22;
	s22 =	sshll.u32 s0, $0x4  }
0xcb: {  	[tilespmem:s31], [sflag:$0x4] =	stream.indirect.gather [hbm4b:s6+s23], $0x80, s25, s23, $0xb8;
	[tilespmem:$0x1FD80] =	vst v63  }
0xcc: {  	s12 =	simm.s32 $0x0;
	s5 =	sadd.s32 s7, s22  }
0xcd: {  	[tilespmem:s29], [sflag:$0x5] =	stream.linear.gather [hbm4b:s5+s12], $0x1400, $0x38;
	[tilespmem:$0x1FD80] =	vst v63  }
0xce: {  	_ =	swait.ge [sflag:s20], $0x1400  }
0xcf: {  	s0 =	sshll.u32 s0, $0x1;
	[sflag:s20] =	ssyncset.done $0x0  }
0xd0: {  	s2 =	simm.s32 $0x1FA80;
	s0 =	sadd.s32 s8, s0;
	[sflag:s20] =	ssyncadd.s32 $0xFFFFEC00  }
0xd1: {  	[tilespmem:s2], [sflag:$0x5] =	stream.linear.gather [hbm4b:s0+s12], $0x280, $0x38;
	[tilespmem:$0x1FD80] =	vst v63  }
0xd2: {  	_ =	swait.ge [sflag:s20], $0x280  }
0xd3: {  	[sflag:s20] =	ssyncset.done $0x0  }
0xd4: {  	[sflag:s20] =	ssyncadd.s32 $0xFFFFFD80  }
0xd5: {  	v4 =	vld [tilespmem:$0x19500];
	_ =	sdelay $0x4  }
0xd6: {  	v4 =	vshrl.u32 v4, $0x2  }
0xd7: {  	[tilespmem:v0+s30+$0x0] =	vst.idx.msk $0xffff, v4  }
0xd8: {  	v4 =	vld [tilespmem:$0x19510];
	_ =	sdelay $0x4  }
0xd9: {  	v4 =	vshrl.u32 v4, $0x2  }
0xda: {  	[tilespmem:v1+s30+$0x0] =	vst.idx.msk $0xffff, v4  }
0xdb: {  	v4 =	vld [tilespmem:$0x19518];
	_ =	sdelay $0x4  }
0xdc: {  	v4 =	vshrl.u32 v4, $0x2  }
0xdd: {  	s16 =	simm.s32 $0x1;
	[tilespmem:v2+s30+$0x0] =	vst.idx.msk $0xffff, v4  }
0xde: {  	_ =	swait.ge [sflag:s16], $0x1400  }
0xdf: {  	[sflag:s16] =	ssyncset.done $0x0  }
0xe0: {  	s1 =	smov.u32 s28;
	s18 =	simm.s32 $0x3;
	[sflag:s16] =	ssyncadd.s32 $0xFFFFEC00  }
0xe1: {  	s17 =	sshll.u32 s3, $0x1;
	s15 =	simm.s32 $0x2;
	_ =	swait.ge [sflag:s18], $0x1400  }
0xe2: {  	s14 =	simm.s32 $0x1E780;
	s28 =	simm.s32 $0x1FAA0;
	[sflag:s18] =	ssyncset.done $0x0  }
0xe3: {  	s5 =	simm.s32 $0x19780;
	s0 =	simm.s32 $0x1BF80;
	[sflag:s18] =	ssyncadd.s32 $0xFFFFEC00  }
.LBB2_3:
0xe4: {  	v4 =	vld [tilespmem:s5+$0xFFFFFF00]  }
0xe5: {  	v5 =	vld [tilespmem:s0+$0xFFFFFF00]  }
0xe6: {  	v6 =	vld [tilespmem:s5+$0xFFFFFF10]  }
0xe7: {  	v7 =	vld [tilespmem:s0+$0xFFFFFF10]  }
0xe8: {  	v8 =	vld [tilespmem:s14+$0xFFFFFF00]  }
0xe9: {  	v9 =	vld [tilespmem:s14+$0xFFFFFF10];
	_ =	sdelay $0x2  }
0xea: {  	v5 =	vadd.f32 v5, v4;
	v7 =	vadd.f32 v7, v6  }
0xeb: {  	v10 =	vld [tilespmem:$0x1FD00]  }
0xec: {  	v61 =	vld [tilespmem:$0x1FD10];
	v5 =	vadd.f32 v8, v5;
	v7 =	vadd.f32 v9, v7;
	_ =	sdelay $0x1  }
0xed: {  	v62 =	vmul.f32 $2.000000030e-01, v5;
	v11 =	vmul.f32 $2.000000030e-01, v7;
	_ =	sdelay $0x1  }
0xee: {  	v5 =	vmax.f32 v5, v62;
	v7 =	vmax.f32 v7, v11  }
0xef: {  	v5 =	vmul.f32 v5, v10;
	v7 =	vmul.f32 v7, v61;
	_ =	sdelay $0x1  }
0xf0: {  	v5 =	vadd.f32 v7, v5;
	_ =	sdelay $0x1  }
0xf1: {  	(xrf2) =	vadd.scan.msk.f32 $0xffff, v5;
	_ =	sdelay $0x9  }
0xf2: {  	v5, _, _ =	vpop (xrf2)  }
0xf3: {  	v5 =	vmul.f32 $1.442695020e+00, v5;
	_ =	sdelay $0x1  }
0xf4: {  	v5 =	vbroadcast v5, $0xF;
	_ =	sdelay $0x1  }
0xf5: {  	(erf) = vpow2.f32 v5;
	_ =	sdelay $0x8  }
0xf6: {  	v5 =	vpop (erf)  }
0xf7: {  	v4 =	vmul.f32 v5, v4  }
0xf8: {  	v6 =	vmul.f32 v5, v6  }
0xf9: {  	v63 =	vld [tilespmem:s5+$0xFFFFFF30];
	[tilespmem:s5+$0xFFFFFF00] =	vst v4  }
0xfa: {  	[tilespmem:s5+$0xFFFFFF10] =	vst v6;
	v4 =	vld [tilespmem:s5+$0xFFFFFF20]  }
0xfb: {  	v6 =	vld [tilespmem:s0+$0xFFFFFF20]  }
0xfc: {  	v14 =	vld [tilespmem:s0+$0xFFFFFF30]  }
0xfd: {  	v15 =	vld [tilespmem:s14+$0xFFFFFF20]  }
0xfe: {  	v16 =	vld [tilespmem:s14+$0xFFFFFF30];
	_ =	sdelay $0x2  }
0xff: {  	v6 =	vadd.f32 v6, v4;
	v8 =	vadd.f32 v14, v63  }
0x100: {  	v17 =	vld [tilespmem:$0x1FD20]  }
0x101: {  	v18 =	vld [tilespmem:$0x1FD30];
	v6 =	vadd.f32 v15, v6;
	v8 =	vadd.f32 v16, v8;
	_ =	sdelay $0x1  }
0x102: {  	v19 =	vmul.f32 $2.000000030e-01, v6;
	v12 =	vmul.f32 $2.000000030e-01, v8;
	_ =	sdelay $0x1  }
0x103: {  	v6 =	vmax.f32 v6, v19;
	v8 =	vmax.f32 v8, v12  }
0x104: {  	v6 =	vmul.f32 v6, v17;
	v8 =	vmul.f32 v8, v18;
	_ =	sdelay $0x1  }
0x105: {  	v6 =	vadd.f32 v8, v6;
	_ =	sdelay $0x1  }
0x106: {  	(xrf2) =	vadd.scan.msk.f32 $0xffff, v6;
	_ =	sdelay $0x9  }
0x107: {  	v6, _, _ =	vpop (xrf2)  }
0x108: {  	v6 =	vmul.f32 $1.442695020e+00, v6;
	_ =	sdelay $0x1  }
0x109: {  	v6 =	vbroadcast v6, $0xF;
	_ =	sdelay $0x1  }
0x10a: {  	(erf) = vpow2.f32 v6;
	_ =	sdelay $0x8  }
0x10b: {  	v6 =	vpop (erf)  }
0x10c: {  	v4 =	vmul.f32 v6, v4  }
0x10d: {  	v7 =	vmul.f32 v6, v63  }
0x10e: {  	v20 =	vld [tilespmem:s5+$0xFFFFFF50];
	[tilespmem:s5+$0xFFFFFF20] =	vst v4  }
0x10f: {  	[tilespmem:s5+$0xFFFFFF30] =	vst v7;
	v4 =	vld [tilespmem:s5+$0xFFFFFF40]  }
0x110: {  	v7 =	vld [tilespmem:s0+$0xFFFFFF40]  }
0x111: {  	v21 =	vld [tilespmem:s0+$0xFFFFFF50]  }
0x112: {  	v22 =	vld [tilespmem:s14+$0xFFFFFF40]  }
0x113: {  	v23 =	vld [tilespmem:s14+$0xFFFFFF50];
	_ =	sdelay $0x2  }
0x114: {  	v7 =	vadd.f32 v7, v4;
	v9 =	vadd.f32 v21, v20  }
0x115: {  	v24 =	vld [tilespmem:$0x1FD40]  }
0x116: {  	v25 =	vld [tilespmem:$0x1FD50];
	v7 =	vadd.f32 v22, v7;
	v9 =	vadd.f32 v23, v9;
	_ =	sdelay $0x1  }
0x117: {  	v26 =	vmul.f32 $2.000000030e-01, v7;
	v13 =	vmul.f32 $2.000000030e-01, v9;
	_ =	sdelay $0x1  }
0x118: {  	v7 =	vmax.f32 v7, v26;
	v9 =	vmax.f32 v9, v13  }
0x119: {  	v7 =	vmul.f32 v7, v24;
	v9 =	vmul.f32 v9, v25;
	_ =	sdelay $0x1  }
0x11a: {  	v7 =	vadd.f32 v9, v7;
	_ =	sdelay $0x1  }
0x11b: {  	(xrf2) =	vadd.scan.msk.f32 $0xffff, v7;
	_ =	sdelay $0x9  }
0x11c: {  	v7, _, _ =	vpop (xrf2)  }
0x11d: {  	v7 =	vmul.f32 $1.442695020e+00, v7;
	_ =	sdelay $0x1  }
0x11e: {  	v7 =	vbroadcast v7, $0xF;
	_ =	sdelay $0x1  }
0x11f: {  	(erf) = vpow2.f32 v7;
	_ =	sdelay $0x8  }
0x120: {  	v7 =	vpop (erf)  }
0x121: {  	v4 =	vmul.f32 v7, v4  }
0x122: {  	v8 =	vmul.f32 v7, v20  }
0x123: {  	v27 =	vld [tilespmem:s5+$0xFFFFFF70];
	[tilespmem:s5+$0xFFFFFF40] =	vst v4  }
0x124: {  	[tilespmem:s5+$0xFFFFFF50] =	vst v8;
	v4 =	vld [tilespmem:s5+$0xFFFFFF60]  }
0x125: {  	v8 =	vld [tilespmem:s0+$0xFFFFFF60]  }
0x126: {  	v28 =	vld [tilespmem:s0+$0xFFFFFF70]  }
0x127: {  	v29 =	vld [tilespmem:s14+$0xFFFFFF60]  }
0x128: {  	v30 =	vld [tilespmem:s14+$0xFFFFFF70];
	_ =	sdelay $0x2  }
0x129: {  	v8 =	vadd.f32 v8, v4;
	v10 =	vadd.f32 v28, v27  }
0x12a: {  	v31 =	vld [tilespmem:$0x1FD60]  }
0x12b: {  	v32 =	vld [tilespmem:$0x1FD70];
	v8 =	vadd.f32 v29, v8;
	v10 =	vadd.f32 v30, v10;
	_ =	sdelay $0x1  }
0x12c: {  	v33 =	vmul.f32 $2.000000030e-01, v8;
	v14 =	vmul.f32 $2.000000030e-01, v10;
	_ =	sdelay $0x1  }
0x12d: {  	v8 =	vmax.f32 v8, v33;
	v10 =	vmax.f32 v10, v14  }
0x12e: {  	v8 =	vmul.f32 v8, v31;
	v10 =	vmul.f32 v10, v32;
	_ =	sdelay $0x1  }
0x12f: {  	v8 =	vadd.f32 v10, v8;
	_ =	sdelay $0x1  }
0x130: {  	(xrf2) =	vadd.scan.msk.f32 $0xffff, v8;
	_ =	sdelay $0x9  }
0x131: {  	v8, _, _ =	vpop (xrf2)  }
0x132: {  	v8 =	vmul.f32 $1.442695020e+00, v8;
	_ =	sdelay $0x1  }
0x133: {  	v8 =	vbroadcast v8, $0xF;
	_ =	sdelay $0x1  }
0x134: {  	(erf) = vpow2.f32 v8;
	_ =	sdelay $0x8  }
0x135: {  	v8 =	vpop (erf)  }
0x136: {  	v4 =	vmul.f32 v8, v4  }
0x137: {  	v9 =	vmul.f32 v8, v27  }
0x138: {  	[tilespmem:s5+$0xFFFFFF60] =	vst v4  }
0x139: {  	s22 =	smin.u32 s12, $0x18;
	[tilespmem:s5+$0xFFFFFF70] =	vst v9  }
0x13a: {  	v4 =	vld [tilespmem:s22+$0x19500];
	_ =	sdelay $0x1  }
0x13b: {  	s22 =	ssub.s32 s12, s22  }
0x13c: {  	v34 =	vmov s22  }
0x13d: {  	vm4 =	veq.s32 v34, v0  }
0x13e: {  	v4 =	vnsel vm4, $0x0, v4  }
0x13f: {  	(xrf0) =	vadd.scan.msk.s32 $0xffff, v4;
	_ =	sdelay $0x5  }
0x140: {  	v4, _, _ =	vpop (xrf0)  }
0x141: {  	(v2sf) =	vpush v4, $0xF;
	_ =	sdelay $0xe  }
0x142: {  	v4 =	vnsel vm0, $0x0, v5;
	s4 =	spop (v2sf)  }
0x143: {  	v4 =	vadd.f32 v3, v4;
	s2 =	sshra.s32 s4, $0x1F  }
0x144: {  	v5 =	vsel vm1, $0x0, v6;
	s2 =	sshrl.u32 s2, $0x1E  }
0x145: {  	v4 =	vadd.f32 v5, v4;
	v5 =	vld [tilespmem:s28+$0xFFFFFFE0];
	s2 =	sadd.s32 s2, s4  }
0x146: {  	v35 =	vsel vm2, $0x0, v7;
	s2 =	sand.u32 $0xFFFFFFFC, s2  }
0x147: {  	v4 =	vadd.f32 v35, v4;
	s2 =	ssub.s32 s4, s2  }
0x148: {  	v36 =	vsel vm3, $0x0, v8;
	s22 =	simm.f32 $1.000000000e+00;
	p0 =	seq.s32 s2, $0x0  }
0x149: {  	v4 =	vadd.f32 v36, v4;
	s22 =	simm.s32 @!p0 $0x0  }
0x14a: {  	s4 =	simm.f32 $1.000000000e+00;
	p0 =	seq.s32 s2, $0x1;
	v37 =	vmul.f32 s22, v5  }
0x14b: {  	v38 =	vmul.f32 s22, v4;
	s4 =	simm.s32 @!p0 $0x0  }
0x14c: {  	p0 =	seq.s32 s2, $0x2;
	s22 =	simm.f32 $1.000000000e+00;
	v39 =	vmul.f32 s4, v5;
	[tilespmem:s14+$0xFFFFFF00] =	vst v37  }
0x14d: {  	v40 =	vmul.f32 s4, v4;
	s22 =	simm.s32 @!p0 $0x0;
	[tilespmem:s14+$0xFFFFFF10] =	vst v38  }
0x14e: {  	p0 =	seq.s32 s2, $0x3;
	s2 =	simm.f32 $1.000000000e+00;
	v41 =	vmul.f32 s22, v5;
	[tilespmem:s14+$0xFFFFFF20] =	vst v39  }
0x14f: {  	v42 =	vmul.f32 s22, v4;
	s2 =	simm.s32 @!p0 $0x0;
	[tilespmem:s14+$0xFFFFFF30] =	vst v40  }
0x150: {  	v5 =	vmul.f32 s2, v5;
	[tilespmem:s14+$0xFFFFFF40] =	vst v41  }
0x151: {  	v4 =	vmul.f32 s2, v4;
	[tilespmem:s14+$0xFFFFFF50] =	vst v42  }
0x152: {  	[tilespmem:s14+$0xFFFFFF60] =	vst v5  }
0x153: {  	[tilespmem:s14+$0xFFFFFF70] =	vst v4  }
0x154: {  	v4 =	vld [tilespmem:s5+$0xFFFFFF80]  }
0x155: {  	v5 =	vld [tilespmem:s0+$0xFFFFFF80]  }
0x156: {  	v6 =	vld [tilespmem:s5+$0xFFFFFF90]  }
0x157: {  	v7 =	vld [tilespmem:s0+$0xFFFFFF90]  }
0x158: {  	v43 =	vld [tilespmem:s14+$0xFFFFFF80]  }
0x159: {  	v44 =	vld [tilespmem:s14+$0xFFFFFF90];
	_ =	sdelay $0x2  }
0x15a: {  	v5 =	vadd.f32 v5, v4;
	v7 =	vadd.f32 v7, v6  }
0x15b: {  	v45 =	vld [tilespmem:$0x1FD00]  }
0x15c: {  	v46 =	vld [tilespmem:$0x1FD10];
	v5 =	vadd.f32 v43, v5;
	v7 =	vadd.f32 v44, v7;
	_ =	sdelay $0x1  }
0x15d: {  	v47 =	vmul.f32 $2.000000030e-01, v5;
	v48 =	vmul.f32 $2.000000030e-01, v7;
	_ =	sdelay $0x1  }
0x15e: {  	v5 =	vmax.f32 v5, v47;
	v7 =	vmax.f32 v7, v48  }
0x15f: {  	v5 =	vmul.f32 v5, v45;
	v7 =	vmul.f32 v7, v46;
	_ =	sdelay $0x1  }
0x160: {  	v5 =	vadd.f32 v7, v5;
	_ =	sdelay $0x1  }
0x161: {  	(xrf2) =	vadd.scan.msk.f32 $0xffff, v5;
	_ =	sdelay $0x9  }
0x162: {  	v5, _, _ =	vpop (xrf2)  }
0x163: {  	v5 =	vmul.f32 $1.442695020e+00, v5;
	_ =	sdelay $0x1  }
0x164: {  	v5 =	vbroadcast v5, $0xF;
	_ =	sdelay $0x1  }
0x165: {  	(erf) = vpow2.f32 v5;
	_ =	sdelay $0x8  }
0x166: {  	v5 =	vpop (erf)  }
0x167: {  	v4 =	vmul.f32 v5, v4  }
0x168: {  	v6 =	vmul.f32 v5, v6  }
0x169: {  	v49 =	vld [tilespmem:s5+$0xFFFFFFB0];
	[tilespmem:s5+$0xFFFFFF80] =	vst v4  }
0x16a: {  	[tilespmem:s5+$0xFFFFFF90] =	vst v6;
	v4 =	vld [tilespmem:s5+$0xFFFFFFA0]  }
0x16b: {  	v6 =	vld [tilespmem:s0+$0xFFFFFFA0]  }
0x16c: {  	v50 =	vld [tilespmem:s0+$0xFFFFFFB0]  }
0x16d: {  	v51 =	vld [tilespmem:s14+$0xFFFFFFA0]  }
0x16e: {  	v52 =	vld [tilespmem:s14+$0xFFFFFFB0];
	_ =	sdelay $0x2  }
0x16f: {  	v6 =	vadd.f32 v6, v4;
	v8 =	vadd.f32 v50, v49  }
0x170: {  	v53 =	vld [tilespmem:$0x1FD20]  }
0x171: {  	v54 =	vld [tilespmem:$0x1FD30];
	v6 =	vadd.f32 v51, v6;
	v8 =	vadd.f32 v52, v8;
	_ =	sdelay $0x1  }
0x172: {  	v55 =	vmul.f32 $2.000000030e-01, v6;
	v56 =	vmul.f32 $2.000000030e-01, v8;
	_ =	sdelay $0x1  }
0x173: {  	v6 =	vmax.f32 v6, v55;
	v8 =	vmax.f32 v8, v56  }
0x174: {  	v6 =	vmul.f32 v6, v53;
	v8 =	vmul.f32 v8, v54;
	_ =	sdelay $0x1  }
0x175: {  	v6 =	vadd.f32 v8, v6;
	_ =	sdelay $0x1  }
0x176: {  	(xrf2) =	vadd.scan.msk.f32 $0xffff, v6;
	_ =	sdelay $0x9  }
0x177: {  	v6, _, _ =	vpop (xrf2)  }
0x178: {  	v6 =	vmul.f32 $1.442695020e+00, v6;
	_ =	sdelay $0x1  }
0x179: {  	v6 =	vbroadcast v6, $0xF;
	_ =	sdelay $0x1  }
0x17a: {  	(erf) = vpow2.f32 v6;
	_ =	sdelay $0x8  }
0x17b: {  	v6 =	vpop (erf)  }
0x17c: {  	v4 =	vmul.f32 v6, v4  }
0x17d: {  	v7 =	vmul.f32 v6, v49  }
0x17e: {  	v57 =	vld [tilespmem:s5+$0xFFFFFFD0];
	[tilespmem:s5+$0xFFFFFFA0] =	vst v4  }
0x17f: {  	[tilespmem:s5+$0xFFFFFFB0] =	vst v7;
	v4 =	vld [tilespmem:s5+$0xFFFFFFC0]  }
0x180: {  	v7 =	vld [tilespmem:s0+$0xFFFFFFC0]  }
0x181: {  	v58 =	vld [tilespmem:s0+$0xFFFFFFD0]  }
0x182: {  	v59 =	vld [tilespmem:s14+$0xFFFFFFC0]  }
0x183: {  	v60 =	vld [tilespmem:s14+$0xFFFFFFD0];
	_ =	sdelay $0x2  }
0x184: {  	v7 =	vadd.f32 v7, v4;
	v9 =	vadd.f32 v58, v57  }
0x185: {  	v61 =	vld [tilespmem:$0x1FD40]  }
0x186: {  	v62 =	vld [tilespmem:$0x1FD50];
	v7 =	vadd.f32 v59, v7;
	v9 =	vadd.f32 v60, v9;
	_ =	sdelay $0x1  }
0x187: {  	v63 =	vmul.f32 $2.000000030e-01, v7;
	v16 =	vmul.f32 $2.000000030e-01, v9;
	_ =	sdelay $0x1  }
0x188: {  	v7 =	vmax.f32 v7, v63;
	v9 =	vmax.f32 v9, v16  }
0x189: {  	v7 =	vmul.f32 v7, v61;
	v9 =	vmul.f32 v9, v62;
	_ =	sdelay $0x1  }
0x18a: {  	v7 =	vadd.f32 v9, v7;
	_ =	sdelay $0x1  }
0x18b: {  	(xrf2) =	vadd.scan.msk.f32 $0xffff, v7;
	_ =	sdelay $0x9  }
0x18c: {  	v7, _, _ =	vpop (xrf2)  }
0x18d: {  	v7 =	vmul.f32 $1.442695020e+00, v7;
	_ =	sdelay $0x1  }
0x18e: {  	v7 =	vbroadcast v7, $0xF;
	_ =	sdelay $0x1  }
0x18f: {  	(erf) = vpow2.f32 v7;
	_ =	sdelay $0x8  }
0x190: {  	v7 =	vpop (erf)  }
0x191: {  	v4 =	vmul.f32 v7, v4  }
0x192: {  	v8 =	vmul.f32 v7, v57  }
0x193: {  	v17 =	vld [tilespmem:s5+$0xFFFFFFF0];
	[tilespmem:s5+$0xFFFFFFC0] =	vst v4  }
0x194: {  	[tilespmem:s5+$0xFFFFFFD0] =	vst v8;
	v4 =	vld [tilespmem:s5+$0xFFFFFFE0]  }
0x195: {  	v8 =	vld [tilespmem:s0+$0xFFFFFFE0]  }
0x196: {  	v18 =	vld [tilespmem:s0+$0xFFFFFFF0]  }
0x197: {  	v19 =	vld [tilespmem:s14+$0xFFFFFFE0]  }
0x198: {  	v20 =	vld [tilespmem:s14+$0xFFFFFFF0];
	_ =	sdelay $0x2  }
0x199: {  	v8 =	vadd.f32 v8, v4;
	v10 =	vadd.f32 v18, v17  }
0x19a: {  	v21 =	vld [tilespmem:$0x1FD60]  }
0x19b: {  	v22 =	vld [tilespmem:$0x1FD70];
	v8 =	vadd.f32 v19, v8;
	v10 =	vadd.f32 v20, v10;
	_ =	sdelay $0x1  }
0x19c: {  	v23 =	vmul.f32 $2.000000030e-01, v8;
	v24 =	vmul.f32 $2.000000030e-01, v10;
	_ =	sdelay $0x1  }
0x19d: {  	v8 =	vmax.f32 v8, v23;
	v10 =	vmax.f32 v10, v24  }
0x19e: {  	v8 =	vmul.f32 v8, v21;
	v10 =	vmul.f32 v10, v22;
	_ =	sdelay $0x1  }
0x19f: {  	v8 =	vadd.f32 v10, v8;
	_ =	sdelay $0x1  }
0x1a0: {  	(xrf2) =	vadd.scan.msk.f32 $0xffff, v8;
	_ =	sdelay $0x9  }
0x1a1: {  	v8, _, _ =	vpop (xrf2)  }
0x1a2: {  	v8 =	vmul.f32 $1.442695020e+00, v8;
	_ =	sdelay $0x1  }
0x1a3: {  	v8 =	vbroadcast v8, $0xF;
	_ =	sdelay $0x1  }
0x1a4: {  	(erf) = vpow2.f32 v8;
	_ =	sdelay $0x8  }
0x1a5: {  	v8 =	vpop (erf)  }
0x1a6: {  	v4 =	vmul.f32 v8, v4  }
0x1a7: {  	v9 =	vmul.f32 v8, v17  }
0x1a8: {  	s4 =	sadd.s32 $0x1, s12;
	[tilespmem:s5+$0xFFFFFFE0] =	vst v4  }
0x1a9: {  	s2 =	smin.u32 s4, $0x18;
	[tilespmem:s5+$0xFFFFFFF0] =	vst v9  }
0x1aa: {  	s22 =	smin.u32 s16, $0x18;
	v4 =	vld [tilespmem:s2+$0x19500]  }
0x1ab: {  	s4 =	ssub.s32 s12, s22  }
0x1ac: {  	s2 =	sadd.s32 $0x1, s4  }
0x1ad: {  	v25 =	vmov s2  }
0x1ae: {  	vm4 =	veq.s32 v25, v0  }
0x1af: {  	v4 =	vnsel vm4, $0x0, v4  }
0x1b0: {  	(xrf0) =	vadd.scan.msk.s32 $0xffff, v4;
	_ =	sdelay $0x5  }
0x1b1: {  	v4, _, _ =	vpop (xrf0)  }
0x1b2: {  	(v2sf) =	vpush v4, $0xF;
	_ =	sdelay $0xe  }
0x1b3: {  	v4 =	vnsel vm0, $0x0, v5;
	s2 =	spop (v2sf)  }
0x1b4: {  	v4 =	vadd.f32 v3, v4;
	s22 =	sshra.s32 s2, $0x1F  }
0x1b5: {  	v5 =	vsel vm1, $0x0, v6;
	s4 =	sshrl.u32 s22, $0x1E  }
0x1b6: {  	v4 =	vadd.f32 v5, v4;
	v5 =	vld [tilespmem:s28+$0xFFFFFFF0];
	s4 =	sadd.s32 s4, s2  }
0x1b7: {  	v26 =	vsel vm2, $0x0, v7;
	s4 =	sand.u32 $0xFFFFFFFC, s4  }
0x1b8: {  	v4 =	vadd.f32 v26, v4;
	s2 =	ssub.s32 s2, s4  }
0x1b9: {  	v27 =	vsel vm3, $0x0, v8;
	s4 =	simm.f32 $1.000000000e+00;
	p0 =	seq.s32 s2, $0x0  }
0x1ba: {  	v4 =	vadd.f32 v27, v4;
	s4 =	simm.s32 @!p0 $0x0  }
0x1bb: {  	s22 =	simm.f32 $1.000000000e+00;
	p0 =	seq.s32 s2, $0x1;
	v28 =	vmul.f32 s4, v5  }
0x1bc: {  	v29 =	vmul.f32 s4, v4;
	s22 =	simm.s32 @!p0 $0x0  }
0x1bd: {  	p0 =	seq.s32 s2, $0x2;
	s4 =	simm.f32 $1.000000000e+00;
	v30 =	vmul.f32 s22, v5;
	[tilespmem:s14+$0xFFFFFF80] =	vst v28  }
0x1be: {  	v31 =	vmul.f32 s22, v4;
	s4 =	simm.s32 @!p0 $0x0;
	[tilespmem:s14+$0xFFFFFF90] =	vst v29  }
0x1bf: {  	p0 =	seq.s32 s2, $0x3;
	s2 =	simm.f32 $1.000000000e+00;
	v32 =	vmul.f32 s4, v5;
	[tilespmem:s14+$0xFFFFFFA0] =	vst v30  }
0x1c0: {  	v33 =	vmul.f32 s4, v4;
	s2 =	simm.s32 @!p0 $0x0;
	[tilespmem:s14+$0xFFFFFFB0] =	vst v31  }
0x1c1: {  	v5 =	vmul.f32 s2, v5;
	[tilespmem:s14+$0xFFFFFFC0] =	vst v32  }
0x1c2: {  	v4 =	vmul.f32 s2, v4;
	[tilespmem:s14+$0xFFFFFFD0] =	vst v33  }
0x1c3: {  	[tilespmem:s14+$0xFFFFFFE0] =	vst v5  }
0x1c4: {  	[tilespmem:s14+$0xFFFFFFF0] =	vst v4  }
0x1c5: {  	v4 =	vld [tilespmem:s5+$0x0]  }
0x1c6: {  	v5 =	vld [tilespmem:s0+$0x0]  }
0x1c7: {  	v6 =	vld [tilespmem:s5+$0x10]  }
0x1c8: {  	v7 =	vld [tilespmem:s0+$0x10]  }
0x1c9: {  	v34 =	vld [tilespmem:s14+$0x0]  }
0x1ca: {  	v35 =	vld [tilespmem:s14+$0x10];
	_ =	sdelay $0x2  }
0x1cb: {  	v5 =	vadd.f32 v5, v4;
	v7 =	vadd.f32 v7, v6  }
0x1cc: {  	v36 =	vld [tilespmem:$0x1FD00]  }
0x1cd: {  	v37 =	vld [tilespmem:$0x1FD10];
	v5 =	vadd.f32 v34, v5;
	v7 =	vadd.f32 v35, v7;
	_ =	sdelay $0x1  }
0x1ce: {  	v38 =	vmul.f32 $2.000000030e-01, v5;
	v39 =	vmul.f32 $2.000000030e-01, v7;
	_ =	sdelay $0x1  }
0x1cf: {  	v5 =	vmax.f32 v5, v38;
	v7 =	vmax.f32 v7, v39  }
0x1d0: {  	v5 =	vmul.f32 v5, v36;
	v7 =	vmul.f32 v7, v37;
	_ =	sdelay $0x1  }
0x1d1: {  	v5 =	vadd.f32 v7, v5;
	_ =	sdelay $0x1  }
0x1d2: {  	(xrf2) =	vadd.scan.msk.f32 $0xffff, v5;
	_ =	sdelay $0x9  }
0x1d3: {  	v5, _, _ =	vpop (xrf2)  }
0x1d4: {  	v5 =	vmul.f32 $1.442695020e+00, v5;
	_ =	sdelay $0x1  }
0x1d5: {  	v5 =	vbroadcast v5, $0xF;
	_ =	sdelay $0x1  }
0x1d6: {  	(erf) = vpow2.f32 v5;
	_ =	sdelay $0x8  }
0x1d7: {  	v5 =	vpop (erf)  }
0x1d8: {  	v4 =	vmul.f32 v5, v4  }
0x1d9: {  	v6 =	vmul.f32 v5, v6  }
0x1da: {  	v40 =	vld [tilespmem:s5+$0x30];
	[tilespmem:s5+$0x0] =	vst v4  }
0x1db: {  	[tilespmem:s5+$0x10] =	vst v6;
	v4 =	vld [tilespmem:s5+$0x20]  }
0x1dc: {  	v6 =	vld [tilespmem:s0+$0x20]  }
0x1dd: {  	v41 =	vld [tilespmem:s0+$0x30]  }
0x1de: {  	v42 =	vld [tilespmem:s14+$0x20]  }
0x1df: {  	v43 =	vld [tilespmem:s14+$0x30];
	_ =	sdelay $0x2  }
0x1e0: {  	v6 =	vadd.f32 v6, v4;
	v8 =	vadd.f32 v41, v40  }
0x1e1: {  	v44 =	vld [tilespmem:$0x1FD20]  }
0x1e2: {  	v45 =	vld [tilespmem:$0x1FD30];
	v6 =	vadd.f32 v42, v6;
	v8 =	vadd.f32 v43, v8;
	_ =	sdelay $0x1  }
0x1e3: {  	v46 =	vmul.f32 $2.000000030e-01, v6;
	v47 =	vmul.f32 $2.000000030e-01, v8;
	_ =	sdelay $0x1  }
0x1e4: {  	v6 =	vmax.f32 v6, v46;
	v8 =	vmax.f32 v8, v47  }
0x1e5: {  	v6 =	vmul.f32 v6, v44;
	v8 =	vmul.f32 v8, v45;
	_ =	sdelay $0x1  }
0x1e6: {  	v6 =	vadd.f32 v8, v6;
	_ =	sdelay $0x1  }
0x1e7: {  	(xrf2) =	vadd.scan.msk.f32 $0xffff, v6;
	_ =	sdelay $0x9  }
0x1e8: {  	v6, _, _ =	vpop (xrf2)  }
0x1e9: {  	v6 =	vmul.f32 $1.442695020e+00, v6;
	_ =	sdelay $0x1  }
0x1ea: {  	v6 =	vbroadcast v6, $0xF;
	_ =	sdelay $0x1  }
0x1eb: {  	(erf) = vpow2.f32 v6;
	_ =	sdelay $0x8  }
0x1ec: {  	v6 =	vpop (erf)  }
0x1ed: {  	v4 =	vmul.f32 v6, v4  }
0x1ee: {  	v7 =	vmul.f32 v6, v40  }
0x1ef: {  	v48 =	vld [tilespmem:s5+$0x50];
	[tilespmem:s5+$0x20] =	vst v4  }
0x1f0: {  	[tilespmem:s5+$0x30] =	vst v7;
	v4 =	vld [tilespmem:s5+$0x40]  }
0x1f1: {  	v7 =	vld [tilespmem:s0+$0x40]  }
0x1f2: {  	v49 =	vld [tilespmem:s0+$0x50]  }
0x1f3: {  	v50 =	vld [tilespmem:s14+$0x40]  }
0x1f4: {  	v51 =	vld [tilespmem:s14+$0x50];
	_ =	sdelay $0x2  }
0x1f5: {  	v7 =	vadd.f32 v7, v4;
	v9 =	vadd.f32 v49, v48  }
0x1f6: {  	v52 =	vld [tilespmem:$0x1FD40]  }
0x1f7: {  	v53 =	vld [tilespmem:$0x1FD50];
	v7 =	vadd.f32 v50, v7;
	v9 =	vadd.f32 v51, v9;
	_ =	sdelay $0x1  }
0x1f8: {  	v54 =	vmul.f32 $2.000000030e-01, v7;
	v55 =	vmul.f32 $2.000000030e-01, v9;
	_ =	sdelay $0x1  }
0x1f9: {  	v7 =	vmax.f32 v7, v54;
	v9 =	vmax.f32 v9, v55  }
0x1fa: {  	v7 =	vmul.f32 v7, v52;
	v9 =	vmul.f32 v9, v53;
	_ =	sdelay $0x1  }
0x1fb: {  	v7 =	vadd.f32 v9, v7;
	_ =	sdelay $0x1  }
0x1fc: {  	(xrf2) =	vadd.scan.msk.f32 $0xffff, v7;
	_ =	sdelay $0x9  }
0x1fd: {  	v7, _, _ =	vpop (xrf2)  }
0x1fe: {  	v7 =	vmul.f32 $1.442695020e+00, v7;
	_ =	sdelay $0x1  }
0x1ff: {  	v7 =	vbroadcast v7, $0xF;
	_ =	sdelay $0x1  }
0x200: {  	(erf) = vpow2.f32 v7;
	_ =	sdelay $0x8  }
0x201: {  	v7 =	vpop (erf)  }
0x202: {  	v4 =	vmul.f32 v7, v4  }
0x203: {  	v8 =	vmul.f32 v7, v48  }
0x204: {  	v56 =	vld [tilespmem:s5+$0x70];
	[tilespmem:s5+$0x40] =	vst v4  }
0x205: {  	[tilespmem:s5+$0x50] =	vst v8;
	v4 =	vld [tilespmem:s5+$0x60]  }
0x206: {  	v8 =	vld [tilespmem:s0+$0x60]  }
0x207: {  	v57 =	vld [tilespmem:s0+$0x70]  }
0x208: {  	v58 =	vld [tilespmem:s14+$0x60]  }
0x209: {  	v59 =	vld [tilespmem:s14+$0x70];
	_ =	sdelay $0x2  }
0x20a: {  	v8 =	vadd.f32 v8, v4;
	v10 =	vadd.f32 v57, v56  }
0x20b: {  	v60 =	vld [tilespmem:$0x1FD60]  }
0x20c: {  	v61 =	vld [tilespmem:$0x1FD70];
	v8 =	vadd.f32 v58, v8;
	v10 =	vadd.f32 v59, v10;
	_ =	sdelay $0x1  }
0x20d: {  	v62 =	vmul.f32 $2.000000030e-01, v8;
	v63 =	vmul.f32 $2.000000030e-01, v10;
	_ =	sdelay $0x1  }
0x20e: {  	v8 =	vmax.f32 v8, v62;
	v10 =	vmax.f32 v10, v63  }
0x20f: {  	v8 =	vmul.f32 v8, v60;
	v10 =	vmul.f32 v10, v61;
	_ =	sdelay $0x1  }
0x210: {  	v8 =	vadd.f32 v10, v8;
	_ =	sdelay $0x1  }
0x211: {  	(xrf2) =	vadd.scan.msk.f32 $0xffff, v8;
	_ =	sdelay $0x9  }
0x212: {  	v8, _, _ =	vpop (xrf2)  }
0x213: {  	v8 =	vmul.f32 $1.442695020e+00, v8;
	_ =	sdelay $0x1  }
0x214: {  	v8 =	vbroadcast v8, $0xF;
	_ =	sdelay $0x1  }
0x215: {  	(erf) = vpow2.f32 v8;
	_ =	sdelay $0x8  }
0x216: {  	v8 =	vpop (erf)  }
0x217: {  	v4 =	vmul.f32 v8, v4  }
0x218: {  	v9 =	vmul.f32 v8, v56  }
0x219: {  	s4 =	sadd.s32 $0x2, s12;
	[tilespmem:s5+$0x60] =	vst v4  }
0x21a: {  	s2 =	smin.u32 s4, $0x18;
	[tilespmem:s5+$0x70] =	vst v9  }
0x21b: {  	s22 =	smin.u32 s15, $0x18;
	v4 =	vld [tilespmem:s2+$0x19500]  }
0x21c: {  	s4 =	ssub.s32 s12, s22  }
0x21d: {  	s2 =	sadd.s32 $0x2, s4  }
0x21e: {  	v16 =	vmov s2  }
0x21f: {  	vm4 =	veq.s32 v16, v0  }
0x220: {  	v4 =	vnsel vm4, $0x0, v4  }
0x221: {  	(xrf0) =	vadd.scan.msk.s32 $0xffff, v4;
	_ =	sdelay $0x5  }
0x222: {  	v4, _, _ =	vpop (xrf0)  }
0x223: {  	(v2sf) =	vpush v4, $0xF;
	_ =	sdelay $0xe  }
0x224: {  	v4 =	vnsel vm0, $0x0, v5;
	s2 =	spop (v2sf)  }
0x225: {  	v4 =	vadd.f32 v3, v4;
	s22 =	sshra.s32 s2, $0x1F  }
0x226: {  	v5 =	vsel vm1, $0x0, v6;
	s4 =	sshrl.u32 s22, $0x1E  }
0x227: {  	v4 =	vadd.f32 v5, v4;
	v5 =	vld [tilespmem:s28+$0x0];
	s4 =	sadd.s32 s4, s2  }
0x228: {  	v17 =	vsel vm2, $0x0, v7;
	s4 =	sand.u32 $0xFFFFFFFC, s4  }
0x229: {  	v4 =	vadd.f32 v17, v4;
	s2 =	ssub.s32 s2, s4  }
0x22a: {  	v18 =	vsel vm3, $0x0, v8;
	s4 =	simm.f32 $1.000000000e+00;
	p0 =	seq.s32 s2, $0x0  }
0x22b: {  	v4 =	vadd.f32 v18, v4;
	s4 =	simm.s32 @!p0 $0x0  }
0x22c: {  	s22 =	simm.f32 $1.000000000e+00;
	p0 =	seq.s32 s2, $0x1;
	v19 =	vmul.f32 s4, v5  }
0x22d: {  	v20 =	vmul.f32 s4, v4;
	s22 =	simm.s32 @!p0 $0x0  }
0x22e: {  	p0 =	seq.s32 s2, $0x2;
	s4 =	simm.f32 $1.000000000e+00;
	v21 =	vmul.f32 s22, v5;
	[tilespmem:s14+$0x0] =	vst v19  }
0x22f: {  	v22 =	vmul.f32 s22, v4;
	s4 =	simm.s32 @!p0 $0x0;
	[tilespmem:s14+$0x10] =	vst v20  }
0x230: {  	p0 =	seq.s32 s2, $0x3;
	s2 =	simm.f32 $1.000000000e+00;
	v23 =	vmul.f32 s4, v5;
	[tilespmem:s14+$0x20] =	vst v21  }
0x231: {  	v24 =	vmul.f32 s4, v4;
	s2 =	simm.s32 @!p0 $0x0;
	[tilespmem:s14+$0x30] =	vst v22  }
0x232: {  	v5 =	vmul.f32 s2, v5;
	[tilespmem:s14+$0x40] =	vst v23  }
0x233: {  	v4 =	vmul.f32 s2, v4;
	[tilespmem:s14+$0x50] =	vst v24  }
0x234: {  	[tilespmem:s14+$0x60] =	vst v5  }
0x235: {  	[tilespmem:s14+$0x70] =	vst v4  }
0x236: {  	v4 =	vld [tilespmem:s5+$0x80]  }
0x237: {  	v5 =	vld [tilespmem:s0+$0x80]  }
0x238: {  	v6 =	vld [tilespmem:s5+$0x90]  }
0x239: {  	v7 =	vld [tilespmem:s0+$0x90]  }
0x23a: {  	v25 =	vld [tilespmem:s14+$0x80]  }
0x23b: {  	v26 =	vld [tilespmem:s14+$0x90];
	_ =	sdelay $0x2  }
0x23c: {  	v5 =	vadd.f32 v5, v4;
	v7 =	vadd.f32 v7, v6  }
0x23d: {  	v27 =	vld [tilespmem:$0x1FD00]  }
0x23e: {  	v28 =	vld [tilespmem:$0x1FD10];
	v5 =	vadd.f32 v25, v5;
	v7 =	vadd.f32 v26, v7;
	_ =	sdelay $0x1  }
0x23f: {  	v29 =	vmul.f32 $2.000000030e-01, v5;
	v30 =	vmul.f32 $2.000000030e-01, v7;
	_ =	sdelay $0x1  }
0x240: {  	v5 =	vmax.f32 v5, v29;
	v7 =	vmax.f32 v7, v30  }
0x241: {  	v5 =	vmul.f32 v5, v27;
	v7 =	vmul.f32 v7, v28;
	_ =	sdelay $0x1  }
0x242: {  	v5 =	vadd.f32 v7, v5;
	_ =	sdelay $0x1  }
0x243: {  	(xrf2) =	vadd.scan.msk.f32 $0xffff, v5;
	_ =	sdelay $0x9  }
0x244: {  	v5, _, _ =	vpop (xrf2)  }
0x245: {  	v5 =	vmul.f32 $1.442695020e+00, v5;
	_ =	sdelay $0x1  }
0x246: {  	v5 =	vbroadcast v5, $0xF;
	_ =	sdelay $0x1  }
0x247: {  	(erf) = vpow2.f32 v5;
	_ =	sdelay $0x8  }
0x248: {  	v5 =	vpop (erf)  }
0x249: {  	v4 =	vmul.f32 v5, v4  }
0x24a: {  	v6 =	vmul.f32 v5, v6  }
0x24b: {  	v31 =	vld [tilespmem:s5+$0xB0];
	[tilespmem:s5+$0x80] =	vst v4  }
0x24c: {  	[tilespmem:s5+$0x90] =	vst v6;
	v4 =	vld [tilespmem:s5+$0xA0]  }
0x24d: {  	v6 =	vld [tilespmem:s0+$0xA0]  }
0x24e: {  	v32 =	vld [tilespmem:s0+$0xB0]  }
0x24f: {  	v33 =	vld [tilespmem:s14+$0xA0]  }
0x250: {  	v34 =	vld [tilespmem:s14+$0xB0];
	_ =	sdelay $0x2  }
0x251: {  	v6 =	vadd.f32 v6, v4;
	v8 =	vadd.f32 v32, v31  }
0x252: {  	v35 =	vld [tilespmem:$0x1FD20]  }
0x253: {  	v36 =	vld [tilespmem:$0x1FD30];
	v6 =	vadd.f32 v33, v6;
	v8 =	vadd.f32 v34, v8;
	_ =	sdelay $0x1  }
0x254: {  	v37 =	vmul.f32 $2.000000030e-01, v6;
	v38 =	vmul.f32 $2.000000030e-01, v8;
	_ =	sdelay $0x1  }
0x255: {  	v6 =	vmax.f32 v6, v37;
	v8 =	vmax.f32 v8, v38  }
0x256: {  	v6 =	vmul.f32 v6, v35;
	v8 =	vmul.f32 v8, v36;
	_ =	sdelay $0x1  }
0x257: {  	v6 =	vadd.f32 v8, v6;
	_ =	sdelay $0x1  }
0x258: {  	(xrf2) =	vadd.scan.msk.f32 $0xffff, v6;
	_ =	sdelay $0x9  }
0x259: {  	v6, _, _ =	vpop (xrf2)  }
0x25a: {  	v6 =	vmul.f32 $1.442695020e+00, v6;
	_ =	sdelay $0x1  }
0x25b: {  	v6 =	vbroadcast v6, $0xF;
	_ =	sdelay $0x1  }
0x25c: {  	(erf) = vpow2.f32 v6;
	_ =	sdelay $0x8  }
0x25d: {  	v6 =	vpop (erf)  }
0x25e: {  	v4 =	vmul.f32 v6, v4  }
0x25f: {  	v7 =	vmul.f32 v6, v31  }
0x260: {  	v39 =	vld [tilespmem:s5+$0xD0];
	[tilespmem:s5+$0xA0] =	vst v4  }
0x261: {  	[tilespmem:s5+$0xB0] =	vst v7;
	v4 =	vld [tilespmem:s5+$0xC0]  }
0x262: {  	v7 =	vld [tilespmem:s0+$0xC0]  }
0x263: {  	v40 =	vld [tilespmem:s0+$0xD0]  }
0x264: {  	v41 =	vld [tilespmem:s14+$0xC0]  }
0x265: {  	v42 =	vld [tilespmem:s14+$0xD0];
	_ =	sdelay $0x2  }
0x266: {  	v7 =	vadd.f32 v7, v4;
	v9 =	vadd.f32 v40, v39  }
0x267: {  	v43 =	vld [tilespmem:$0x1FD40]  }
0x268: {  	v44 =	vld [tilespmem:$0x1FD50];
	v7 =	vadd.f32 v41, v7;
	v9 =	vadd.f32 v42, v9;
	_ =	sdelay $0x1  }
0x269: {  	v45 =	vmul.f32 $2.000000030e-01, v7;
	v46 =	vmul.f32 $2.000000030e-01, v9;
	_ =	sdelay $0x1  }
0x26a: {  	v7 =	vmax.f32 v7, v45;
	v9 =	vmax.f32 v9, v46  }
0x26b: {  	v7 =	vmul.f32 v7, v43;
	v9 =	vmul.f32 v9, v44;
	_ =	sdelay $0x1  }
0x26c: {  	v7 =	vadd.f32 v9, v7;
	_ =	sdelay $0x1  }
0x26d: {  	(xrf2) =	vadd.scan.msk.f32 $0xffff, v7;
	_ =	sdelay $0x9  }
0x26e: {  	v7, _, _ =	vpop (xrf2)  }
0x26f: {  	v7 =	vmul.f32 $1.442695020e+00, v7;
	_ =	sdelay $0x1  }
0x270: {  	v7 =	vbroadcast v7, $0xF;
	_ =	sdelay $0x1  }
0x271: {  	(erf) = vpow2.f32 v7;
	_ =	sdelay $0x8  }
0x272: {  	v7 =	vpop (erf)  }
0x273: {  	v4 =	vmul.f32 v7, v4  }
0x274: {  	v8 =	vmul.f32 v7, v39  }
0x275: {  	v47 =	vld [tilespmem:s5+$0xF0];
	[tilespmem:s5+$0xC0] =	vst v4  }
0x276: {  	[tilespmem:s5+$0xD0] =	vst v8;
	v4 =	vld [tilespmem:s5+$0xE0]  }
0x277: {  	v8 =	vld [tilespmem:s0+$0xE0]  }
0x278: {  	v48 =	vld [tilespmem:s0+$0xF0]  }
0x279: {  	v49 =	vld [tilespmem:s14+$0xE0]  }
0x27a: {  	v50 =	vld [tilespmem:s14+$0xF0];
	_ =	sdelay $0x2  }
0x27b: {  	v8 =	vadd.f32 v8, v4;
	v10 =	vadd.f32 v48, v47  }
0x27c: {  	v51 =	vld [tilespmem:$0x1FD60]  }
0x27d: {  	v52 =	vld [tilespmem:$0x1FD70];
	v8 =	vadd.f32 v49, v8;
	v10 =	vadd.f32 v50, v10;
	_ =	sdelay $0x1  }
0x27e: {  	v53 =	vmul.f32 $2.000000030e-01, v8;
	v54 =	vmul.f32 $2.000000030e-01, v10;
	_ =	sdelay $0x1  }
0x27f: {  	v8 =	vmax.f32 v8, v53;
	v10 =	vmax.f32 v10, v54  }
0x280: {  	v8 =	vmul.f32 v8, v51;
	v10 =	vmul.f32 v10, v52;
	_ =	sdelay $0x1  }
0x281: {  	v8 =	vadd.f32 v10, v8;
	_ =	sdelay $0x1  }
0x282: {  	(xrf2) =	vadd.scan.msk.f32 $0xffff, v8;
	_ =	sdelay $0x9  }
0x283: {  	v8, _, _ =	vpop (xrf2)  }
0x284: {  	v8 =	vmul.f32 $1.442695020e+00, v8;
	_ =	sdelay $0x1  }
0x285: {  	v8 =	vbroadcast v8, $0xF;
	_ =	sdelay $0x1  }
0x286: {  	(erf) = vpow2.f32 v8;
	_ =	sdelay $0x8  }
0x287: {  	v8 =	vpop (erf)  }
0x288: {  	v4 =	vmul.f32 v8, v4  }
0x289: {  	v9 =	vmul.f32 v8, v47  }
0x28a: {  	s4 =	sadd.s32 $0x3, s12;
	[tilespmem:s5+$0xE0] =	vst v4  }
0x28b: {  	s2 =	smin.u32 s4, $0x18;
	[tilespmem:s5+$0xF0] =	vst v9  }
0x28c: {  	s22 =	smin.u32 s18, $0x18;
	v4 =	vld [tilespmem:s2+$0x19500]  }
0x28d: {  	s4 =	ssub.s32 s12, s22  }
0x28e: {  	s2 =	sadd.s32 $0x3, s4  }
0x28f: {  	v55 =	vmov s2  }
0x290: {  	vm4 =	veq.s32 v55, v0  }
0x291: {  	v4 =	vnsel vm4, $0x0, v4  }
0x292: {  	(xrf0) =	vadd.scan.msk.s32 $0xffff, v4;
	_ =	sdelay $0x5  }
0x293: {  	v4, _, _ =	vpop (xrf0)  }
0x294: {  	(v2sf) =	vpush v4, $0xF;
	_ =	sdelay $0xe  }
0x295: {  	v4 =	vnsel vm0, $0x0, v5;
	s2 =	spop (v2sf)  }
0x296: {  	v4 =	vadd.f32 v3, v4;
	s22 =	sshra.s32 s2, $0x1F  }
0x297: {  	v5 =	vsel vm1, $0x0, v6;
	s4 =	sshrl.u32 s22, $0x1E  }
0x298: {  	v4 =	vadd.f32 v5, v4;
	v5 =	vld [tilespmem:s28+$0x10];
	s4 =	sadd.s32 s4, s2  }
0x299: {  	v56 =	vsel vm2, $0x0, v7;
	s4 =	sand.u32 $0xFFFFFFFC, s4  }
0x29a: {  	v4 =	vadd.f32 v56, v4;
	s2 =	ssub.s32 s2, s4  }
0x29b: {  	v57 =	vsel vm3, $0x0, v8;
	s4 =	simm.f32 $1.000000000e+00;
	p0 =	seq.s32 s2, $0x0  }
0x29c: {  	v4 =	vadd.f32 v57, v4;
	s4 =	simm.s32 @!p0 $0x0  }
0x29d: {  	s22 =	simm.f32 $1.000000000e+00;
	p0 =	seq.s32 s2, $0x1;
	v58 =	vmul.f32 s4, v5  }
0x29e: {  	v59 =	vmul.f32 s4, v4;
	s22 =	simm.s32 @!p0 $0x0  }
0x29f: {  	p0 =	seq.s32 s2, $0x2;
	s4 =	simm.f32 $1.000000000e+00;
	v60 =	vmul.f32 s22, v5;
	[tilespmem:s14+$0x80] =	vst v58  }
0x2a0: {  	v61 =	vmul.f32 s22, v4;
	s4 =	simm.s32 @!p0 $0x0;
	p0 =	seq.s32 s2, $0x3;
	s2 =	simm.f32 $1.000000000e+00;
	[tilespmem:s14+$0x90] =	vst v59  }
0x2a1: {  	v62 =	vmul.f32 s4, v5;
	s2 =	simm.s32 @!p0 $0x0;
	p0 =	slt.u32 s12, $0x24;
	[tilespmem:s14+$0xA0] =	vst v60  }
.Ltmp0:
0x2a2: {  	v63 =	vmul.f32 s4, v4;
	[tilespmem:s14+$0xB0] =	vst v61;
	(pc) =	sbr.rel @p0 .LBB2_3-.Ltmp0, $4  }
0x2a3: {  	v5 =	vmul.f32 s2, v5;
	[tilespmem:s14+$0xC0] =	vst v62  }
0x2a4: {  	s16 =	sadd.s32 $0x4, s16;
	s15 =	sadd.s32 $0x4, s15;
	s18 =	sadd.s32 $0x4, s18;
	v4 =	vmul.f32 s2, v4;
	[tilespmem:s14+$0xD0] =	vst v63  }
0x2a5: {  	s0 =	sadd.s32 $0x200, s0;
	s5 =	sadd.s32 $0x200, s5;
	s22 =	sadd.s32 $0x4, s12;
	[tilespmem:s14+$0xE0] =	vst v5  }
0x2a6: {  	s28 =	sadd.s32 $0x40, s28;
	s12 =	smov.u32 s22;
	[tilespmem:s14+$0xF0] =	vst v4;
	s14 =	sadd.s32 $0x200, s14  }
0x2a7: {  	[spmem:s9] =	stream.indirect.scatter.add.f32 [tilespmem:s19], [sflag:$0x5], $0x80, s21, s23, $0xb8;
	[tilespmem:$0x1FD80] =	vst v63  }
0x2a8: {  	s0 =	sadd.s32 $0x2, s17;
	p0 =	seq.s32 s3, $0x7C  }
0x2a9: {  	s2 =	smulhi.u32 @!p0 $0x66666667, s0  }
0x2aa: {  	_ =	swait.ge [sflag:s20], $0x1400  }
0x2ab: {  	[sflag:s20] =	ssyncset.done $0x0;
	s2 =	sshrl.u32 @!p0 s2, $0x2  }
0x2ac: {  	[sflag:s20] =	ssyncadd.s32 $0xFFFFEC00;
	s2 =	smul.u32 @!p0 $0xA, s2  }
0x2ad: {  	[spmem:s10] =	stream.indirect.scatter.add.f32 [tilespmem:s29], [sflag:$0x5], $0x80, s30, s23, $0xb8;
	[tilespmem:$0x1FD80] =	vst v63  }
0x2ae: {  	s2 =	ssub.s32 @!p0 s0, s2  }
0x2af: {  	p1 =	sne.s32 @!p0 s2, $0x0  }
0x2b0: {  	p1 =	por p1, p0  }
0x2b1: {  	s0 =	smul.u32 @!p1 $0x28, s0  }
0x2b2: {  	_ =	swait.ge [sflag:s20], $0x1400  }
0x2b3: {  	[sflag:s20] =	ssyncset.done $0x0;
	s0 =	sadd.s32 @!p1 s13, s0  }
0x2b4: {  	s4 =	rddreg [dreg:$0x5];
	[sflag:s20] =	ssyncadd.s32 $0xFFFFEC00;
	s0 =	sshrl.u32 @!p1 s0, $0x3  }
0x2b5: {  	s5 =	simm.s32 @!p1 $0x0;
	s12 =	simm.s32 @!p1 $0x19000;
	s4 =	sadd.s32 @!p1 s4, s0  }
0x2b6: {  	[tilespmem:s12], [sflag:$0x5] =	stream.linear.gather @!p1 [hbm4b:s4+s5], $0x190, $0x38;
	[tilespmem:$0x1FD80] =	vst v63  }
0x2b7: {  	s4 =	simm.s32 @!p1 $0x5  }
0x2b8: {  	s22 =	smov.u32 s9;
	_ =	swait.ge @!p1 [sflag:s4], $0x190  }
0x2b9: {  	s9 =	smov.u32 s10;
	[sflag:s4] =	ssyncset.done @!p1 $0x0;
	s10 =	rddreg [dreg:$0x6]  }
0x2ba: {  	s12 =	simm.s32 @!p1 $0x19200;
	[sflag:s4] =	ssyncadd.s32 @!p1 $0xFFFFFE70;
	s0 =	sadd.s32 @!p1 s10, s0  }
0x2bb: {  	[tilespmem:s12], [sflag:$0x5] =	stream.linear.gather @!p1 [hbm4b:s0+s5], $0x190, $0x38;
	[tilespmem:$0x1FD80] =	vst v63  }
0x2bc: {  	_ =	swait.ge @!p1 [sflag:s4], $0x190  }
0x2bd: {  	s0 =	smul.u32 @!p0 $0x28, s2;
	[sflag:s4] =	ssyncset.done @!p1 $0x0  }
0x2be: {  	[sflag:s4] =	ssyncadd.s32 @!p1 $0xFFFFFE70  }
0x2bf: {  	v5 =	vlaneseq.u32 @!p0;
	v4 =	vld @!p0 [tilespmem:s0+$0x19000];
	_ =	sdelay $0x3  }
0x2c0: {  	s2 =	simm.s32 @!p0 $0x19400  }
0x2c1: {  	[tilespmem:v5+s2+$0x0] =	vst.idx.msk @!p0 $0xffff, v4  }
0x2c2: {  	v4 =	vld @!p0 [tilespmem:s0+$0x19200];
	_ =	sdelay $0x3  }
0x2c3: {  	s4 =	simm.s32 @!p0 $0x19500  }
0x2c4: {  	[tilespmem:v5+s4+$0x0] =	vst.idx.msk @!p0 $0xffff, v4  }
0x2c5: {  	v6 =	vor.u32 @!p0 $0x10, v5;
	v4 =	vld @!p0 [tilespmem:s0+$0x19010];
	_ =	sdelay $0x4  }
0x2c6: {  	[tilespmem:v6+s2+$0x0] =	vst.idx.msk @!p0 $0xffff, v4  }
0x2c7: {  	v4 =	vld @!p0 [tilespmem:s0+$0x19210];
	_ =	sdelay $0x4  }
0x2c8: {  	[tilespmem:v6+s4+$0x0] =	vst.idx.msk @!p0 $0xffff, v4  }
0x2c9: {  	v5 =	vadd.s32 @!p0 $0x18, v5;
	v4 =	vld @!p0 [tilespmem:s0+$0x19018];
	_ =	sdelay $0x4  }
0x2ca: {  	[tilespmem:v5+s2+$0x0] =	vst.idx.msk @!p0 $0xffff, v4  }
0x2cb: {  	v4 =	vld @!p0 [tilespmem:s0+$0x19218];
	_ =	sdelay $0x2  }
0x2cc: {  	s14 =	smul.u32 $0x28, s11;
	_ =	sdelay $0x1  }
0x2cd: {  	s15 =	sadd.s32 s13, s14;
	s5 =	simm.s32 @!p0 $0x19680;
	s0 =	simm.s32 @!p0 $0x28;
	[tilespmem:v5+s4+$0x0] =	vst.idx.msk @!p0 $0xffff, v4  }
0x2ce: {  	[tilespmem:s5], [sflag:$0x1] =	stream.indirect.gather @!p0 [hbm4b:s1+s0], $0x80, s2, s0, $0xb8;
	[tilespmem:$0x1FD80] =	vst v63  }
0x2cf: {  	s16 =	sshll.u32 s15, $0x4;
	s2 =	simm.s32 @!p0 $0x1BE80  }
0x2d0: {  	[tilespmem:s2], [sflag:$0x3] =	stream.indirect.gather @!p0 [hbm4b:s6+s0], $0x80, s4, s0, $0xb8;
	[tilespmem:$0x1FD80] =	vst v63  }
0x2d1: {  	s11 =	simm.s32 $0x0;
	s2 =	sadd.s32 s7, s16  }
0x2d2: {  	[tilespmem:s29], [sflag:$0x5] =	stream.linear.gather [hbm4b:s2+s11], $0x1400, $0x38;
	[tilespmem:$0x1FD80] =	vst v63  }
0x2d3: {  	s0 =	sshll.u32 s15, $0x1;
	_ =	swait.ge [sflag:s20], $0x1400  }
0x2d4: {  	s0 =	sand.u32 $0x1FFFFFF0, s0;
	[sflag:s20] =	ssyncset.done $0x0  }
0x2d5: {  	s17 =	simm.s32 $0x1FA80;
	s0 =	sadd.s32 s8, s0;
	[sflag:s20] =	ssyncadd.s32 $0xFFFFEC00  }
0x2d6: {  	[tilespmem:s17], [sflag:$0x5] =	stream.linear.gather [hbm4b:s0+s11], $0x280, $0x38;
	[tilespmem:$0x1FD80] =	vst v63  }
0x2d7: {  	_ =	swait.ge [sflag:s20], $0x280  }
0x2d8: {  	[sflag:s20] =	ssyncset.done $0x0  }
0x2d9: {  	[sflag:s20] =	ssyncadd.s32 $0xFFFFFD80  }
0x2da: {  	v4 =	vld [tilespmem:$0x19580];
	_ =	sdelay $0x4  }
0x2db: {  	v4 =	vshrl.u32 v4, $0x2  }
0x2dc: {  	[tilespmem:v0+s30+$0x0] =	vst.idx.msk $0xffff, v4  }
0x2dd: {  	v4 =	vld [tilespmem:$0x19590];
	_ =	sdelay $0x4  }
0x2de: {  	v4 =	vshrl.u32 v4, $0x2  }
0x2df: {  	[tilespmem:v1+s30+$0x0] =	vst.idx.msk $0xffff, v4  }
0x2e0: {  	v4 =	vld [tilespmem:$0x19598];
	_ =	sdelay $0x4  }
0x2e1: {  	v4 =	vshrl.u32 v4, $0x2  }
0x2e2: {  	s12 =	simm.s32 $0x2;
	[tilespmem:v2+s30+$0x0] =	vst.idx.msk $0xffff, v4  }
0x2e3: {  	_ =	swait.ge [sflag:s12], $0x1400  }
0x2e4: {  	[sflag:s12] =	ssyncset.done $0x0  }
0x2e5: {  	s28 =	smov.u32 s1;
	s18 =	simm.s32 $0x4;
	[sflag:s12] =	ssyncadd.s32 $0xFFFFEC00  }
0x2e6: {  	s14 =	simm.s32 $0x1D380;
	s5 =	simm.s32 $0x1FAA0;
	_ =	swait.ge [sflag:s18], $0x1400  }
0x2e7: {  	s16 =	simm.s32 $0x1;
	s15 =	simm.s32 $0x1E780;
	[sflag:s18] =	ssyncset.done $0x0  }
0x2e8: {  	s0 =	simm.s32 $0x1AB80;
	s17 =	simm.s32 $0x3;
	[sflag:s18] =	ssyncadd.s32 $0xFFFFEC00  }
.LBB2_5:
0x2e9: {  	v4 =	vld [tilespmem:s0+$0xFFFFFF00]  }
0x2ea: {  	v5 =	vld [tilespmem:s14+$0xFFFFFF00]  }
0x2eb: {  	v6 =	vld [tilespmem:s0+$0xFFFFFF10]  }
0x2ec: {  	v7 =	vld [tilespmem:s14+$0xFFFFFF10]  }
0x2ed: {  	v8 =	vld [tilespmem:s15+$0xFFFFFF00]  }
0x2ee: {  	v9 =	vld [tilespmem:s15+$0xFFFFFF10];
	_ =	sdelay $0x2  }
0x2ef: {  	v5 =	vadd.f32 v5, v4;
	v7 =	vadd.f32 v7, v6  }
0x2f0: {  	v10 =	vld [tilespmem:$0x1FD00]  }
0x2f1: {  	v61 =	vld [tilespmem:$0x1FD10];
	v5 =	vadd.f32 v8, v5;
	v7 =	vadd.f32 v9, v7;
	_ =	sdelay $0x1  }
0x2f2: {  	v62 =	vmul.f32 $2.000000030e-01, v5;
	v11 =	vmul.f32 $2.000000030e-01, v7;
	_ =	sdelay $0x1  }
0x2f3: {  	v5 =	vmax.f32 v5, v62;
	v7 =	vmax.f32 v7, v11  }
0x2f4: {  	v5 =	vmul.f32 v5, v10;
	v7 =	vmul.f32 v7, v61;
	_ =	sdelay $0x1  }
0x2f5: {  	v5 =	vadd.f32 v7, v5;
	_ =	sdelay $0x1  }
0x2f6: {  	(xrf2) =	vadd.scan.msk.f32 $0xffff, v5;
	_ =	sdelay $0x9  }
0x2f7: {  	v5, _, _ =	vpop (xrf2)  }
0x2f8: {  	v5 =	vmul.f32 $1.442695020e+00, v5;
	_ =	sdelay $0x1  }
0x2f9: {  	v5 =	vbroadcast v5, $0xF;
	_ =	sdelay $0x1  }
0x2fa: {  	(erf) = vpow2.f32 v5;
	_ =	sdelay $0x8  }
0x2fb: {  	v5 =	vpop (erf)  }
0x2fc: {  	v4 =	vmul.f32 v5, v4  }
0x2fd: {  	v6 =	vmul.f32 v5, v6  }
0x2fe: {  	v63 =	vld [tilespmem:s0+$0xFFFFFF30];
	[tilespmem:s0+$0xFFFFFF00] =	vst v4  }
0x2ff: {  	[tilespmem:s0+$0xFFFFFF10] =	vst v6;
	v4 =	vld [tilespmem:s0+$0xFFFFFF20]  }
0x300: {  	v6 =	vld [tilespmem:s14+$0xFFFFFF20]  }
0x301: {  	v14 =	vld [tilespmem:s14+$0xFFFFFF30]  }
0x302: {  	v15 =	vld [tilespmem:s15+$0xFFFFFF20]  }
0x303: {  	v16 =	vld [tilespmem:s15+$0xFFFFFF30];
	_ =	sdelay $0x2  }
0x304: {  	v6 =	vadd.f32 v6, v4;
	v8 =	vadd.f32 v14, v63  }
0x305: {  	v17 =	vld [tilespmem:$0x1FD20]  }
0x306: {  	v18 =	vld [tilespmem:$0x1FD30];
	v6 =	vadd.f32 v15, v6;
	v8 =	vadd.f32 v16, v8;
	_ =	sdelay $0x1  }
0x307: {  	v19 =	vmul.f32 $2.000000030e-01, v6;
	v12 =	vmul.f32 $2.000000030e-01, v8;
	_ =	sdelay $0x1  }
0x308: {  	v6 =	vmax.f32 v6, v19;
	v8 =	vmax.f32 v8, v12  }
0x309: {  	v6 =	vmul.f32 v6, v17;
	v8 =	vmul.f32 v8, v18;
	_ =	sdelay $0x1  }
0x30a: {  	v6 =	vadd.f32 v8, v6;
	_ =	sdelay $0x1  }
0x30b: {  	(xrf2) =	vadd.scan.msk.f32 $0xffff, v6;
	_ =	sdelay $0x9  }
0x30c: {  	v6, _, _ =	vpop (xrf2)  }
0x30d: {  	v6 =	vmul.f32 $1.442695020e+00, v6;
	_ =	sdelay $0x1  }
0x30e: {  	v6 =	vbroadcast v6, $0xF;
	_ =	sdelay $0x1  }
0x30f: {  	(erf) = vpow2.f32 v6;
	_ =	sdelay $0x8  }
0x310: {  	v6 =	vpop (erf)  }
0x311: {  	v4 =	vmul.f32 v6, v4  }
0x312: {  	v7 =	vmul.f32 v6, v63  }
0x313: {  	v20 =	vld [tilespmem:s0+$0xFFFFFF50];
	[tilespmem:s0+$0xFFFFFF20] =	vst v4  }
0x314: {  	[tilespmem:s0+$0xFFFFFF30] =	vst v7;
	v4 =	vld [tilespmem:s0+$0xFFFFFF40]  }
0x315: {  	v7 =	vld [tilespmem:s14+$0xFFFFFF40]  }
0x316: {  	v21 =	vld [tilespmem:s14+$0xFFFFFF50]  }
0x317: {  	v22 =	vld [tilespmem:s15+$0xFFFFFF40]  }
0x318: {  	v23 =	vld [tilespmem:s15+$0xFFFFFF50];
	_ =	sdelay $0x2  }
0x319: {  	v7 =	vadd.f32 v7, v4;
	v9 =	vadd.f32 v21, v20  }
0x31a: {  	v24 =	vld [tilespmem:$0x1FD40]  }
0x31b: {  	v25 =	vld [tilespmem:$0x1FD50];
	v7 =	vadd.f32 v22, v7;
	v9 =	vadd.f32 v23, v9;
	_ =	sdelay $0x1  }
0x31c: {  	v26 =	vmul.f32 $2.000000030e-01, v7;
	v13 =	vmul.f32 $2.000000030e-01, v9;
	_ =	sdelay $0x1  }
0x31d: {  	v7 =	vmax.f32 v7, v26;
	v9 =	vmax.f32 v9, v13  }
0x31e: {  	v7 =	vmul.f32 v7, v24;
	v9 =	vmul.f32 v9, v25;
	_ =	sdelay $0x1  }
0x31f: {  	v7 =	vadd.f32 v9, v7;
	_ =	sdelay $0x1  }
0x320: {  	(xrf2) =	vadd.scan.msk.f32 $0xffff, v7;
	_ =	sdelay $0x9  }
0x321: {  	v7, _, _ =	vpop (xrf2)  }
0x322: {  	v7 =	vmul.f32 $1.442695020e+00, v7;
	_ =	sdelay $0x1  }
0x323: {  	v7 =	vbroadcast v7, $0xF;
	_ =	sdelay $0x1  }
0x324: {  	(erf) = vpow2.f32 v7;
	_ =	sdelay $0x8  }
0x325: {  	v7 =	vpop (erf)  }
0x326: {  	v4 =	vmul.f32 v7, v4  }
0x327: {  	v8 =	vmul.f32 v7, v20  }
0x328: {  	v27 =	vld [tilespmem:s0+$0xFFFFFF70];
	[tilespmem:s0+$0xFFFFFF40] =	vst v4  }
0x329: {  	[tilespmem:s0+$0xFFFFFF50] =	vst v8;
	v4 =	vld [tilespmem:s0+$0xFFFFFF60]  }
0x32a: {  	v8 =	vld [tilespmem:s14+$0xFFFFFF60]  }
0x32b: {  	v28 =	vld [tilespmem:s14+$0xFFFFFF70]  }
0x32c: {  	v29 =	vld [tilespmem:s15+$0xFFFFFF60]  }
0x32d: {  	v30 =	vld [tilespmem:s15+$0xFFFFFF70];
	_ =	sdelay $0x2  }
0x32e: {  	v8 =	vadd.f32 v8, v4;
	v10 =	vadd.f32 v28, v27  }
0x32f: {  	v31 =	vld [tilespmem:$0x1FD60]  }
0x330: {  	v32 =	vld [tilespmem:$0x1FD70];
	v8 =	vadd.f32 v29, v8;
	v10 =	vadd.f32 v30, v10;
	_ =	sdelay $0x1  }
0x331: {  	v33 =	vmul.f32 $2.000000030e-01, v8;
	v14 =	vmul.f32 $2.000000030e-01, v10;
	_ =	sdelay $0x1  }
0x332: {  	v8 =	vmax.f32 v8, v33;
	v10 =	vmax.f32 v10, v14  }
0x333: {  	v8 =	vmul.f32 v8, v31;
	v10 =	vmul.f32 v10, v32;
	_ =	sdelay $0x1  }
0x334: {  	v8 =	vadd.f32 v10, v8;
	_ =	sdelay $0x1  }
0x335: {  	(xrf2) =	vadd.scan.msk.f32 $0xffff, v8;
	_ =	sdelay $0x9  }
0x336: {  	v8, _, _ =	vpop (xrf2)  }
0x337: {  	v8 =	vmul.f32 $1.442695020e+00, v8;
	_ =	sdelay $0x1  }
0x338: {  	v8 =	vbroadcast v8, $0xF;
	_ =	sdelay $0x1  }
0x339: {  	(erf) = vpow2.f32 v8;
	_ =	sdelay $0x8  }
0x33a: {  	v8 =	vpop (erf)  }
0x33b: {  	v4 =	vmul.f32 v8, v4  }
0x33c: {  	v9 =	vmul.f32 v8, v27  }
0x33d: {  	[tilespmem:s0+$0xFFFFFF60] =	vst v4  }
0x33e: {  	s2 =	smin.u32 s11, $0x18;
	[tilespmem:s0+$0xFFFFFF70] =	vst v9  }
0x33f: {  	v4 =	vld [tilespmem:s2+$0x19580];
	_ =	sdelay $0x1  }
0x340: {  	s2 =	ssub.s32 s11, s2  }
0x341: {  	v34 =	vmov s2  }
0x342: {  	vm4 =	veq.s32 v34, v0  }
0x343: {  	v4 =	vnsel vm4, $0x0, v4  }
0x344: {  	(xrf0) =	vadd.scan.msk.s32 $0xffff, v4;
	_ =	sdelay $0x5  }
0x345: {  	v4, _, _ =	vpop (xrf0)  }
0x346: {  	(v2sf) =	vpush v4, $0xF;
	_ =	sdelay $0xe  }
0x347: {  	v4 =	vnsel vm0, $0x0, v5;
	s1 =	spop (v2sf)  }
0x348: {  	v4 =	vadd.f32 v3, v4;
	s4 =	sshra.s32 s1, $0x1F  }
0x349: {  	v5 =	vsel vm1, $0x0, v6;
	s4 =	sshrl.u32 s4, $0x1E  }
0x34a: {  	v4 =	vadd.f32 v5, v4;
	v5 =	vld [tilespmem:s5+$0xFFFFFFE0];
	s4 =	sadd.s32 s4, s1  }
0x34b: {  	v35 =	vsel vm2, $0x0, v7;
	s4 =	sand.u32 $0xFFFFFFFC, s4  }
0x34c: {  	v4 =	vadd.f32 v35, v4;
	s2 =	ssub.s32 s1, s4  }
0x34d: {  	v36 =	vsel vm3, $0x0, v8;
	s4 =	simm.f32 $1.000000000e+00;
	p0 =	seq.s32 s2, $0x0  }
0x34e: {  	v4 =	vadd.f32 v36, v4;
	s4 =	simm.s32 @!p0 $0x0  }
0x34f: {  	s18 =	simm.f32 $1.000000000e+00;
	p0 =	seq.s32 s2, $0x1;
	v37 =	vmul.f32 s4, v5  }
0x350: {  	v38 =	vmul.f32 s4, v4;
	s18 =	simm.s32 @!p0 $0x0  }
0x351: {  	p0 =	seq.s32 s2, $0x2;
	s4 =	simm.f32 $1.000000000e+00;
	v39 =	vmul.f32 s18, v5;
	[tilespmem:s15+$0xFFFFFF00] =	vst v37  }
0x352: {  	v40 =	vmul.f32 s18, v4;
	s4 =	simm.s32 @!p0 $0x0;
	[tilespmem:s15+$0xFFFFFF10] =	vst v38  }
0x353: {  	p0 =	seq.s32 s2, $0x3;
	s2 =	simm.f32 $1.000000000e+00;
	v41 =	vmul.f32 s4, v5;
	[tilespmem:s15+$0xFFFFFF20] =	vst v39  }
0x354: {  	v42 =	vmul.f32 s4, v4;
	s2 =	simm.s32 @!p0 $0x0;
	[tilespmem:s15+$0xFFFFFF30] =	vst v40  }
0x355: {  	v5 =	vmul.f32 s2, v5;
	[tilespmem:s15+$0xFFFFFF40] =	vst v41  }
0x356: {  	v4 =	vmul.f32 s2, v4;
	[tilespmem:s15+$0xFFFFFF50] =	vst v42  }
0x357: {  	[tilespmem:s15+$0xFFFFFF60] =	vst v5  }
0x358: {  	[tilespmem:s15+$0xFFFFFF70] =	vst v4  }
0x359: {  	v4 =	vld [tilespmem:s0+$0xFFFFFF80]  }
0x35a: {  	v5 =	vld [tilespmem:s14+$0xFFFFFF80]  }
0x35b: {  	v6 =	vld [tilespmem:s0+$0xFFFFFF90]  }
0x35c: {  	v7 =	vld [tilespmem:s14+$0xFFFFFF90]  }
0x35d: {  	v43 =	vld [tilespmem:s15+$0xFFFFFF80]  }
0x35e: {  	v44 =	vld [tilespmem:s15+$0xFFFFFF90];
	_ =	sdelay $0x2  }
0x35f: {  	v5 =	vadd.f32 v5, v4;
	v7 =	vadd.f32 v7, v6  }
0x360: {  	v45 =	vld [tilespmem:$0x1FD00]  }
0x361: {  	v46 =	vld [tilespmem:$0x1FD10];
	v5 =	vadd.f32 v43, v5;
	v7 =	vadd.f32 v44, v7;
	_ =	sdelay $0x1  }
0x362: {  	v47 =	vmul.f32 $2.000000030e-01, v5;
	v48 =	vmul.f32 $2.000000030e-01, v7;
	_ =	sdelay $0x1  }
0x363: {  	v5 =	vmax.f32 v5, v47;
	v7 =	vmax.f32 v7, v48  }
0x364: {  	v5 =	vmul.f32 v5, v45;
	v7 =	vmul.f32 v7, v46;
	_ =	sdelay $0x1  }
0x365: {  	v5 =	vadd.f32 v7, v5;
	_ =	sdelay $0x1  }
0x366: {  	(xrf2) =	vadd.scan.msk.f32 $0xffff, v5;
	_ =	sdelay $0x9  }
0x367: {  	v5, _, _ =	vpop (xrf2)  }
0x368: {  	v5 =	vmul.f32 $1.442695020e+00, v5;
	_ =	sdelay $0x1  }
0x369: {  	v5 =	vbroadcast v5, $0xF;
	_ =	sdelay $0x1  }
0x36a: {  	(erf) = vpow2.f32 v5;
	_ =	sdelay $0x8  }
0x36b: {  	v5 =	vpop (erf)  }
0x36c: {  	v4 =	vmul.f32 v5, v4  }
0x36d: {  	v6 =	vmul.f32 v5, v6  }
0x36e: {  	v49 =	vld [tilespmem:s0+$0xFFFFFFB0];
	[tilespmem:s0+$0xFFFFFF80] =	vst v4  }
0x36f: {  	[tilespmem:s0+$0xFFFFFF90] =	vst v6;
	v4 =	vld [tilespmem:s0+$0xFFFFFFA0]  }
0x370: {  	v6 =	vld [tilespmem:s14+$0xFFFFFFA0]  }
0x371: {  	v50 =	vld [tilespmem:s14+$0xFFFFFFB0]  }
0x372: {  	v51 =	vld [tilespmem:s15+$0xFFFFFFA0]  }
0x373: {  	v52 =	vld [tilespmem:s15+$0xFFFFFFB0];
	_ =	sdelay $0x2  }
0x374: {  	v6 =	vadd.f32 v6, v4;
	v8 =	vadd.f32 v50, v49  }
0x375: {  	v53 =	vld [tilespmem:$0x1FD20]  }
0x376: {  	v54 =	vld [tilespmem:$0x1FD30];
	v6 =	vadd.f32 v51, v6;
	v8 =	vadd.f32 v52, v8;
	_ =	sdelay $0x1  }
0x377: {  	v55 =	vmul.f32 $2.000000030e-01, v6;
	v56 =	vmul.f32 $2.000000030e-01, v8;
	_ =	sdelay $0x1  }
0x378: {  	v6 =	vmax.f32 v6, v55;
	v8 =	vmax.f32 v8, v56  }
0x379: {  	v6 =	vmul.f32 v6, v53;
	v8 =	vmul.f32 v8, v54;
	_ =	sdelay $0x1  }
0x37a: {  	v6 =	vadd.f32 v8, v6;
	_ =	sdelay $0x1  }
0x37b: {  	(xrf2) =	vadd.scan.msk.f32 $0xffff, v6;
	_ =	sdelay $0x9  }
0x37c: {  	v6, _, _ =	vpop (xrf2)  }
0x37d: {  	v6 =	vmul.f32 $1.442695020e+00, v6;
	_ =	sdelay $0x1  }
0x37e: {  	v6 =	vbroadcast v6, $0xF;
	_ =	sdelay $0x1  }
0x37f: {  	(erf) = vpow2.f32 v6;
	_ =	sdelay $0x8  }
0x380: {  	v6 =	vpop (erf)  }
0x381: {  	v4 =	vmul.f32 v6, v4  }
0x382: {  	v7 =	vmul.f32 v6, v49  }
0x383: {  	v57 =	vld [tilespmem:s0+$0xFFFFFFD0];
	[tilespmem:s0+$0xFFFFFFA0] =	vst v4  }
0x384: {  	[tilespmem:s0+$0xFFFFFFB0] =	vst v7;
	v4 =	vld [tilespmem:s0+$0xFFFFFFC0]  }
0x385: {  	v7 =	vld [tilespmem:s14+$0xFFFFFFC0]  }
0x386: {  	v58 =	vld [tilespmem:s14+$0xFFFFFFD0]  }
0x387: {  	v59 =	vld [tilespmem:s15+$0xFFFFFFC0]  }
0x388: {  	v60 =	vld [tilespmem:s15+$0xFFFFFFD0];
	_ =	sdelay $0x2  }
0x389: {  	v7 =	vadd.f32 v7, v4;
	v9 =	vadd.f32 v58, v57  }
0x38a: {  	v61 =	vld [tilespmem:$0x1FD40]  }
0x38b: {  	v62 =	vld [tilespmem:$0x1FD50];
	v7 =	vadd.f32 v59, v7;
	v9 =	vadd.f32 v60, v9;
	_ =	sdelay $0x1  }
0x38c: {  	v63 =	vmul.f32 $2.000000030e-01, v7;
	v16 =	vmul.f32 $2.000000030e-01, v9;
	_ =	sdelay $0x1  }
0x38d: {  	v7 =	vmax.f32 v7, v63;
	v9 =	vmax.f32 v9, v16  }
0x38e: {  	v7 =	vmul.f32 v7, v61;
	v9 =	vmul.f32 v9, v62;
	_ =	sdelay $0x1  }
0x38f: {  	v7 =	vadd.f32 v9, v7;
	_ =	sdelay $0x1  }
0x390: {  	(xrf2) =	vadd.scan.msk.f32 $0xffff, v7;
	_ =	sdelay $0x9  }
0x391: {  	v7, _, _ =	vpop (xrf2)  }
0x392: {  	v7 =	vmul.f32 $1.442695020e+00, v7;
	_ =	sdelay $0x1  }
0x393: {  	v7 =	vbroadcast v7, $0xF;
	_ =	sdelay $0x1  }
0x394: {  	(erf) = vpow2.f32 v7;
	_ =	sdelay $0x8  }
0x395: {  	v7 =	vpop (erf)  }
0x396: {  	v4 =	vmul.f32 v7, v4  }
0x397: {  	v8 =	vmul.f32 v7, v57  }
0x398: {  	v17 =	vld [tilespmem:s0+$0xFFFFFFF0];
	[tilespmem:s0+$0xFFFFFFC0] =	vst v4  }
0x399: {  	[tilespmem:s0+$0xFFFFFFD0] =	vst v8;
	v4 =	vld [tilespmem:s0+$0xFFFFFFE0]  }
0x39a: {  	v8 =	vld [tilespmem:s14+$0xFFFFFFE0]  }
0x39b: {  	v18 =	vld [tilespmem:s14+$0xFFFFFFF0]  }
0x39c: {  	v19 =	vld [tilespmem:s15+$0xFFFFFFE0]  }
0x39d: {  	v20 =	vld [tilespmem:s15+$0xFFFFFFF0];
	_ =	sdelay $0x2  }
0x39e: {  	v8 =	vadd.f32 v8, v4;
	v10 =	vadd.f32 v18, v17  }
0x39f: {  	v21 =	vld [tilespmem:$0x1FD60]  }
0x3a0: {  	v22 =	vld [tilespmem:$0x1FD70];
	v8 =	vadd.f32 v19, v8;
	v10 =	vadd.f32 v20, v10;
	_ =	sdelay $0x1  }
0x3a1: {  	v23 =	vmul.f32 $2.000000030e-01, v8;
	v24 =	vmul.f32 $2.000000030e-01, v10;
	_ =	sdelay $0x1  }
0x3a2: {  	v8 =	vmax.f32 v8, v23;
	v10 =	vmax.f32 v10, v24  }
0x3a3: {  	v8 =	vmul.f32 v8, v21;
	v10 =	vmul.f32 v10, v22;
	_ =	sdelay $0x1  }
0x3a4: {  	v8 =	vadd.f32 v10, v8;
	_ =	sdelay $0x1  }
0x3a5: {  	(xrf2) =	vadd.scan.msk.f32 $0xffff, v8;
	_ =	sdelay $0x9  }
0x3a6: {  	v8, _, _ =	vpop (xrf2)  }
0x3a7: {  	v8 =	vmul.f32 $1.442695020e+00, v8;
	_ =	sdelay $0x1  }
0x3a8: {  	v8 =	vbroadcast v8, $0xF;
	_ =	sdelay $0x1  }
0x3a9: {  	(erf) = vpow2.f32 v8;
	_ =	sdelay $0x8  }
0x3aa: {  	v8 =	vpop (erf)  }
0x3ab: {  	v4 =	vmul.f32 v8, v4  }
0x3ac: {  	v9 =	vmul.f32 v8, v17  }
0x3ad: {  	s4 =	sadd.s32 $0x1, s11;
	[tilespmem:s0+$0xFFFFFFE0] =	vst v4  }
0x3ae: {  	s2 =	smin.u32 s4, $0x18;
	[tilespmem:s0+$0xFFFFFFF0] =	vst v9  }
0x3af: {  	s10 =	smin.u32 s16, $0x18;
	v4 =	vld [tilespmem:s2+$0x19580]  }
0x3b0: {  	s18 =	ssub.s32 s11, s10  }
0x3b1: {  	s2 =	sadd.s32 $0x1, s18  }
0x3b2: {  	v25 =	vmov s2  }
0x3b3: {  	vm4 =	veq.s32 v25, v0  }
0x3b4: {  	v4 =	vnsel vm4, $0x0, v4  }
0x3b5: {  	(xrf0) =	vadd.scan.msk.s32 $0xffff, v4;
	_ =	sdelay $0x5  }
0x3b6: {  	v4, _, _ =	vpop (xrf0)  }
0x3b7: {  	(v2sf) =	vpush v4, $0xF;
	_ =	sdelay $0xe  }
0x3b8: {  	v4 =	vnsel vm0, $0x0, v5;
	s1 =	spop (v2sf)  }
0x3b9: {  	v4 =	vadd.f32 v3, v4;
	s10 =	sshra.s32 s1, $0x1F  }
0x3ba: {  	v5 =	vsel vm1, $0x0, v6;
	s4 =	sshrl.u32 s10, $0x1E  }
0x3bb: {  	v4 =	vadd.f32 v5, v4;
	v5 =	vld [tilespmem:s5+$0xFFFFFFF0];
	s4 =	sadd.s32 s4, s1  }
0x3bc: {  	v26 =	vsel vm2, $0x0, v7;
	s4 =	sand.u32 $0xFFFFFFFC, s4  }
0x3bd: {  	v4 =	vadd.f32 v26, v4;
	s2 =	ssub.s32 s1, s4  }
0x3be: {  	v27 =	vsel vm3, $0x0, v8;
	s4 =	simm.f32 $1.000000000e+00;
	p0 =	seq.s32 s2, $0x0  }
0x3bf: {  	v4 =	vadd.f32 v27, v4;
	s4 =	simm.s32 @!p0 $0x0  }
0x3c0: {  	s18 =	simm.f32 $1.000000000e+00;
	p0 =	seq.s32 s2, $0x1;
	v28 =	vmul.f32 s4, v5  }
0x3c1: {  	v29 =	vmul.f32 s4, v4;
	s18 =	simm.s32 @!p0 $0x0  }
0x3c2: {  	p0 =	seq.s32 s2, $0x2;
	s4 =	simm.f32 $1.000000000e+00;
	v30 =	vmul.f32 s18, v5;
	[tilespmem:s15+$0xFFFFFF80] =	vst v28  }
0x3c3: {  	v31 =	vmul.f32 s18, v4;
	s4 =	simm.s32 @!p0 $0x0;
	[tilespmem:s15+$0xFFFFFF90] =	vst v29  }
0x3c4: {  	p0 =	seq.s32 s2, $0x3;
	s2 =	simm.f32 $1.000000000e+00;
	v32 =	vmul.f32 s4, v5;
	[tilespmem:s15+$0xFFFFFFA0] =	vst v30  }
0x3c5: {  	v33 =	vmul.f32 s4, v4;
	s2 =	simm.s32 @!p0 $0x0;
	[tilespmem:s15+$0xFFFFFFB0] =	vst v31  }
0x3c6: {  	v5 =	vmul.f32 s2, v5;
	[tilespmem:s15+$0xFFFFFFC0] =	vst v32  }
0x3c7: {  	v4 =	vmul.f32 s2, v4;
	[tilespmem:s15+$0xFFFFFFD0] =	vst v33  }
0x3c8: {  	[tilespmem:s15+$0xFFFFFFE0] =	vst v5  }
0x3c9: {  	[tilespmem:s15+$0xFFFFFFF0] =	vst v4  }
0x3ca: {  	v4 =	vld [tilespmem:s0+$0x0]  }
0x3cb: {  	v5 =	vld [tilespmem:s14+$0x0]  }
0x3cc: {  	v6 =	vld [tilespmem:s0+$0x10]  }
0x3cd: {  	v7 =	vld [tilespmem:s14+$0x10]  }
0x3ce: {  	v34 =	vld [tilespmem:s15+$0x0]  }
0x3cf: {  	v35 =	vld [tilespmem:s15+$0x10];
	_ =	sdelay $0x2  }
0x3d0: {  	v5 =	vadd.f32 v5, v4;
	v7 =	vadd.f32 v7, v6  }
0x3d1: {  	v36 =	vld [tilespmem:$0x1FD00]  }
0x3d2: {  	v37 =	vld [tilespmem:$0x1FD10];
	v5 =	vadd.f32 v34, v5;
	v7 =	vadd.f32 v35, v7;
	_ =	sdelay $0x1  }
0x3d3: {  	v38 =	vmul.f32 $2.000000030e-01, v5;
	v39 =	vmul.f32 $2.000000030e-01, v7;
	_ =	sdelay $0x1  }
0x3d4: {  	v5 =	vmax.f32 v5, v38;
	v7 =	vmax.f32 v7, v39  }
0x3d5: {  	v5 =	vmul.f32 v5, v36;
	v7 =	vmul.f32 v7, v37;
	_ =	sdelay $0x1  }
0x3d6: {  	v5 =	vadd.f32 v7, v5;
	_ =	sdelay $0x1  }
0x3d7: {  	(xrf2) =	vadd.scan.msk.f32 $0xffff, v5;
	_ =	sdelay $0x9  }
0x3d8: {  	v5, _, _ =	vpop (xrf2)  }
0x3d9: {  	v5 =	vmul.f32 $1.442695020e+00, v5;
	_ =	sdelay $0x1  }
0x3da: {  	v5 =	vbroadcast v5, $0xF;
	_ =	sdelay $0x1  }
0x3db: {  	(erf) = vpow2.f32 v5;
	_ =	sdelay $0x8  }
0x3dc: {  	v5 =	vpop (erf)  }
0x3dd: {  	v4 =	vmul.f32 v5, v4  }
0x3de: {  	v6 =	vmul.f32 v5, v6  }
0x3df: {  	v40 =	vld [tilespmem:s0+$0x30];
	[tilespmem:s0+$0x0] =	vst v4  }
0x3e0: {  	[tilespmem:s0+$0x10] =	vst v6;
	v4 =	vld [tilespmem:s0+$0x20]  }
0x3e1: {  	v6 =	vld [tilespmem:s14+$0x20]  }
0x3e2: {  	v41 =	vld [tilespmem:s14+$0x30]  }
0x3e3: {  	v42 =	vld [tilespmem:s15+$0x20]  }
0x3e4: {  	v43 =	vld [tilespmem:s15+$0x30];
	_ =	sdelay $0x2  }
0x3e5: {  	v6 =	vadd.f32 v6, v4;
	v8 =	vadd.f32 v41, v40  }
0x3e6: {  	v44 =	vld [tilespmem:$0x1FD20]  }
0x3e7: {  	v45 =	vld [tilespmem:$0x1FD30];
	v6 =	vadd.f32 v42, v6;
	v8 =	vadd.f32 v43, v8;
	_ =	sdelay $0x1  }
0x3e8: {  	v46 =	vmul.f32 $2.000000030e-01, v6;
	v47 =	vmul.f32 $2.000000030e-01, v8;
	_ =	sdelay $0x1  }
0x3e9: {  	v6 =	vmax.f32 v6, v46;
	v8 =	vmax.f32 v8, v47  }
0x3ea: {  	v6 =	vmul.f32 v6, v44;
	v8 =	vmul.f32 v8, v45;
	_ =	sdelay $0x1  }
0x3eb: {  	v6 =	vadd.f32 v8, v6;
	_ =	sdelay $0x1  }
0x3ec: {  	(xrf2) =	vadd.scan.msk.f32 $0xffff, v6;
	_ =	sdelay $0x9  }
0x3ed: {  	v6, _, _ =	vpop (xrf2)  }
0x3ee: {  	v6 =	vmul.f32 $1.442695020e+00, v6;
	_ =	sdelay $0x1  }
0x3ef: {  	v6 =	vbroadcast v6, $0xF;
	_ =	sdelay $0x1  }
0x3f0: {  	(erf) = vpow2.f32 v6;
	_ =	sdelay $0x8  }
0x3f1: {  	v6 =	vpop (erf)  }
0x3f2: {  	v4 =	vmul.f32 v6, v4  }
0x3f3: {  	v7 =	vmul.f32 v6, v40  }
0x3f4: {  	v48 =	vld [tilespmem:s0+$0x50];
	[tilespmem:s0+$0x20] =	vst v4  }
0x3f5: {  	[tilespmem:s0+$0x30] =	vst v7;
	v4 =	vld [tilespmem:s0+$0x40]  }
0x3f6: {  	v7 =	vld [tilespmem:s14+$0x40]  }
0x3f7: {  	v49 =	vld [tilespmem:s14+$0x50]  }
0x3f8: {  	v50 =	vld [tilespmem:s15+$0x40]  }
0x3f9: {  	v51 =	vld [tilespmem:s15+$0x50];
	_ =	sdelay $0x2  }
0x3fa: {  	v7 =	vadd.f32 v7, v4;
	v9 =	vadd.f32 v49, v48  }
0x3fb: {  	v52 =	vld [tilespmem:$0x1FD40]  }
0x3fc: {  	v53 =	vld [tilespmem:$0x1FD50];
	v7 =	vadd.f32 v50, v7;
	v9 =	vadd.f32 v51, v9;
	_ =	sdelay $0x1  }
0x3fd: {  	v54 =	vmul.f32 $2.000000030e-01, v7;
	v55 =	vmul.f32 $2.000000030e-01, v9;
	_ =	sdelay $0x1  }
0x3fe: {  	v7 =	vmax.f32 v7, v54;
	v9 =	vmax.f32 v9, v55  }
0x3ff: {  	v7 =	vmul.f32 v7, v52;
	v9 =	vmul.f32 v9, v53;
	_ =	sdelay $0x1  }
0x400: {  	v7 =	vadd.f32 v9, v7;
	_ =	sdelay $0x1  }
0x401: {  	(xrf2) =	vadd.scan.msk.f32 $0xffff, v7;
	_ =	sdelay $0x9  }
0x402: {  	v7, _, _ =	vpop (xrf2)  }
0x403: {  	v7 =	vmul.f32 $1.442695020e+00, v7;
	_ =	sdelay $0x1  }
0x404: {  	v7 =	vbroadcast v7, $0xF;
	_ =	sdelay $0x1  }
0x405: {  	(erf) = vpow2.f32 v7;
	_ =	sdelay $0x8  }
0x406: {  	v7 =	vpop (erf)  }
0x407: {  	v4 =	vmul.f32 v7, v4  }
0x408: {  	v8 =	vmul.f32 v7, v48  }
0x409: {  	v56 =	vld [tilespmem:s0+$0x70];
	[tilespmem:s0+$0x40] =	vst v4  }
0x40a: {  	[tilespmem:s0+$0x50] =	vst v8;
	v4 =	vld [tilespmem:s0+$0x60]  }
0x40b: {  	v8 =	vld [tilespmem:s14+$0x60]  }
0x40c: {  	v57 =	vld [tilespmem:s14+$0x70]  }
0x40d: {  	v58 =	vld [tilespmem:s15+$0x60]  }
0x40e: {  	v59 =	vld [tilespmem:s15+$0x70];
	_ =	sdelay $0x2  }
0x40f: {  	v8 =	vadd.f32 v8, v4;
	v10 =	vadd.f32 v57, v56  }
0x410: {  	v60 =	vld [tilespmem:$0x1FD60]  }
0x411: {  	v61 =	vld [tilespmem:$0x1FD70];
	v8 =	vadd.f32 v58, v8;
	v10 =	vadd.f32 v59, v10;
	_ =	sdelay $0x1  }
0x412: {  	v62 =	vmul.f32 $2.000000030e-01, v8;
	v63 =	vmul.f32 $2.000000030e-01, v10;
	_ =	sdelay $0x1  }
0x413: {  	v8 =	vmax.f32 v8, v62;
	v10 =	vmax.f32 v10, v63  }
0x414: {  	v8 =	vmul.f32 v8, v60;
	v10 =	vmul.f32 v10, v61;
	_ =	sdelay $0x1  }
0x415: {  	v8 =	vadd.f32 v10, v8;
	_ =	sdelay $0x1  }
0x416: {  	(xrf2) =	vadd.scan.msk.f32 $0xffff, v8;
	_ =	sdelay $0x9  }
0x417: {  	v8, _, _ =	vpop (xrf2)  }
0x418: {  	v8 =	vmul.f32 $1.442695020e+00, v8;
	_ =	sdelay $0x1  }
0x419: {  	v8 =	vbroadcast v8, $0xF;
	_ =	sdelay $0x1  }
0x41a: {  	(erf) = vpow2.f32 v8;
	_ =	sdelay $0x8  }
0x41b: {  	v8 =	vpop (erf)  }
0x41c: {  	v4 =	vmul.f32 v8, v4  }
0x41d: {  	v9 =	vmul.f32 v8, v56  }
0x41e: {  	s18 =	sadd.s32 $0x2, s11;
	[tilespmem:s0+$0x60] =	vst v4  }
0x41f: {  	s2 =	smin.u32 s18, $0x18;
	[tilespmem:s0+$0x70] =	vst v9  }
0x420: {  	s1 =	smin.u32 s12, $0x18;
	v4 =	vld [tilespmem:s2+$0x19580]  }
0x421: {  	s10 =	ssub.s32 s11, s1  }
0x422: {  	s2 =	sadd.s32 $0x2, s10  }
0x423: {  	v16 =	vmov s2  }
0x424: {  	vm4 =	veq.s32 v16, v0  }
0x425: {  	v4 =	vnsel vm4, $0x0, v4  }
0x426: {  	(xrf0) =	vadd.scan.msk.s32 $0xffff, v4;
	_ =	sdelay $0x5  }
0x427: {  	v4, _, _ =	vpop (xrf0)  }
0x428: {  	(v2sf) =	vpush v4, $0xF;
	_ =	sdelay $0xe  }
0x429: {  	v4 =	vnsel vm0, $0x0, v5;
	s18 =	spop (v2sf)  }
0x42a: {  	v4 =	vadd.f32 v3, v4;
	s1 =	sshra.s32 s18, $0x1F  }
0x42b: {  	v5 =	vsel vm1, $0x0, v6;
	s4 =	sshrl.u32 s1, $0x1E  }
0x42c: {  	v4 =	vadd.f32 v5, v4;
	v5 =	vld [tilespmem:s5+$0x0];
	s4 =	sadd.s32 s4, s18  }
0x42d: {  	v17 =	vsel vm2, $0x0, v7;
	s4 =	sand.u32 $0xFFFFFFFC, s4  }
0x42e: {  	v4 =	vadd.f32 v17, v4;
	s2 =	ssub.s32 s18, s4  }
0x42f: {  	v18 =	vsel vm3, $0x0, v8;
	s4 =	simm.f32 $1.000000000e+00;
	p0 =	seq.s32 s2, $0x0  }
0x430: {  	v4 =	vadd.f32 v18, v4;
	s4 =	simm.s32 @!p0 $0x0  }
0x431: {  	s18 =	simm.f32 $1.000000000e+00;
	p0 =	seq.s32 s2, $0x1;
	v19 =	vmul.f32 s4, v5  }
0x432: {  	v20 =	vmul.f32 s4, v4;
	s18 =	simm.s32 @!p0 $0x0  }
0x433: {  	p0 =	seq.s32 s2, $0x2;
	s4 =	simm.f32 $1.000000000e+00;
	v21 =	vmul.f32 s18, v5;
	[tilespmem:s15+$0x0] =	vst v19  }
0x434: {  	v22 =	vmul.f32 s18, v4;
	s4 =	simm.s32 @!p0 $0x0;
	[tilespmem:s15+$0x10] =	vst v20  }
0x435: {  	p0 =	seq.s32 s2, $0x3;
	s2 =	simm.f32 $1.000000000e+00;
	v23 =	vmul.f32 s4, v5;
	[tilespmem:s15+$0x20] =	vst v21  }
0x436: {  	v24 =	vmul.f32 s4, v4;
	s2 =	simm.s32 @!p0 $0x0;
	[tilespmem:s15+$0x30] =	vst v22  }
0x437: {  	v5 =	vmul.f32 s2, v5;
	[tilespmem:s15+$0x40] =	vst v23  }
0x438: {  	v4 =	vmul.f32 s2, v4;
	[tilespmem:s15+$0x50] =	vst v24  }
0x439: {  	[tilespmem:s15+$0x60] =	vst v5  }
0x43a: {  	[tilespmem:s15+$0x70] =	vst v4  }
0x43b: {  	v4 =	vld [tilespmem:s0+$0x80]  }
0x43c: {  	v5 =	vld [tilespmem:s14+$0x80]  }
0x43d: {  	v6 =	vld [tilespmem:s0+$0x90]  }
0x43e: {  	v7 =	vld [tilespmem:s14+$0x90]  }
0x43f: {  	v25 =	vld [tilespmem:s15+$0x80]  }
0x440: {  	v26 =	vld [tilespmem:s15+$0x90];
	_ =	sdelay $0x2  }
0x441: {  	v5 =	vadd.f32 v5, v4;
	v7 =	vadd.f32 v7, v6  }
0x442: {  	v27 =	vld [tilespmem:$0x1FD00]  }
0x443: {  	v28 =	vld [tilespmem:$0x1FD10];
	v5 =	vadd.f32 v25, v5;
	v7 =	vadd.f32 v26, v7;
	_ =	sdelay $0x1  }
0x444: {  	v29 =	vmul.f32 $2.000000030e-01, v5;
	v30 =	vmul.f32 $2.000000030e-01, v7;
	_ =	sdelay $0x1  }
0x445: {  	v5 =	vmax.f32 v5, v29;
	v7 =	vmax.f32 v7, v30  }
0x446: {  	v5 =	vmul.f32 v5, v27;
	v7 =	vmul.f32 v7, v28;
	_ =	sdelay $0x1  }
0x447: {  	v5 =	vadd.f32 v7, v5;
	_ =	sdelay $0x1  }
0x448: {  	(xrf2) =	vadd.scan.msk.f32 $0xffff, v5;
	_ =	sdelay $0x9  }
0x449: {  	v5, _, _ =	vpop (xrf2)  }
0x44a: {  	v5 =	vmul.f32 $1.442695020e+00, v5;
	_ =	sdelay $0x1  }
0x44b: {  	v5 =	vbroadcast v5, $0xF;
	_ =	sdelay $0x1  }
0x44c: {  	(erf) = vpow2.f32 v5;
	_ =	sdelay $0x8  }
0x44d: {  	v5 =	vpop (erf)  }
0x44e: {  	v4 =	vmul.f32 v5, v4  }
0x44f: {  	v6 =	vmul.f32 v5, v6  }
0x450: {  	v31 =	vld [tilespmem:s0+$0xB0];
	[tilespmem:s0+$0x80] =	vst v4  }
0x451: {  	[tilespmem:s0+$0x90] =	vst v6;
	v4 =	vld [tilespmem:s0+$0xA0]  }
0x452: {  	v6 =	vld [tilespmem:s14+$0xA0]  }
0x453: {  	v32 =	vld [tilespmem:s14+$0xB0]  }
0x454: {  	v33 =	vld [tilespmem:s15+$0xA0]  }
0x455: {  	v34 =	vld [tilespmem:s15+$0xB0];
	_ =	sdelay $0x2  }
0x456: {  	v6 =	vadd.f32 v6, v4;
	v8 =	vadd.f32 v32, v31  }
0x457: {  	v35 =	vld [tilespmem:$0x1FD20]  }
0x458: {  	v36 =	vld [tilespmem:$0x1FD30];
	v6 =	vadd.f32 v33, v6;
	v8 =	vadd.f32 v34, v8;
	_ =	sdelay $0x1  }
0x459: {  	v37 =	vmul.f32 $2.000000030e-01, v6;
	v38 =	vmul.f32 $2.000000030e-01, v8;
	_ =	sdelay $0x1  }
0x45a: {  	v6 =	vmax.f32 v6, v37;
	v8 =	vmax.f32 v8, v38  }
0x45b: {  	v6 =	vmul.f32 v6, v35;
	v8 =	vmul.f32 v8, v36;
	_ =	sdelay $0x1  }
0x45c: {  	v6 =	vadd.f32 v8, v6;
	_ =	sdelay $0x1  }
0x45d: {  	(xrf2) =	vadd.scan.msk.f32 $0xffff, v6;
	_ =	sdelay $0x9  }
0x45e: {  	v6, _, _ =	vpop (xrf2)  }
0x45f: {  	v6 =	vmul.f32 $1.442695020e+00, v6;
	_ =	sdelay $0x1  }
0x460: {  	v6 =	vbroadcast v6, $0xF;
	_ =	sdelay $0x1  }
0x461: {  	(erf) = vpow2.f32 v6;
	_ =	sdelay $0x8  }
0x462: {  	v6 =	vpop (erf)  }
0x463: {  	v4 =	vmul.f32 v6, v4  }
0x464: {  	v7 =	vmul.f32 v6, v31  }
0x465: {  	v39 =	vld [tilespmem:s0+$0xD0];
	[tilespmem:s0+$0xA0] =	vst v4  }
0x466: {  	[tilespmem:s0+$0xB0] =	vst v7;
	v4 =	vld [tilespmem:s0+$0xC0]  }
0x467: {  	v7 =	vld [tilespmem:s14+$0xC0]  }
0x468: {  	v40 =	vld [tilespmem:s14+$0xD0]  }
0x469: {  	v41 =	vld [tilespmem:s15+$0xC0]  }
0x46a: {  	v42 =	vld [tilespmem:s15+$0xD0];
	_ =	sdelay $0x2  }
0x46b: {  	v7 =	vadd.f32 v7, v4;
	v9 =	vadd.f32 v40, v39  }
0x46c: {  	v43 =	vld [tilespmem:$0x1FD40]  }
0x46d: {  	v44 =	vld [tilespmem:$0x1FD50];
	v7 =	vadd.f32 v41, v7;
	v9 =	vadd.f32 v42, v9;
	_ =	sdelay $0x1  }
0x46e: {  	v45 =	vmul.f32 $2.000000030e-01, v7;
	v46 =	vmul.f32 $2.000000030e-01, v9;
	_ =	sdelay $0x1  }
0x46f: {  	v7 =	vmax.f32 v7, v45;
	v9 =	vmax.f32 v9, v46  }
0x470: {  	v7 =	vmul.f32 v7, v43;
	v9 =	vmul.f32 v9, v44;
	_ =	sdelay $0x1  }
0x471: {  	v7 =	vadd.f32 v9, v7;
	_ =	sdelay $0x1  }
0x472: {  	(xrf2) =	vadd.scan.msk.f32 $0xffff, v7;
	_ =	sdelay $0x9  }
0x473: {  	v7, _, _ =	vpop (xrf2)  }
0x474: {  	v7 =	vmul.f32 $1.442695020e+00, v7;
	_ =	sdelay $0x1  }
0x475: {  	v7 =	vbroadcast v7, $0xF;
	_ =	sdelay $0x1  }
0x476: {  	(erf) = vpow2.f32 v7;
	_ =	sdelay $0x8  }
0x477: {  	v7 =	vpop (erf)  }
0x478: {  	v4 =	vmul.f32 v7, v4  }
0x479: {  	v8 =	vmul.f32 v7, v39  }
0x47a: {  	v47 =	vld [tilespmem:s0+$0xF0];
	[tilespmem:s0+$0xC0] =	vst v4  }
0x47b: {  	[tilespmem:s0+$0xD0] =	vst v8;
	v4 =	vld [tilespmem:s0+$0xE0]  }
0x47c: {  	v8 =	vld [tilespmem:s14+$0xE0]  }
0x47d: {  	v48 =	vld [tilespmem:s14+$0xF0]  }
0x47e: {  	v49 =	vld [tilespmem:s15+$0xE0]  }
0x47f: {  	v50 =	vld [tilespmem:s15+$0xF0];
	_ =	sdelay $0x2  }
0x480: {  	v8 =	vadd.f32 v8, v4;
	v10 =	vadd.f32 v48, v47  }
0x481: {  	v51 =	vld [tilespmem:$0x1FD60]  }
0x482: {  	v52 =	vld [tilespmem:$0x1FD70];
	v8 =	vadd.f32 v49, v8;
	v10 =	vadd.f32 v50, v10;
	_ =	sdelay $0x1  }
0x483: {  	v53 =	vmul.f32 $2.000000030e-01, v8;
	v54 =	vmul.f32 $2.000000030e-01, v10;
	_ =	sdelay $0x1  }
0x484: {  	v8 =	vmax.f32 v8, v53;
	v10 =	vmax.f32 v10, v54  }
0x485: {  	v8 =	vmul.f32 v8, v51;
	v10 =	vmul.f32 v10, v52;
	_ =	sdelay $0x1  }
0x486: {  	v8 =	vadd.f32 v10, v8;
	_ =	sdelay $0x1  }
0x487: {  	(xrf2) =	vadd.scan.msk.f32 $0xffff, v8;
	_ =	sdelay $0x9  }
0x488: {  	v8, _, _ =	vpop (xrf2)  }
0x489: {  	v8 =	vmul.f32 $1.442695020e+00, v8;
	_ =	sdelay $0x1  }
0x48a: {  	v8 =	vbroadcast v8, $0xF;
	_ =	sdelay $0x1  }
0x48b: {  	(erf) = vpow2.f32 v8;
	_ =	sdelay $0x8  }
0x48c: {  	v8 =	vpop (erf)  }
0x48d: {  	v4 =	vmul.f32 v8, v4  }
0x48e: {  	v9 =	vmul.f32 v8, v47  }
0x48f: {  	s4 =	sadd.s32 $0x3, s11;
	[tilespmem:s0+$0xE0] =	vst v4  }
0x490: {  	s2 =	smin.u32 s4, $0x18;
	[tilespmem:s0+$0xF0] =	vst v9  }
0x491: {  	s10 =	smin.u32 s17, $0x18;
	v4 =	vld [tilespmem:s2+$0x19580]  }
0x492: {  	s18 =	ssub.s32 s11, s10  }
0x493: {  	s2 =	sadd.s32 $0x3, s18  }
0x494: {  	v55 =	vmov s2  }
0x495: {  	vm4 =	veq.s32 v55, v0  }
0x496: {  	v4 =	vnsel vm4, $0x0, v4  }
0x497: {  	(xrf0) =	vadd.scan.msk.s32 $0xffff, v4;
	_ =	sdelay $0x5  }
0x498: {  	v4, _, _ =	vpop (xrf0)  }
0x499: {  	(v2sf) =	vpush v4, $0xF;
	_ =	sdelay $0xe  }
0x49a: {  	v4 =	vnsel vm0, $0x0, v5;
	s1 =	spop (v2sf)  }
0x49b: {  	v4 =	vadd.f32 v3, v4;
	s10 =	sshra.s32 s1, $0x1F  }
0x49c: {  	v5 =	vsel vm1, $0x0, v6;
	s4 =	sshrl.u32 s10, $0x1E  }
0x49d: {  	v4 =	vadd.f32 v5, v4;
	v5 =	vld [tilespmem:s5+$0x10];
	s4 =	sadd.s32 s4, s1  }
0x49e: {  	v56 =	vsel vm2, $0x0, v7;
	s4 =	sand.u32 $0xFFFFFFFC, s4  }
0x49f: {  	v4 =	vadd.f32 v56, v4;
	s2 =	ssub.s32 s1, s4  }
0x4a0: {  	v57 =	vsel vm3, $0x0, v8;
	s4 =	simm.f32 $1.000000000e+00;
	p0 =	seq.s32 s2, $0x0  }
0x4a1: {  	v4 =	vadd.f32 v57, v4;
	s4 =	simm.s32 @!p0 $0x0  }
0x4a2: {  	s18 =	simm.f32 $1.000000000e+00;
	p0 =	seq.s32 s2, $0x1;
	v58 =	vmul.f32 s4, v5  }
0x4a3: {  	v59 =	vmul.f32 s4, v4;
	s18 =	simm.s32 @!p0 $0x0  }
0x4a4: {  	p0 =	seq.s32 s2, $0x2;
	s4 =	simm.f32 $1.000000000e+00;
	v60 =	vmul.f32 s18, v5;
	[tilespmem:s15+$0x80] =	vst v58  }
0x4a5: {  	v61 =	vmul.f32 s18, v4;
	s4 =	simm.s32 @!p0 $0x0;
	p0 =	seq.s32 s2, $0x3;
	s2 =	simm.f32 $1.000000000e+00;
	[tilespmem:s15+$0x90] =	vst v59  }
0x4a6: {  	v62 =	vmul.f32 s4, v5;
	s2 =	simm.s32 @!p0 $0x0;
	p0 =	slt.u32 s11, $0x24;
	[tilespmem:s15+$0xA0] =	vst v60  }
.Ltmp1:
0x4a7: {  	v63 =	vmul.f32 s4, v4;
	[tilespmem:s15+$0xB0] =	vst v61;
	(pc) =	sbr.rel @p0 .LBB2_5-.Ltmp1, $4  }
0x4a8: {  	v5 =	vmul.f32 s2, v5;
	[tilespmem:s15+$0xC0] =	vst v62  }
0x4a9: {  	s16 =	sadd.s32 $0x4, s16;
	s12 =	sadd.s32 $0x4, s12;
	s17 =	sadd.s32 $0x4, s17;
	v4 =	vmul.f32 s2, v4;
	[tilespmem:s15+$0xD0] =	vst v63  }
0x4aa: {  	s14 =	sadd.s32 $0x200, s14;
	s0 =	sadd.s32 $0x200, s0;
	s18 =	sadd.s32 $0x4, s11;
	[tilespmem:s15+$0xE0] =	vst v5  }
0x4ab: {  	s5 =	sadd.s32 $0x40, s5;
	s11 =	smov.u32 s18;
	[tilespmem:s15+$0xF0] =	vst v4;
	s15 =	sadd.s32 $0x200, s15  }
0x4ac: {  	[spmem:s22] =	stream.indirect.scatter.add.f32 [tilespmem:s26], [sflag:$0x5], $0x80, s25, s23, $0xb8;
	[tilespmem:$0x1FD80] =	vst v63  }
0x4ad: {  	s3 =	sadd.s32 $0x1, s3;
	_ =	swait.ge [sflag:s20], $0x1400  }
0x4ae: {  	p0 =	sne.s32 s3, $0x7D;
	[sflag:s20] =	ssyncset.done $0x0  }
.Ltmp2:
0x4af: {  	[sflag:s20] =	ssyncadd.s32 $0xFFFFEC00;
	(pc) =	sbr.rel @p0 .LBB2_2-.Ltmp2, $4  }
0x4b0: {  	[spmem:s9] =	stream.indirect.scatter.add.f32 [tilespmem:s29], [sflag:$0x5], $0x80, s30, s23, $0xb8;
	[tilespmem:$0x1FD80] =	vst v63  }
0x4b1: {  	_ =	swait.ge [sflag:s20], $0x1400  }
0x4b2: {  	[sflag:s20] =	ssyncset.done $0x0  }
0x4b3: {  	[sflag:s20] =	ssyncadd.s32 $0xFFFFEC00  }
0x4b4: {  	[bflag:$0x0] =	sbarrier.arrive $0xFFFF  }
0x4b5: {  	s0 =	rddreg [dreg:$0x9]  }
0x4b6: {  	[tilespmem:s19], [sflag:$0x5] =	stream.linear.gather [spmem:s0], $0x1400, $0x38;
	[tilespmem:$0x1FD80] =	vst v63  }
0x4b7: {  	_ =	swait.ge [sflag:s20], $0x1400  }
0x4b8: {  	[sflag:s20] =	ssyncset.done $0x0  }
0x4b9: {  	s4 =	simm.s32 $0x0;
	s26 =	rddreg [dreg:$0xd];
	[sflag:s20] =	ssyncadd.s32 $0xFFFFEC00  }
0x4ba: {  	[hbm4b:s26+s4] =	stream.linear.scatter [tilespmem:s19], [sflag:$0x5], $0x1400, $0x38;
	[tilespmem:$0x1FD80] =	vst v63  }
0x4bb: {  	_ =	swait.ge [sflag:s20], $0x1400  }
0x4bc: {  	s1 =	sld [smem:$0x7F0]  }
0x4bd: {  	[sflag:s20] =	ssyncset.done $0x0  }
0x4be: {  	[sflag:s20] =	ssyncadd.s32 $0xFFFFEC00  }
0x4bf: {  	[tilespmem:s19], [sflag:$0x5] =	stream.linear.gather [spmem:s1], $0x1400, $0x38;
	[tilespmem:$0x1FD80] =	vst v63  }
0x4c0: {  	_ =	swait.ge [sflag:s20], $0x1400  }
0x4c1: {  	[sflag:s20] =	ssyncset.done $0x0  }
0x4c2: {  	s2 =	rddreg [dreg:$0xe];
	[sflag:s20] =	ssyncadd.s32 $0xFFFFEC00  }
0x4c3: {  	[hbm4b:s2+s4] =	stream.linear.scatter [tilespmem:s19], [sflag:$0x5], $0x1400, $0x38;
	[tilespmem:$0x1FD80] =	vst v63  }
0x4c4: {  	_ =	swait.ge [sflag:s20], $0x1400  }
0x4c5: {  	s3 =	sld [smem:$0x7EB]  }
0x4c6: {  	[sflag:s20] =	ssyncset.done $0x0  }
0x4c7: {  	[sflag:s20] =	ssyncadd.s32 $0xFFFFEC00  }
0x4c8: {  	[tilespmem:s19], [sflag:$0x5] =	stream.linear.gather [spmem:s3], $0x1400, $0x38;
	[tilespmem:$0x1FD80] =	vst v63  }
0x4c9: {  	_ =	swait.ge [sflag:s20], $0x1400  }
0x4ca: {  	[sflag:s20] =	ssyncset.done $0x0  }
0x4cb: {  	s5 =	rddreg [dreg:$0xf];
	[sflag:s20] =	ssyncadd.s32 $0xFFFFEC00  }
0x4cc: {  	[hbm4b:s5+s4] =	stream.linear.scatter [tilespmem:s19], [sflag:$0x5], $0x1400, $0x38;
	[tilespmem:$0x1FD80] =	vst v63  }
0x4cd: {  	_ =	swait.ge [sflag:s20], $0x1400  }
0x4ce: {  	s10 =	sld [smem:$0x7EC]  }
0x4cf: {  	[sflag:s20] =	ssyncset.done $0x0  }
0x4d0: {  	[sflag:s20] =	ssyncadd.s32 $0xFFFFEC00  }
0x4d1: {  	[tilespmem:s19], [sflag:$0x5] =	stream.linear.gather [spmem:s10], $0x1400, $0x38;
	[tilespmem:$0x1FD80] =	vst v63  }
0x4d2: {  	_ =	swait.ge [sflag:s20], $0x1400  }
0x4d3: {  	[sflag:s20] =	ssyncset.done $0x0  }
0x4d4: {  	s11 =	rddreg [dreg:$0x10];
	[sflag:s20] =	ssyncadd.s32 $0xFFFFEC00  }
0x4d5: {  	[hbm4b:s11+s4] =	stream.linear.scatter [tilespmem:s19], [sflag:$0x5], $0x1400, $0x38;
	[tilespmem:$0x1FD80] =	vst v63  }
0x4d6: {  	_ =	swait.ge [sflag:s20], $0x1400  }
0x4d7: {  	s12 =	sld [smem:$0x7ED]  }
0x4d8: {  	[sflag:s20] =	ssyncset.done $0x0  }
0x4d9: {  	[sflag:s20] =	ssyncadd.s32 $0xFFFFEC00  }
0x4da: {  	[tilespmem:s19], [sflag:$0x5] =	stream.linear.gather [spmem:s12], $0x1400, $0x38;
	[tilespmem:$0x1FD80] =	vst v63  }
0x4db: {  	_ =	swait.ge [sflag:s20], $0x1400  }
0x4dc: {  	[sflag:s20] =	ssyncset.done $0x0  }
0x4dd: {  	s14 =	rddreg [dreg:$0x11];
	[sflag:s20] =	ssyncadd.s32 $0xFFFFEC00  }
0x4de: {  	[hbm4b:s14+s4] =	stream.linear.scatter [tilespmem:s19], [sflag:$0x5], $0x1400, $0x38;
	[tilespmem:$0x1FD80] =	vst v63  }
0x4df: {  	_ =	swait.ge [sflag:s20], $0x1400  }
0x4e0: {  	s15 =	sld [smem:$0x7EE]  }
0x4e1: {  	[sflag:s20] =	ssyncset.done $0x0  }
0x4e2: {  	[sflag:s20] =	ssyncadd.s32 $0xFFFFEC00  }
0x4e3: {  	[tilespmem:s19], [sflag:$0x5] =	stream.linear.gather [spmem:s15], $0x1400, $0x38;
	[tilespmem:$0x1FD80] =	vst v63  }
0x4e4: {  	_ =	swait.ge [sflag:s20], $0x1400  }
0x4e5: {  	[sflag:s20] =	ssyncset.done $0x0  }
0x4e6: {  	s16 =	rddreg [dreg:$0x12];
	[sflag:s20] =	ssyncadd.s32 $0xFFFFEC00  }
0x4e7: {  	[hbm4b:s16+s4] =	stream.linear.scatter [tilespmem:s19], [sflag:$0x5], $0x1400, $0x38;
	[tilespmem:$0x1FD80] =	vst v63  }
0x4e8: {  	_ =	swait.ge [sflag:s20], $0x1400  }
0x4e9: {  	s14 =	sld [smem:$0x7F1]  }
0x4ea: {  	[sflag:s20] =	ssyncset.done $0x0  }
0x4eb: {  	[sflag:s20] =	ssyncadd.s32 $0xFFFFEC00  }
0x4ec: {  	[tilespmem:s19], [sflag:$0x5] =	stream.linear.gather [spmem:s14], $0x1400, $0x38;
	[tilespmem:$0x1FD80] =	vst v63  }
0x4ed: {  	_ =	swait.ge [sflag:s20], $0x1400  }
0x4ee: {  	[sflag:s20] =	ssyncset.done $0x0  }
0x4ef: {  	s17 =	rddreg [dreg:$0x13];
	[sflag:s20] =	ssyncadd.s32 $0xFFFFEC00  }
0x4f0: {  	[hbm4b:s17+s4] =	stream.linear.scatter [tilespmem:s19], [sflag:$0x5], $0x1400, $0x38;
	[tilespmem:$0x1FD80] =	vst v63  }
0x4f1: {  	_ =	swait.ge [sflag:s20], $0x1400  }
0x4f2: {  	s15 =	sld [smem:$0x7F2]  }
0x4f3: {  	[sflag:s20] =	ssyncset.done $0x0  }
0x4f4: {  	[sflag:s20] =	ssyncadd.s32 $0xFFFFEC00  }
0x4f5: {  	[tilespmem:s19], [sflag:$0x5] =	stream.linear.gather [spmem:s15], $0x1400, $0x38;
	[tilespmem:$0x1FD80] =	vst v63  }
0x4f6: {  	_ =	swait.ge [sflag:s20], $0x1400  }
0x4f7: {  	[sflag:s20] =	ssyncset.done $0x0  }
0x4f8: {  	s18 =	rddreg [dreg:$0x14];
	[sflag:s20] =	ssyncadd.s32 $0xFFFFEC00  }
0x4f9: {  	[hbm4b:s18+s4] =	stream.linear.scatter [tilespmem:s19], [sflag:$0x5], $0x1400, $0x38;
	[tilespmem:$0x1FD80] =	vst v63  }
0x4fa: {  	_ =	swait.ge [sflag:s20], $0x1400  }
0x4fb: {  	s16 =	sld [smem:$0x7F3]  }
0x4fc: {  	[sflag:s20] =	ssyncset.done $0x0  }
0x4fd: {  	[sflag:s20] =	ssyncadd.s32 $0xFFFFEC00  }
0x4fe: {  	[tilespmem:s19], [sflag:$0x5] =	stream.linear.gather [spmem:s16], $0x1400, $0x38;
	[tilespmem:$0x1FD80] =	vst v63  }
0x4ff: {  	_ =	swait.ge [sflag:s20], $0x1400  }
0x500: {  	[sflag:s20] =	ssyncset.done $0x0  }
0x501: {  	s21 =	rddreg [dreg:$0x15];
	[sflag:s20] =	ssyncadd.s32 $0xFFFFEC00  }
0x502: {  	[hbm4b:s21+s4] =	stream.linear.scatter [tilespmem:s19], [sflag:$0x5], $0x1400, $0x38;
	[tilespmem:$0x1FD80] =	vst v63  }
0x503: {  	_ =	swait.ge [sflag:s20], $0x1400  }
0x504: {  	s17 =	sld [smem:$0x7F4]  }
0x505: {  	[sflag:s20] =	ssyncset.done $0x0  }
0x506: {  	[sflag:s20] =	ssyncadd.s32 $0xFFFFEC00  }
0x507: {  	[tilespmem:s19], [sflag:$0x5] =	stream.linear.gather [spmem:s17], $0x1400, $0x38;
	[tilespmem:$0x1FD80] =	vst v63  }
0x508: {  	_ =	swait.ge [sflag:s20], $0x1400  }
0x509: {  	[sflag:s20] =	ssyncset.done $0x0  }
0x50a: {  	s26 =	rddreg [dreg:$0x16];
	[sflag:s20] =	ssyncadd.s32 $0xFFFFEC00  }
0x50b: {  	[hbm4b:s26+s4] =	stream.linear.scatter [tilespmem:s19], [sflag:$0x5], $0x1400, $0x38;
	[tilespmem:$0x1FD80] =	vst v63  }
0x50c: {  	_ =	swait.ge [sflag:s20], $0x1400  }
0x50d: {  	s18 =	sld [smem:$0x7F5]  }
0x50e: {  	[sflag:s20] =	ssyncset.done $0x0  }
0x50f: {  	[sflag:s20] =	ssyncadd.s32 $0xFFFFEC00  }
0x510: {  	[tilespmem:s19], [sflag:$0x5] =	stream.linear.gather [spmem:s18], $0x1400, $0x38;
	[tilespmem:$0x1FD80] =	vst v63  }
0x511: {  	_ =	swait.ge [sflag:s20], $0x1400  }
0x512: {  	[sflag:s20] =	ssyncset.done $0x0  }
0x513: {  	s1 =	rddreg [dreg:$0x17];
	[sflag:s20] =	ssyncadd.s32 $0xFFFFEC00  }
0x514: {  	[hbm4b:s1+s4] =	stream.linear.scatter [tilespmem:s19], [sflag:$0x5], $0x1400, $0x38;
	[tilespmem:$0x1FD80] =	vst v63  }
0x515: {  	_ =	swait.ge [sflag:s20], $0x1400  }
0x516: {  	s26 =	sld [smem:$0x7F6]  }
0x517: {  	[sflag:s20] =	ssyncset.done $0x0  }
0x518: {  	[sflag:s20] =	ssyncadd.s32 $0xFFFFEC00  }
0x519: {  	[tilespmem:s19], [sflag:$0x5] =	stream.linear.gather [spmem:s26], $0x1400, $0x38;
	[tilespmem:$0x1FD80] =	vst v63  }
0x51a: {  	_ =	swait.ge [sflag:s20], $0x1400  }
0x51b: {  	[sflag:s20] =	ssyncset.done $0x0  }
0x51c: {  	s2 =	rddreg [dreg:$0x18];
	[sflag:s20] =	ssyncadd.s32 $0xFFFFEC00  }
0x51d: {  	[hbm4b:s2+s4] =	stream.linear.scatter [tilespmem:s19], [sflag:$0x5], $0x1400, $0x38;
	[tilespmem:$0x1FD80] =	vst v63  }
0x51e: {  	_ =	swait.ge [sflag:s20], $0x1400  }
0x51f: {  	s21 =	sld [smem:$0x7F7]  }
0x520: {  	[sflag:s20] =	ssyncset.done $0x0  }
0x521: {  	[sflag:s20] =	ssyncadd.s32 $0xFFFFEC00  }
0x522: {  	[tilespmem:s19], [sflag:$0x5] =	stream.linear.gather [spmem:s21], $0x1400, $0x38;
	[tilespmem:$0x1FD80] =	vst v63  }
0x523: {  	_ =	swait.ge [sflag:s20], $0x1400  }
0x524: {  	[sflag:s20] =	ssyncset.done $0x0  }
0x525: {  	s3 =	rddreg [dreg:$0x19];
	[sflag:s20] =	ssyncadd.s32 $0xFFFFEC00  }
0x526: {  	[hbm4b:s3+s4] =	stream.linear.scatter [tilespmem:s19], [sflag:$0x5], $0x1400, $0x38;
	[tilespmem:$0x1FD80] =	vst v63  }
0x527: {  	_ =	swait.ge [sflag:s20], $0x1400  }
0x528: {  	s2 =	sld [smem:$0x7F8]  }
0x529: {  	[sflag:s20] =	ssyncset.done $0x0  }
0x52a: {  	[sflag:s20] =	ssyncadd.s32 $0xFFFFEC00  }
0x52b: {  	[tilespmem:s19], [sflag:$0x5] =	stream.linear.gather [spmem:s2], $0x1400, $0x38;
	[tilespmem:$0x1FD80] =	vst v63  }
0x52c: {  	_ =	swait.ge [sflag:s20], $0x1400  }
0x52d: {  	[sflag:s20] =	ssyncset.done $0x0  }
0x52e: {  	s5 =	rddreg [dreg:$0x1a];
	[sflag:s20] =	ssyncadd.s32 $0xFFFFEC00  }
0x52f: {  	[hbm4b:s5+s4] =	stream.linear.scatter [tilespmem:s19], [sflag:$0x5], $0x1400, $0x38;
	[tilespmem:$0x1FD80] =	vst v63  }
0x530: {  	_ =	swait.ge [sflag:s20], $0x1400  }
0x531: {  	s19 =	sld [smem:$0x7F9]  }
0x532: {  	[sflag:s20] =	ssyncset.done $0x0  }
0x533: {  	s11 =	simm.s32 $0x19680;
	[sflag:s20] =	ssyncadd.s32 $0xFFFFEC00  }
0x534: {  	[tilespmem:s11], [sflag:$0x5] =	stream.linear.gather [spmem:s19], $0x1400, $0x38;
	[tilespmem:$0x1FD80] =	vst v63  }
0x535: {  	_ =	swait.ge [sflag:s20], $0x1400  }
0x536: {  	[sflag:s20] =	ssyncset.done $0x0  }
0x537: {  	s10 =	rddreg [dreg:$0x1b];
	[sflag:s20] =	ssyncadd.s32 $0xFFFFEC00  }
0x538: {  	[hbm4b:s10+s4] =	stream.linear.scatter [tilespmem:s11], [sflag:$0x5], $0x1400, $0x38;
	[tilespmem:$0x1FD80] =	vst v63  }
0x539: {  	_ =	swait.ge [sflag:s20], $0x1400  }
0x53a: {  	s31 =	sld [smem:$0x7FA]  }
0x53b: {  	[sflag:s20] =	ssyncset.done $0x0  }
0x53c: {  	[sflag:s20] =	ssyncadd.s32 $0xFFFFEC00  }
0x53d: {  	[tilespmem:s11], [sflag:$0x5] =	stream.linear.gather [spmem:s31], $0x1400, $0x38;
	[tilespmem:$0x1FD80] =	vst v63  }
0x53e: {  	_ =	swait.ge [sflag:s20], $0x1400  }
0x53f: {  	[sflag:s20] =	ssyncset.done $0x0  }
0x540: {  	s12 =	rddreg [dreg:$0x1c];
	[sflag:s20] =	ssyncadd.s32 $0xFFFFEC00  }
0x541: {  	[hbm4b:s12+s4] =	stream.linear.scatter [tilespmem:s11], [sflag:$0x5], $0x1400, $0x38;
	[tilespmem:$0x1FD80] =	vst v63  }
0x542: {  	_ =	swait.ge [sflag:s20], $0x1400  }
0x543: {  	[sflag:s20] =	ssyncset.done $0x0  }
0x544: {  	s10 =	rddreg [dreg:$0xa];
	[sflag:s20] =	ssyncadd.s32 $0xFFFFEC00  }
0x545: {  	[tilespmem:s11], [sflag:$0x5] =	stream.linear.gather [spmem:s10], $0x1400, $0x38;
	[tilespmem:$0x1FD80] =	vst v63  }
0x546: {  	_ =	swait.ge [sflag:s20], $0x1400  }
0x547: {  	[sflag:s20] =	ssyncset.done $0x0  }
0x548: {  	s1 =	rddreg [dreg:$0x1d];
	[sflag:s20] =	ssyncadd.s32 $0xFFFFEC00  }
0x549: {  	[hbm4b:s1+s4] =	stream.linear.scatter [tilespmem:s11], [sflag:$0x5], $0x1400, $0x38;
	[tilespmem:$0x1FD80] =	vst v63  }
0x54a: {  	_ =	swait.ge [sflag:s20], $0x1400  }
0x54b: {  	s1 =	sld [smem:$0x7FB]  }
0x54c: {  	[sflag:s20] =	ssyncset.done $0x0  }
0x54d: {  	[sflag:s20] =	ssyncadd.s32 $0xFFFFEC00  }
0x54e: {  	[tilespmem:s11], [sflag:$0x5] =	stream.linear.gather [spmem:s1], $0x1400, $0x38;
	[tilespmem:$0x1FD80] =	vst v63  }
0x54f: {  	_ =	swait.ge [sflag:s20], $0x1400  }
0x550: {  	[sflag:s20] =	ssyncset.done $0x0  }
0x551: {  	s3 =	rddreg [dreg:$0x1e];
	[sflag:s20] =	ssyncadd.s32 $0xFFFFEC00  }
0x552: {  	[hbm4b:s3+s4] =	stream.linear.scatter [tilespmem:s11], [sflag:$0x5], $0x1400, $0x38;
	[tilespmem:$0x1FD80] =	vst v63  }
0x553: {  	_ =	swait.ge [sflag:s20], $0x1400  }
0x554: {  	s3 =	sld [smem:$0x7FC]  }
0x555: {  	[sflag:s20] =	ssyncset.done $0x0  }
0x556: {  	[sflag:s20] =	ssyncadd.s32 $0xFFFFEC00  }
0x557: {  	[tilespmem:s11], [sflag:$0x5] =	stream.linear.gather [spmem:s3], $0x1400, $0x38;
	[tilespmem:$0x1FD80] =	vst v63  }
0x558: {  	_ =	swait.ge [sflag:s20], $0x1400  }
0x559: {  	[sflag:s20] =	ssyncset.done $0x0  }
0x55a: {  	s5 =	rddreg [dreg:$0x1f];
	[sflag:s20] =	ssyncadd.s32 $0xFFFFEC00  }
0x55b: {  	[hbm4b:s5+s4] =	stream.linear.scatter [tilespmem:s11], [sflag:$0x5], $0x1400, $0x38;
	[tilespmem:$0x1FD80] =	vst v63  }
0x55c: {  	_ =	swait.ge [sflag:s20], $0x1400  }
0x55d: {  	s5 =	sld [smem:$0x7FD]  }
0x55e: {  	[sflag:s20] =	ssyncset.done $0x0  }
0x55f: {  	[sflag:s20] =	ssyncadd.s32 $0xFFFFEC00  }
0x560: {  	[tilespmem:s11], [sflag:$0x5] =	stream.linear.gather [spmem:s5], $0x1400, $0x38;
	[tilespmem:$0x1FD80] =	vst v63  }
0x561: {  	_ =	swait.ge [sflag:s20], $0x1400  }
0x562: {  	s12 =	sld [smem:$0x7E9]  }
0x563: {  	[sflag:s20] =	ssyncset.done $0x0  }
0x564: {  	[sflag:s20] =	ssyncadd.s32 $0xFFFFEC00  }
0x565: {  	[hbm4b:s12+s4] =	stream.linear.scatter [tilespmem:s11], [sflag:$0x5], $0x1400, $0x38;
	[tilespmem:$0x1FD80] =	vst v63  }
0x566: {  	_ =	swait.ge [sflag:s20], $0x1400  }
0x567: {  	s12 =	sld [smem:$0x7EF]  }
0x568: {  	s0 =	sld [smem:$0x7EA];
	_ =	sdelay $0x1  }
0x569: {  	s12 =	sadd.s32 $0x1, s12  }
0x56a: {  	p0 =	sne.s32 s12, s0  }
.Ltmp3:
0x56b: {  	_ = 	snop;
	(pc) =	sbr.rel @p0 .LBB2_1-.Ltmp3, $3  }
0x56c: {  	_ =	sdelay $0x1  }
0x56d: {  	[sflag:s20] =	ssyncset.done $0x0;
	[smem:$0x7EF] =	sst s12  }
0x56e: {  	[sflag:s20] =	ssyncadd.s32 $0xFFFFEC00;
	s12 =	sld [smem:$0x7F0]  }
0x56f: {  	_ =	sfence.sel $0x180000  }
0x570: {  	[bflag:$0x0] =	sbarrier.arrive $0xFFFF  }
0x571: {  	_ =	strace $0x90000047  }
0x572: {  	s0 =	stileid.u32;
	[bflag:$0x2] =	sbarrier.arrive $0xFFFF  }
0x573: {  	p0 =	sne.s32 s0, $0x0;
	s0 =	rddreg [dreg:$0x4]  }
0x574: {  	s0 =	sadd.s32 @!p0 $0x100000, s0  }
0x575: {  	[sflag:s0] =	ssyncadd.tile.s32 @!p0 $0x1;
	_ =	shalt  }
.Lfunc_end2:
_tile_overlayer_lowered:
.L_overlay_start_2:
0x576: {  	(tag) =	ssettag $0x2  }
0x577: {  	s0 =	rddreg [dreg:$0x0];
	s2 =	stileid.u32  }
0x578: {  	s1 =	rddreg [dreg:$0x1];
	p0 =	sne.s32 s2, $0x0  }
0x579: {  	s3 =	rddreg [dreg:$0x2];
	[bflag:$0x3] =	sbarrier.arrive $0xFFFF;
	s2 =	simm.s32 @!p0 $0x1C05  }
0x57a: {  	[timem:s3], [sflag:s2] =	dma.local @!p0 [hbm:s0], s1  }
0x57b: {  	s0 =	simm.s32 @!p0 $0x5  }
0x57c: {  	_ =	swait.ge @!p0 [sflag:s0], s1  }
0x57d: {  	s1 =	ssub.s32 @!p0 $0x0, s1;
	[sflag:s0] =	ssyncset.done @!p0 $0x0  }
0x57e: {  	[sflag:s0] =	ssyncadd.s32 @!p0 s1  }
0x57f: {  	[bflag:$0x3] =	sbarrier.arrive $0xFFFF  }
0x580: {  	_ =	shalt  }

</sc_bundles>
